<compile_context>
chip_gen: v7x
topology: tpu7x:2x2x1
jax: 0.10.2.dev20260603
libtpu: 0.0.44.dev20260713+nightly
codegen_flags: <defaults>
</compile_context>

<pallas_src>
import functools

import jax
import jax.numpy as jnp
import numpy as np
from jax.experimental import pallas as pl

_STRIDES = (8, 16, 32, 64, 128)
_HWS = (64, 32, 16, 8, 4)
_A = 9
_C = 80
_IMG = 512.0
_DWH_CLAMP = 4.135
_IOU_THR = 0.5
_POST_NMS = 100
_NCAND = 384
_NMS_N = 384

_KS = tuple(hw * hw * _A for hw in _HWS)
_OFFS = tuple(int(x) for x in np.concatenate([[0], np.cumsum(_KS)]))
_KTOT = _OFFS[-1]


def _make_anchor_table():
    tabs = []
    for hw, stride in zip(_HWS, _STRIDES):
        ratios = np.array([0.5, 1.0, 2.0])
        scales = np.array([2.0 ** 0.0, 2.0 ** (1.0 / 3.0), 2.0 ** (2.0 / 3.0)])
        base = 4.0 * stride
        ws, hs = [], []
        for r in ratios:
            for s in scales:
                size = base * s
                ws.append(size * np.sqrt(1.0 / r))
                hs.append(size * np.sqrt(r))
        ws = np.array(ws)
        hs = np.array(hs)
        xs = (np.arange(hw) + 0.5) * stride
        ys = (np.arange(hw) + 0.5) * stride
        cx, cy = np.meshgrid(xs, ys)
        cx = cx.reshape(-1, 1)
        cy = cy.reshape(-1, 1)
        x1 = cx - ws / 2.0
        y1 = cy - hs / 2.0
        x2 = cx + ws / 2.0
        y2 = cy + hs / 2.0
        tabs.append(np.stack([x1, y1, x2, y2], axis=-1).reshape(-1, 4))
    return np.concatenate(tabs, axis=0).astype(np.float32)


_ANCHOR_TABLE = _make_anchor_table()



def _amax_body(x_ref, o_ref):
    x = x_ref[0]
    outs = []
    for j in range(_A):
        outs.append(jnp.max(x[j * _C:(j + 1) * _C, :], axis=0))
    o_ref[0] = jnp.stack(outs, axis=0)


def _anchor_max(cls_flat, p):
    bp = min(p, 512)
    grid = (cls_flat.shape[0], p // bp)
    return pl.pallas_call(
        _amax_body,
        grid=grid,
        in_specs=[pl.BlockSpec((1, _A * _C, bp), lambda b, q: (b, 0, q))],
        out_specs=pl.BlockSpec((1, _A, bp), lambda b, q: (b, 0, q)),
        out_shape=jax.ShapeDtypeStruct((cls_flat.shape[0], _A, p), jnp.float32),
    )(cls_flat)



def _orderable_ukey(v):
    i32 = jax.lax.bitcast_convert_type(v, jnp.int32)
    key = i32 ^ jnp.bitwise_and(jnp.right_shift(i32, 31),
                                jnp.int32(0x7FFFFFFF))
    return jax.lax.bitcast_convert_type(key, jnp.uint32) ^ jnp.uint32(
        0x80000000)


def _compact_selected(gt, eq, quota, k):
    rr = gt.shape[0]
    up_tri = (jax.lax.broadcasted_iota(jnp.int32, (128, 128), 0)
              < jax.lax.broadcasted_iota(jnp.int32, (128, 128), 1)
              ).astype(jnp.float32)
    low_r = (jax.lax.broadcasted_iota(jnp.int32, (rr, rr), 0)
             < jax.lax.broadcasted_iota(jnp.int32, (rr, rr), 1)
             ).astype(jnp.float32)

    eq_f = eq.astype(jnp.float32)
    e_in = jax.lax.dot(eq_f, up_tri, preferred_element_type=jnp.float32)
    s_eq = jnp.sum(eq_f, axis=1, keepdims=True)
    s_pre = jnp.transpose(jnp.sum(low_r * s_eq, axis=0, keepdims=True))
    eqrank = s_pre + e_in
    sel = gt | (eq & (eqrank < quota))

    sel_f = sel.astype(jnp.float32)
    p_in = jax.lax.dot(sel_f, up_tri, preferred_element_type=jnp.float32)
    t_cnt = jnp.sum(sel_f, axis=1, keepdims=True)
    t_pre = jnp.transpose(jnp.sum(low_r * t_cnt, axis=0, keepdims=True))

    trow = jnp.transpose(t_pre)
    pcol = jax.lax.broadcasted_iota(
        jnp.int32, (k, 1), 0).astype(jnp.float32)
    row_of_p = jnp.sum((trow <= pcol).astype(jnp.float32),
                       axis=1, keepdims=True) - 1.0
    ridx = jax.lax.broadcasted_iota(
        jnp.int32, (k, rr), 1).astype(jnp.float32)
    oh = (ridx == row_of_p).astype(jnp.float32)
    t_g = jnp.sum(oh * trow, axis=1, keepdims=True)
    o_p = pcol - t_g
    w_g = jax.lax.dot(oh, p_in, preferred_element_type=jnp.float32)
    sel_g = jax.lax.dot(oh, sel_f, preferred_element_type=jnp.float32)
    lane = jax.lax.broadcasted_iota(
        jnp.int32, (k, 128), 1).astype(jnp.float32)
    hit = sel_g * (w_g == o_p).astype(jnp.float32)
    out = jnp.sum(hit * (row_of_p * 128.0 + lane), axis=1, keepdims=True)
    return out.astype(jnp.int32)


def _radix_threshold(v3, valid, k):
    bsz, rr, _ = v3.shape
    ukey = _orderable_ukey(v3)
    row_i = jax.lax.broadcasted_iota(jnp.int32, (bsz, rr, 128), 1)
    col_i = jax.lax.broadcasted_iota(jnp.int32, (bsz, rr, 128), 2)
    flat = row_i * 128 + col_i
    ukey = jnp.where(flat < valid, ukey, jnp.uint32(0))

    t = jnp.zeros((bsz, 1, 1), jnp.uint32)
    for bit in range(31, -1, -1):
        cand = t | jnp.uint32(1 << bit)
        cnt = jnp.sum((ukey >= cand).astype(jnp.float32), axis=(1, 2),
                      keepdims=True)
        t = jnp.where(cnt >= k, cand, t)

    gt3 = ukey > t
    eq3 = ukey == t
    quota = jnp.float32(k) - jnp.sum(gt3.astype(jnp.float32), axis=(1, 2),
                                     keepdims=True)
    return gt3, eq3, quota


def _select_body(v_ref, o_ref):
    v3 = v_ref[...]
    gt3, eq3, quota = _radix_threshold(v3, _KTOT, _NCAND)
    for bidx in range(v3.shape[0]):
        idx = _compact_selected(gt3[bidx], eq3[bidx], quota[bidx], _NCAND)
        o_ref[bidx] = jnp.transpose(idx)


def _select_anchors(maxes):
    b = maxes.shape[0]
    npad = 128 * ((_KTOT + 127) // 128) - _KTOT
    mp = jnp.concatenate(
        [maxes, jnp.zeros((b, npad), jnp.float32)], axis=1)
    rr = (_KTOT + npad) // 128
    mp = mp.reshape(b, rr, 128)
    out = pl.pallas_call(
        _select_body,
        grid=(1,),
        in_specs=[pl.BlockSpec((b, rr, 128), lambda i: (0, 0, 0))],
        out_specs=pl.BlockSpec((b, 1, _NCAND), lambda i: (0, 0, 0)),
        out_shape=jax.ShapeDtypeStruct((b, 1, _NCAND), jnp.int32),
    )(mp)
    return out.reshape(b, _NCAND)



def _nms_body(s_ref, dx_ref, dy_ref, dw_ref, dh_ref, ax1_ref, ay1_ref,
              ax2_ref, ay2_ref, o_ref):
    sc = s_ref[0]
    rr = sc.shape[0]
    gt3, eq3, quota3 = _radix_threshold(sc[None], rr * 128, 300)
    idx = _compact_selected(gt3[0], eq3[0], quota3[0], 300)
    idxf = idx.astype(jnp.float32)

    row_of = jnp.floor((idxf + 0.5) / 128.0)
    col_of = idxf - 128.0 * row_of
    ohr = (jax.lax.broadcasted_iota(jnp.int32, (300, rr), 1
                                    ).astype(jnp.float32) == row_of
           ).astype(jnp.float32)
    rows = jax.lax.dot(ohr, sc, precision=jax.lax.Precision.HIGHEST,
                       preferred_element_type=jnp.float32)
    lane300 = jax.lax.broadcasted_iota(jnp.int32, (300, 128), 1
                                       ).astype(jnp.float32)
    v_sel = jnp.sum(rows * (lane300 == col_of).astype(jnp.float32),
                    axis=1, keepdims=True)
    cand = jnp.floor((idxf + 0.5) / float(_C))
    lbl = idxf - float(_C) * cand

    vrow = jnp.transpose(v_sel)
    qlt = (jax.lax.broadcasted_iota(jnp.int32, (300, 300), 0)
           < jax.lax.broadcasted_iota(jnp.int32, (300, 300), 1))
    beats = (v_sel > vrow) | ((v_sel == vrow) & qlt)
    rank = jnp.sum(beats.astype(jnp.float32), axis=0, keepdims=True)

    rcol = jax.lax.broadcasted_iota(jnp.int32, (_NMS_N, 300), 0
                                    ).astype(jnp.float32)
    ohs = (rcol == rank).astype(jnp.float32)

    def srt(col):
        return jax.lax.dot(ohs, col, precision=jax.lax.Precision.HIGHEST,
                           preferred_element_type=jnp.float32)

    padmask = (jax.lax.broadcasted_iota(jnp.int32, (_NMS_N, 1), 0) >= 300)
    s_col = jnp.where(padmask, -1e9, srt(v_sel))
    lab_col = jnp.where(padmask, 100.0, srt(lbl))
    cand_col = srt(cand)

    oh2 = (jax.lax.broadcasted_iota(jnp.int32, (_NMS_N, _NCAND), 1
                                    ).astype(jnp.float32) == cand_col
           ).astype(jnp.float32)

    def g2(ref):
        return jnp.transpose(
            jnp.sum(oh2 * ref[0], axis=1, keepdims=True))

    dx = g2(dx_ref)
    dy = g2(dy_ref)
    dw = jnp.clip(g2(dw_ref), -_DWH_CLAMP, _DWH_CLAMP)
    dh = jnp.clip(g2(dh_ref), -_DWH_CLAMP, _DWH_CLAMP)
    ax1 = g2(ax1_ref)
    ay1 = g2(ay1_ref)
    ax2 = g2(ax2_ref)
    ay2 = g2(ay2_ref)
    s = jnp.transpose(s_col)
    lab = jnp.transpose(lab_col)

    wa = ax2 - ax1
    ha = ay2 - ay1
    xa = ax1 + 0.5 * wa
    ya = ay1 + 0.5 * ha
    px = dx * wa + xa
    py = dy * ha + ya
    pw = jnp.exp(dw) * wa
    ph = jnp.exp(dh) * ha
    x1 = jnp.clip(px - 0.5 * pw, 0.0, _IMG)
    y1 = jnp.clip(py - 0.5 * ph, 0.0, _IMG)
    x2 = jnp.clip(px + 0.5 * pw, 0.0, _IMG)
    y2 = jnp.clip(py + 0.5 * ph, 0.0, _IMG)

    off = lab * (2.0 * _IMG)
    ox1 = x1 + off
    oy1 = y1 + off
    ox2 = x2 + off
    oy2 = y2 + off

    area = (x2 - x1) * (y2 - y1)

    cx1 = jnp.transpose(ox1)
    cy1 = jnp.transpose(oy1)
    cx2 = jnp.transpose(ox2)
    cy2 = jnp.transpose(oy2)
    carea = jnp.transpose(area)
    cs = jnp.transpose(s)

    ltx = jnp.maximum(cx1, ox1)
    lty = jnp.maximum(cy1, oy1)
    rbx = jnp.minimum(cx2, ox2)
    rby = jnp.minimum(cy2, oy2)
    w = jnp.clip(rbx - ltx, 0.0, None)
    h = jnp.clip(rby - lty, 0.0, None)
    inter = w * h
    union = carea + area - inter
    iou = inter / jnp.clip(union, 1e-6, None)

    higher = cs > s
    sup = jnp.any(higher & (iou > _IOU_THR), axis=0, keepdims=True)

    s2 = jnp.where(sup, -1e9, s)

    in_a = jnp.logical_and(jnp.logical_not(sup), s > 0.0)
    n = s.shape[1]
    ia_row = in_a
    ia_col = jnp.transpose(in_a)
    row_j = jax.lax.broadcasted_iota(jnp.int32, (n, n), 1)
    col_i = jax.lax.broadcasted_iota(jnp.int32, (n, n), 0)
    before = jnp.logical_or(
        jnp.logical_and(ia_col, jnp.logical_not(ia_row)),
        jnp.logical_and(ia_col == ia_row, col_i < row_j),
    )
    pos = jnp.sum(before.astype(jnp.float32), axis=0, keepdims=True)

    sel = (pos == col_i.astype(jnp.float32)).astype(jnp.float32)

    def compact(row):
        return jnp.sum(sel * row, axis=1, keepdims=True)

    out = jnp.concatenate(
        [compact(x1), compact(y1), compact(x2), compact(y2),
         compact(s2), compact(lab), jnp.zeros((n, 2), jnp.float32)], axis=1)
    o_ref[0] = out


def _nms_topk(scores3, dx, dy, dw, dh, ax1, ay1, ax2, ay2):
    b, n = dx.shape
    r3 = lambda a: a.reshape(b, 1, n)
    args = [scores3] + [r3(a) for a in (dx, dy, dw, dh, ax1, ay1, ax2, ay2)]
    spec = pl.BlockSpec((1, 1, n), lambda i: (i, 0, 0))
    sspec = pl.BlockSpec((1, scores3.shape[1], 128), lambda i: (i, 0, 0))
    return pl.pallas_call(
        _nms_body,
        grid=(b,),
        in_specs=[sspec] + [spec] * 8,
        out_specs=pl.BlockSpec((1, n, 8), lambda i: (i, 0, 0)),
        out_shape=jax.ShapeDtypeStruct((b, n, 8), jnp.float32),
    )(*args)



def kernel(cls0, loc0, cls1, loc1, cls2, loc2, cls3, loc3, cls4, loc4):
    clss = (cls0, cls1, cls2, cls3, cls4)
    locs = (loc0, loc1, loc2, loc3, loc4)
    b = cls0.shape[0]

    cls_rows = []
    loc_rows = []
    max_parts = []
    for lvl, hw in enumerate(_HWS):
        p = hw * hw
        cf = clss[lvl].reshape(b, _A * _C, p)
        lf = locs[lvl].reshape(b, _A * 4, p)
        cls_rows.append(jnp.transpose(cf, (0, 2, 1)).reshape(b, p * _A, _C))
        loc_rows.append(jnp.transpose(lf, (0, 2, 1)).reshape(b, p * _A, 4))
        m = _anchor_max(cf, p)
        max_parts.append(jnp.transpose(m, (0, 2, 1)).reshape(b, p * _A))
    maxes = jnp.concatenate(max_parts, axis=1)

    aidx = _select_anchors(maxes)

    crows = jnp.concatenate(cls_rows, axis=1)
    lrows = jnp.concatenate(loc_rows, axis=1)
    cls_cand = jnp.take_along_axis(crows, aidx[..., None], axis=1)
    loc_cand = jnp.take_along_axis(lrows, aidx[..., None], axis=1)

    anch_tab = jnp.asarray(_ANCHOR_TABLE)
    anch_cand = anch_tab[aidx]

    scores3 = jax.nn.sigmoid(cls_cand).reshape(b, _NCAND * _C // 128, 128)
    out = _nms_topk(scores3,
                    loc_cand[..., 0], loc_cand[..., 1],
                    loc_cand[..., 2], loc_cand[..., 3],
                    anch_cand[..., 0], anch_cand[..., 1],
                    anch_cand[..., 2], anch_cand[..., 3])
    return out[:, :_POST_NMS, :6]

# --- scband reference (transcript-rebuilt; emitter-appended) ---
"""Pipeline reference for scband-dac-det-post-process-54279796686942 (READ-ONLY COPY).

The authoritative reference and input builder live on the scoring server;
editing this copy changes nothing except your own understanding.
"""

import jax, jax.numpy as jnp
import numpy as np

STRIDES = (8, 16, 32, 64, 128)
HWS = (64, 32, 16, 8, 4)
A = 9
C = 80
IMG = 512.0
PRE_NMS = 1000
NMS_TOPK = 300
POST_NMS = 100
IOU_THR = 0.5
DWH_CLAMP = 4.135


def make_anchors(h, w, stride):
    ratios = np.array([0.5, 1.0, 2.0])
    scales = np.array([2.0 ** 0.0, 2.0 ** (1.0 / 3.0), 2.0 ** (2.0 / 3.0)])
    base = 4.0 * stride
    ws, hs = [], []
    for r in ratios:
        for s in scales:
            size = base * s
            ws.append(size * np.sqrt(1.0 / r))
            hs.append(size * np.sqrt(r))
    ws = np.array(ws)
    hs = np.array(hs)
    xs = (np.arange(w) + 0.5) * stride
    ys = (np.arange(h) + 0.5) * stride
    cx, cy = np.meshgrid(xs, ys)
    cx = cx.reshape(-1, 1)
    cy = cy.reshape(-1, 1)
    x1 = cx - ws / 2.0
    y1 = cy - hs / 2.0
    x2 = cx + ws / 2.0
    y2 = cy + hs / 2.0
    anchors = np.stack([x1, y1, x2, y2], axis=-1).reshape(-1, 4)
    return jnp.asarray(anchors, dtype=jnp.float32)


def decode(anchors, deltas):
    wa = anchors[..., 2] - anchors[..., 0]
    ha = anchors[..., 3] - anchors[..., 1]
    xa = anchors[..., 0] + 0.5 * wa
    ya = anchors[..., 1] + 0.5 * ha
    dx = deltas[..., 0]
    dy = deltas[..., 1]
    dw = jnp.clip(deltas[..., 2], -DWH_CLAMP, DWH_CLAMP)
    dh = jnp.clip(deltas[..., 3], -DWH_CLAMP, DWH_CLAMP)
    px = dx * wa + xa
    py = dy * ha + ya
    pw = jnp.exp(dw) * wa
    ph = jnp.exp(dh) * ha
    x1 = jnp.clip(px - 0.5 * pw, 0.0, IMG)
    y1 = jnp.clip(py - 0.5 * ph, 0.0, IMG)
    x2 = jnp.clip(px + 0.5 * pw, 0.0, IMG)
    y2 = jnp.clip(py + 0.5 * ph, 0.0, IMG)
    return jnp.stack([x1, y1, x2, y2], axis=-1)


def pairwise_iou(b1, b2):
    area1 = (b1[:, 2] - b1[:, 0]) * (b1[:, 3] - b1[:, 1])
    area2 = (b2[:, 2] - b2[:, 0]) * (b2[:, 3] - b2[:, 1])
    lt = jnp.maximum(b1[:, None, :2], b2[None, :, :2])
    rb = jnp.minimum(b1[:, None, 2:], b2[None, :, 2:])
    wh = jnp.clip(rb - lt, 0.0, None)
    inter = wh[..., 0] * wh[..., 1]
    union = area1[:, None] + area2[None, :] - inter
    return inter / jnp.clip(union, 1e-6, None)


def nms_single(boxes, scores, labels):
    off = labels.astype(jnp.float32) * (2.0 * IMG)
    ob = boxes + off[:, None]
    iou = pairwise_iou(ob, ob)
    higher = scores[:, None] > scores[None, :]
    sup = jnp.any(higher & (iou > IOU_THR), axis=0)
    s2 = jnp.where(sup, -1e9, scores)
    fs, fi = jax.lax.top_k(s2, POST_NMS)
    fb = boxes[fi]
    fl = labels[fi]
    return fb, fs, fl


def _forward(preds):
    all_b, all_s, all_l = [], [], []
    for (cls_p, loc_p), hw, stride in zip(preds, HWS, STRIDES):
        B = cls_p.shape[0]
        k = hw * hw * A
        cls = jax.nn.sigmoid(jnp.transpose(cls_p, (0, 2, 3, 1)).reshape(B, k, C))
        loc = jnp.transpose(loc_p, (0, 2, 3, 1)).reshape(B, k, 4)
        anchors = make_anchors(hw, hw, stride)
        boxes = decode(anchors[None, :, :], loc)
        flat = cls.reshape(B, k * C)
        n = min(PRE_NMS, k * C)
        ts, ti = jax.lax.top_k(flat, n)
        a_idx = ti // C
        lbl = ti % C
        b = jnp.take_along_axis(boxes, a_idx[..., None], axis=1)
        all_b.append(b)
        all_s.append(ts)
        all_l.append(lbl)
    boxes = jnp.concatenate(all_b, axis=1)
    scores = jnp.concatenate(all_s, axis=1)
    labels = jnp.concatenate(all_l, axis=1)
    ts, ti = jax.lax.top_k(scores, NMS_TOPK)
    boxes = jnp.take_along_axis(boxes, ti[..., None], axis=1)
    labels = jnp.take_along_axis(labels, ti, axis=1)
    fb, fs, fl = jax.vmap(nms_single)(boxes, ts, labels)
    return jnp.concatenate([fb, fs[..., None], fl.astype(jnp.float32)[..., None]], axis=-1)


def setup_inputs(seed: int = 0) -> dict:
    key = jax.random.key(seed)
    inp = {}
    for i, hw in enumerate(HWS):
        k1 = jax.random.fold_in(key, 2 * i)
        k2 = jax.random.fold_in(key, 2 * i + 1)
        inp['cls%d' % i] = jax.random.normal(k1, (8, A * C, hw, hw), dtype=jnp.float32)
        inp['loc%d' % i] = jax.random.normal(k2, (8, A * 4, hw, hw), dtype=jnp.float32)
    return inp


def reference(cls0, loc0, cls1, loc1, cls2, loc2, cls3, loc3, cls4, loc4):
    preds = [(cls0, loc0), (cls1, loc1), (cls2, loc2), (cls3, loc3), (cls4, loc4)]
    return _forward(preds)

if __name__ == "__main__":
    import jax
    _d = setup_inputs()
    print(jax.jit(kernel)(*tuple(_d.values())))

</pallas_src>

<mosaic_0001>
module attributes {stable_mosaic.version = 14 : i64} {
  func.func @_amax_body(%arg0: i32, %arg1: i32, %arg2: memref<1x720x512xf32, #tpu.memory_space<vmem>>, %arg3: memref<1x9x512xf32, #tpu.memory_space<vmem>>) attributes {dimension_semantics = [#tpu.dimension_semantics<arbitrary>, #tpu.dimension_semantics<arbitrary>], iteration_bounds = array<i64: 8, 8>, scalar_prefetch = 0 : i64, scratch_operands = 0 : i64, tpu.core_type = #tpu.core_type<tc>, window_params = [{transform_indices = @transform_0, window_bounds = array<i64: 1, 720, 512>}, {transform_indices = @transform_1, window_bounds = array<i64: 1, 9, 512>}]} {
    %get3A = arith.constant 0 : index
    %get3A_0 = arith.constant 0 : index
    %get3A_1 = arith.constant 0 : index
    %get3A_2 = vector.load %arg2[%get3A, %get3A_0, %get3A_1] : memref<1x720x512xf32, #tpu.memory_space<vmem>>, vector<1x720x512xf32>
    %get3A_3 = vector.shape_cast %get3A_2 : vector<1x720x512xf32> to vector<720x512xf32>
    %slice3A = vector.extract_strided_slice %get3A_3 {offsets = [0, 0], sizes = [80, 512], strides = [1, 1]} : vector<720x512xf32> to vector<80x512xf32>
    %reduce_max3A = arith.constant dense<0xFF800000> : vector<512xf32>
    %reduce_max3A_4 = vector.multi_reduction <maximumf>, %slice3A, %reduce_max3A [0] : vector<80x512xf32> to vector<512xf32>
    %slice3A_5 = vector.extract_strided_slice %get3A_3 {offsets = [80, 0], sizes = [80, 512], strides = [1, 1]} : vector<720x512xf32> to vector<80x512xf32>
    %reduce_max3A_6 = arith.constant dense<0xFF800000> : vector<512xf32>
    %reduce_max3A_7 = vector.multi_reduction <maximumf>, %slice3A_5, %reduce_max3A_6 [0] : vector<80x512xf32> to vector<512xf32>
    %slice3A_8 = vector.extract_strided_slice %get3A_3 {offsets = [160, 0], sizes = [80, 512], strides = [1, 1]} : vector<720x512xf32> to vector<80x512xf32>
    %reduce_max3A_9 = arith.constant dense<0xFF800000> : vector<512xf32>
    %reduce_max3A_10 = vector.multi_reduction <maximumf>, %slice3A_8, %reduce_max3A_9 [0] : vector<80x512xf32> to vector<512xf32>
    %slice3A_11 = vector.extract_strided_slice %get3A_3 {offsets = [240, 0], sizes = [80, 512], strides = [1, 1]} : vector<720x512xf32> to vector<80x512xf32>
    %reduce_max3A_12 = arith.constant dense<0xFF800000> : vector<512xf32>
    %reduce_max3A_13 = vector.multi_reduction <maximumf>, %slice3A_11, %reduce_max3A_12 [0] : vector<80x512xf32> to vector<512xf32>
    %slice3A_14 = vector.extract_strided_slice %get3A_3 {offsets = [320, 0], sizes = [80, 512], strides = [1, 1]} : vector<720x512xf32> to vector<80x512xf32>
    %reduce_max3A_15 = arith.constant dense<0xFF800000> : vector<512xf32>
    %reduce_max3A_16 = vector.multi_reduction <maximumf>, %slice3A_14, %reduce_max3A_15 [0] : vector<80x512xf32> to vector<512xf32>
    %slice3A_17 = vector.extract_strided_slice %get3A_3 {offsets = [400, 0], sizes = [80, 512], strides = [1, 1]} : vector<720x512xf32> to vector<80x512xf32>
    %reduce_max3A_18 = arith.constant dense<0xFF800000> : vector<512xf32>
    %reduce_max3A_19 = vector.multi_reduction <maximumf>, %slice3A_17, %reduce_max3A_18 [0] : vector<80x512xf32> to vector<512xf32>
    %slice3A_20 = vector.extract_strided_slice %get3A_3 {offsets = [480, 0], sizes = [80, 512], strides = [1, 1]} : vector<720x512xf32> to vector<80x512xf32>
    %reduce_max3A_21 = arith.constant dense<0xFF800000> : vector<512xf32>
    %reduce_max3A_22 = vector.multi_reduction <maximumf>, %slice3A_20, %reduce_max3A_21 [0] : vector<80x512xf32> to vector<512xf32>
    %slice3A_23 = vector.extract_strided_slice %get3A_3 {offsets = [560, 0], sizes = [80, 512], strides = [1, 1]} : vector<720x512xf32> to vector<80x512xf32>
    %reduce_max3A_24 = arith.constant dense<0xFF800000> : vector<512xf32>
    %reduce_max3A_25 = vector.multi_reduction <maximumf>, %slice3A_23, %reduce_max3A_24 [0] : vector<80x512xf32> to vector<512xf32>
    %slice3A_26 = vector.extract_strided_slice %get3A_3 {offsets = [640, 0], sizes = [80, 512], strides = [1, 1]} : vector<720x512xf32> to vector<80x512xf32>
    %reduce_max3A_27 = arith.constant dense<0xFF800000> : vector<512xf32>
    %reduce_max3A_28 = vector.multi_reduction <maximumf>, %slice3A_26, %reduce_max3A_27 [0] : vector<80x512xf32> to vector<512xf32>
    %stack3A = vector.shape_cast %reduce_max3A_4 : vector<512xf32> to vector<1x512xf32>
    %stack3A_29 = vector.shape_cast %reduce_max3A_7 : vector<512xf32> to vector<1x512xf32>
    %stack3A_30 = vector.shape_cast %reduce_max3A_10 : vector<512xf32> to vector<1x512xf32>
    %stack3A_31 = vector.shape_cast %reduce_max3A_13 : vector<512xf32> to vector<1x512xf32>
    %stack3A_32 = vector.shape_cast %reduce_max3A_16 : vector<512xf32> to vector<1x512xf32>
    %stack3A_33 = vector.shape_cast %reduce_max3A_19 : vector<512xf32> to vector<1x512xf32>
    %stack3A_34 = vector.shape_cast %reduce_max3A_22 : vector<512xf32> to vector<1x512xf32>
    %stack3A_35 = vector.shape_cast %reduce_max3A_25 : vector<512xf32> to vector<1x512xf32>
    %stack3A_36 = vector.shape_cast %reduce_max3A_28 : vector<512xf32> to vector<1x512xf32>
    %stack3A_37 = tpu.concatenate %stack3A, %stack3A_29, %stack3A_30, %stack3A_31, %stack3A_32, %stack3A_33, %stack3A_34, %stack3A_35, %stack3A_36 in 0 : vector<1x512xf32>, vector<1x512xf32>, vector<1x512xf32>, vector<1x512xf32>, vector<1x512xf32>, vector<1x512xf32>, vector<1x512xf32>, vector<1x512xf32>, vector<1x512xf32> -> vector<9x512xf32>
    %swap3A = arith.constant 0 : index
    %swap3A_38 = arith.constant 0 : index
    %swap3A_39 = arith.constant 0 : index
    %swap3A_40 = vector.load %arg3[%swap3A, %swap3A_38, %swap3A_39] : memref<1x9x512xf32, #tpu.memory_space<vmem>>, vector<1x9x512xf32>
    %swap3A_41 = vector.shape_cast %swap3A_40 : vector<1x9x512xf32> to vector<9x512xf32>
    %swap3A_42 = vector.shape_cast %stack3A_37 : vector<9x512xf32> to vector<1x9x512xf32>
    tpu.vector_store %arg3[%swap3A, %swap3A_38, %swap3A_39], %swap3A_42 {strides = array<i32>} : memref<1x9x512xf32, #tpu.memory_space<vmem>>, vector<1x9x512xf32>,
    return
  }
  func.func @transform_0(%arg0: i32, %arg1: i32) -> (i32, i32, i32) {
    %c0_i32 = arith.constant 0 : i32
    %c0_i32_0 = arith.constant 0 : i32
    return %arg0, %c0_i32, %arg1 : i32, i32, i32
  }
  func.func @transform_1(%arg0: i32, %arg1: i32) -> (i32, i32, i32) {
    %c0_i32 = arith.constant 0 : i32
    %c0_i32_0 = arith.constant 0 : i32
    return %arg0, %c0_i32, %arg1 : i32, i32, i32
  }
}

module attributes {stable_mosaic.version = 14 : i64} {
  func.func @_amax_body(%arg0: i32, %arg1: i32, %arg2: memref<1x720x512xf32, #tpu.memory_space<vmem>>, %arg3: memref<1x9x512xf32, #tpu.memory_space<vmem>>) attributes {dimension_semantics = [#tpu.dimension_semantics<arbitrary>, #tpu.dimension_semantics<arbitrary>], iteration_bounds = array<i64: 8, 2>, scalar_prefetch = 0 : i64, scratch_operands = 0 : i64, tpu.core_type = #tpu.core_type<tc>, window_params = [{transform_indices = @transform_0, window_bounds = array<i64: 1, 720, 512>}, {transform_indices = @transform_1, window_bounds = array<i64: 1, 9, 512>}]} {
    %get3A = arith.constant 0 : index
    %get3A_0 = arith.constant 0 : index
    %get3A_1 = arith.constant 0 : index
    %get3A_2 = vector.load %arg2[%get3A, %get3A_0, %get3A_1] : memref<1x720x512xf32, #tpu.memory_space<vmem>>, vector<1x720x512xf32>
    %get3A_3 = vector.shape_cast %get3A_2 : vector<1x720x512xf32> to vector<720x512xf32>
    %slice3A = vector.extract_strided_slice %get3A_3 {offsets = [0, 0], sizes = [80, 512], strides = [1, 1]} : vector<720x512xf32> to vector<80x512xf32>
    %reduce_max3A = arith.constant dense<0xFF800000> : vector<512xf32>
    %reduce_max3A_4 = vector.multi_reduction <maximumf>, %slice3A, %reduce_max3A [0] : vector<80x512xf32> to vector<512xf32>
    %slice3A_5 = vector.extract_strided_slice %get3A_3 {offsets = [80, 0], sizes = [80, 512], strides = [1, 1]} : vector<720x512xf32> to vector<80x512xf32>
    %reduce_max3A_6 = arith.constant dense<0xFF800000> : vector<512xf32>
    %reduce_max3A_7 = vector.multi_reduction <maximumf>, %slice3A_5, %reduce_max3A_6 [0] : vector<80x512xf32> to vector<512xf32>
    %slice3A_8 = vector.extract_strided_slice %get3A_3 {offsets = [160, 0], sizes = [80, 512], strides = [1, 1]} : vector<720x512xf32> to vector<80x512xf32>
    %reduce_max3A_9 = arith.constant dense<0xFF800000> : vector<512xf32>
    %reduce_max3A_10 = vector.multi_reduction <maximumf>, %slice3A_8, %reduce_max3A_9 [0] : vector<80x512xf32> to vector<512xf32>
    %slice3A_11 = vector.extract_strided_slice %get3A_3 {offsets = [240, 0], sizes = [80, 512], strides = [1, 1]} : vector<720x512xf32> to vector<80x512xf32>
    %reduce_max3A_12 = arith.constant dense<0xFF800000> : vector<512xf32>
    %reduce_max3A_13 = vector.multi_reduction <maximumf>, %slice3A_11, %reduce_max3A_12 [0] : vector<80x512xf32> to vector<512xf32>
    %slice3A_14 = vector.extract_strided_slice %get3A_3 {offsets = [320, 0], sizes = [80, 512], strides = [1, 1]} : vector<720x512xf32> to vector<80x512xf32>
    %reduce_max3A_15 = arith.constant dense<0xFF800000> : vector<512xf32>
    %reduce_max3A_16 = vector.multi_reduction <maximumf>, %slice3A_14, %reduce_max3A_15 [0] : vector<80x512xf32> to vector<512xf32>
    %slice3A_17 = vector.extract_strided_slice %get3A_3 {offsets = [400, 0], sizes = [80, 512], strides = [1, 1]} : vector<720x512xf32> to vector<80x512xf32>
    %reduce_max3A_18 = arith.constant dense<0xFF800000> : vector<512xf32>
    %reduce_max3A_19 = vector.multi_reduction <maximumf>, %slice3A_17, %reduce_max3A_18 [0] : vector<80x512xf32> to vector<512xf32>
    %slice3A_20 = vector.extract_strided_slice %get3A_3 {offsets = [480, 0], sizes = [80, 512], strides = [1, 1]} : vector<720x512xf32> to vector<80x512xf32>
    %reduce_max3A_21 = arith.constant dense<0xFF800000> : vector<512xf32>
    %reduce_max3A_22 = vector.multi_reduction <maximumf>, %slice3A_20, %reduce_max3A_21 [0] : vector<80x512xf32> to vector<512xf32>
    %slice3A_23 = vector.extract_strided_slice %get3A_3 {offsets = [560, 0], sizes = [80, 512], strides = [1, 1]} : vector<720x512xf32> to vector<80x512xf32>
    %reduce_max3A_24 = arith.constant dense<0xFF800000> : vector<512xf32>
    %reduce_max3A_25 = vector.multi_reduction <maximumf>, %slice3A_23, %reduce_max3A_24 [0] : vector<80x512xf32> to vector<512xf32>
    %slice3A_26 = vector.extract_strided_slice %get3A_3 {offsets = [640, 0], sizes = [80, 512], strides = [1, 1]} : vector<720x512xf32> to vector<80x512xf32>
    %reduce_max3A_27 = arith.constant dense<0xFF800000> : vector<512xf32>
    %reduce_max3A_28 = vector.multi_reduction <maximumf>, %slice3A_26, %reduce_max3A_27 [0] : vector<80x512xf32> to vector<512xf32>
    %stack3A = vector.shape_cast %reduce_max3A_4 : vector<512xf32> to vector<1x512xf32>
    %stack3A_29 = vector.shape_cast %reduce_max3A_7 : vector<512xf32> to vector<1x512xf32>
    %stack3A_30 = vector.shape_cast %reduce_max3A_10 : vector<512xf32> to vector<1x512xf32>
    %stack3A_31 = vector.shape_cast %reduce_max3A_13 : vector<512xf32> to vector<1x512xf32>
    %stack3A_32 = vector.shape_cast %reduce_max3A_16 : vector<512xf32> to vector<1x512xf32>
    %stack3A_33 = vector.shape_cast %reduce_max3A_19 : vector<512xf32> to vector<1x512xf32>
    %stack3A_34 = vector.shape_cast %reduce_max3A_22 : vector<512xf32> to vector<1x512xf32>
    %stack3A_35 = vector.shape_cast %reduce_max3A_25 : vector<512xf32> to vector<1x512xf32>
    %stack3A_36 = vector.shape_cast %reduce_max3A_28 : vector<512xf32> to vector<1x512xf32>
    %stack3A_37 = tpu.concatenate %stack3A, %stack3A_29, %stack3A_30, %stack3A_31, %stack3A_32, %stack3A_33, %stack3A_34, %stack3A_35, %stack3A_36 in 0 : vector<1x512xf32>, vector<1x512xf32>, vector<1x512xf32>, vector<1x512xf32>, vector<1x512xf32>, vector<1x512xf32>, vector<1x512xf32>, vector<1x512xf32>, vector<1x512xf32> -> vector<9x512xf32>
    %swap3A = arith.constant 0 : index
    %swap3A_38 = arith.constant 0 : index
    %swap3A_39 = arith.constant 0 : index
    %swap3A_40 = vector.load %arg3[%swap3A, %swap3A_38, %swap3A_39] : memref<1x9x512xf32, #tpu.memory_space<vmem>>, vector<1x9x512xf32>
    %swap3A_41 = vector.shape_cast %swap3A_40 : vector<1x9x512xf32> to vector<9x512xf32>
    %swap3A_42 = vector.shape_cast %stack3A_37 : vector<9x512xf32> to vector<1x9x512xf32>
    tpu.vector_store %arg3[%swap3A, %swap3A_38, %swap3A_39], %swap3A_42 {strides = array<i32>} : memref<1x9x512xf32, #tpu.memory_space<vmem>>, vector<1x9x512xf32>,
    return
  }
  func.func @transform_0(%arg0: i32, %arg1: i32) -> (i32, i32, i32) {
    %c0_i32 = arith.constant 0 : i32
    %c0_i32_0 = arith.constant 0 : i32
    return %arg0, %c0_i32, %arg1 : i32, i32, i32
  }
  func.func @transform_1(%arg0: i32, %arg1: i32) -> (i32, i32, i32) {
    %c0_i32 = arith.constant 0 : i32
    %c0_i32_0 = arith.constant 0 : i32
    return %arg0, %c0_i32, %arg1 : i32, i32, i32
  }
}

module attributes {stable_mosaic.version = 14 : i64} {
  func.func @_amax_body(%arg0: i32, %arg1: i32, %arg2: memref<1x720x256xf32, #tpu.memory_space<vmem>>, %arg3: memref<1x9x256xf32, #tpu.memory_space<vmem>>) attributes {dimension_semantics = [#tpu.dimension_semantics<arbitrary>, #tpu.dimension_semantics<arbitrary>], iteration_bounds = array<i64: 8, 1>, scalar_prefetch = 0 : i64, scratch_operands = 0 : i64, tpu.core_type = #tpu.core_type<tc>, window_params = [{transform_indices = @transform_0, window_bounds = array<i64: 1, 720, 256>}, {transform_indices = @transform_1, window_bounds = array<i64: 1, 9, 256>}]} {
    %get3A = arith.constant 0 : index
    %get3A_0 = arith.constant 0 : index
    %get3A_1 = arith.constant 0 : index
    %get3A_2 = vector.load %arg2[%get3A, %get3A_0, %get3A_1] : memref<1x720x256xf32, #tpu.memory_space<vmem>>, vector<1x720x256xf32>
    %get3A_3 = vector.shape_cast %get3A_2 : vector<1x720x256xf32> to vector<720x256xf32>
    %slice3A = vector.extract_strided_slice %get3A_3 {offsets = [0, 0], sizes = [80, 256], strides = [1, 1]} : vector<720x256xf32> to vector<80x256xf32>
    %reduce_max3A = arith.constant dense<0xFF800000> : vector<256xf32>
    %reduce_max3A_4 = vector.multi_reduction <maximumf>, %slice3A, %reduce_max3A [0] : vector<80x256xf32> to vector<256xf32>
    %slice3A_5 = vector.extract_strided_slice %get3A_3 {offsets = [80, 0], sizes = [80, 256], strides = [1, 1]} : vector<720x256xf32> to vector<80x256xf32>
    %reduce_max3A_6 = arith.constant dense<0xFF800000> : vector<256xf32>
    %reduce_max3A_7 = vector.multi_reduction <maximumf>, %slice3A_5, %reduce_max3A_6 [0] : vector<80x256xf32> to vector<256xf32>
    %slice3A_8 = vector.extract_strided_slice %get3A_3 {offsets = [160, 0], sizes = [80, 256], strides = [1, 1]} : vector<720x256xf32> to vector<80x256xf32>
    %reduce_max3A_9 = arith.constant dense<0xFF800000> : vector<256xf32>
    %reduce_max3A_10 = vector.multi_reduction <maximumf>, %slice3A_8, %reduce_max3A_9 [0] : vector<80x256xf32> to vector<256xf32>
    %slice3A_11 = vector.extract_strided_slice %get3A_3 {offsets = [240, 0], sizes = [80, 256], strides = [1, 1]} : vector<720x256xf32> to vector<80x256xf32>
    %reduce_max3A_12 = arith.constant dense<0xFF800000> : vector<256xf32>
    %reduce_max3A_13 = vector.multi_reduction <maximumf>, %slice3A_11, %reduce_max3A_12 [0] : vector<80x256xf32> to vector<256xf32>
    %slice3A_14 = vector.extract_strided_slice %get3A_3 {offsets = [320, 0], sizes = [80, 256], strides = [1, 1]} : vector<720x256xf32> to vector<80x256xf32>
    %reduce_max3A_15 = arith.constant dense<0xFF800000> : vector<256xf32>
    %reduce_max3A_16 = vector.multi_reduction <maximumf>, %slice3A_14, %reduce_max3A_15 [0] : vector<80x256xf32> to vector<256xf32>
    %slice3A_17 = vector.extract_strided_slice %get3A_3 {offsets = [400, 0], sizes = [80, 256], strides = [1, 1]} : vector<720x256xf32> to vector<80x256xf32>
    %reduce_max3A_18 = arith.constant dense<0xFF800000> : vector<256xf32>
    %reduce_max3A_19 = vector.multi_reduction <maximumf>, %slice3A_17, %reduce_max3A_18 [0] : vector<80x256xf32> to vector<256xf32>
    %slice3A_20 = vector.extract_strided_slice %get3A_3 {offsets = [480, 0], sizes = [80, 256], strides = [1, 1]} : vector<720x256xf32> to vector<80x256xf32>
    %reduce_max3A_21 = arith.constant dense<0xFF800000> : vector<256xf32>
    %reduce_max3A_22 = vector.multi_reduction <maximumf>, %slice3A_20, %reduce_max3A_21 [0] : vector<80x256xf32> to vector<256xf32>
    %slice3A_23 = vector.extract_strided_slice %get3A_3 {offsets = [560, 0], sizes = [80, 256], strides = [1, 1]} : vector<720x256xf32> to vector<80x256xf32>
    %reduce_max3A_24 = arith.constant dense<0xFF800000> : vector<256xf32>
    %reduce_max3A_25 = vector.multi_reduction <maximumf>, %slice3A_23, %reduce_max3A_24 [0] : vector<80x256xf32> to vector<256xf32>
    %slice3A_26 = vector.extract_strided_slice %get3A_3 {offsets = [640, 0], sizes = [80, 256], strides = [1, 1]} : vector<720x256xf32> to vector<80x256xf32>
    %reduce_max3A_27 = arith.constant dense<0xFF800000> : vector<256xf32>
    %reduce_max3A_28 = vector.multi_reduction <maximumf>, %slice3A_26, %reduce_max3A_27 [0] : vector<80x256xf32> to vector<256xf32>
    %stack3A = vector.shape_cast %reduce_max3A_4 : vector<256xf32> to vector<1x256xf32>
    %stack3A_29 = vector.shape_cast %reduce_max3A_7 : vector<256xf32> to vector<1x256xf32>
    %stack3A_30 = vector.shape_cast %reduce_max3A_10 : vector<256xf32> to vector<1x256xf32>
    %stack3A_31 = vector.shape_cast %reduce_max3A_13 : vector<256xf32> to vector<1x256xf32>
    %stack3A_32 = vector.shape_cast %reduce_max3A_16 : vector<256xf32> to vector<1x256xf32>
    %stack3A_33 = vector.shape_cast %reduce_max3A_19 : vector<256xf32> to vector<1x256xf32>
    %stack3A_34 = vector.shape_cast %reduce_max3A_22 : vector<256xf32> to vector<1x256xf32>
    %stack3A_35 = vector.shape_cast %reduce_max3A_25 : vector<256xf32> to vector<1x256xf32>
    %stack3A_36 = vector.shape_cast %reduce_max3A_28 : vector<256xf32> to vector<1x256xf32>
    %stack3A_37 = tpu.concatenate %stack3A, %stack3A_29, %stack3A_30, %stack3A_31, %stack3A_32, %stack3A_33, %stack3A_34, %stack3A_35, %stack3A_36 in 0 : vector<1x256xf32>, vector<1x256xf32>, vector<1x256xf32>, vector<1x256xf32>, vector<1x256xf32>, vector<1x256xf32>, vector<1x256xf32>, vector<1x256xf32>, vector<1x256xf32> -> vector<9x256xf32>
    %swap3A = arith.constant 0 : index
    %swap3A_38 = arith.constant 0 : index
    %swap3A_39 = arith.constant 0 : index
    %swap3A_40 = vector.load %arg3[%swap3A, %swap3A_38, %swap3A_39] : memref<1x9x256xf32, #tpu.memory_space<vmem>>, vector<1x9x256xf32>
    %swap3A_41 = vector.shape_cast %swap3A_40 : vector<1x9x256xf32> to vector<9x256xf32>
    %swap3A_42 = vector.shape_cast %stack3A_37 : vector<9x256xf32> to vector<1x9x256xf32>
    tpu.vector_store %arg3[%swap3A, %swap3A_38, %swap3A_39], %swap3A_42 {strides = array<i32>} : memref<1x9x256xf32, #tpu.memory_space<vmem>>, vector<1x9x256xf32>,
    return
  }
  func.func @transform_0(%arg0: i32, %arg1: i32) -> (i32, i32, i32) {
    %c0_i32 = arith.constant 0 : i32
    %c0_i32_0 = arith.constant 0 : i32
    return %arg0, %c0_i32, %arg1 : i32, i32, i32
  }
  func.func @transform_1(%arg0: i32, %arg1: i32) -> (i32, i32, i32) {
    %c0_i32 = arith.constant 0 : i32
    %c0_i32_0 = arith.constant 0 : i32
    return %arg0, %c0_i32, %arg1 : i32, i32, i32
  }
}

module attributes {stable_mosaic.version = 14 : i64} {
  func.func @_amax_body(%arg0: i32, %arg1: i32, %arg2: memref<1x720x64xf32, #tpu.memory_space<vmem>>, %arg3: memref<1x9x64xf32, #tpu.memory_space<vmem>>) attributes {dimension_semantics = [#tpu.dimension_semantics<arbitrary>, #tpu.dimension_semantics<arbitrary>], iteration_bounds = array<i64: 8, 1>, scalar_prefetch = 0 : i64, scratch_operands = 0 : i64, tpu.core_type = #tpu.core_type<tc>, window_params = [{transform_indices = @transform_0, window_bounds = array<i64: 1, 720, 64>}, {transform_indices = @transform_1, window_bounds = array<i64: 1, 9, 64>}]} {
    %get3A = arith.constant 0 : index
    %get3A_0 = arith.constant 0 : index
    %get3A_1 = arith.constant 0 : index
    %get3A_2 = vector.load %arg2[%get3A, %get3A_0, %get3A_1] : memref<1x720x64xf32, #tpu.memory_space<vmem>>, vector<1x720x64xf32>
    %get3A_3 = vector.shape_cast %get3A_2 : vector<1x720x64xf32> to vector<720x64xf32>
    %slice3A = vector.extract_strided_slice %get3A_3 {offsets = [0, 0], sizes = [80, 64], strides = [1, 1]} : vector<720x64xf32> to vector<80x64xf32>
    %reduce_max3A = arith.constant dense<0xFF800000> : vector<64xf32>
    %reduce_max3A_4 = vector.multi_reduction <maximumf>, %slice3A, %reduce_max3A [0] : vector<80x64xf32> to vector<64xf32>
    %slice3A_5 = vector.extract_strided_slice %get3A_3 {offsets = [80, 0], sizes = [80, 64], strides = [1, 1]} : vector<720x64xf32> to vector<80x64xf32>
    %reduce_max3A_6 = arith.constant dense<0xFF800000> : vector<64xf32>
    %reduce_max3A_7 = vector.multi_reduction <maximumf>, %slice3A_5, %reduce_max3A_6 [0] : vector<80x64xf32> to vector<64xf32>
    %slice3A_8 = vector.extract_strided_slice %get3A_3 {offsets = [160, 0], sizes = [80, 64], strides = [1, 1]} : vector<720x64xf32> to vector<80x64xf32>
    %reduce_max3A_9 = arith.constant dense<0xFF800000> : vector<64xf32>
    %reduce_max3A_10 = vector.multi_reduction <maximumf>, %slice3A_8, %reduce_max3A_9 [0] : vector<80x64xf32> to vector<64xf32>
    %slice3A_11 = vector.extract_strided_slice %get3A_3 {offsets = [240, 0], sizes = [80, 64], strides = [1, 1]} : vector<720x64xf32> to vector<80x64xf32>
    %reduce_max3A_12 = arith.constant dense<0xFF800000> : vector<64xf32>
    %reduce_max3A_13 = vector.multi_reduction <maximumf>, %slice3A_11, %reduce_max3A_12 [0] : vector<80x64xf32> to vector<64xf32>
    %slice3A_14 = vector.extract_strided_slice %get3A_3 {offsets = [320, 0], sizes = [80, 64], strides = [1, 1]} : vector<720x64xf32> to vector<80x64xf32>
    %reduce_max3A_15 = arith.constant dense<0xFF800000> : vector<64xf32>
    %reduce_max3A_16 = vector.multi_reduction <maximumf>, %slice3A_14, %reduce_max3A_15 [0] : vector<80x64xf32> to vector<64xf32>
    %slice3A_17 = vector.extract_strided_slice %get3A_3 {offsets = [400, 0], sizes = [80, 64], strides = [1, 1]} : vector<720x64xf32> to vector<80x64xf32>
    %reduce_max3A_18 = arith.constant dense<0xFF800000> : vector<64xf32>
    %reduce_max3A_19 = vector.multi_reduction <maximumf>, %slice3A_17, %reduce_max3A_18 [0] : vector<80x64xf32> to vector<64xf32>
    %slice3A_20 = vector.extract_strided_slice %get3A_3 {offsets = [480, 0], sizes = [80, 64], strides = [1, 1]} : vector<720x64xf32> to vector<80x64xf32>
    %reduce_max3A_21 = arith.constant dense<0xFF800000> : vector<64xf32>
    %reduce_max3A_22 = vector.multi_reduction <maximumf>, %slice3A_20, %reduce_max3A_21 [0] : vector<80x64xf32> to vector<64xf32>
    %slice3A_23 = vector.extract_strided_slice %get3A_3 {offsets = [560, 0], sizes = [80, 64], strides = [1, 1]} : vector<720x64xf32> to vector<80x64xf32>
    %reduce_max3A_24 = arith.constant dense<0xFF800000> : vector<64xf32>
    %reduce_max3A_25 = vector.multi_reduction <maximumf>, %slice3A_23, %reduce_max3A_24 [0] : vector<80x64xf32> to vector<64xf32>
    %slice3A_26 = vector.extract_strided_slice %get3A_3 {offsets = [640, 0], sizes = [80, 64], strides = [1, 1]} : vector<720x64xf32> to vector<80x64xf32>
    %reduce_max3A_27 = arith.constant dense<0xFF800000> : vector<64xf32>
    %reduce_max3A_28 = vector.multi_reduction <maximumf>, %slice3A_26, %reduce_max3A_27 [0] : vector<80x64xf32> to vector<64xf32>
    %stack3A = vector.shape_cast %reduce_max3A_4 : vector<64xf32> to vector<1x64xf32>
    %stack3A_29 = vector.shape_cast %reduce_max3A_7 : vector<64xf32> to vector<1x64xf32>
    %stack3A_30 = vector.shape_cast %reduce_max3A_10 : vector<64xf32> to vector<1x64xf32>
    %stack3A_31 = vector.shape_cast %reduce_max3A_13 : vector<64xf32> to vector<1x64xf32>
    %stack3A_32 = vector.shape_cast %reduce_max3A_16 : vector<64xf32> to vector<1x64xf32>
    %stack3A_33 = vector.shape_cast %reduce_max3A_19 : vector<64xf32> to vector<1x64xf32>
    %stack3A_34 = vector.shape_cast %reduce_max3A_22 : vector<64xf32> to vector<1x64xf32>
    %stack3A_35 = vector.shape_cast %reduce_max3A_25 : vector<64xf32> to vector<1x64xf32>
    %stack3A_36 = vector.shape_cast %reduce_max3A_28 : vector<64xf32> to vector<1x64xf32>
    %stack3A_37 = tpu.concatenate %stack3A, %stack3A_29, %stack3A_30, %stack3A_31, %stack3A_32, %stack3A_33, %stack3A_34, %stack3A_35, %stack3A_36 in 0 : vector<1x64xf32>, vector<1x64xf32>, vector<1x64xf32>, vector<1x64xf32>, vector<1x64xf32>, vector<1x64xf32>, vector<1x64xf32>, vector<1x64xf32>, vector<1x64xf32> -> vector<9x64xf32>
    %swap3A = arith.constant 0 : index
    %swap3A_38 = arith.constant 0 : index
    %swap3A_39 = arith.constant 0 : index
    %swap3A_40 = vector.load %arg3[%swap3A, %swap3A_38, %swap3A_39] : memref<1x9x64xf32, #tpu.memory_space<vmem>>, vector<1x9x64xf32>
    %swap3A_41 = vector.shape_cast %swap3A_40 : vector<1x9x64xf32> to vector<9x64xf32>
    %swap3A_42 = vector.shape_cast %stack3A_37 : vector<9x64xf32> to vector<1x9x64xf32>
    tpu.vector_store %arg3[%swap3A, %swap3A_38, %swap3A_39], %swap3A_42 {strides = array<i32>} : memref<1x9x64xf32, #tpu.memory_space<vmem>>, vector<1x9x64xf32>,
    return
  }
  func.func @transform_0(%arg0: i32, %arg1: i32) -> (i32, i32, i32) {
    %c0_i32 = arith.constant 0 : i32
    %c0_i32_0 = arith.constant 0 : i32
    return %arg0, %c0_i32, %arg1 : i32, i32, i32
  }
  func.func @transform_1(%arg0: i32, %arg1: i32) -> (i32, i32, i32) {
    %c0_i32 = arith.constant 0 : i32
    %c0_i32_0 = arith.constant 0 : i32
    return %arg0, %c0_i32, %arg1 : i32, i32, i32
  }
}

module attributes {stable_mosaic.version = 14 : i64} {
  func.func @_amax_body(%arg0: i32, %arg1: i32, %arg2: memref<1x720x16xf32, #tpu.memory_space<vmem>>, %arg3: memref<1x9x16xf32, #tpu.memory_space<vmem>>) attributes {dimension_semantics = [#tpu.dimension_semantics<arbitrary>, #tpu.dimension_semantics<arbitrary>], iteration_bounds = array<i64: 8, 1>, scalar_prefetch = 0 : i64, scratch_operands = 0 : i64, tpu.core_type = #tpu.core_type<tc>, window_params = [{transform_indices = @transform_0, window_bounds = array<i64: 1, 720, 16>}, {transform_indices = @transform_1, window_bounds = array<i64: 1, 9, 16>}]} {
    %get3A = arith.constant 0 : index
    %get3A_0 = arith.constant 0 : index
    %get3A_1 = arith.constant 0 : index
    %get3A_2 = vector.load %arg2[%get3A, %get3A_0, %get3A_1] : memref<1x720x16xf32, #tpu.memory_space<vmem>>, vector<1x720x16xf32>
    %get3A_3 = vector.shape_cast %get3A_2 : vector<1x720x16xf32> to vector<720x16xf32>
    %slice3A = vector.extract_strided_slice %get3A_3 {offsets = [0, 0], sizes = [80, 16], strides = [1, 1]} : vector<720x16xf32> to vector<80x16xf32>
    %reduce_max3A = arith.constant dense<0xFF800000> : vector<16xf32>
    %reduce_max3A_4 = vector.multi_reduction <maximumf>, %slice3A, %reduce_max3A [0] : vector<80x16xf32> to vector<16xf32>
    %slice3A_5 = vector.extract_strided_slice %get3A_3 {offsets = [80, 0], sizes = [80, 16], strides = [1, 1]} : vector<720x16xf32> to vector<80x16xf32>
    %reduce_max3A_6 = arith.constant dense<0xFF800000> : vector<16xf32>
    %reduce_max3A_7 = vector.multi_reduction <maximumf>, %slice3A_5, %reduce_max3A_6 [0] : vector<80x16xf32> to vector<16xf32>
    %slice3A_8 = vector.extract_strided_slice %get3A_3 {offsets = [160, 0], sizes = [80, 16], strides = [1, 1]} : vector<720x16xf32> to vector<80x16xf32>
    %reduce_max3A_9 = arith.constant dense<0xFF800000> : vector<16xf32>
    %reduce_max3A_10 = vector.multi_reduction <maximumf>, %slice3A_8, %reduce_max3A_9 [0] : vector<80x16xf32> to vector<16xf32>
    %slice3A_11 = vector.extract_strided_slice %get3A_3 {offsets = [240, 0], sizes = [80, 16], strides = [1, 1]} : vector<720x16xf32> to vector<80x16xf32>
    %reduce_max3A_12 = arith.constant dense<0xFF800000> : vector<16xf32>
    %reduce_max3A_13 = vector.multi_reduction <maximumf>, %slice3A_11, %reduce_max3A_12 [0] : vector<80x16xf32> to vector<16xf32>
    %slice3A_14 = vector.extract_strided_slice %get3A_3 {offsets = [320, 0], sizes = [80, 16], strides = [1, 1]} : vector<720x16xf32> to vector<80x16xf32>
    %reduce_max3A_15 = arith.constant dense<0xFF800000> : vector<16xf32>
    %reduce_max3A_16 = vector.multi_reduction <maximumf>, %slice3A_14, %reduce_max3A_15 [0] : vector<80x16xf32> to vector<16xf32>
    %slice3A_17 = vector.extract_strided_slice %get3A_3 {offsets = [400, 0], sizes = [80, 16], strides = [1, 1]} : vector<720x16xf32> to vector<80x16xf32>
    %reduce_max3A_18 = arith.constant dense<0xFF800000> : vector<16xf32>
    %reduce_max3A_19 = vector.multi_reduction <maximumf>, %slice3A_17, %reduce_max3A_18 [0] : vector<80x16xf32> to vector<16xf32>
    %slice3A_20 = vector.extract_strided_slice %get3A_3 {offsets = [480, 0], sizes = [80, 16], strides = [1, 1]} : vector<720x16xf32> to vector<80x16xf32>
    %reduce_max3A_21 = arith.constant dense<0xFF800000> : vector<16xf32>
    %reduce_max3A_22 = vector.multi_reduction <maximumf>, %slice3A_20, %reduce_max3A_21 [0] : vector<80x16xf32> to vector<16xf32>
    %slice3A_23 = vector.extract_strided_slice %get3A_3 {offsets = [560, 0], sizes = [80, 16], strides = [1, 1]} : vector<720x16xf32> to vector<80x16xf32>
    %reduce_max3A_24 = arith.constant dense<0xFF800000> : vector<16xf32>
    %reduce_max3A_25 = vector.multi_reduction <maximumf>, %slice3A_23, %reduce_max3A_24 [0] : vector<80x16xf32> to vector<16xf32>
    %slice3A_26 = vector.extract_strided_slice %get3A_3 {offsets = [640, 0], sizes = [80, 16], strides = [1, 1]} : vector<720x16xf32> to vector<80x16xf32>
    %reduce_max3A_27 = arith.constant dense<0xFF800000> : vector<16xf32>
    %reduce_max3A_28 = vector.multi_reduction <maximumf>, %slice3A_26, %reduce_max3A_27 [0] : vector<80x16xf32> to vector<16xf32>
    %stack3A = vector.shape_cast %reduce_max3A_4 : vector<16xf32> to vector<1x16xf32>
    %stack3A_29 = vector.shape_cast %reduce_max3A_7 : vector<16xf32> to vector<1x16xf32>
    %stack3A_30 = vector.shape_cast %reduce_max3A_10 : vector<16xf32> to vector<1x16xf32>
    %stack3A_31 = vector.shape_cast %reduce_max3A_13 : vector<16xf32> to vector<1x16xf32>
    %stack3A_32 = vector.shape_cast %reduce_max3A_16 : vector<16xf32> to vector<1x16xf32>
    %stack3A_33 = vector.shape_cast %reduce_max3A_19 : vector<16xf32> to vector<1x16xf32>
    %stack3A_34 = vector.shape_cast %reduce_max3A_22 : vector<16xf32> to vector<1x16xf32>
    %stack3A_35 = vector.shape_cast %reduce_max3A_25 : vector<16xf32> to vector<1x16xf32>
    %stack3A_36 = vector.shape_cast %reduce_max3A_28 : vector<16xf32> to vector<1x16xf32>
    %stack3A_37 = tpu.concatenate %stack3A, %stack3A_29, %stack3A_30, %stack3A_31, %stack3A_32, %stack3A_33, %stack3A_34, %stack3A_35, %stack3A_36 in 0 : vector<1x16xf32>, vector<1x16xf32>, vector<1x16xf32>, vector<1x16xf32>, vector<1x16xf32>, vector<1x16xf32>, vector<1x16xf32>, vector<1x16xf32>, vector<1x16xf32> -> vector<9x16xf32>
    %swap3A = arith.constant 0 : index
    %swap3A_38 = arith.constant 0 : index
    %swap3A_39 = arith.constant 0 : index
    %swap3A_40 = vector.load %arg3[%swap3A, %swap3A_38, %swap3A_39] : memref<1x9x16xf32, #tpu.memory_space<vmem>>, vector<1x9x16xf32>
    %swap3A_41 = vector.shape_cast %swap3A_40 : vector<1x9x16xf32> to vector<9x16xf32>
    %swap3A_42 = vector.shape_cast %stack3A_37 : vector<9x16xf32> to vector<1x9x16xf32>
    tpu.vector_store %arg3[%swap3A, %swap3A_38, %swap3A_39], %swap3A_42 {strides = array<i32>} : memref<1x9x16xf32, #tpu.memory_space<vmem>>, vector<1x9x16xf32>,
    return
  }
  func.func @transform_0(%arg0: i32, %arg1: i32) -> (i32, i32, i32) {
    %c0_i32 = arith.constant 0 : i32
    %c0_i32_0 = arith.constant 0 : i32
    return %arg0, %c0_i32, %arg1 : i32, i32, i32
  }
  func.func @transform_1(%arg0: i32, %arg1: i32) -> (i32, i32, i32) {
    %c0_i32 = arith.constant 0 : i32
    %c0_i32_0 = arith.constant 0 : i32
    return %arg0, %c0_i32, %arg1 : i32, i32, i32
  }
}

module attributes {stable_mosaic.version = 14 : i64} {
  func.func @_select_body(%arg0: i32, %arg1: memref<8x384x128xf32, #tpu.memory_space<vmem>>, %arg2: memref<8x1x384xi32, #tpu.memory_space<vmem>>) attributes {dimension_semantics = [#tpu.dimension_semantics<arbitrary>], iteration_bounds = array<i64: 1>, scalar_prefetch = 0 : i64, scratch_operands = 0 : i64, tpu.core_type = #tpu.core_type<tc>, window_params = [{pipeline_mode = #tpu.pipeline_mode<synchronous>, transform_indices = @transform_0, window_bounds = array<i64: 8, 384, 128>}, {pipeline_mode = #tpu.pipeline_mode<synchronous>, transform_indices = @transform_1, window_bounds = array<i64: 8, 1, 384>}]} {
    %get3A = arith.constant 0 : index
    %get3A_0 = arith.constant 0 : index
    %get3A_1 = arith.constant 0 : index
    %get3A_2 = vector.load %arg1[%get3A, %get3A_0, %get3A_1] : memref<8x384x128xf32, #tpu.memory_space<vmem>>, vector<8x384x128xf32>
    %bitcast_convert_type3A = tpu.bitcast %get3A_2 : vector<8x384x128xf32> -> vector<8x384x128xi32>
    %shift_right_arithmetic3A = arith.constant 31 : i32
    %shift_right_arithmetic3A_3 = vector.broadcast %shift_right_arithmetic3A : i32 to vector<8x384x128xi32>
    %shift_right_arithmetic3A_4 = arith.shrsi %bitcast_convert_type3A, %shift_right_arithmetic3A_3 : vector<8x384x128xi32>
    %and3A = arith.constant 2147483647 : i32
    %and3A_5 = vector.broadcast %and3A : i32 to vector<8x384x128xi32>
    %and3A_6 = arith.andi %shift_right_arithmetic3A_4, %and3A_5 : vector<8x384x128xi32>
    %xor3A = arith.xori %bitcast_convert_type3A, %and3A_6 : vector<8x384x128xi32>
    %bitcast_convert_type3A_7 = tpu.bitcast %xor3A : vector<8x384x128xi32> -> vector<8x384x128xi32>
    %xor3A_8 = arith.constant -2147483648 : i32
    %xor3A_9 = vector.broadcast %xor3A_8 : i32 to vector<8x384x128xi32>
    %xor3A_10 = arith.xori %bitcast_convert_type3A_7, %xor3A_9 : vector<8x384x128xi32>
    %iota3A = tpu.iota {dimensions = array<i32: 1>} : vector<8x384x128xi32>
    %iota3A_11 = tpu.iota {dimensions = array<i32: 2>} : vector<8x384x128xi32>
    %mul3A = arith.constant 128 : i32
    %mul3A_12 = vector.broadcast %mul3A : i32 to vector<8x384x128xi32>
    %mul3A_13 = arith.muli %iota3A, %mul3A_12 : vector<8x384x128xi32>
    %add3A = arith.addi %mul3A_13, %iota3A_11 : vector<8x384x128xi32>
    %lt3A = arith.constant 49104 : i32
    %lt3A_14 = vector.broadcast %lt3A : i32 to vector<8x384x128xi32>
    %lt3A_15 = arith.cmpi slt, %add3A, %lt3A_14 : vector<8x384x128xi32>
    %jit3A = arith.constant 0 : i32
    %broadcast_in_dim3A = vector.broadcast %jit3A : i32 to vector<8x384x128xi32>
    %select_n3A = arith.select %lt3A_15, %xor3A_10, %broadcast_in_dim3A : vector<8x384x128xi1>, vector<8x384x128xi32>
    %broadcast_in_dim3A_16 = arith.constant 0 : i32
    %broadcast_in_dim3A_17 = vector.broadcast %broadcast_in_dim3A_16 : i32 to vector<8x1x1xi32>
    %or3A = arith.constant -2147483648 : i32
    %or3A_18 = vector.broadcast %or3A : i32 to vector<8x1x1xi32>
    %or3A_19 = arith.ori %broadcast_in_dim3A_17, %or3A_18 : vector<8x1x1xi32>
    %ge3A = vector.broadcast %or3A_19 : vector<8x1x1xi32> to vector<8x384x128xi32>
    %ge3A_20 = arith.cmpi uge, %select_n3A, %ge3A : vector<8x384x128xi32>
    %convert_element_type3A = arith.extui %ge3A_20 : vector<8x384x128xi1> to vector<8x384x128xi32>
    %convert_element_type3A_21 = arith.sitofp %convert_element_type3A : vector<8x384x128xi32> to vector<8x384x128xf32>
    %reduce_sum3A = arith.constant dense<0.000000e+00> : vector<8xf32>
    %reduce_sum3A_22 = vector.multi_reduction <add>, %convert_element_type3A_21, %reduce_sum3A [1, 2] : vector<8x384x128xf32> to vector<8xf32>
    %broadcast_in_dim3A_23 = vector.shape_cast %reduce_sum3A_22 : vector<8xf32> to vector<8x1x1xf32>
    %ge3A_24 = arith.constant 3.840000e+02 : f32
    %ge3A_25 = vector.broadcast %ge3A_24 : f32 to vector<8x1x1xf32>
    %ge3A_26 = arith.cmpf oge, %broadcast_in_dim3A_23, %ge3A_25 : vector<8x1x1xf32>
    %select_n3A_27 = arith.select %ge3A_26, %or3A_19, %broadcast_in_dim3A_17 : vector<8x1x1xi1>, vector<8x1x1xi32>
    %or3A_28 = arith.constant 1073741824 : i32
    %or3A_29 = vector.broadcast %or3A_28 : i32 to vector<8x1x1xi32>
    %or3A_30 = arith.ori %select_n3A_27, %or3A_29 : vector<8x1x1xi32>
    %ge3A_31 = vector.broadcast %or3A_30 : vector<8x1x1xi32> to vector<8x384x128xi32>
    %ge3A_32 = arith.cmpi uge, %select_n3A, %ge3A_31 : vector<8x384x128xi32>
    %convert_element_type3A_33 = arith.extui %ge3A_32 : vector<8x384x128xi1> to vector<8x384x128xi32>
    %convert_element_type3A_34 = arith.sitofp %convert_element_type3A_33 : vector<8x384x128xi32> to vector<8x384x128xf32>
    %reduce_sum3A_35 = arith.constant dense<0.000000e+00> : vector<8xf32>
    %reduce_sum3A_36 = vector.multi_reduction <add>, %convert_element_type3A_34, %reduce_sum3A_35 [1, 2] : vector<8x384x128xf32> to vector<8xf32>
    %broadcast_in_dim3A_37 = vector.shape_cast %reduce_sum3A_36 : vector<8xf32> to vector<8x1x1xf32>
    %ge3A_38 = arith.constant 3.840000e+02 : f32
    %ge3A_39 = vector.broadcast %ge3A_38 : f32 to vector<8x1x1xf32>
    %ge3A_40 = arith.cmpf oge, %broadcast_in_dim3A_37, %ge3A_39 : vector<8x1x1xf32>
    %select_n3A_41 = arith.select %ge3A_40, %or3A_30, %select_n3A_27 : vector<8x1x1xi1>, vector<8x1x1xi32>
    %or3A_42 = arith.constant 536870912 : i32
    %or3A_43 = vector.broadcast %or3A_42 : i32 to vector<8x1x1xi32>
    %or3A_44 = arith.ori %select_n3A_41, %or3A_43 : vector<8x1x1xi32>
    %ge3A_45 = vector.broadcast %or3A_44 : vector<8x1x1xi32> to vector<8x384x128xi32>
    %ge3A_46 = arith.cmpi uge, %select_n3A, %ge3A_45 : vector<8x384x128xi32>
    %convert_element_type3A_47 = arith.extui %ge3A_46 : vector<8x384x128xi1> to vector<8x384x128xi32>
    %convert_element_type3A_48 = arith.sitofp %convert_element_type3A_47 : vector<8x384x128xi32> to vector<8x384x128xf32>
    %reduce_sum3A_49 = arith.constant dense<0.000000e+00> : vector<8xf32>
    %reduce_sum3A_50 = vector.multi_reduction <add>, %convert_element_type3A_48, %reduce_sum3A_49 [1, 2] : vector<8x384x128xf32> to vector<8xf32>
    %broadcast_in_dim3A_51 = vector.shape_cast %reduce_sum3A_50 : vector<8xf32> to vector<8x1x1xf32>
    %ge3A_52 = arith.constant 3.840000e+02 : f32
    %ge3A_53 = vector.broadcast %ge3A_52 : f32 to vector<8x1x1xf32>
    %ge3A_54 = arith.cmpf oge, %broadcast_in_dim3A_51, %ge3A_53 : vector<8x1x1xf32>
    %select_n3A_55 = arith.select %ge3A_54, %or3A_44, %select_n3A_41 : vector<8x1x1xi1>, vector<8x1x1xi32>
    %or3A_56 = arith.constant 268435456 : i32
    %or3A_57 = vector.broadcast %or3A_56 : i32 to vector<8x1x1xi32>
    %or3A_58 = arith.ori %select_n3A_55, %or3A_57 : vector<8x1x1xi32>
    %ge3A_59 = vector.broadcast %or3A_58 : vector<8x1x1xi32> to vector<8x384x128xi32>
    %ge3A_60 = arith.cmpi uge, %select_n3A, %ge3A_59 : vector<8x384x128xi32>
    %convert_element_type3A_61 = arith.extui %ge3A_60 : vector<8x384x128xi1> to vector<8x384x128xi32>
    %convert_element_type3A_62 = arith.sitofp %convert_element_type3A_61 : vector<8x384x128xi32> to vector<8x384x128xf32>
    %reduce_sum3A_63 = arith.constant dense<0.000000e+00> : vector<8xf32>
    %reduce_sum3A_64 = vector.multi_reduction <add>, %convert_element_type3A_62, %reduce_sum3A_63 [1, 2] : vector<8x384x128xf32> to vector<8xf32>
    %broadcast_in_dim3A_65 = vector.shape_cast %reduce_sum3A_64 : vector<8xf32> to vector<8x1x1xf32>
    %ge3A_66 = arith.constant 3.840000e+02 : f32
    %ge3A_67 = vector.broadcast %ge3A_66 : f32 to vector<8x1x1xf32>
    %ge3A_68 = arith.cmpf oge, %broadcast_in_dim3A_65, %ge3A_67 : vector<8x1x1xf32>
    %select_n3A_69 = arith.select %ge3A_68, %or3A_58, %select_n3A_55 : vector<8x1x1xi1>, vector<8x1x1xi32>
    %or3A_70 = arith.constant 134217728 : i32
    %or3A_71 = vector.broadcast %or3A_70 : i32 to vector<8x1x1xi32>
    %or3A_72 = arith.ori %select_n3A_69, %or3A_71 : vector<8x1x1xi32>
    %ge3A_73 = vector.broadcast %or3A_72 : vector<8x1x1xi32> to vector<8x384x128xi32>
    %ge3A_74 = arith.cmpi uge, %select_n3A, %ge3A_73 : vector<8x384x128xi32>
    %convert_element_type3A_75 = arith.extui %ge3A_74 : vector<8x384x128xi1> to vector<8x384x128xi32>
    %convert_element_type3A_76 = arith.sitofp %convert_element_type3A_75 : vector<8x384x128xi32> to vector<8x384x128xf32>
    %reduce_sum3A_77 = arith.constant dense<0.000000e+00> : vector<8xf32>
    %reduce_sum3A_78 = vector.multi_reduction <add>, %convert_element_type3A_76, %reduce_sum3A_77 [1, 2] : vector<8x384x128xf32> to vector<8xf32>
    %broadcast_in_dim3A_79 = vector.shape_cast %reduce_sum3A_78 : vector<8xf32> to vector<8x1x1xf32>
    %ge3A_80 = arith.constant 3.840000e+02 : f32
    %ge3A_81 = vector.broadcast %ge3A_80 : f32 to vector<8x1x1xf32>
    %ge3A_82 = arith.cmpf oge, %broadcast_in_dim3A_79, %ge3A_81 : vector<8x1x1xf32>
    %select_n3A_83 = arith.select %ge3A_82, %or3A_72, %select_n3A_69 : vector<8x1x1xi1>, vector<8x1x1xi32>
    %or3A_84 = arith.constant 67108864 : i32
    %or3A_85 = vector.broadcast %or3A_84 : i32 to vector<8x1x1xi32>
    %or3A_86 = arith.ori %select_n3A_83, %or3A_85 : vector<8x1x1xi32>
    %ge3A_87 = vector.broadcast %or3A_86 : vector<8x1x1xi32> to vector<8x384x128xi32>
    %ge3A_88 = arith.cmpi uge, %select_n3A, %ge3A_87 : vector<8x384x128xi32>
    %convert_element_type3A_89 = arith.extui %ge3A_88 : vector<8x384x128xi1> to vector<8x384x128xi32>
    %convert_element_type3A_90 = arith.sitofp %convert_element_type3A_89 : vector<8x384x128xi32> to vector<8x384x128xf32>
    %reduce_sum3A_91 = arith.constant dense<0.000000e+00> : vector<8xf32>
    %reduce_sum3A_92 = vector.multi_reduction <add>, %convert_element_type3A_90, %reduce_sum3A_91 [1, 2] : vector<8x384x128xf32> to vector<8xf32>
    %broadcast_in_dim3A_93 = vector.shape_cast %reduce_sum3A_92 : vector<8xf32> to vector<8x1x1xf32>
    %ge3A_94 = arith.constant 3.840000e+02 : f32
    %ge3A_95 = vector.broadcast %ge3A_94 : f32 to vector<8x1x1xf32>
    %ge3A_96 = arith.cmpf oge, %broadcast_in_dim3A_93, %ge3A_95 : vector<8x1x1xf32>
    %select_n3A_97 = arith.select %ge3A_96, %or3A_86, %select_n3A_83 : vector<8x1x1xi1>, vector<8x1x1xi32>
    %or3A_98 = arith.constant 33554432 : i32
    %or3A_99 = vector.broadcast %or3A_98 : i32 to vector<8x1x1xi32>
    %or3A_100 = arith.ori %select_n3A_97, %or3A_99 : vector<8x1x1xi32>
    %ge3A_101 = vector.broadcast %or3A_100 : vector<8x1x1xi32> to vector<8x384x128xi32>
    %ge3A_102 = arith.cmpi uge, %select_n3A, %ge3A_101 : vector<8x384x128xi32>
    %convert_element_type3A_103 = arith.extui %ge3A_102 : vector<8x384x128xi1> to vector<8x384x128xi32>
    %convert_element_type3A_104 = arith.sitofp %convert_element_type3A_103 : vector<8x384x128xi32> to vector<8x384x128xf32>
    %reduce_sum3A_105 = arith.constant dense<0.000000e+00> : vector<8xf32>
    %reduce_sum3A_106 = vector.multi_reduction <add>, %convert_element_type3A_104, %reduce_sum3A_105 [1, 2] : vector<8x384x128xf32> to vector<8xf32>
    %broadcast_in_dim3A_107 = vector.shape_cast %reduce_sum3A_106 : vector<8xf32> to vector<8x1x1xf32>
    %ge3A_108 = arith.constant 3.840000e+02 : f32
    %ge3A_109 = vector.broadcast %ge3A_108 : f32 to vector<8x1x1xf32>
    %ge3A_110 = arith.cmpf oge, %broadcast_in_dim3A_107, %ge3A_109 : vector<8x1x1xf32>
    %select_n3A_111 = arith.select %ge3A_110, %or3A_100, %select_n3A_97 : vector<8x1x1xi1>, vector<8x1x1xi32>
    %or3A_112 = arith.constant 16777216 : i32
    %or3A_113 = vector.broadcast %or3A_112 : i32 to vector<8x1x1xi32>
    %or3A_114 = arith.ori %select_n3A_111, %or3A_113 : vector<8x1x1xi32>
    %ge3A_115 = vector.broadcast %or3A_114 : vector<8x1x1xi32> to vector<8x384x128xi32>
    %ge3A_116 = arith.cmpi uge, %select_n3A, %ge3A_115 : vector<8x384x128xi32>
    %convert_element_type3A_117 = arith.extui %ge3A_116 : vector<8x384x128xi1> to vector<8x384x128xi32>
    %convert_element_type3A_118 = arith.sitofp %convert_element_type3A_117 : vector<8x384x128xi32> to vector<8x384x128xf32>
    %reduce_sum3A_119 = arith.constant dense<0.000000e+00> : vector<8xf32>
    %reduce_sum3A_120 = vector.multi_reduction <add>, %convert_element_type3A_118, %reduce_sum3A_119 [1, 2] : vector<8x384x128xf32> to vector<8xf32>
    %broadcast_in_dim3A_121 = vector.shape_cast %reduce_sum3A_120 : vector<8xf32> to vector<8x1x1xf32>
    %ge3A_122 = arith.constant 3.840000e+02 : f32
    %ge3A_123 = vector.broadcast %ge3A_122 : f32 to vector<8x1x1xf32>
    %ge3A_124 = arith.cmpf oge, %broadcast_in_dim3A_121, %ge3A_123 : vector<8x1x1xf32>
    %select_n3A_125 = arith.select %ge3A_124, %or3A_114, %select_n3A_111 : vector<8x1x1xi1>, vector<8x1x1xi32>
    %or3A_126 = arith.constant 8388608 : i32
    %or3A_127 = vector.broadcast %or3A_126 : i32 to vector<8x1x1xi32>
    %or3A_128 = arith.ori %select_n3A_125, %or3A_127 : vector<8x1x1xi32>
    %ge3A_129 = vector.broadcast %or3A_128 : vector<8x1x1xi32> to vector<8x384x128xi32>
    %ge3A_130 = arith.cmpi uge, %select_n3A, %ge3A_129 : vector<8x384x128xi32>
    %convert_element_type3A_131 = arith.extui %ge3A_130 : vector<8x384x128xi1> to vector<8x384x128xi32>
    %convert_element_type3A_132 = arith.sitofp %convert_element_type3A_131 : vector<8x384x128xi32> to vector<8x384x128xf32>
    %reduce_sum3A_133 = arith.constant dense<0.000000e+00> : vector<8xf32>
    %reduce_sum3A_134 = vector.multi_reduction <add>, %convert_element_type3A_132, %reduce_sum3A_133 [1, 2] : vector<8x384x128xf32> to vector<8xf32>
    %broadcast_in_dim3A_135 = vector.shape_cast %reduce_sum3A_134 : vector<8xf32> to vector<8x1x1xf32>
    %ge3A_136 = arith.constant 3.840000e+02 : f32
    %ge3A_137 = vector.broadcast %ge3A_136 : f32 to vector<8x1x1xf32>
    %ge3A_138 = arith.cmpf oge, %broadcast_in_dim3A_135, %ge3A_137 : vector<8x1x1xf32>
    %select_n3A_139 = arith.select %ge3A_138, %or3A_128, %select_n3A_125 : vector<8x1x1xi1>, vector<8x1x1xi32>
    %or3A_140 = arith.constant 4194304 : i32
    %or3A_141 = vector.broadcast %or3A_140 : i32 to vector<8x1x1xi32>
    %or3A_142 = arith.ori %select_n3A_139, %or3A_141 : vector<8x1x1xi32>
    %ge3A_143 = vector.broadcast %or3A_142 : vector<8x1x1xi32> to vector<8x384x128xi32>
    %ge3A_144 = arith.cmpi uge, %select_n3A, %ge3A_143 : vector<8x384x128xi32>
    %convert_element_type3A_145 = arith.extui %ge3A_144 : vector<8x384x128xi1> to vector<8x384x128xi32>
    %convert_element_type3A_146 = arith.sitofp %convert_element_type3A_145 : vector<8x384x128xi32> to vector<8x384x128xf32>
    %reduce_sum3A_147 = arith.constant dense<0.000000e+00> : vector<8xf32>
    %reduce_sum3A_148 = vector.multi_reduction <add>, %convert_element_type3A_146, %reduce_sum3A_147 [1, 2] : vector<8x384x128xf32> to vector<8xf32>
    %broadcast_in_dim3A_149 = vector.shape_cast %reduce_sum3A_148 : vector<8xf32> to vector<8x1x1xf32>
    %ge3A_150 = arith.constant 3.840000e+02 : f32
    %ge3A_151 = vector.broadcast %ge3A_150 : f32 to vector<8x1x1xf32>
    %ge3A_152 = arith.cmpf oge, %broadcast_in_dim3A_149, %ge3A_151 : vector<8x1x1xf32>
    %select_n3A_153 = arith.select %ge3A_152, %or3A_142, %select_n3A_139 : vector<8x1x1xi1>, vector<8x1x1xi32>
    %or3A_154 = arith.constant 2097152 : i32
    %or3A_155 = vector.broadcast %or3A_154 : i32 to vector<8x1x1xi32>
    %or3A_156 = arith.ori %select_n3A_153, %or3A_155 : vector<8x1x1xi32>
    %ge3A_157 = vector.broadcast %or3A_156 : vector<8x1x1xi32> to vector<8x384x128xi32>
    %ge3A_158 = arith.cmpi uge, %select_n3A, %ge3A_157 : vector<8x384x128xi32>
    %convert_element_type3A_159 = arith.extui %ge3A_158 : vector<8x384x128xi1> to vector<8x384x128xi32>
    %convert_element_type3A_160 = arith.sitofp %convert_element_type3A_159 : vector<8x384x128xi32> to vector<8x384x128xf32>
    %reduce_sum3A_161 = arith.constant dense<0.000000e+00> : vector<8xf32>
    %reduce_sum3A_162 = vector.multi_reduction <add>, %convert_element_type3A_160, %reduce_sum3A_161 [1, 2] : vector<8x384x128xf32> to vector<8xf32>
    %broadcast_in_dim3A_163 = vector.shape_cast %reduce_sum3A_162 : vector<8xf32> to vector<8x1x1xf32>
    %ge3A_164 = arith.constant 3.840000e+02 : f32
    %ge3A_165 = vector.broadcast %ge3A_164 : f32 to vector<8x1x1xf32>
    %ge3A_166 = arith.cmpf oge, %broadcast_in_dim3A_163, %ge3A_165 : vector<8x1x1xf32>
    %select_n3A_167 = arith.select %ge3A_166, %or3A_156, %select_n3A_153 : vector<8x1x1xi1>, vector<8x1x1xi32>
    %or3A_168 = arith.constant 1048576 : i32
    %or3A_169 = vector.broadcast %or3A_168 : i32 to vector<8x1x1xi32>
    %or3A_170 = arith.ori %select_n3A_167, %or3A_169 : vector<8x1x1xi32>
    %ge3A_171 = vector.broadcast %or3A_170 : vector<8x1x1xi32> to vector<8x384x128xi32>
    %ge3A_172 = arith.cmpi uge, %select_n3A, %ge3A_171 : vector<8x384x128xi32>
    %convert_element_type3A_173 = arith.extui %ge3A_172 : vector<8x384x128xi1> to vector<8x384x128xi32>
    %convert_element_type3A_174 = arith.sitofp %convert_element_type3A_173 : vector<8x384x128xi32> to vector<8x384x128xf32>
    %reduce_sum3A_175 = arith.constant dense<0.000000e+00> : vector<8xf32>
    %reduce_sum3A_176 = vector.multi_reduction <add>, %convert_element_type3A_174, %reduce_sum3A_175 [1, 2] : vector<8x384x128xf32> to vector<8xf32>
    %broadcast_in_dim3A_177 = vector.shape_cast %reduce_sum3A_176 : vector<8xf32> to vector<8x1x1xf32>
    %ge3A_178 = arith.constant 3.840000e+02 : f32
    %ge3A_179 = vector.broadcast %ge3A_178 : f32 to vector<8x1x1xf32>
    %ge3A_180 = arith.cmpf oge, %broadcast_in_dim3A_177, %ge3A_179 : vector<8x1x1xf32>
    %select_n3A_181 = arith.select %ge3A_180, %or3A_170, %select_n3A_167 : vector<8x1x1xi1>, vector<8x1x1xi32>
    %or3A_182 = arith.constant 524288 : i32
    %or3A_183 = vector.broadcast %or3A_182 : i32 to vector<8x1x1xi32>
    %or3A_184 = arith.ori %select_n3A_181, %or3A_183 : vector<8x1x1xi32>
    %ge3A_185 = vector.broadcast %or3A_184 : vector<8x1x1xi32> to vector<8x384x128xi32>
    %ge3A_186 = arith.cmpi uge, %select_n3A, %ge3A_185 : vector<8x384x128xi32>
    %convert_element_type3A_187 = arith.extui %ge3A_186 : vector<8x384x128xi1> to vector<8x384x128xi32>
    %convert_element_type3A_188 = arith.sitofp %convert_element_type3A_187 : vector<8x384x128xi32> to vector<8x384x128xf32>
    %reduce_sum3A_189 = arith.constant dense<0.000000e+00> : vector<8xf32>
    %reduce_sum3A_190 = vector.multi_reduction <add>, %convert_element_type3A_188, %reduce_sum3A_189 [1, 2] : vector<8x384x128xf32> to vector<8xf32>
    %broadcast_in_dim3A_191 = vector.shape_cast %reduce_sum3A_190 : vector<8xf32> to vector<8x1x1xf32>
    %ge3A_192 = arith.constant 3.840000e+02 : f32
    %ge3A_193 = vector.broadcast %ge3A_192 : f32 to vector<8x1x1xf32>
    %ge3A_194 = arith.cmpf oge, %broadcast_in_dim3A_191, %ge3A_193 : vector<8x1x1xf32>
    %select_n3A_195 = arith.select %ge3A_194, %or3A_184, %select_n3A_181 : vector<8x1x1xi1>, vector<8x1x1xi32>
    %or3A_196 = arith.constant 262144 : i32
    %or3A_197 = vector.broadcast %or3A_196 : i32 to vector<8x1x1xi32>
    %or3A_198 = arith.ori %select_n3A_195, %or3A_197 : vector<8x1x1xi32>
    %ge3A_199 = vector.broadcast %or3A_198 : vector<8x1x1xi32> to vector<8x384x128xi32>
    %ge3A_200 = arith.cmpi uge, %select_n3A, %ge3A_199 : vector<8x384x128xi32>
    %convert_element_type3A_201 = arith.extui %ge3A_200 : vector<8x384x128xi1> to vector<8x384x128xi32>
    %convert_element_type3A_202 = arith.sitofp %convert_element_type3A_201 : vector<8x384x128xi32> to vector<8x384x128xf32>
    %reduce_sum3A_203 = arith.constant dense<0.000000e+00> : vector<8xf32>
    %reduce_sum3A_204 = vector.multi_reduction <add>, %convert_element_type3A_202, %reduce_sum3A_203 [1, 2] : vector<8x384x128xf32> to vector<8xf32>
    %broadcast_in_dim3A_205 = vector.shape_cast %reduce_sum3A_204 : vector<8xf32> to vector<8x1x1xf32>
    %ge3A_206 = arith.constant 3.840000e+02 : f32
    %ge3A_207 = vector.broadcast %ge3A_206 : f32 to vector<8x1x1xf32>
    %ge3A_208 = arith.cmpf oge, %broadcast_in_dim3A_205, %ge3A_207 : vector<8x1x1xf32>
    %select_n3A_209 = arith.select %ge3A_208, %or3A_198, %select_n3A_195 : vector<8x1x1xi1>, vector<8x1x1xi32>
    %or3A_210 = arith.constant 131072 : i32
    %or3A_211 = vector.broadcast %or3A_210 : i32 to vector<8x1x1xi32>
    %or3A_212 = arith.ori %select_n3A_209, %or3A_211 : vector<8x1x1xi32>
    %ge3A_213 = vector.broadcast %or3A_212 : vector<8x1x1xi32> to vector<8x384x128xi32>
    %ge3A_214 = arith.cmpi uge, %select_n3A, %ge3A_213 : vector<8x384x128xi32>
    %convert_element_type3A_215 = arith.extui %ge3A_214 : vector<8x384x128xi1> to vector<8x384x128xi32>
    %convert_element_type3A_216 = arith.sitofp %convert_element_type3A_215 : vector<8x384x128xi32> to vector<8x384x128xf32>
    %reduce_sum3A_217 = arith.constant dense<0.000000e+00> : vector<8xf32>
    %reduce_sum3A_218 = vector.multi_reduction <add>, %convert_element_type3A_216, %reduce_sum3A_217 [1, 2] : vector<8x384x128xf32> to vector<8xf32>
    %broadcast_in_dim3A_219 = vector.shape_cast %reduce_sum3A_218 : vector<8xf32> to vector<8x1x1xf32>
    %ge3A_220 = arith.constant 3.840000e+02 : f32
    %ge3A_221 = vector.broadcast %ge3A_220 : f32 to vector<8x1x1xf32>
    %ge3A_222 = arith.cmpf oge, %broadcast_in_dim3A_219, %ge3A_221 : vector<8x1x1xf32>
    %select_n3A_223 = arith.select %ge3A_222, %or3A_212, %select_n3A_209 : vector<8x1x1xi1>, vector<8x1x1xi32>
    %or3A_224 = arith.constant 65536 : i32
    %or3A_225 = vector.broadcast %or3A_224 : i32 to vector<8x1x1xi32>
    %or3A_226 = arith.ori %select_n3A_223, %or3A_225 : vector<8x1x1xi32>
    %ge3A_227 = vector.broadcast %or3A_226 : vector<8x1x1xi32> to vector<8x384x128xi32>
    %ge3A_228 = arith.cmpi uge, %select_n3A, %ge3A_227 : vector<8x384x128xi32>
    %convert_element_type3A_229 = arith.extui %ge3A_228 : vector<8x384x128xi1> to vector<8x384x128xi32>
    %convert_element_type3A_230 = arith.sitofp %convert_element_type3A_229 : vector<8x384x128xi32> to vector<8x384x128xf32>
    %reduce_sum3A_231 = arith.constant dense<0.000000e+00> : vector<8xf32>
    %reduce_sum3A_232 = vector.multi_reduction <add>, %convert_element_type3A_230, %reduce_sum3A_231 [1, 2] : vector<8x384x128xf32> to vector<8xf32>
    %broadcast_in_dim3A_233 = vector.shape_cast %reduce_sum3A_232 : vector<8xf32> to vector<8x1x1xf32>
    %ge3A_234 = arith.constant 3.840000e+02 : f32
    %ge3A_235 = vector.broadcast %ge3A_234 : f32 to vector<8x1x1xf32>
    %ge3A_236 = arith.cmpf oge, %broadcast_in_dim3A_233, %ge3A_235 : vector<8x1x1xf32>
    %select_n3A_237 = arith.select %ge3A_236, %or3A_226, %select_n3A_223 : vector<8x1x1xi1>, vector<8x1x1xi32>
    %or3A_238 = arith.constant 32768 : i32
    %or3A_239 = vector.broadcast %or3A_238 : i32 to vector<8x1x1xi32>
    %or3A_240 = arith.ori %select_n3A_237, %or3A_239 : vector<8x1x1xi32>
    %ge3A_241 = vector.broadcast %or3A_240 : vector<8x1x1xi32> to vector<8x384x128xi32>
    %ge3A_242 = arith.cmpi uge, %select_n3A, %ge3A_241 : vector<8x384x128xi32>
    %convert_element_type3A_243 = arith.extui %ge3A_242 : vector<8x384x128xi1> to vector<8x384x128xi32>
    %convert_element_type3A_244 = arith.sitofp %convert_element_type3A_243 : vector<8x384x128xi32> to vector<8x384x128xf32>
    %reduce_sum3A_245 = arith.constant dense<0.000000e+00> : vector<8xf32>
    %reduce_sum3A_246 = vector.multi_reduction <add>, %convert_element_type3A_244, %reduce_sum3A_245 [1, 2] : vector<8x384x128xf32> to vector<8xf32>
    %broadcast_in_dim3A_247 = vector.shape_cast %reduce_sum3A_246 : vector<8xf32> to vector<8x1x1xf32>
    %ge3A_248 = arith.constant 3.840000e+02 : f32
    %ge3A_249 = vector.broadcast %ge3A_248 : f32 to vector<8x1x1xf32>
    %ge3A_250 = arith.cmpf oge, %broadcast_in_dim3A_247, %ge3A_249 : vector<8x1x1xf32>
    %select_n3A_251 = arith.select %ge3A_250, %or3A_240, %select_n3A_237 : vector<8x1x1xi1>, vector<8x1x1xi32>
    %or3A_252 = arith.constant 16384 : i32
    %or3A_253 = vector.broadcast %or3A_252 : i32 to vector<8x1x1xi32>
    %or3A_254 = arith.ori %select_n3A_251, %or3A_253 : vector<8x1x1xi32>
    %ge3A_255 = vector.broadcast %or3A_254 : vector<8x1x1xi32> to vector<8x384x128xi32>
    %ge3A_256 = arith.cmpi uge, %select_n3A, %ge3A_255 : vector<8x384x128xi32>
    %convert_element_type3A_257 = arith.extui %ge3A_256 : vector<8x384x128xi1> to vector<8x384x128xi32>
    %convert_element_type3A_258 = arith.sitofp %convert_element_type3A_257 : vector<8x384x128xi32> to vector<8x384x128xf32>
    %reduce_sum3A_259 = arith.constant dense<0.000000e+00> : vector<8xf32>
    %reduce_sum3A_260 = vector.multi_reduction <add>, %convert_element_type3A_258, %reduce_sum3A_259 [1, 2] : vector<8x384x128xf32> to vector<8xf32>
    %broadcast_in_dim3A_261 = vector.shape_cast %reduce_sum3A_260 : vector<8xf32> to vector<8x1x1xf32>
    %ge3A_262 = arith.constant 3.840000e+02 : f32
    %ge3A_263 = vector.broadcast %ge3A_262 : f32 to vector<8x1x1xf32>
    %ge3A_264 = arith.cmpf oge, %broadcast_in_dim3A_261, %ge3A_263 : vector<8x1x1xf32>
    %select_n3A_265 = arith.select %ge3A_264, %or3A_254, %select_n3A_251 : vector<8x1x1xi1>, vector<8x1x1xi32>
    %or3A_266 = arith.constant 8192 : i32
    %or3A_267 = vector.broadcast %or3A_266 : i32 to vector<8x1x1xi32>
    %or3A_268 = arith.ori %select_n3A_265, %or3A_267 : vector<8x1x1xi32>
    %ge3A_269 = vector.broadcast %or3A_268 : vector<8x1x1xi32> to vector<8x384x128xi32>
    %ge3A_270 = arith.cmpi uge, %select_n3A, %ge3A_269 : vector<8x384x128xi32>
    %convert_element_type3A_271 = arith.extui %ge3A_270 : vector<8x384x128xi1> to vector<8x384x128xi32>
    %convert_element_type3A_272 = arith.sitofp %convert_element_type3A_271 : vector<8x384x128xi32> to vector<8x384x128xf32>
    %reduce_sum3A_273 = arith.constant dense<0.000000e+00> : vector<8xf32>
    %reduce_sum3A_274 = vector.multi_reduction <add>, %convert_element_type3A_272, %reduce_sum3A_273 [1, 2] : vector<8x384x128xf32> to vector<8xf32>
    %broadcast_in_dim3A_275 = vector.shape_cast %reduce_sum3A_274 : vector<8xf32> to vector<8x1x1xf32>
    %ge3A_276 = arith.constant 3.840000e+02 : f32
    %ge3A_277 = vector.broadcast %ge3A_276 : f32 to vector<8x1x1xf32>
    %ge3A_278 = arith.cmpf oge, %broadcast_in_dim3A_275, %ge3A_277 : vector<8x1x1xf32>
    %select_n3A_279 = arith.select %ge3A_278, %or3A_268, %select_n3A_265 : vector<8x1x1xi1>, vector<8x1x1xi32>
    %or3A_280 = arith.constant 4096 : i32
    %or3A_281 = vector.broadcast %or3A_280 : i32 to vector<8x1x1xi32>
    %or3A_282 = arith.ori %select_n3A_279, %or3A_281 : vector<8x1x1xi32>
    %ge3A_283 = vector.broadcast %or3A_282 : vector<8x1x1xi32> to vector<8x384x128xi32>
    %ge3A_284 = arith.cmpi uge, %select_n3A, %ge3A_283 : vector<8x384x128xi32>
    %convert_element_type3A_285 = arith.extui %ge3A_284 : vector<8x384x128xi1> to vector<8x384x128xi32>
    %convert_element_type3A_286 = arith.sitofp %convert_element_type3A_285 : vector<8x384x128xi32> to vector<8x384x128xf32>
    %reduce_sum3A_287 = arith.constant dense<0.000000e+00> : vector<8xf32>
    %reduce_sum3A_288 = vector.multi_reduction <add>, %convert_element_type3A_286, %reduce_sum3A_287 [1, 2] : vector<8x384x128xf32> to vector<8xf32>
    %broadcast_in_dim3A_289 = vector.shape_cast %reduce_sum3A_288 : vector<8xf32> to vector<8x1x1xf32>
    %ge3A_290 = arith.constant 3.840000e+02 : f32
    %ge3A_291 = vector.broadcast %ge3A_290 : f32 to vector<8x1x1xf32>
    %ge3A_292 = arith.cmpf oge, %broadcast_in_dim3A_289, %ge3A_291 : vector<8x1x1xf32>
    %select_n3A_293 = arith.select %ge3A_292, %or3A_282, %select_n3A_279 : vector<8x1x1xi1>, vector<8x1x1xi32>
    %or3A_294 = arith.constant 2048 : i32
    %or3A_295 = vector.broadcast %or3A_294 : i32 to vector<8x1x1xi32>
    %or3A_296 = arith.ori %select_n3A_293, %or3A_295 : vector<8x1x1xi32>
    %ge3A_297 = vector.broadcast %or3A_296 : vector<8x1x1xi32> to vector<8x384x128xi32>
    %ge3A_298 = arith.cmpi uge, %select_n3A, %ge3A_297 : vector<8x384x128xi32>
    %convert_element_type3A_299 = arith.extui %ge3A_298 : vector<8x384x128xi1> to vector<8x384x128xi32>
    %convert_element_type3A_300 = arith.sitofp %convert_element_type3A_299 : vector<8x384x128xi32> to vector<8x384x128xf32>
    %reduce_sum3A_301 = arith.constant dense<0.000000e+00> : vector<8xf32>
    %reduce_sum3A_302 = vector.multi_reduction <add>, %convert_element_type3A_300, %reduce_sum3A_301 [1, 2] : vector<8x384x128xf32> to vector<8xf32>
    %broadcast_in_dim3A_303 = vector.shape_cast %reduce_sum3A_302 : vector<8xf32> to vector<8x1x1xf32>
    %ge3A_304 = arith.constant 3.840000e+02 : f32
    %ge3A_305 = vector.broadcast %ge3A_304 : f32 to vector<8x1x1xf32>
    %ge3A_306 = arith.cmpf oge, %broadcast_in_dim3A_303, %ge3A_305 : vector<8x1x1xf32>
    %select_n3A_307 = arith.select %ge3A_306, %or3A_296, %select_n3A_293 : vector<8x1x1xi1>, vector<8x1x1xi32>
    %or3A_308 = arith.constant 1024 : i32
    %or3A_309 = vector.broadcast %or3A_308 : i32 to vector<8x1x1xi32>
    %or3A_310 = arith.ori %select_n3A_307, %or3A_309 : vector<8x1x1xi32>
    %ge3A_311 = vector.broadcast %or3A_310 : vector<8x1x1xi32> to vector<8x384x128xi32>
    %ge3A_312 = arith.cmpi uge, %select_n3A, %ge3A_311 : vector<8x384x128xi32>
    %convert_element_type3A_313 = arith.extui %ge3A_312 : vector<8x384x128xi1> to vector<8x384x128xi32>
    %convert_element_type3A_314 = arith.sitofp %convert_element_type3A_313 : vector<8x384x128xi32> to vector<8x384x128xf32>
    %reduce_sum3A_315 = arith.constant dense<0.000000e+00> : vector<8xf32>
    %reduce_sum3A_316 = vector.multi_reduction <add>, %convert_element_type3A_314, %reduce_sum3A_315 [1, 2] : vector<8x384x128xf32> to vector<8xf32>
    %broadcast_in_dim3A_317 = vector.shape_cast %reduce_sum3A_316 : vector<8xf32> to vector<8x1x1xf32>
    %ge3A_318 = arith.constant 3.840000e+02 : f32
    %ge3A_319 = vector.broadcast %ge3A_318 : f32 to vector<8x1x1xf32>
    %ge3A_320 = arith.cmpf oge, %broadcast_in_dim3A_317, %ge3A_319 : vector<8x1x1xf32>
    %select_n3A_321 = arith.select %ge3A_320, %or3A_310, %select_n3A_307 : vector<8x1x1xi1>, vector<8x1x1xi32>
    %or3A_322 = arith.constant 512 : i32
    %or3A_323 = vector.broadcast %or3A_322 : i32 to vector<8x1x1xi32>
    %or3A_324 = arith.ori %select_n3A_321, %or3A_323 : vector<8x1x1xi32>
    %ge3A_325 = vector.broadcast %or3A_324 : vector<8x1x1xi32> to vector<8x384x128xi32>
    %ge3A_326 = arith.cmpi uge, %select_n3A, %ge3A_325 : vector<8x384x128xi32>
    %convert_element_type3A_327 = arith.extui %ge3A_326 : vector<8x384x128xi1> to vector<8x384x128xi32>
    %convert_element_type3A_328 = arith.sitofp %convert_element_type3A_327 : vector<8x384x128xi32> to vector<8x384x128xf32>
    %reduce_sum3A_329 = arith.constant dense<0.000000e+00> : vector<8xf32>
    %reduce_sum3A_330 = vector.multi_reduction <add>, %convert_element_type3A_328, %reduce_sum3A_329 [1, 2] : vector<8x384x128xf32> to vector<8xf32>
    %broadcast_in_dim3A_331 = vector.shape_cast %reduce_sum3A_330 : vector<8xf32> to vector<8x1x1xf32>
    %ge3A_332 = arith.constant 3.840000e+02 : f32
    %ge3A_333 = vector.broadcast %ge3A_332 : f32 to vector<8x1x1xf32>
    %ge3A_334 = arith.cmpf oge, %broadcast_in_dim3A_331, %ge3A_333 : vector<8x1x1xf32>
    %select_n3A_335 = arith.select %ge3A_334, %or3A_324, %select_n3A_321 : vector<8x1x1xi1>, vector<8x1x1xi32>
    %or3A_336 = arith.constant 256 : i32
    %or3A_337 = vector.broadcast %or3A_336 : i32 to vector<8x1x1xi32>
    %or3A_338 = arith.ori %select_n3A_335, %or3A_337 : vector<8x1x1xi32>
    %ge3A_339 = vector.broadcast %or3A_338 : vector<8x1x1xi32> to vector<8x384x128xi32>
    %ge3A_340 = arith.cmpi uge, %select_n3A, %ge3A_339 : vector<8x384x128xi32>
    %convert_element_type3A_341 = arith.extui %ge3A_340 : vector<8x384x128xi1> to vector<8x384x128xi32>
    %convert_element_type3A_342 = arith.sitofp %convert_element_type3A_341 : vector<8x384x128xi32> to vector<8x384x128xf32>
    %reduce_sum3A_343 = arith.constant dense<0.000000e+00> : vector<8xf32>
    %reduce_sum3A_344 = vector.multi_reduction <add>, %convert_element_type3A_342, %reduce_sum3A_343 [1, 2] : vector<8x384x128xf32> to vector<8xf32>
    %broadcast_in_dim3A_345 = vector.shape_cast %reduce_sum3A_344 : vector<8xf32> to vector<8x1x1xf32>
    %ge3A_346 = arith.constant 3.840000e+02 : f32
    %ge3A_347 = vector.broadcast %ge3A_346 : f32 to vector<8x1x1xf32>
    %ge3A_348 = arith.cmpf oge, %broadcast_in_dim3A_345, %ge3A_347 : vector<8x1x1xf32>
    %select_n3A_349 = arith.select %ge3A_348, %or3A_338, %select_n3A_335 : vector<8x1x1xi1>, vector<8x1x1xi32>
    %or3A_350 = arith.constant 128 : i32
    %or3A_351 = vector.broadcast %or3A_350 : i32 to vector<8x1x1xi32>
    %or3A_352 = arith.ori %select_n3A_349, %or3A_351 : vector<8x1x1xi32>
    %ge3A_353 = vector.broadcast %or3A_352 : vector<8x1x1xi32> to vector<8x384x128xi32>
    %ge3A_354 = arith.cmpi uge, %select_n3A, %ge3A_353 : vector<8x384x128xi32>
    %convert_element_type3A_355 = arith.extui %ge3A_354 : vector<8x384x128xi1> to vector<8x384x128xi32>
    %convert_element_type3A_356 = arith.sitofp %convert_element_type3A_355 : vector<8x384x128xi32> to vector<8x384x128xf32>
    %reduce_sum3A_357 = arith.constant dense<0.000000e+00> : vector<8xf32>
    %reduce_sum3A_358 = vector.multi_reduction <add>, %convert_element_type3A_356, %reduce_sum3A_357 [1, 2] : vector<8x384x128xf32> to vector<8xf32>
    %broadcast_in_dim3A_359 = vector.shape_cast %reduce_sum3A_358 : vector<8xf32> to vector<8x1x1xf32>
    %ge3A_360 = arith.constant 3.840000e+02 : f32
    %ge3A_361 = vector.broadcast %ge3A_360 : f32 to vector<8x1x1xf32>
    %ge3A_362 = arith.cmpf oge, %broadcast_in_dim3A_359, %ge3A_361 : vector<8x1x1xf32>
    %select_n3A_363 = arith.select %ge3A_362, %or3A_352, %select_n3A_349 : vector<8x1x1xi1>, vector<8x1x1xi32>
    %or3A_364 = arith.constant 64 : i32
    %or3A_365 = vector.broadcast %or3A_364 : i32 to vector<8x1x1xi32>
    %or3A_366 = arith.ori %select_n3A_363, %or3A_365 : vector<8x1x1xi32>
    %ge3A_367 = vector.broadcast %or3A_366 : vector<8x1x1xi32> to vector<8x384x128xi32>
    %ge3A_368 = arith.cmpi uge, %select_n3A, %ge3A_367 : vector<8x384x128xi32>
    %convert_element_type3A_369 = arith.extui %ge3A_368 : vector<8x384x128xi1> to vector<8x384x128xi32>
    %convert_element_type3A_370 = arith.sitofp %convert_element_type3A_369 : vector<8x384x128xi32> to vector<8x384x128xf32>
    %reduce_sum3A_371 = arith.constant dense<0.000000e+00> : vector<8xf32>
    %reduce_sum3A_372 = vector.multi_reduction <add>, %convert_element_type3A_370, %reduce_sum3A_371 [1, 2] : vector<8x384x128xf32> to vector<8xf32>
    %broadcast_in_dim3A_373 = vector.shape_cast %reduce_sum3A_372 : vector<8xf32> to vector<8x1x1xf32>
    %ge3A_374 = arith.constant 3.840000e+02 : f32
    %ge3A_375 = vector.broadcast %ge3A_374 : f32 to vector<8x1x1xf32>
    %ge3A_376 = arith.cmpf oge, %broadcast_in_dim3A_373, %ge3A_375 : vector<8x1x1xf32>
    %select_n3A_377 = arith.select %ge3A_376, %or3A_366, %select_n3A_363 : vector<8x1x1xi1>, vector<8x1x1xi32>
    %or3A_378 = arith.constant 32 : i32
    %or3A_379 = vector.broadcast %or3A_378 : i32 to vector<8x1x1xi32>
    %or3A_380 = arith.ori %select_n3A_377, %or3A_379 : vector<8x1x1xi32>
    %ge3A_381 = vector.broadcast %or3A_380 : vector<8x1x1xi32> to vector<8x384x128xi32>
    %ge3A_382 = arith.cmpi uge, %select_n3A, %ge3A_381 : vector<8x384x128xi32>
    %convert_element_type3A_383 = arith.extui %ge3A_382 : vector<8x384x128xi1> to vector<8x384x128xi32>
    %convert_element_type3A_384 = arith.sitofp %convert_element_type3A_383 : vector<8x384x128xi32> to vector<8x384x128xf32>
    %reduce_sum3A_385 = arith.constant dense<0.000000e+00> : vector<8xf32>
    %reduce_sum3A_386 = vector.multi_reduction <add>, %convert_element_type3A_384, %reduce_sum3A_385 [1, 2] : vector<8x384x128xf32> to vector<8xf32>
    %broadcast_in_dim3A_387 = vector.shape_cast %reduce_sum3A_386 : vector<8xf32> to vector<8x1x1xf32>
    %ge3A_388 = arith.constant 3.840000e+02 : f32
    %ge3A_389 = vector.broadcast %ge3A_388 : f32 to vector<8x1x1xf32>
    %ge3A_390 = arith.cmpf oge, %broadcast_in_dim3A_387, %ge3A_389 : vector<8x1x1xf32>
    %select_n3A_391 = arith.select %ge3A_390, %or3A_380, %select_n3A_377 : vector<8x1x1xi1>, vector<8x1x1xi32>
    %or3A_392 = arith.constant 16 : i32
    %or3A_393 = vector.broadcast %or3A_392 : i32 to vector<8x1x1xi32>
    %or3A_394 = arith.ori %select_n3A_391, %or3A_393 : vector<8x1x1xi32>
    %ge3A_395 = vector.broadcast %or3A_394 : vector<8x1x1xi32> to vector<8x384x128xi32>
    %ge3A_396 = arith.cmpi uge, %select_n3A, %ge3A_395 : vector<8x384x128xi32>
    %convert_element_type3A_397 = arith.extui %ge3A_396 : vector<8x384x128xi1> to vector<8x384x128xi32>
    %convert_element_type3A_398 = arith.sitofp %convert_element_type3A_397 : vector<8x384x128xi32> to vector<8x384x128xf32>
    %reduce_sum3A_399 = arith.constant dense<0.000000e+00> : vector<8xf32>
    %reduce_sum3A_400 = vector.multi_reduction <add>, %convert_element_type3A_398, %reduce_sum3A_399 [1, 2] : vector<8x384x128xf32> to vector<8xf32>
    %broadcast_in_dim3A_401 = vector.shape_cast %reduce_sum3A_400 : vector<8xf32> to vector<8x1x1xf32>
    %ge3A_402 = arith.constant 3.840000e+02 : f32
    %ge3A_403 = vector.broadcast %ge3A_402 : f32 to vector<8x1x1xf32>
    %ge3A_404 = arith.cmpf oge, %broadcast_in_dim3A_401, %ge3A_403 : vector<8x1x1xf32>
    %select_n3A_405 = arith.select %ge3A_404, %or3A_394, %select_n3A_391 : vector<8x1x1xi1>, vector<8x1x1xi32>
    %or3A_406 = arith.constant 8 : i32
    %or3A_407 = vector.broadcast %or3A_406 : i32 to vector<8x1x1xi32>
    %or3A_408 = arith.ori %select_n3A_405, %or3A_407 : vector<8x1x1xi32>
    %ge3A_409 = vector.broadcast %or3A_408 : vector<8x1x1xi32> to vector<8x384x128xi32>
    %ge3A_410 = arith.cmpi uge, %select_n3A, %ge3A_409 : vector<8x384x128xi32>
    %convert_element_type3A_411 = arith.extui %ge3A_410 : vector<8x384x128xi1> to vector<8x384x128xi32>
    %convert_element_type3A_412 = arith.sitofp %convert_element_type3A_411 : vector<8x384x128xi32> to vector<8x384x128xf32>
    %reduce_sum3A_413 = arith.constant dense<0.000000e+00> : vector<8xf32>
    %reduce_sum3A_414 = vector.multi_reduction <add>, %convert_element_type3A_412, %reduce_sum3A_413 [1, 2] : vector<8x384x128xf32> to vector<8xf32>
    %broadcast_in_dim3A_415 = vector.shape_cast %reduce_sum3A_414 : vector<8xf32> to vector<8x1x1xf32>
    %ge3A_416 = arith.constant 3.840000e+02 : f32
    %ge3A_417 = vector.broadcast %ge3A_416 : f32 to vector<8x1x1xf32>
    %ge3A_418 = arith.cmpf oge, %broadcast_in_dim3A_415, %ge3A_417 : vector<8x1x1xf32>
    %select_n3A_419 = arith.select %ge3A_418, %or3A_408, %select_n3A_405 : vector<8x1x1xi1>, vector<8x1x1xi32>
    %or3A_420 = arith.constant 4 : i32
    %or3A_421 = vector.broadcast %or3A_420 : i32 to vector<8x1x1xi32>
    %or3A_422 = arith.ori %select_n3A_419, %or3A_421 : vector<8x1x1xi32>
    %ge3A_423 = vector.broadcast %or3A_422 : vector<8x1x1xi32> to vector<8x384x128xi32>
    %ge3A_424 = arith.cmpi uge, %select_n3A, %ge3A_423 : vector<8x384x128xi32>
    %convert_element_type3A_425 = arith.extui %ge3A_424 : vector<8x384x128xi1> to vector<8x384x128xi32>
    %convert_element_type3A_426 = arith.sitofp %convert_element_type3A_425 : vector<8x384x128xi32> to vector<8x384x128xf32>
    %reduce_sum3A_427 = arith.constant dense<0.000000e+00> : vector<8xf32>
    %reduce_sum3A_428 = vector.multi_reduction <add>, %convert_element_type3A_426, %reduce_sum3A_427 [1, 2] : vector<8x384x128xf32> to vector<8xf32>
    %broadcast_in_dim3A_429 = vector.shape_cast %reduce_sum3A_428 : vector<8xf32> to vector<8x1x1xf32>
    %ge3A_430 = arith.constant 3.840000e+02 : f32
    %ge3A_431 = vector.broadcast %ge3A_430 : f32 to vector<8x1x1xf32>
    %ge3A_432 = arith.cmpf oge, %broadcast_in_dim3A_429, %ge3A_431 : vector<8x1x1xf32>
    %select_n3A_433 = arith.select %ge3A_432, %or3A_422, %select_n3A_419 : vector<8x1x1xi1>, vector<8x1x1xi32>
    %or3A_434 = arith.constant 2 : i32
    %or3A_435 = vector.broadcast %or3A_434 : i32 to vector<8x1x1xi32>
    %or3A_436 = arith.ori %select_n3A_433, %or3A_435 : vector<8x1x1xi32>
    %ge3A_437 = vector.broadcast %or3A_436 : vector<8x1x1xi32> to vector<8x384x128xi32>
    %ge3A_438 = arith.cmpi uge, %select_n3A, %ge3A_437 : vector<8x384x128xi32>
    %convert_element_type3A_439 = arith.extui %ge3A_438 : vector<8x384x128xi1> to vector<8x384x128xi32>
    %convert_element_type3A_440 = arith.sitofp %convert_element_type3A_439 : vector<8x384x128xi32> to vector<8x384x128xf32>
    %reduce_sum3A_441 = arith.constant dense<0.000000e+00> : vector<8xf32>
    %reduce_sum3A_442 = vector.multi_reduction <add>, %convert_element_type3A_440, %reduce_sum3A_441 [1, 2] : vector<8x384x128xf32> to vector<8xf32>
    %broadcast_in_dim3A_443 = vector.shape_cast %reduce_sum3A_442 : vector<8xf32> to vector<8x1x1xf32>
    %ge3A_444 = arith.constant 3.840000e+02 : f32
    %ge3A_445 = vector.broadcast %ge3A_444 : f32 to vector<8x1x1xf32>
    %ge3A_446 = arith.cmpf oge, %broadcast_in_dim3A_443, %ge3A_445 : vector<8x1x1xf32>
    %select_n3A_447 = arith.select %ge3A_446, %or3A_436, %select_n3A_433 : vector<8x1x1xi1>, vector<8x1x1xi32>
    %or3A_448 = arith.constant 1 : i32
    %or3A_449 = vector.broadcast %or3A_448 : i32 to vector<8x1x1xi32>
    %or3A_450 = arith.ori %select_n3A_447, %or3A_449 : vector<8x1x1xi32>
    %ge3A_451 = vector.broadcast %or3A_450 : vector<8x1x1xi32> to vector<8x384x128xi32>
    %ge3A_452 = arith.cmpi uge, %select_n3A, %ge3A_451 : vector<8x384x128xi32>
    %convert_element_type3A_453 = arith.extui %ge3A_452 : vector<8x384x128xi1> to vector<8x384x128xi32>
    %convert_element_type3A_454 = arith.sitofp %convert_element_type3A_453 : vector<8x384x128xi32> to vector<8x384x128xf32>
    %reduce_sum3A_455 = arith.constant dense<0.000000e+00> : vector<8xf32>
    %reduce_sum3A_456 = vector.multi_reduction <add>, %convert_element_type3A_454, %reduce_sum3A_455 [1, 2] : vector<8x384x128xf32> to vector<8xf32>
    %broadcast_in_dim3A_457 = vector.shape_cast %reduce_sum3A_456 : vector<8xf32> to vector<8x1x1xf32>
    %ge3A_458 = arith.constant 3.840000e+02 : f32
    %ge3A_459 = vector.broadcast %ge3A_458 : f32 to vector<8x1x1xf32>
    %ge3A_460 = arith.cmpf oge, %broadcast_in_dim3A_457, %ge3A_459 : vector<8x1x1xf32>
    %select_n3A_461 = arith.select %ge3A_460, %or3A_450, %select_n3A_447 : vector<8x1x1xi1>, vector<8x1x1xi32>
    %gt3A = vector.broadcast %select_n3A_461 : vector<8x1x1xi32> to vector<8x384x128xi32>
    %gt3A_462 = arith.cmpi ugt, %select_n3A, %gt3A : vector<8x384x128xi32>
    %eq3A = vector.broadcast %select_n3A_461 : vector<8x1x1xi32> to vector<8x384x128xi32>
    %eq3A_463 = arith.cmpi eq, %select_n3A, %eq3A : vector<8x384x128xi32>
    %convert_element_type3A_464 = arith.extui %gt3A_462 : vector<8x384x128xi1> to vector<8x384x128xi32>
    %convert_element_type3A_465 = arith.sitofp %convert_element_type3A_464 : vector<8x384x128xi32> to vector<8x384x128xf32>
    %reduce_sum3A_466 = arith.constant dense<0.000000e+00> : vector<8xf32>
    %reduce_sum3A_467 = vector.multi_reduction <add>, %convert_element_type3A_465, %reduce_sum3A_466 [1, 2] : vector<8x384x128xf32> to vector<8xf32>
    %broadcast_in_dim3A_468 = vector.shape_cast %reduce_sum3A_467 : vector<8xf32> to vector<8x1x1xf32>
    %sub3A = arith.constant 3.840000e+02 : f32
    %sub3A_469 = vector.broadcast %sub3A : f32 to vector<8x1x1xf32>
    %sub3A_470 = arith.subf %sub3A_469, %broadcast_in_dim3A_468 : vector<8x1x1xf32>
    %slice3A = vector.extract_strided_slice %gt3A_462 {offsets = [0, 0, 0], sizes = [1, 384, 128], strides = [1, 1, 1]} : vector<8x384x128xi1> to vector<1x384x128xi1>
    %squeeze3A = vector.shape_cast %slice3A : vector<1x384x128xi1> to vector<384x128xi1>
    %slice3A_471 = vector.extract_strided_slice %eq3A_463 {offsets = [0, 0, 0], sizes = [1, 384, 128], strides = [1, 1, 1]} : vector<8x384x128xi1> to vector<1x384x128xi1>
    %squeeze3A_472 = vector.shape_cast %slice3A_471 : vector<1x384x128xi1> to vector<384x128xi1>
    %slice3A_473 = vector.extract_strided_slice %sub3A_470 {offsets = [0, 0, 0], sizes = [1, 1, 1], strides = [1, 1, 1]} : vector<8x1x1xf32> to vector<1x1x1xf32>
    %squeeze3A_474 = vector.shape_cast %slice3A_473 : vector<1x1x1xf32> to vector<1x1xf32>
    %iota3A_475 = tpu.iota {dimensions = array<i32: 0>} : vector<128x128xi32>
    %iota3A_476 = tpu.iota {dimensions = array<i32: 1>} : vector<128x128xi32>
    %lt3A_477 = arith.cmpi slt, %iota3A_475, %iota3A_476 : vector<128x128xi32>
    %convert_element_type3A_478 = arith.extui %lt3A_477 : vector<128x128xi1> to vector<128x128xi32>
    %convert_element_type3A_479 = arith.sitofp %convert_element_type3A_478 : vector<128x128xi32> to vector<128x128xf32>
    %iota3A_480 = tpu.iota {dimensions = array<i32: 0>} : vector<384x384xi32>
    %iota3A_481 = tpu.iota {dimensions = array<i32: 1>} : vector<384x384xi32>
    %lt3A_482 = arith.cmpi slt, %iota3A_480, %iota3A_481 : vector<384x384xi32>
    %convert_element_type3A_483 = arith.extui %lt3A_482 : vector<384x384xi1> to vector<384x384xi32>
    %convert_element_type3A_484 = arith.sitofp %convert_element_type3A_483 : vector<384x384xi32> to vector<384x384xf32>
    %convert_element_type3A_485 = arith.extui %squeeze3A_472 : vector<384x128xi1> to vector<384x128xi32>
    %convert_element_type3A_486 = arith.sitofp %convert_element_type3A_485 : vector<384x128xi32> to vector<384x128xf32>
    %dot_general3A = arith.constant dense<0.000000e+00> : vector<384x128xf32>
    %dot_general3A_487 = tpu.matmul %convert_element_type3A_486, %convert_element_type3A_479, %dot_general3A {dimension_numbers = #tpu.dot_dimension_numbers<[1], [0], [0], [1], [0, 0, 1, 1], [], []>, transpose_lhs_hint = false} : vector<384x128xf32>, vector<128x128xf32>, vector<384x128xf32> -> vector<384x128xf32>
    %reduce_sum3A_488 = arith.constant dense<0.000000e+00> : vector<384xf32>
    %reduce_sum3A_489 = vector.multi_reduction <add>, %convert_element_type3A_486, %reduce_sum3A_488 [1] : vector<384x128xf32> to vector<384xf32>
    %broadcast_in_dim3A_490 = vector.shape_cast %reduce_sum3A_489 : vector<384xf32> to vector<384x1xf32>
    %mul3A_491 = vector.broadcast %broadcast_in_dim3A_490 : vector<384x1xf32> to vector<384x384xf32>
    %mul3A_492 = arith.mulf %convert_element_type3A_484, %mul3A_491 : vector<384x384xf32>
    %reduce_sum3A_493 = arith.constant dense<0.000000e+00> : vector<384xf32>
    %reduce_sum3A_494 = vector.multi_reduction <add>, %mul3A_492, %reduce_sum3A_493 [0] : vector<384x384xf32> to vector<384xf32>
    %broadcast_in_dim3A_495 = vector.shape_cast %reduce_sum3A_494 : vector<384xf32> to vector<1x384xf32>
    %transpose3A = tpu.transpose %broadcast_in_dim3A_495, [1, 0] : vector<1x384xf32> -> vector<384x1xf32>
    %add3A_496 = vector.broadcast %transpose3A : vector<384x1xf32> to vector<384x128xf32>
    %add3A_497 = arith.addf %add3A_496, %dot_general3A_487 : vector<384x128xf32>
    %lt3A_498 = vector.broadcast %squeeze3A_474 : vector<1x1xf32> to vector<384x128xf32>
    %lt3A_499 = arith.cmpf olt, %add3A_497, %lt3A_498 : vector<384x128xf32>
    %and3A_500 = arith.andi %squeeze3A_472, %lt3A_499 : vector<384x128xi1>
    %or3A_501 = arith.ori %squeeze3A, %and3A_500 : vector<384x128xi1>
    %convert_element_type3A_502 = arith.extui %or3A_501 : vector<384x128xi1> to vector<384x128xi32>
    %convert_element_type3A_503 = arith.sitofp %convert_element_type3A_502 : vector<384x128xi32> to vector<384x128xf32>
    %dot_general3A_504 = arith.constant dense<0.000000e+00> : vector<384x128xf32>
    %dot_general3A_505 = tpu.matmul %convert_element_type3A_503, %convert_element_type3A_479, %dot_general3A_504 {dimension_numbers = #tpu.dot_dimension_numbers<[1], [0], [0], [1], [0, 0, 1, 1], [], []>, transpose_lhs_hint = false} : vector<384x128xf32>, vector<128x128xf32>, vector<384x128xf32> -> vector<384x128xf32>
    %reduce_sum3A_506 = arith.constant dense<0.000000e+00> : vector<384xf32>
    %reduce_sum3A_507 = vector.multi_reduction <add>, %convert_element_type3A_503, %reduce_sum3A_506 [1] : vector<384x128xf32> to vector<384xf32>
    %broadcast_in_dim3A_508 = vector.shape_cast %reduce_sum3A_507 : vector<384xf32> to vector<384x1xf32>
    %mul3A_509 = vector.broadcast %broadcast_in_dim3A_508 : vector<384x1xf32> to vector<384x384xf32>
    %mul3A_510 = arith.mulf %convert_element_type3A_484, %mul3A_509 : vector<384x384xf32>
    %reduce_sum3A_511 = arith.constant dense<0.000000e+00> : vector<384xf32>
    %reduce_sum3A_512 = vector.multi_reduction <add>, %mul3A_510, %reduce_sum3A_511 [0] : vector<384x384xf32> to vector<384xf32>
    %broadcast_in_dim3A_513 = vector.shape_cast %reduce_sum3A_512 : vector<384xf32> to vector<1x384xf32>
    %transpose3A_514 = tpu.transpose %broadcast_in_dim3A_513, [1, 0] : vector<1x384xf32> -> vector<384x1xf32>
    %transpose3A_515 = tpu.transpose %transpose3A_514, [1, 0] : vector<384x1xf32> -> vector<1x384xf32>
    %iota3A_516 = tpu.iota {dimensions = array<i32: 0>} : vector<384x1xi32>
    %convert_element_type3A_517 = arith.sitofp %iota3A_516 : vector<384x1xi32> to vector<384x1xf32>
    %le3A = vector.broadcast %transpose3A_515 : vector<1x384xf32> to vector<384x384xf32>
    %le3A_518 = vector.broadcast %convert_element_type3A_517 : vector<384x1xf32> to vector<384x384xf32>
    %le3A_519 = arith.cmpf ole, %le3A, %le3A_518 : vector<384x384xf32>
    %convert_element_type3A_520 = arith.extui %le3A_519 : vector<384x384xi1> to vector<384x384xi32>
    %convert_element_type3A_521 = arith.sitofp %convert_element_type3A_520 : vector<384x384xi32> to vector<384x384xf32>
    %reduce_sum3A_522 = arith.constant dense<0.000000e+00> : vector<384xf32>
    %reduce_sum3A_523 = vector.multi_reduction <add>, %convert_element_type3A_521, %reduce_sum3A_522 [1] : vector<384x384xf32> to vector<384xf32>
    %broadcast_in_dim3A_524 = vector.shape_cast %reduce_sum3A_523 : vector<384xf32> to vector<384x1xf32>
    %sub3A_525 = arith.constant 1.000000e+00 : f32
    %sub3A_526 = vector.broadcast %sub3A_525 : f32 to vector<384x1xf32>
    %sub3A_527 = arith.subf %broadcast_in_dim3A_524, %sub3A_526 : vector<384x1xf32>
    %iota3A_528 = tpu.iota {dimensions = array<i32: 1>} : vector<384x384xi32>
    %convert_element_type3A_529 = arith.sitofp %iota3A_528 : vector<384x384xi32> to vector<384x384xf32>
    %eq3A_530 = vector.broadcast %sub3A_527 : vector<384x1xf32> to vector<384x384xf32>
    %eq3A_531 = arith.cmpf oeq, %convert_element_type3A_529, %eq3A_530 : vector<384x384xf32>
    %convert_element_type3A_532 = arith.extui %eq3A_531 : vector<384x384xi1> to vector<384x384xi32>
    %convert_element_type3A_533 = arith.sitofp %convert_element_type3A_532 : vector<384x384xi32> to vector<384x384xf32>
    %mul3A_534 = vector.broadcast %transpose3A_515 : vector<1x384xf32> to vector<384x384xf32>
    %mul3A_535 = arith.mulf %convert_element_type3A_533, %mul3A_534 : vector<384x384xf32>
    %reduce_sum3A_536 = arith.constant dense<0.000000e+00> : vector<384xf32>
    %reduce_sum3A_537 = vector.multi_reduction <add>, %mul3A_535, %reduce_sum3A_536 [1] : vector<384x384xf32> to vector<384xf32>
    %broadcast_in_dim3A_538 = vector.shape_cast %reduce_sum3A_537 : vector<384xf32> to vector<384x1xf32>
    %sub3A_539 = arith.subf %convert_element_type3A_517, %broadcast_in_dim3A_538 : vector<384x1xf32>
    %dot_general3A_540 = arith.constant dense<0.000000e+00> : vector<384x128xf32>
    %dot_general3A_541 = tpu.matmul %convert_element_type3A_533, %dot_general3A_505, %dot_general3A_540 {dimension_numbers = #tpu.dot_dimension_numbers<[1], [0], [0], [1], [0, 0, 1, 1], [], []>, transpose_lhs_hint = false} : vector<384x384xf32>, vector<384x128xf32>, vector<384x128xf32> -> vector<384x128xf32>
    %dot_general3A_542 = arith.constant dense<0.000000e+00> : vector<384x128xf32>
    %dot_general3A_543 = tpu.matmul %convert_element_type3A_533, %convert_element_type3A_503, %dot_general3A_542 {dimension_numbers = #tpu.dot_dimension_numbers<[1], [0], [0], [1], [0, 0, 1, 1], [], []>, transpose_lhs_hint = false} : vector<384x384xf32>, vector<384x128xf32>, vector<384x128xf32> -> vector<384x128xf32>
    %iota3A_544 = tpu.iota {dimensions = array<i32: 1>} : vector<384x128xi32>
    %convert_element_type3A_545 = arith.sitofp %iota3A_544 : vector<384x128xi32> to vector<384x128xf32>
    %eq3A_546 = vector.broadcast %sub3A_539 : vector<384x1xf32> to vector<384x128xf32>
    %eq3A_547 = arith.cmpf oeq, %dot_general3A_541, %eq3A_546 : vector<384x128xf32>
    %convert_element_type3A_548 = arith.extui %eq3A_547 : vector<384x128xi1> to vector<384x128xi32>
    %convert_element_type3A_549 = arith.sitofp %convert_element_type3A_548 : vector<384x128xi32> to vector<384x128xf32>
    %mul3A_550 = arith.mulf %dot_general3A_543, %convert_element_type3A_549 : vector<384x128xf32>
    %mul3A_551 = arith.constant 1.280000e+02 : f32
    %mul3A_552 = vector.broadcast %mul3A_551 : f32 to vector<384x1xf32>
    %mul3A_553 = arith.mulf %sub3A_527, %mul3A_552 : vector<384x1xf32>
    %add3A_554 = vector.broadcast %mul3A_553 : vector<384x1xf32> to vector<384x128xf32>
    %add3A_555 = arith.addf %add3A_554, %convert_element_type3A_545 : vector<384x128xf32>
    %mul3A_556 = arith.mulf %mul3A_550, %add3A_555 : vector<384x128xf32>
    %reduce_sum3A_557 = arith.constant dense<0.000000e+00> : vector<384xf32>
    %reduce_sum3A_558 = vector.multi_reduction <add>, %mul3A_556, %reduce_sum3A_557 [1] : vector<384x128xf32> to vector<384xf32>
    %broadcast_in_dim3A_559 = vector.shape_cast %reduce_sum3A_558 : vector<384xf32> to vector<384x1xf32>
    %convert_element_type3A_560 = arith.fptosi %broadcast_in_dim3A_559 : vector<384x1xf32> to vector<384x1xi32>
    %transpose3A_561 = tpu.transpose %convert_element_type3A_560, [1, 0] : vector<384x1xi32> -> vector<1x384xi32>
    %swap3A = arith.constant 0 : index
    %swap3A_562 = arith.constant 0 : index
    %swap3A_563 = arith.constant 0 : index
    %swap3A_564 = vector.load %arg2[%swap3A, %swap3A_562, %swap3A_563] : memref<8x1x384xi32, #tpu.memory_space<vmem>>, vector<1x1x384xi32>
    %swap3A_565 = vector.shape_cast %swap3A_564 : vector<1x1x384xi32> to vector<1x384xi32>
    %swap3A_566 = vector.shape_cast %transpose3A_561 : vector<1x384xi32> to vector<1x1x384xi32>
    tpu.vector_store %arg2[%swap3A, %swap3A_562, %swap3A_563], %swap3A_566 {strides = array<i32>} : memref<8x1x384xi32, #tpu.memory_space<vmem>>, vector<1x1x384xi32>,
    %slice3A_567 = vector.extract_strided_slice %gt3A_462 {offsets = [1, 0, 0], sizes = [1, 384, 128], strides = [1, 1, 1]} : vector<8x384x128xi1> to vector<1x384x128xi1>
    %squeeze3A_568 = vector.shape_cast %slice3A_567 : vector<1x384x128xi1> to vector<384x128xi1>
    %slice3A_569 = vector.extract_strided_slice %eq3A_463 {offsets = [1, 0, 0], sizes = [1, 384, 128], strides = [1, 1, 1]} : vector<8x384x128xi1> to vector<1x384x128xi1>
    %squeeze3A_570 = vector.shape_cast %slice3A_569 : vector<1x384x128xi1> to vector<384x128xi1>
    %slice3A_571 = vector.extract_strided_slice %sub3A_470 {offsets = [1, 0, 0], sizes = [1, 1, 1], strides = [1, 1, 1]} : vector<8x1x1xf32> to vector<1x1x1xf32>
    %squeeze3A_572 = vector.shape_cast %slice3A_571 : vector<1x1x1xf32> to vector<1x1xf32>
    %iota3A_573 = tpu.iota {dimensions = array<i32: 0>} : vector<128x128xi32>
    %iota3A_574 = tpu.iota {dimensions = array<i32: 1>} : vector<128x128xi32>
    %lt3A_575 = arith.cmpi slt, %iota3A_573, %iota3A_574 : vector<128x128xi32>
    %convert_element_type3A_576 = arith.extui %lt3A_575 : vector<128x128xi1> to vector<128x128xi32>
    %convert_element_type3A_577 = arith.sitofp %convert_element_type3A_576 : vector<128x128xi32> to vector<128x128xf32>
    %iota3A_578 = tpu.iota {dimensions = array<i32: 0>} : vector<384x384xi32>
    %iota3A_579 = tpu.iota {dimensions = array<i32: 1>} : vector<384x384xi32>
    %lt3A_580 = arith.cmpi slt, %iota3A_578, %iota3A_579 : vector<384x384xi32>
    %convert_element_type3A_581 = arith.extui %lt3A_580 : vector<384x384xi1> to vector<384x384xi32>
    %convert_element_type3A_582 = arith.sitofp %convert_element_type3A_581 : vector<384x384xi32> to vector<384x384xf32>
    %convert_element_type3A_583 = arith.extui %squeeze3A_570 : vector<384x128xi1> to vector<384x128xi32>
    %convert_element_type3A_584 = arith.sitofp %convert_element_type3A_583 : vector<384x128xi32> to vector<384x128xf32>
    %dot_general3A_585 = arith.constant dense<0.000000e+00> : vector<384x128xf32>
    %dot_general3A_586 = tpu.matmul %convert_element_type3A_584, %convert_element_type3A_577, %dot_general3A_585 {dimension_numbers = #tpu.dot_dimension_numbers<[1], [0], [0], [1], [0, 0, 1, 1], [], []>, transpose_lhs_hint = false} : vector<384x128xf32>, vector<128x128xf32>, vector<384x128xf32> -> vector<384x128xf32>
    %reduce_sum3A_587 = arith.constant dense<0.000000e+00> : vector<384xf32>
    %reduce_sum3A_588 = vector.multi_reduction <add>, %convert_element_type3A_584, %reduce_sum3A_587 [1] : vector<384x128xf32> to vector<384xf32>
    %broadcast_in_dim3A_589 = vector.shape_cast %reduce_sum3A_588 : vector<384xf32> to vector<384x1xf32>
    %mul3A_590 = vector.broadcast %broadcast_in_dim3A_589 : vector<384x1xf32> to vector<384x384xf32>
    %mul3A_591 = arith.mulf %convert_element_type3A_582, %mul3A_590 : vector<384x384xf32>
    %reduce_sum3A_592 = arith.constant dense<0.000000e+00> : vector<384xf32>
    %reduce_sum3A_593 = vector.multi_reduction <add>, %mul3A_591, %reduce_sum3A_592 [0] : vector<384x384xf32> to vector<384xf32>
    %broadcast_in_dim3A_594 = vector.shape_cast %reduce_sum3A_593 : vector<384xf32> to vector<1x384xf32>
    %transpose3A_595 = tpu.transpose %broadcast_in_dim3A_594, [1, 0] : vector<1x384xf32> -> vector<384x1xf32>
    %add3A_596 = vector.broadcast %transpose3A_595 : vector<384x1xf32> to vector<384x128xf32>
    %add3A_597 = arith.addf %add3A_596, %dot_general3A_586 : vector<384x128xf32>
    %lt3A_598 = vector.broadcast %squeeze3A_572 : vector<1x1xf32> to vector<384x128xf32>
    %lt3A_599 = arith.cmpf olt, %add3A_597, %lt3A_598 : vector<384x128xf32>
    %and3A_600 = arith.andi %squeeze3A_570, %lt3A_599 : vector<384x128xi1>
    %or3A_601 = arith.ori %squeeze3A_568, %and3A_600 : vector<384x128xi1>
    %convert_element_type3A_602 = arith.extui %or3A_601 : vector<384x128xi1> to vector<384x128xi32>
    %convert_element_type3A_603 = arith.sitofp %convert_element_type3A_602 : vector<384x128xi32> to vector<384x128xf32>
    %dot_general3A_604 = arith.constant dense<0.000000e+00> : vector<384x128xf32>
    %dot_general3A_605 = tpu.matmul %convert_element_type3A_603, %convert_element_type3A_577, %dot_general3A_604 {dimension_numbers = #tpu.dot_dimension_numbers<[1], [0], [0], [1], [0, 0, 1, 1], [], []>, transpose_lhs_hint = false} : vector<384x128xf32>, vector<128x128xf32>, vector<384x128xf32> -> vector<384x128xf32>
    %reduce_sum3A_606 = arith.constant dense<0.000000e+00> : vector<384xf32>
    %reduce_sum3A_607 = vector.multi_reduction <add>, %convert_element_type3A_603, %reduce_sum3A_606 [1] : vector<384x128xf32> to vector<384xf32>
    %broadcast_in_dim3A_608 = vector.shape_cast %reduce_sum3A_607 : vector<384xf32> to vector<384x1xf32>
    %mul3A_609 = vector.broadcast %broadcast_in_dim3A_608 : vector<384x1xf32> to vector<384x384xf32>
    %mul3A_610 = arith.mulf %convert_element_type3A_582, %mul3A_609 : vector<384x384xf32>
    %reduce_sum3A_611 = arith.constant dense<0.000000e+00> : vector<384xf32>
    %reduce_sum3A_612 = vector.multi_reduction <add>, %mul3A_610, %reduce_sum3A_611 [0] : vector<384x384xf32> to vector<384xf32>
    %broadcast_in_dim3A_613 = vector.shape_cast %reduce_sum3A_612 : vector<384xf32> to vector<1x384xf32>
    %transpose3A_614 = tpu.transpose %broadcast_in_dim3A_613, [1, 0] : vector<1x384xf32> -> vector<384x1xf32>
    %transpose3A_615 = tpu.transpose %transpose3A_614, [1, 0] : vector<384x1xf32> -> vector<1x384xf32>
    %iota3A_616 = tpu.iota {dimensions = array<i32: 0>} : vector<384x1xi32>
    %convert_element_type3A_617 = arith.sitofp %iota3A_616 : vector<384x1xi32> to vector<384x1xf32>
    %le3A_618 = vector.broadcast %transpose3A_615 : vector<1x384xf32> to vector<384x384xf32>
    %le3A_619 = vector.broadcast %convert_element_type3A_617 : vector<384x1xf32> to vector<384x384xf32>
    %le3A_620 = arith.cmpf ole, %le3A_618, %le3A_619 : vector<384x384xf32>
    %convert_element_type3A_621 = arith.extui %le3A_620 : vector<384x384xi1> to vector<384x384xi32>
    %convert_element_type3A_622 = arith.sitofp %convert_element_type3A_621 : vector<384x384xi32> to vector<384x384xf32>
    %reduce_sum3A_623 = arith.constant dense<0.000000e+00> : vector<384xf32>
    %reduce_sum3A_624 = vector.multi_reduction <add>, %convert_element_type3A_622, %reduce_sum3A_623 [1] : vector<384x384xf32> to vector<384xf32>
    %broadcast_in_dim3A_625 = vector.shape_cast %reduce_sum3A_624 : vector<384xf32> to vector<384x1xf32>
    %sub3A_626 = arith.constant 1.000000e+00 : f32
    %sub3A_627 = vector.broadcast %sub3A_626 : f32 to vector<384x1xf32>
    %sub3A_628 = arith.subf %broadcast_in_dim3A_625, %sub3A_627 : vector<384x1xf32>
    %iota3A_629 = tpu.iota {dimensions = array<i32: 1>} : vector<384x384xi32>
    %convert_element_type3A_630 = arith.sitofp %iota3A_629 : vector<384x384xi32> to vector<384x384xf32>
    %eq3A_631 = vector.broadcast %sub3A_628 : vector<384x1xf32> to vector<384x384xf32>
    %eq3A_632 = arith.cmpf oeq, %convert_element_type3A_630, %eq3A_631 : vector<384x384xf32>
    %convert_element_type3A_633 = arith.extui %eq3A_632 : vector<384x384xi1> to vector<384x384xi32>
    %convert_element_type3A_634 = arith.sitofp %convert_element_type3A_633 : vector<384x384xi32> to vector<384x384xf32>
    %mul3A_635 = vector.broadcast %transpose3A_615 : vector<1x384xf32> to vector<384x384xf32>
    %mul3A_636 = arith.mulf %convert_element_type3A_634, %mul3A_635 : vector<384x384xf32>
    %reduce_sum3A_637 = arith.constant dense<0.000000e+00> : vector<384xf32>
    %reduce_sum3A_638 = vector.multi_reduction <add>, %mul3A_636, %reduce_sum3A_637 [1] : vector<384x384xf32> to vector<384xf32>
    %broadcast_in_dim3A_639 = vector.shape_cast %reduce_sum3A_638 : vector<384xf32> to vector<384x1xf32>
    %sub3A_640 = arith.subf %convert_element_type3A_617, %broadcast_in_dim3A_639 : vector<384x1xf32>
    %dot_general3A_641 = arith.constant dense<0.000000e+00> : vector<384x128xf32>
    %dot_general3A_642 = tpu.matmul %convert_element_type3A_634, %dot_general3A_605, %dot_general3A_641 {dimension_numbers = #tpu.dot_dimension_numbers<[1], [0], [0], [1], [0, 0, 1, 1], [], []>, transpose_lhs_hint = false} : vector<384x384xf32>, vector<384x128xf32>, vector<384x128xf32> -> vector<384x128xf32>
    %dot_general3A_643 = arith.constant dense<0.000000e+00> : vector<384x128xf32>
    %dot_general3A_644 = tpu.matmul %convert_element_type3A_634, %convert_element_type3A_603, %dot_general3A_643 {dimension_numbers = #tpu.dot_dimension_numbers<[1], [0], [0], [1], [0, 0, 1, 1], [], []>, transpose_lhs_hint = false} : vector<384x384xf32>, vector<384x128xf32>, vector<384x128xf32> -> vector<384x128xf32>
    %iota3A_645 = tpu.iota {dimensions = array<i32: 1>} : vector<384x128xi32>
    %convert_element_type3A_646 = arith.sitofp %iota3A_645 : vector<384x128xi32> to vector<384x128xf32>
    %eq3A_647 = vector.broadcast %sub3A_640 : vector<384x1xf32> to vector<384x128xf32>
    %eq3A_648 = arith.cmpf oeq, %dot_general3A_642, %eq3A_647 : vector<384x128xf32>
    %convert_element_type3A_649 = arith.extui %eq3A_648 : vector<384x128xi1> to vector<384x128xi32>
    %convert_element_type3A_650 = arith.sitofp %convert_element_type3A_649 : vector<384x128xi32> to vector<384x128xf32>
    %mul3A_651 = arith.mulf %dot_general3A_644, %convert_element_type3A_650 : vector<384x128xf32>
    %mul3A_652 = arith.constant 1.280000e+02 : f32
    %mul3A_653 = vector.broadcast %mul3A_652 : f32 to vector<384x1xf32>
    %mul3A_654 = arith.mulf %sub3A_628, %mul3A_653 : vector<384x1xf32>
    %add3A_655 = vector.broadcast %mul3A_654 : vector<384x1xf32> to vector<384x128xf32>
    %add3A_656 = arith.addf %add3A_655, %convert_element_type3A_646 : vector<384x128xf32>
    %mul3A_657 = arith.mulf %mul3A_651, %add3A_656 : vector<384x128xf32>
    %reduce_sum3A_658 = arith.constant dense<0.000000e+00> : vector<384xf32>
    %reduce_sum3A_659 = vector.multi_reduction <add>, %mul3A_657, %reduce_sum3A_658 [1] : vector<384x128xf32> to vector<384xf32>
    %broadcast_in_dim3A_660 = vector.shape_cast %reduce_sum3A_659 : vector<384xf32> to vector<384x1xf32>
    %convert_element_type3A_661 = arith.fptosi %broadcast_in_dim3A_660 : vector<384x1xf32> to vector<384x1xi32>
    %transpose3A_662 = tpu.transpose %convert_element_type3A_661, [1, 0] : vector<384x1xi32> -> vector<1x384xi32>
    %swap3A_663 = arith.constant 1 : index
    %swap3A_664 = arith.constant 0 : index
    %swap3A_665 = arith.constant 0 : index
    %swap3A_666 = vector.load %arg2[%swap3A_663, %swap3A_664, %swap3A_665] : memref<8x1x384xi32, #tpu.memory_space<vmem>>, vector<1x1x384xi32>
    %swap3A_667 = vector.shape_cast %swap3A_666 : vector<1x1x384xi32> to vector<1x384xi32>
    %swap3A_668 = vector.shape_cast %transpose3A_662 : vector<1x384xi32> to vector<1x1x384xi32>
    tpu.vector_store %arg2[%swap3A_663, %swap3A_664, %swap3A_665], %swap3A_668 {strides = array<i32>} : memref<8x1x384xi32, #tpu.memory_space<vmem>>, vector<1x1x384xi32>,
    %slice3A_669 = vector.extract_strided_slice %gt3A_462 {offsets = [2, 0, 0], sizes = [1, 384, 128], strides = [1, 1, 1]} : vector<8x384x128xi1> to vector<1x384x128xi1>
    %squeeze3A_670 = vector.shape_cast %slice3A_669 : vector<1x384x128xi1> to vector<384x128xi1>
    %slice3A_671 = vector.extract_strided_slice %eq3A_463 {offsets = [2, 0, 0], sizes = [1, 384, 128], strides = [1, 1, 1]} : vector<8x384x128xi1> to vector<1x384x128xi1>
    %squeeze3A_672 = vector.shape_cast %slice3A_671 : vector<1x384x128xi1> to vector<384x128xi1>
    %slice3A_673 = vector.extract_strided_slice %sub3A_470 {offsets = [2, 0, 0], sizes = [1, 1, 1], strides = [1, 1, 1]} : vector<8x1x1xf32> to vector<1x1x1xf32>
    %squeeze3A_674 = vector.shape_cast %slice3A_673 : vector<1x1x1xf32> to vector<1x1xf32>
    %iota3A_675 = tpu.iota {dimensions = array<i32: 0>} : vector<128x128xi32>
    %iota3A_676 = tpu.iota {dimensions = array<i32: 1>} : vector<128x128xi32>
    %lt3A_677 = arith.cmpi slt, %iota3A_675, %iota3A_676 : vector<128x128xi32>
    %convert_element_type3A_678 = arith.extui %lt3A_677 : vector<128x128xi1> to vector<128x128xi32>
    %convert_element_type3A_679 = arith.sitofp %convert_element_type3A_678 : vector<128x128xi32> to vector<128x128xf32>
    %iota3A_680 = tpu.iota {dimensions = array<i32: 0>} : vector<384x384xi32>
    %iota3A_681 = tpu.iota {dimensions = array<i32: 1>} : vector<384x384xi32>
    %lt3A_682 = arith.cmpi slt, %iota3A_680, %iota3A_681 : vector<384x384xi32>
    %convert_element_type3A_683 = arith.extui %lt3A_682 : vector<384x384xi1> to vector<384x384xi32>
    %convert_element_type3A_684 = arith.sitofp %convert_element_type3A_683 : vector<384x384xi32> to vector<384x384xf32>
    %convert_element_type3A_685 = arith.extui %squeeze3A_672 : vector<384x128xi1> to vector<384x128xi32>
    %convert_element_type3A_686 = arith.sitofp %convert_element_type3A_685 : vector<384x128xi32> to vector<384x128xf32>
    %dot_general3A_687 = arith.constant dense<0.000000e+00> : vector<384x128xf32>
    %dot_general3A_688 = tpu.matmul %convert_element_type3A_686, %convert_element_type3A_679, %dot_general3A_687 {dimension_numbers = #tpu.dot_dimension_numbers<[1], [0], [0], [1], [0, 0, 1, 1], [], []>, transpose_lhs_hint = false} : vector<384x128xf32>, vector<128x128xf32>, vector<384x128xf32> -> vector<384x128xf32>
    %reduce_sum3A_689 = arith.constant dense<0.000000e+00> : vector<384xf32>
    %reduce_sum3A_690 = vector.multi_reduction <add>, %convert_element_type3A_686, %reduce_sum3A_689 [1] : vector<384x128xf32> to vector<384xf32>
    %broadcast_in_dim3A_691 = vector.shape_cast %reduce_sum3A_690 : vector<384xf32> to vector<384x1xf32>
    %mul3A_692 = vector.broadcast %broadcast_in_dim3A_691 : vector<384x1xf32> to vector<384x384xf32>
    %mul3A_693 = arith.mulf %convert_element_type3A_684, %mul3A_692 : vector<384x384xf32>
    %reduce_sum3A_694 = arith.constant dense<0.000000e+00> : vector<384xf32>
    %reduce_sum3A_695 = vector.multi_reduction <add>, %mul3A_693, %reduce_sum3A_694 [0] : vector<384x384xf32> to vector<384xf32>
    %broadcast_in_dim3A_696 = vector.shape_cast %reduce_sum3A_695 : vector<384xf32> to vector<1x384xf32>
    %transpose3A_697 = tpu.transpose %broadcast_in_dim3A_696, [1, 0] : vector<1x384xf32> -> vector<384x1xf32>
    %add3A_698 = vector.broadcast %transpose3A_697 : vector<384x1xf32> to vector<384x128xf32>
    %add3A_699 = arith.addf %add3A_698, %dot_general3A_688 : vector<384x128xf32>
    %lt3A_700 = vector.broadcast %squeeze3A_674 : vector<1x1xf32> to vector<384x128xf32>
    %lt3A_701 = arith.cmpf olt, %add3A_699, %lt3A_700 : vector<384x128xf32>
    %and3A_702 = arith.andi %squeeze3A_672, %lt3A_701 : vector<384x128xi1>
    %or3A_703 = arith.ori %squeeze3A_670, %and3A_702 : vector<384x128xi1>
    %convert_element_type3A_704 = arith.extui %or3A_703 : vector<384x128xi1> to vector<384x128xi32>
    %convert_element_type3A_705 = arith.sitofp %convert_element_type3A_704 : vector<384x128xi32> to vector<384x128xf32>
    %dot_general3A_706 = arith.constant dense<0.000000e+00> : vector<384x128xf32>
    %dot_general3A_707 = tpu.matmul %convert_element_type3A_705, %convert_element_type3A_679, %dot_general3A_706 {dimension_numbers = #tpu.dot_dimension_numbers<[1], [0], [0], [1], [0, 0, 1, 1], [], []>, transpose_lhs_hint = false} : vector<384x128xf32>, vector<128x128xf32>, vector<384x128xf32> -> vector<384x128xf32>
    %reduce_sum3A_708 = arith.constant dense<0.000000e+00> : vector<384xf32>
    %reduce_sum3A_709 = vector.multi_reduction <add>, %convert_element_type3A_705, %reduce_sum3A_708 [1] : vector<384x128xf32> to vector<384xf32>
    %broadcast_in_dim3A_710 = vector.shape_cast %reduce_sum3A_709 : vector<384xf32> to vector<384x1xf32>
    %mul3A_711 = vector.broadcast %broadcast_in_dim3A_710 : vector<384x1xf32> to vector<384x384xf32>
    %mul3A_712 = arith.mulf %convert_element_type3A_684, %mul3A_711 : vector<384x384xf32>
    %reduce_sum3A_713 = arith.constant dense<0.000000e+00> : vector<384xf32>
    %reduce_sum3A_714 = vector.multi_reduction <add>, %mul3A_712, %reduce_sum3A_713 [0] : vector<384x384xf32> to vector<384xf32>
    %broadcast_in_dim3A_715 = vector.shape_cast %reduce_sum3A_714 : vector<384xf32> to vector<1x384xf32>
    %transpose3A_716 = tpu.transpose %broadcast_in_dim3A_715, [1, 0] : vector<1x384xf32> -> vector<384x1xf32>
    %transpose3A_717 = tpu.transpose %transpose3A_716, [1, 0] : vector<384x1xf32> -> vector<1x384xf32>
    %iota3A_718 = tpu.iota {dimensions = array<i32: 0>} : vector<384x1xi32>
    %convert_element_type3A_719 = arith.sitofp %iota3A_718 : vector<384x1xi32> to vector<384x1xf32>
    %le3A_720 = vector.broadcast %transpose3A_717 : vector<1x384xf32> to vector<384x384xf32>
    %le3A_721 = vector.broadcast %convert_element_type3A_719 : vector<384x1xf32> to vector<384x384xf32>
    %le3A_722 = arith.cmpf ole, %le3A_720, %le3A_721 : vector<384x384xf32>
    %convert_element_type3A_723 = arith.extui %le3A_722 : vector<384x384xi1> to vector<384x384xi32>
    %convert_element_type3A_724 = arith.sitofp %convert_element_type3A_723 : vector<384x384xi32> to vector<384x384xf32>
    %reduce_sum3A_725 = arith.constant dense<0.000000e+00> : vector<384xf32>
    %reduce_sum3A_726 = vector.multi_reduction <add>, %convert_element_type3A_724, %reduce_sum3A_725 [1] : vector<384x384xf32> to vector<384xf32>
    %broadcast_in_dim3A_727 = vector.shape_cast %reduce_sum3A_726 : vector<384xf32> to vector<384x1xf32>
    %sub3A_728 = arith.constant 1.000000e+00 : f32
    %sub3A_729 = vector.broadcast %sub3A_728 : f32 to vector<384x1xf32>
    %sub3A_730 = arith.subf %broadcast_in_dim3A_727, %sub3A_729 : vector<384x1xf32>
    %iota3A_731 = tpu.iota {dimensions = array<i32: 1>} : vector<384x384xi32>
    %convert_element_type3A_732 = arith.sitofp %iota3A_731 : vector<384x384xi32> to vector<384x384xf32>
    %eq3A_733 = vector.broadcast %sub3A_730 : vector<384x1xf32> to vector<384x384xf32>
    %eq3A_734 = arith.cmpf oeq, %convert_element_type3A_732, %eq3A_733 : vector<384x384xf32>
    %convert_element_type3A_735 = arith.extui %eq3A_734 : vector<384x384xi1> to vector<384x384xi32>
    %convert_element_type3A_736 = arith.sitofp %convert_element_type3A_735 : vector<384x384xi32> to vector<384x384xf32>
    %mul3A_737 = vector.broadcast %transpose3A_717 : vector<1x384xf32> to vector<384x384xf32>
    %mul3A_738 = arith.mulf %convert_element_type3A_736, %mul3A_737 : vector<384x384xf32>
    %reduce_sum3A_739 = arith.constant dense<0.000000e+00> : vector<384xf32>
    %reduce_sum3A_740 = vector.multi_reduction <add>, %mul3A_738, %reduce_sum3A_739 [1] : vector<384x384xf32> to vector<384xf32>
    %broadcast_in_dim3A_741 = vector.shape_cast %reduce_sum3A_740 : vector<384xf32> to vector<384x1xf32>
    %sub3A_742 = arith.subf %convert_element_type3A_719, %broadcast_in_dim3A_741 : vector<384x1xf32>
    %dot_general3A_743 = arith.constant dense<0.000000e+00> : vector<384x128xf32>
    %dot_general3A_744 = tpu.matmul %convert_element_type3A_736, %dot_general3A_707, %dot_general3A_743 {dimension_numbers = #tpu.dot_dimension_numbers<[1], [0], [0], [1], [0, 0, 1, 1], [], []>, transpose_lhs_hint = false} : vector<384x384xf32>, vector<384x128xf32>, vector<384x128xf32> -> vector<384x128xf32>
    %dot_general3A_745 = arith.constant dense<0.000000e+00> : vector<384x128xf32>
    %dot_general3A_746 = tpu.matmul %convert_element_type3A_736, %convert_element_type3A_705, %dot_general3A_745 {dimension_numbers = #tpu.dot_dimension_numbers<[1], [0], [0], [1], [0, 0, 1, 1], [], []>, transpose_lhs_hint = false} : vector<384x384xf32>, vector<384x128xf32>, vector<384x128xf32> -> vector<384x128xf32>
    %iota3A_747 = tpu.iota {dimensions = array<i32: 1>} : vector<384x128xi32>
    %convert_element_type3A_748 = arith.sitofp %iota3A_747 : vector<384x128xi32> to vector<384x128xf32>
    %eq3A_749 = vector.broadcast %sub3A_742 : vector<384x1xf32> to vector<384x128xf32>
    %eq3A_750 = arith.cmpf oeq, %dot_general3A_744, %eq3A_749 : vector<384x128xf32>
    %convert_element_type3A_751 = arith.extui %eq3A_750 : vector<384x128xi1> to vector<384x128xi32>
    %convert_element_type3A_752 = arith.sitofp %convert_element_type3A_751 : vector<384x128xi32> to vector<384x128xf32>
    %mul3A_753 = arith.mulf %dot_general3A_746, %convert_element_type3A_752 : vector<384x128xf32>
    %mul3A_754 = arith.constant 1.280000e+02 : f32
    %mul3A_755 = vector.broadcast %mul3A_754 : f32 to vector<384x1xf32>
    %mul3A_756 = arith.mulf %sub3A_730, %mul3A_755 : vector<384x1xf32>
    %add3A_757 = vector.broadcast %mul3A_756 : vector<384x1xf32> to vector<384x128xf32>
    %add3A_758 = arith.addf %add3A_757, %convert_element_type3A_748 : vector<384x128xf32>
    %mul3A_759 = arith.mulf %mul3A_753, %add3A_758 : vector<384x128xf32>
    %reduce_sum3A_760 = arith.constant dense<0.000000e+00> : vector<384xf32>
    %reduce_sum3A_761 = vector.multi_reduction <add>, %mul3A_759, %reduce_sum3A_760 [1] : vector<384x128xf32> to vector<384xf32>
    %broadcast_in_dim3A_762 = vector.shape_cast %reduce_sum3A_761 : vector<384xf32> to vector<384x1xf32>
    %convert_element_type3A_763 = arith.fptosi %broadcast_in_dim3A_762 : vector<384x1xf32> to vector<384x1xi32>
    %transpose3A_764 = tpu.transpose %convert_element_type3A_763, [1, 0] : vector<384x1xi32> -> vector<1x384xi32>
    %swap3A_765 = arith.constant 2 : index
    %swap3A_766 = arith.constant 0 : index
    %swap3A_767 = arith.constant 0 : index
    %swap3A_768 = vector.load %arg2[%swap3A_765, %swap3A_766, %swap3A_767] : memref<8x1x384xi32, #tpu.memory_space<vmem>>, vector<1x1x384xi32>
    %swap3A_769 = vector.shape_cast %swap3A_768 : vector<1x1x384xi32> to vector<1x384xi32>
    %swap3A_770 = vector.shape_cast %transpose3A_764 : vector<1x384xi32> to vector<1x1x384xi32>
    tpu.vector_store %arg2[%swap3A_765, %swap3A_766, %swap3A_767], %swap3A_770 {strides = array<i32>} : memref<8x1x384xi32, #tpu.memory_space<vmem>>, vector<1x1x384xi32>,
    %slice3A_771 = vector.extract_strided_slice %gt3A_462 {offsets = [3, 0, 0], sizes = [1, 384, 128], strides = [1, 1, 1]} : vector<8x384x128xi1> to vector<1x384x128xi1>
    %squeeze3A_772 = vector.shape_cast %slice3A_771 : vector<1x384x128xi1> to vector<384x128xi1>
    %slice3A_773 = vector.extract_strided_slice %eq3A_463 {offsets = [3, 0, 0], sizes = [1, 384, 128], strides = [1, 1, 1]} : vector<8x384x128xi1> to vector<1x384x128xi1>
    %squeeze3A_774 = vector.shape_cast %slice3A_773 : vector<1x384x128xi1> to vector<384x128xi1>
    %slice3A_775 = vector.extract_strided_slice %sub3A_470 {offsets = [3, 0, 0], sizes = [1, 1, 1], strides = [1, 1, 1]} : vector<8x1x1xf32> to vector<1x1x1xf32>
    %squeeze3A_776 = vector.shape_cast %slice3A_775 : vector<1x1x1xf32> to vector<1x1xf32>
    %iota3A_777 = tpu.iota {dimensions = array<i32: 0>} : vector<128x128xi32>
    %iota3A_778 = tpu.iota {dimensions = array<i32: 1>} : vector<128x128xi32>
    %lt3A_779 = arith.cmpi slt, %iota3A_777, %iota3A_778 : vector<128x128xi32>
    %convert_element_type3A_780 = arith.extui %lt3A_779 : vector<128x128xi1> to vector<128x128xi32>
    %convert_element_type3A_781 = arith.sitofp %convert_element_type3A_780 : vector<128x128xi32> to vector<128x128xf32>
    %iota3A_782 = tpu.iota {dimensions = array<i32: 0>} : vector<384x384xi32>
    %iota3A_783 = tpu.iota {dimensions = array<i32: 1>} : vector<384x384xi32>
    %lt3A_784 = arith.cmpi slt, %iota3A_782, %iota3A_783 : vector<384x384xi32>
    %convert_element_type3A_785 = arith.extui %lt3A_784 : vector<384x384xi1> to vector<384x384xi32>
    %convert_element_type3A_786 = arith.sitofp %convert_element_type3A_785 : vector<384x384xi32> to vector<384x384xf32>
    %convert_element_type3A_787 = arith.extui %squeeze3A_774 : vector<384x128xi1> to vector<384x128xi32>
    %convert_element_type3A_788 = arith.sitofp %convert_element_type3A_787 : vector<384x128xi32> to vector<384x128xf32>
    %dot_general3A_789 = arith.constant dense<0.000000e+00> : vector<384x128xf32>
    %dot_general3A_790 = tpu.matmul %convert_element_type3A_788, %convert_element_type3A_781, %dot_general3A_789 {dimension_numbers = #tpu.dot_dimension_numbers<[1], [0], [0], [1], [0, 0, 1, 1], [], []>, transpose_lhs_hint = false} : vector<384x128xf32>, vector<128x128xf32>, vector<384x128xf32> -> vector<384x128xf32>
    %reduce_sum3A_791 = arith.constant dense<0.000000e+00> : vector<384xf32>
    %reduce_sum3A_792 = vector.multi_reduction <add>, %convert_element_type3A_788, %reduce_sum3A_791 [1] : vector<384x128xf32> to vector<384xf32>
    %broadcast_in_dim3A_793 = vector.shape_cast %reduce_sum3A_792 : vector<384xf32> to vector<384x1xf32>
    %mul3A_794 = vector.broadcast %broadcast_in_dim3A_793 : vector<384x1xf32> to vector<384x384xf32>
    %mul3A_795 = arith.mulf %convert_element_type3A_786, %mul3A_794 : vector<384x384xf32>
    %reduce_sum3A_796 = arith.constant dense<0.000000e+00> : vector<384xf32>
    %reduce_sum3A_797 = vector.multi_reduction <add>, %mul3A_795, %reduce_sum3A_796 [0] : vector<384x384xf32> to vector<384xf32>
    %broadcast_in_dim3A_798 = vector.shape_cast %reduce_sum3A_797 : vector<384xf32> to vector<1x384xf32>
    %transpose3A_799 = tpu.transpose %broadcast_in_dim3A_798, [1, 0] : vector<1x384xf32> -> vector<384x1xf32>
    %add3A_800 = vector.broadcast %transpose3A_799 : vector<384x1xf32> to vector<384x128xf32>
    %add3A_801 = arith.addf %add3A_800, %dot_general3A_790 : vector<384x128xf32>
    %lt3A_802 = vector.broadcast %squeeze3A_776 : vector<1x1xf32> to vector<384x128xf32>
    %lt3A_803 = arith.cmpf olt, %add3A_801, %lt3A_802 : vector<384x128xf32>
    %and3A_804 = arith.andi %squeeze3A_774, %lt3A_803 : vector<384x128xi1>
    %or3A_805 = arith.ori %squeeze3A_772, %and3A_804 : vector<384x128xi1>
    %convert_element_type3A_806 = arith.extui %or3A_805 : vector<384x128xi1> to vector<384x128xi32>
    %convert_element_type3A_807 = arith.sitofp %convert_element_type3A_806 : vector<384x128xi32> to vector<384x128xf32>
    %dot_general3A_808 = arith.constant dense<0.000000e+00> : vector<384x128xf32>
    %dot_general3A_809 = tpu.matmul %convert_element_type3A_807, %convert_element_type3A_781, %dot_general3A_808 {dimension_numbers = #tpu.dot_dimension_numbers<[1], [0], [0], [1], [0, 0, 1, 1], [], []>, transpose_lhs_hint = false} : vector<384x128xf32>, vector<128x128xf32>, vector<384x128xf32> -> vector<384x128xf32>
    %reduce_sum3A_810 = arith.constant dense<0.000000e+00> : vector<384xf32>
    %reduce_sum3A_811 = vector.multi_reduction <add>, %convert_element_type3A_807, %reduce_sum3A_810 [1] : vector<384x128xf32> to vector<384xf32>
    %broadcast_in_dim3A_812 = vector.shape_cast %reduce_sum3A_811 : vector<384xf32> to vector<384x1xf32>
    %mul3A_813 = vector.broadcast %broadcast_in_dim3A_812 : vector<384x1xf32> to vector<384x384xf32>
    %mul3A_814 = arith.mulf %convert_element_type3A_786, %mul3A_813 : vector<384x384xf32>
    %reduce_sum3A_815 = arith.constant dense<0.000000e+00> : vector<384xf32>
    %reduce_sum3A_816 = vector.multi_reduction <add>, %mul3A_814, %reduce_sum3A_815 [0] : vector<384x384xf32> to vector<384xf32>
    %broadcast_in_dim3A_817 = vector.shape_cast %reduce_sum3A_816 : vector<384xf32> to vector<1x384xf32>
    %transpose3A_818 = tpu.transpose %broadcast_in_dim3A_817, [1, 0] : vector<1x384xf32> -> vector<384x1xf32>
    %transpose3A_819 = tpu.transpose %transpose3A_818, [1, 0] : vector<384x1xf32> -> vector<1x384xf32>
    %iota3A_820 = tpu.iota {dimensions = array<i32: 0>} : vector<384x1xi32>
    %convert_element_type3A_821 = arith.sitofp %iota3A_820 : vector<384x1xi32> to vector<384x1xf32>
    %le3A_822 = vector.broadcast %transpose3A_819 : vector<1x384xf32> to vector<384x384xf32>
    %le3A_823 = vector.broadcast %convert_element_type3A_821 : vector<384x1xf32> to vector<384x384xf32>
    %le3A_824 = arith.cmpf ole, %le3A_822, %le3A_823 : vector<384x384xf32>
    %convert_element_type3A_825 = arith.extui %le3A_824 : vector<384x384xi1> to vector<384x384xi32>
    %convert_element_type3A_826 = arith.sitofp %convert_element_type3A_825 : vector<384x384xi32> to vector<384x384xf32>
    %reduce_sum3A_827 = arith.constant dense<0.000000e+00> : vector<384xf32>
    %reduce_sum3A_828 = vector.multi_reduction <add>, %convert_element_type3A_826, %reduce_sum3A_827 [1] : vector<384x384xf32> to vector<384xf32>
    %broadcast_in_dim3A_829 = vector.shape_cast %reduce_sum3A_828 : vector<384xf32> to vector<384x1xf32>
    %sub3A_830 = arith.constant 1.000000e+00 : f32
    %sub3A_831 = vector.broadcast %sub3A_830 : f32 to vector<384x1xf32>
    %sub3A_832 = arith.subf %broadcast_in_dim3A_829, %sub3A_831 : vector<384x1xf32>
    %iota3A_833 = tpu.iota {dimensions = array<i32: 1>} : vector<384x384xi32>
    %convert_element_type3A_834 = arith.sitofp %iota3A_833 : vector<384x384xi32> to vector<384x384xf32>
    %eq3A_835 = vector.broadcast %sub3A_832 : vector<384x1xf32> to vector<384x384xf32>
    %eq3A_836 = arith.cmpf oeq, %convert_element_type3A_834, %eq3A_835 : vector<384x384xf32>
    %convert_element_type3A_837 = arith.extui %eq3A_836 : vector<384x384xi1> to vector<384x384xi32>
    %convert_element_type3A_838 = arith.sitofp %convert_element_type3A_837 : vector<384x384xi32> to vector<384x384xf32>
    %mul3A_839 = vector.broadcast %transpose3A_819 : vector<1x384xf32> to vector<384x384xf32>
    %mul3A_840 = arith.mulf %convert_element_type3A_838, %mul3A_839 : vector<384x384xf32>
    %reduce_sum3A_841 = arith.constant dense<0.000000e+00> : vector<384xf32>
    %reduce_sum3A_842 = vector.multi_reduction <add>, %mul3A_840, %reduce_sum3A_841 [1] : vector<384x384xf32> to vector<384xf32>
    %broadcast_in_dim3A_843 = vector.shape_cast %reduce_sum3A_842 : vector<384xf32> to vector<384x1xf32>
    %sub3A_844 = arith.subf %convert_element_type3A_821, %broadcast_in_dim3A_843 : vector<384x1xf32>
    %dot_general3A_845 = arith.constant dense<0.000000e+00> : vector<384x128xf32>
    %dot_general3A_846 = tpu.matmul %convert_element_type3A_838, %dot_general3A_809, %dot_general3A_845 {dimension_numbers = #tpu.dot_dimension_numbers<[1], [0], [0], [1], [0, 0, 1, 1], [], []>, transpose_lhs_hint = false} : vector<384x384xf32>, vector<384x128xf32>, vector<384x128xf32> -> vector<384x128xf32>
    %dot_general3A_847 = arith.constant dense<0.000000e+00> : vector<384x128xf32>
    %dot_general3A_848 = tpu.matmul %convert_element_type3A_838, %convert_element_type3A_807, %dot_general3A_847 {dimension_numbers = #tpu.dot_dimension_numbers<[1], [0], [0], [1], [0, 0, 1, 1], [], []>, transpose_lhs_hint = false} : vector<384x384xf32>, vector<384x128xf32>, vector<384x128xf32> -> vector<384x128xf32>
    %iota3A_849 = tpu.iota {dimensions = array<i32: 1>} : vector<384x128xi32>
    %convert_element_type3A_850 = arith.sitofp %iota3A_849 : vector<384x128xi32> to vector<384x128xf32>
    %eq3A_851 = vector.broadcast %sub3A_844 : vector<384x1xf32> to vector<384x128xf32>
    %eq3A_852 = arith.cmpf oeq, %dot_general3A_846, %eq3A_851 : vector<384x128xf32>
    %convert_element_type3A_853 = arith.extui %eq3A_852 : vector<384x128xi1> to vector<384x128xi32>
    %convert_element_type3A_854 = arith.sitofp %convert_element_type3A_853 : vector<384x128xi32> to vector<384x128xf32>
    %mul3A_855 = arith.mulf %dot_general3A_848, %convert_element_type3A_854 : vector<384x128xf32>
    %mul3A_856 = arith.constant 1.280000e+02 : f32
    %mul3A_857 = vector.broadcast %mul3A_856 : f32 to vector<384x1xf32>
    %mul3A_858 = arith.mulf %sub3A_832, %mul3A_857 : vector<384x1xf32>
    %add3A_859 = vector.broadcast %mul3A_858 : vector<384x1xf32> to vector<384x128xf32>
    %add3A_860 = arith.addf %add3A_859, %convert_element_type3A_850 : vector<384x128xf32>
    %mul3A_861 = arith.mulf %mul3A_855, %add3A_860 : vector<384x128xf32>
    %reduce_sum3A_862 = arith.constant dense<0.000000e+00> : vector<384xf32>
    %reduce_sum3A_863 = vector.multi_reduction <add>, %mul3A_861, %reduce_sum3A_862 [1] : vector<384x128xf32> to vector<384xf32>
    %broadcast_in_dim3A_864 = vector.shape_cast %reduce_sum3A_863 : vector<384xf32> to vector<384x1xf32>
    %convert_element_type3A_865 = arith.fptosi %broadcast_in_dim3A_864 : vector<384x1xf32> to vector<384x1xi32>
    %transpose3A_866 = tpu.transpose %convert_element_type3A_865, [1, 0] : vector<384x1xi32> -> vector<1x384xi32>
    %swap3A_867 = arith.constant 3 : index
    %swap3A_868 = arith.constant 0 : index
    %swap3A_869 = arith.constant 0 : index
    %swap3A_870 = vector.load %arg2[%swap3A_867, %swap3A_868, %swap3A_869] : memref<8x1x384xi32, #tpu.memory_space<vmem>>, vector<1x1x384xi32>
    %swap3A_871 = vector.shape_cast %swap3A_870 : vector<1x1x384xi32> to vector<1x384xi32>
    %swap3A_872 = vector.shape_cast %transpose3A_866 : vector<1x384xi32> to vector<1x1x384xi32>
    tpu.vector_store %arg2[%swap3A_867, %swap3A_868, %swap3A_869], %swap3A_872 {strides = array<i32>} : memref<8x1x384xi32, #tpu.memory_space<vmem>>, vector<1x1x384xi32>,
    %slice3A_873 = vector.extract_strided_slice %gt3A_462 {offsets = [4, 0, 0], sizes = [1, 384, 128], strides = [1, 1, 1]} : vector<8x384x128xi1> to vector<1x384x128xi1>
    %squeeze3A_874 = vector.shape_cast %slice3A_873 : vector<1x384x128xi1> to vector<384x128xi1>
    %slice3A_875 = vector.extract_strided_slice %eq3A_463 {offsets = [4, 0, 0], sizes = [1, 384, 128], strides = [1, 1, 1]} : vector<8x384x128xi1> to vector<1x384x128xi1>
    %squeeze3A_876 = vector.shape_cast %slice3A_875 : vector<1x384x128xi1> to vector<384x128xi1>
    %slice3A_877 = vector.extract_strided_slice %sub3A_470 {offsets = [4, 0, 0], sizes = [1, 1, 1], strides = [1, 1, 1]} : vector<8x1x1xf32> to vector<1x1x1xf32>
    %squeeze3A_878 = vector.shape_cast %slice3A_877 : vector<1x1x1xf32> to vector<1x1xf32>
    %iota3A_879 = tpu.iota {dimensions = array<i32: 0>} : vector<128x128xi32>
    %iota3A_880 = tpu.iota {dimensions = array<i32: 1>} : vector<128x128xi32>
    %lt3A_881 = arith.cmpi slt, %iota3A_879, %iota3A_880 : vector<128x128xi32>
    %convert_element_type3A_882 = arith.extui %lt3A_881 : vector<128x128xi1> to vector<128x128xi32>
    %convert_element_type3A_883 = arith.sitofp %convert_element_type3A_882 : vector<128x128xi32> to vector<128x128xf32>
    %iota3A_884 = tpu.iota {dimensions = array<i32: 0>} : vector<384x384xi32>
    %iota3A_885 = tpu.iota {dimensions = array<i32: 1>} : vector<384x384xi32>
    %lt3A_886 = arith.cmpi slt, %iota3A_884, %iota3A_885 : vector<384x384xi32>
    %convert_element_type3A_887 = arith.extui %lt3A_886 : vector<384x384xi1> to vector<384x384xi32>
    %convert_element_type3A_888 = arith.sitofp %convert_element_type3A_887 : vector<384x384xi32> to vector<384x384xf32>
    %convert_element_type3A_889 = arith.extui %squeeze3A_876 : vector<384x128xi1> to vector<384x128xi32>
    %convert_element_type3A_890 = arith.sitofp %convert_element_type3A_889 : vector<384x128xi32> to vector<384x128xf32>
    %dot_general3A_891 = arith.constant dense<0.000000e+00> : vector<384x128xf32>
    %dot_general3A_892 = tpu.matmul %convert_element_type3A_890, %convert_element_type3A_883, %dot_general3A_891 {dimension_numbers = #tpu.dot_dimension_numbers<[1], [0], [0], [1], [0, 0, 1, 1], [], []>, transpose_lhs_hint = false} : vector<384x128xf32>, vector<128x128xf32>, vector<384x128xf32> -> vector<384x128xf32>
    %reduce_sum3A_893 = arith.constant dense<0.000000e+00> : vector<384xf32>
    %reduce_sum3A_894 = vector.multi_reduction <add>, %convert_element_type3A_890, %reduce_sum3A_893 [1] : vector<384x128xf32> to vector<384xf32>
    %broadcast_in_dim3A_895 = vector.shape_cast %reduce_sum3A_894 : vector<384xf32> to vector<384x1xf32>
    %mul3A_896 = vector.broadcast %broadcast_in_dim3A_895 : vector<384x1xf32> to vector<384x384xf32>
    %mul3A_897 = arith.mulf %convert_element_type3A_888, %mul3A_896 : vector<384x384xf32>
    %reduce_sum3A_898 = arith.constant dense<0.000000e+00> : vector<384xf32>
    %reduce_sum3A_899 = vector.multi_reduction <add>, %mul3A_897, %reduce_sum3A_898 [0] : vector<384x384xf32> to vector<384xf32>
    %broadcast_in_dim3A_900 = vector.shape_cast %reduce_sum3A_899 : vector<384xf32> to vector<1x384xf32>
    %transpose3A_901 = tpu.transpose %broadcast_in_dim3A_900, [1, 0] : vector<1x384xf32> -> vector<384x1xf32>
    %add3A_902 = vector.broadcast %transpose3A_901 : vector<384x1xf32> to vector<384x128xf32>
    %add3A_903 = arith.addf %add3A_902, %dot_general3A_892 : vector<384x128xf32>
    %lt3A_904 = vector.broadcast %squeeze3A_878 : vector<1x1xf32> to vector<384x128xf32>
    %lt3A_905 = arith.cmpf olt, %add3A_903, %lt3A_904 : vector<384x128xf32>
    %and3A_906 = arith.andi %squeeze3A_876, %lt3A_905 : vector<384x128xi1>
    %or3A_907 = arith.ori %squeeze3A_874, %and3A_906 : vector<384x128xi1>
    %convert_element_type3A_908 = arith.extui %or3A_907 : vector<384x128xi1> to vector<384x128xi32>
    %convert_element_type3A_909 = arith.sitofp %convert_element_type3A_908 : vector<384x128xi32> to vector<384x128xf32>
    %dot_general3A_910 = arith.constant dense<0.000000e+00> : vector<384x128xf32>
    %dot_general3A_911 = tpu.matmul %convert_element_type3A_909, %convert_element_type3A_883, %dot_general3A_910 {dimension_numbers = #tpu.dot_dimension_numbers<[1], [0], [0], [1], [0, 0, 1, 1], [], []>, transpose_lhs_hint = false} : vector<384x128xf32>, vector<128x128xf32>, vector<384x128xf32> -> vector<384x128xf32>
    %reduce_sum3A_912 = arith.constant dense<0.000000e+00> : vector<384xf32>
    %reduce_sum3A_913 = vector.multi_reduction <add>, %convert_element_type3A_909, %reduce_sum3A_912 [1] : vector<384x128xf32> to vector<384xf32>
    %broadcast_in_dim3A_914 = vector.shape_cast %reduce_sum3A_913 : vector<384xf32> to vector<384x1xf32>
    %mul3A_915 = vector.broadcast %broadcast_in_dim3A_914 : vector<384x1xf32> to vector<384x384xf32>
    %mul3A_916 = arith.mulf %convert_element_type3A_888, %mul3A_915 : vector<384x384xf32>
    %reduce_sum3A_917 = arith.constant dense<0.000000e+00> : vector<384xf32>
    %reduce_sum3A_918 = vector.multi_reduction <add>, %mul3A_916, %reduce_sum3A_917 [0] : vector<384x384xf32> to vector<384xf32>
    %broadcast_in_dim3A_919 = vector.shape_cast %reduce_sum3A_918 : vector<384xf32> to vector<1x384xf32>
    %transpose3A_920 = tpu.transpose %broadcast_in_dim3A_919, [1, 0] : vector<1x384xf32> -> vector<384x1xf32>
    %transpose3A_921 = tpu.transpose %transpose3A_920, [1, 0] : vector<384x1xf32> -> vector<1x384xf32>
    %iota3A_922 = tpu.iota {dimensions = array<i32: 0>} : vector<384x1xi32>
    %convert_element_type3A_923 = arith.sitofp %iota3A_922 : vector<384x1xi32> to vector<384x1xf32>
    %le3A_924 = vector.broadcast %transpose3A_921 : vector<1x384xf32> to vector<384x384xf32>
    %le3A_925 = vector.broadcast %convert_element_type3A_923 : vector<384x1xf32> to vector<384x384xf32>
    %le3A_926 = arith.cmpf ole, %le3A_924, %le3A_925 : vector<384x384xf32>
    %convert_element_type3A_927 = arith.extui %le3A_926 : vector<384x384xi1> to vector<384x384xi32>
    %convert_element_type3A_928 = arith.sitofp %convert_element_type3A_927 : vector<384x384xi32> to vector<384x384xf32>
    %reduce_sum3A_929 = arith.constant dense<0.000000e+00> : vector<384xf32>
    %reduce_sum3A_930 = vector.multi_reduction <add>, %convert_element_type3A_928, %reduce_sum3A_929 [1] : vector<384x384xf32> to vector<384xf32>
    %broadcast_in_dim3A_931 = vector.shape_cast %reduce_sum3A_930 : vector<384xf32> to vector<384x1xf32>
    %sub3A_932 = arith.constant 1.000000e+00 : f32
    %sub3A_933 = vector.broadcast %sub3A_932 : f32 to vector<384x1xf32>
    %sub3A_934 = arith.subf %broadcast_in_dim3A_931, %sub3A_933 : vector<384x1xf32>
    %iota3A_935 = tpu.iota {dimensions = array<i32: 1>} : vector<384x384xi32>
    %convert_element_type3A_936 = arith.sitofp %iota3A_935 : vector<384x384xi32> to vector<384x384xf32>
    %eq3A_937 = vector.broadcast %sub3A_934 : vector<384x1xf32> to vector<384x384xf32>
    %eq3A_938 = arith.cmpf oeq, %convert_element_type3A_936, %eq3A_937 : vector<384x384xf32>
    %convert_element_type3A_939 = arith.extui %eq3A_938 : vector<384x384xi1> to vector<384x384xi32>
    %convert_element_type3A_940 = arith.sitofp %convert_element_type3A_939 : vector<384x384xi32> to vector<384x384xf32>
    %mul3A_941 = vector.broadcast %transpose3A_921 : vector<1x384xf32> to vector<384x384xf32>
    %mul3A_942 = arith.mulf %convert_element_type3A_940, %mul3A_941 : vector<384x384xf32>
    %reduce_sum3A_943 = arith.constant dense<0.000000e+00> : vector<384xf32>
    %reduce_sum3A_944 = vector.multi_reduction <add>, %mul3A_942, %reduce_sum3A_943 [1] : vector<384x384xf32> to vector<384xf32>
    %broadcast_in_dim3A_945 = vector.shape_cast %reduce_sum3A_944 : vector<384xf32> to vector<384x1xf32>
    %sub3A_946 = arith.subf %convert_element_type3A_923, %broadcast_in_dim3A_945 : vector<384x1xf32>
    %dot_general3A_947 = arith.constant dense<0.000000e+00> : vector<384x128xf32>
    %dot_general3A_948 = tpu.matmul %convert_element_type3A_940, %dot_general3A_911, %dot_general3A_947 {dimension_numbers = #tpu.dot_dimension_numbers<[1], [0], [0], [1], [0, 0, 1, 1], [], []>, transpose_lhs_hint = false} : vector<384x384xf32>, vector<384x128xf32>, vector<384x128xf32> -> vector<384x128xf32>
    %dot_general3A_949 = arith.constant dense<0.000000e+00> : vector<384x128xf32>
    %dot_general3A_950 = tpu.matmul %convert_element_type3A_940, %convert_element_type3A_909, %dot_general3A_949 {dimension_numbers = #tpu.dot_dimension_numbers<[1], [0], [0], [1], [0, 0, 1, 1], [], []>, transpose_lhs_hint = false} : vector<384x384xf32>, vector<384x128xf32>, vector<384x128xf32> -> vector<384x128xf32>
    %iota3A_951 = tpu.iota {dimensions = array<i32: 1>} : vector<384x128xi32>
    %convert_element_type3A_952 = arith.sitofp %iota3A_951 : vector<384x128xi32> to vector<384x128xf32>
    %eq3A_953 = vector.broadcast %sub3A_946 : vector<384x1xf32> to vector<384x128xf32>
    %eq3A_954 = arith.cmpf oeq, %dot_general3A_948, %eq3A_953 : vector<384x128xf32>
    %convert_element_type3A_955 = arith.extui %eq3A_954 : vector<384x128xi1> to vector<384x128xi32>
    %convert_element_type3A_956 = arith.sitofp %convert_element_type3A_955 : vector<384x128xi32> to vector<384x128xf32>
    %mul3A_957 = arith.mulf %dot_general3A_950, %convert_element_type3A_956 : vector<384x128xf32>
    %mul3A_958 = arith.constant 1.280000e+02 : f32
    %mul3A_959 = vector.broadcast %mul3A_958 : f32 to vector<384x1xf32>
    %mul3A_960 = arith.mulf %sub3A_934, %mul3A_959 : vector<384x1xf32>
    %add3A_961 = vector.broadcast %mul3A_960 : vector<384x1xf32> to vector<384x128xf32>
    %add3A_962 = arith.addf %add3A_961, %convert_element_type3A_952 : vector<384x128xf32>
    %mul3A_963 = arith.mulf %mul3A_957, %add3A_962 : vector<384x128xf32>
    %reduce_sum3A_964 = arith.constant dense<0.000000e+00> : vector<384xf32>
    %reduce_sum3A_965 = vector.multi_reduction <add>, %mul3A_963, %reduce_sum3A_964 [1] : vector<384x128xf32> to vector<384xf32>
    %broadcast_in_dim3A_966 = vector.shape_cast %reduce_sum3A_965 : vector<384xf32> to vector<384x1xf32>
    %convert_element_type3A_967 = arith.fptosi %broadcast_in_dim3A_966 : vector<384x1xf32> to vector<384x1xi32>
    %transpose3A_968 = tpu.transpose %convert_element_type3A_967, [1, 0] : vector<384x1xi32> -> vector<1x384xi32>
    %swap3A_969 = arith.constant 4 : index
    %swap3A_970 = arith.constant 0 : index
    %swap3A_971 = arith.constant 0 : index
    %swap3A_972 = vector.load %arg2[%swap3A_969, %swap3A_970, %swap3A_971] : memref<8x1x384xi32, #tpu.memory_space<vmem>>, vector<1x1x384xi32>
    %swap3A_973 = vector.shape_cast %swap3A_972 : vector<1x1x384xi32> to vector<1x384xi32>
    %swap3A_974 = vector.shape_cast %transpose3A_968 : vector<1x384xi32> to vector<1x1x384xi32>
    tpu.vector_store %arg2[%swap3A_969, %swap3A_970, %swap3A_971], %swap3A_974 {strides = array<i32>} : memref<8x1x384xi32, #tpu.memory_space<vmem>>, vector<1x1x384xi32>,
    %slice3A_975 = vector.extract_strided_slice %gt3A_462 {offsets = [5, 0, 0], sizes = [1, 384, 128], strides = [1, 1, 1]} : vector<8x384x128xi1> to vector<1x384x128xi1>
    %squeeze3A_976 = vector.shape_cast %slice3A_975 : vector<1x384x128xi1> to vector<384x128xi1>
    %slice3A_977 = vector.extract_strided_slice %eq3A_463 {offsets = [5, 0, 0], sizes = [1, 384, 128], strides = [1, 1, 1]} : vector<8x384x128xi1> to vector<1x384x128xi1>
    %squeeze3A_978 = vector.shape_cast %slice3A_977 : vector<1x384x128xi1> to vector<384x128xi1>
    %slice3A_979 = vector.extract_strided_slice %sub3A_470 {offsets = [5, 0, 0], sizes = [1, 1, 1], strides = [1, 1, 1]} : vector<8x1x1xf32> to vector<1x1x1xf32>
    %squeeze3A_980 = vector.shape_cast %slice3A_979 : vector<1x1x1xf32> to vector<1x1xf32>
    %iota3A_981 = tpu.iota {dimensions = array<i32: 0>} : vector<128x128xi32>
    %iota3A_982 = tpu.iota {dimensions = array<i32: 1>} : vector<128x128xi32>
    %lt3A_983 = arith.cmpi slt, %iota3A_981, %iota3A_982 : vector<128x128xi32>
    %convert_element_type3A_984 = arith.extui %lt3A_983 : vector<128x128xi1> to vector<128x128xi32>
    %convert_element_type3A_985 = arith.sitofp %convert_element_type3A_984 : vector<128x128xi32> to vector<128x128xf32>
    %iota3A_986 = tpu.iota {dimensions = array<i32: 0>} : vector<384x384xi32>
    %iota3A_987 = tpu.iota {dimensions = array<i32: 1>} : vector<384x384xi32>
    %lt3A_988 = arith.cmpi slt, %iota3A_986, %iota3A_987 : vector<384x384xi32>
    %convert_element_type3A_989 = arith.extui %lt3A_988 : vector<384x384xi1> to vector<384x384xi32>
    %convert_element_type3A_990 = arith.sitofp %convert_element_type3A_989 : vector<384x384xi32> to vector<384x384xf32>
    %convert_element_type3A_991 = arith.extui %squeeze3A_978 : vector<384x128xi1> to vector<384x128xi32>
    %convert_element_type3A_992 = arith.sitofp %convert_element_type3A_991 : vector<384x128xi32> to vector<384x128xf32>
    %dot_general3A_993 = arith.constant dense<0.000000e+00> : vector<384x128xf32>
    %dot_general3A_994 = tpu.matmul %convert_element_type3A_992, %convert_element_type3A_985, %dot_general3A_993 {dimension_numbers = #tpu.dot_dimension_numbers<[1], [0], [0], [1], [0, 0, 1, 1], [], []>, transpose_lhs_hint = false} : vector<384x128xf32>, vector<128x128xf32>, vector<384x128xf32> -> vector<384x128xf32>
    %reduce_sum3A_995 = arith.constant dense<0.000000e+00> : vector<384xf32>
    %reduce_sum3A_996 = vector.multi_reduction <add>, %convert_element_type3A_992, %reduce_sum3A_995 [1] : vector<384x128xf32> to vector<384xf32>
    %broadcast_in_dim3A_997 = vector.shape_cast %reduce_sum3A_996 : vector<384xf32> to vector<384x1xf32>
    %mul3A_998 = vector.broadcast %broadcast_in_dim3A_997 : vector<384x1xf32> to vector<384x384xf32>
    %mul3A_999 = arith.mulf %convert_element_type3A_990, %mul3A_998 : vector<384x384xf32>
    %reduce_sum3A_1000 = arith.constant dense<0.000000e+00> : vector<384xf32>
    %reduce_sum3A_1001 = vector.multi_reduction <add>, %mul3A_999, %reduce_sum3A_1000 [0] : vector<384x384xf32> to vector<384xf32>
    %broadcast_in_dim3A_1002 = vector.shape_cast %reduce_sum3A_1001 : vector<384xf32> to vector<1x384xf32>
    %transpose3A_1003 = tpu.transpose %broadcast_in_dim3A_1002, [1, 0] : vector<1x384xf32> -> vector<384x1xf32>
    %add3A_1004 = vector.broadcast %transpose3A_1003 : vector<384x1xf32> to vector<384x128xf32>
    %add3A_1005 = arith.addf %add3A_1004, %dot_general3A_994 : vector<384x128xf32>
    %lt3A_1006 = vector.broadcast %squeeze3A_980 : vector<1x1xf32> to vector<384x128xf32>
    %lt3A_1007 = arith.cmpf olt, %add3A_1005, %lt3A_1006 : vector<384x128xf32>
    %and3A_1008 = arith.andi %squeeze3A_978, %lt3A_1007 : vector<384x128xi1>
    %or3A_1009 = arith.ori %squeeze3A_976, %and3A_1008 : vector<384x128xi1>
    %convert_element_type3A_1010 = arith.extui %or3A_1009 : vector<384x128xi1> to vector<384x128xi32>
    %convert_element_type3A_1011 = arith.sitofp %convert_element_type3A_1010 : vector<384x128xi32> to vector<384x128xf32>
    %dot_general3A_1012 = arith.constant dense<0.000000e+00> : vector<384x128xf32>
    %dot_general3A_1013 = tpu.matmul %convert_element_type3A_1011, %convert_element_type3A_985, %dot_general3A_1012 {dimension_numbers = #tpu.dot_dimension_numbers<[1], [0], [0], [1], [0, 0, 1, 1], [], []>, transpose_lhs_hint = false} : vector<384x128xf32>, vector<128x128xf32>, vector<384x128xf32> -> vector<384x128xf32>
    %reduce_sum3A_1014 = arith.constant dense<0.000000e+00> : vector<384xf32>
    %reduce_sum3A_1015 = vector.multi_reduction <add>, %convert_element_type3A_1011, %reduce_sum3A_1014 [1] : vector<384x128xf32> to vector<384xf32>
    %broadcast_in_dim3A_1016 = vector.shape_cast %reduce_sum3A_1015 : vector<384xf32> to vector<384x1xf32>
    %mul3A_1017 = vector.broadcast %broadcast_in_dim3A_1016 : vector<384x1xf32> to vector<384x384xf32>
    %mul3A_1018 = arith.mulf %convert_element_type3A_990, %mul3A_1017 : vector<384x384xf32>
    %reduce_sum3A_1019 = arith.constant dense<0.000000e+00> : vector<384xf32>
    %reduce_sum3A_1020 = vector.multi_reduction <add>, %mul3A_1018, %reduce_sum3A_1019 [0] : vector<384x384xf32> to vector<384xf32>
    %broadcast_in_dim3A_1021 = vector.shape_cast %reduce_sum3A_1020 : vector<384xf32> to vector<1x384xf32>
    %transpose3A_1022 = tpu.transpose %broadcast_in_dim3A_1021, [1, 0] : vector<1x384xf32> -> vector<384x1xf32>
    %transpose3A_1023 = tpu.transpose %transpose3A_1022, [1, 0] : vector<384x1xf32> -> vector<1x384xf32>
    %iota3A_1024 = tpu.iota {dimensions = array<i32: 0>} : vector<384x1xi32>
    %convert_element_type3A_1025 = arith.sitofp %iota3A_1024 : vector<384x1xi32> to vector<384x1xf32>
    %le3A_1026 = vector.broadcast %transpose3A_1023 : vector<1x384xf32> to vector<384x384xf32>
    %le3A_1027 = vector.broadcast %convert_element_type3A_1025 : vector<384x1xf32> to vector<384x384xf32>
    %le3A_1028 = arith.cmpf ole, %le3A_1026, %le3A_1027 : vector<384x384xf32>
    %convert_element_type3A_1029 = arith.extui %le3A_1028 : vector<384x384xi1> to vector<384x384xi32>
    %convert_element_type3A_1030 = arith.sitofp %convert_element_type3A_1029 : vector<384x384xi32> to vector<384x384xf32>
    %reduce_sum3A_1031 = arith.constant dense<0.000000e+00> : vector<384xf32>
    %reduce_sum3A_1032 = vector.multi_reduction <add>, %convert_element_type3A_1030, %reduce_sum3A_1031 [1] : vector<384x384xf32> to vector<384xf32>
    %broadcast_in_dim3A_1033 = vector.shape_cast %reduce_sum3A_1032 : vector<384xf32> to vector<384x1xf32>
    %sub3A_1034 = arith.constant 1.000000e+00 : f32
    %sub3A_1035 = vector.broadcast %sub3A_1034 : f32 to vector<384x1xf32>
    %sub3A_1036 = arith.subf %broadcast_in_dim3A_1033, %sub3A_1035 : vector<384x1xf32>
    %iota3A_1037 = tpu.iota {dimensions = array<i32: 1>} : vector<384x384xi32>
    %convert_element_type3A_1038 = arith.sitofp %iota3A_1037 : vector<384x384xi32> to vector<384x384xf32>
    %eq3A_1039 = vector.broadcast %sub3A_1036 : vector<384x1xf32> to vector<384x384xf32>
    %eq3A_1040 = arith.cmpf oeq, %convert_element_type3A_1038, %eq3A_1039 : vector<384x384xf32>
    %convert_element_type3A_1041 = arith.extui %eq3A_1040 : vector<384x384xi1> to vector<384x384xi32>
    %convert_element_type3A_1042 = arith.sitofp %convert_element_type3A_1041 : vector<384x384xi32> to vector<384x384xf32>
    %mul3A_1043 = vector.broadcast %transpose3A_1023 : vector<1x384xf32> to vector<384x384xf32>
    %mul3A_1044 = arith.mulf %convert_element_type3A_1042, %mul3A_1043 : vector<384x384xf32>
    %reduce_sum3A_1045 = arith.constant dense<0.000000e+00> : vector<384xf32>
    %reduce_sum3A_1046 = vector.multi_reduction <add>, %mul3A_1044, %reduce_sum3A_1045 [1] : vector<384x384xf32> to vector<384xf32>
    %broadcast_in_dim3A_1047 = vector.shape_cast %reduce_sum3A_1046 : vector<384xf32> to vector<384x1xf32>
    %sub3A_1048 = arith.subf %convert_element_type3A_1025, %broadcast_in_dim3A_1047 : vector<384x1xf32>
    %dot_general3A_1049 = arith.constant dense<0.000000e+00> : vector<384x128xf32>
    %dot_general3A_1050 = tpu.matmul %convert_element_type3A_1042, %dot_general3A_1013, %dot_general3A_1049 {dimension_numbers = #tpu.dot_dimension_numbers<[1], [0], [0], [1], [0, 0, 1, 1], [], []>, transpose_lhs_hint = false} : vector<384x384xf32>, vector<384x128xf32>, vector<384x128xf32> -> vector<384x128xf32>
    %dot_general3A_1051 = arith.constant dense<0.000000e+00> : vector<384x128xf32>
    %dot_general3A_1052 = tpu.matmul %convert_element_type3A_1042, %convert_element_type3A_1011, %dot_general3A_1051 {dimension_numbers = #tpu.dot_dimension_numbers<[1], [0], [0], [1], [0, 0, 1, 1], [], []>, transpose_lhs_hint = false} : vector<384x384xf32>, vector<384x128xf32>, vector<384x128xf32> -> vector<384x128xf32>
    %iota3A_1053 = tpu.iota {dimensions = array<i32: 1>} : vector<384x128xi32>
    %convert_element_type3A_1054 = arith.sitofp %iota3A_1053 : vector<384x128xi32> to vector<384x128xf32>
    %eq3A_1055 = vector.broadcast %sub3A_1048 : vector<384x1xf32> to vector<384x128xf32>
    %eq3A_1056 = arith.cmpf oeq, %dot_general3A_1050, %eq3A_1055 : vector<384x128xf32>
    %convert_element_type3A_1057 = arith.extui %eq3A_1056 : vector<384x128xi1> to vector<384x128xi32>
    %convert_element_type3A_1058 = arith.sitofp %convert_element_type3A_1057 : vector<384x128xi32> to vector<384x128xf32>
    %mul3A_1059 = arith.mulf %dot_general3A_1052, %convert_element_type3A_1058 : vector<384x128xf32>
    %mul3A_1060 = arith.constant 1.280000e+02 : f32
    %mul3A_1061 = vector.broadcast %mul3A_1060 : f32 to vector<384x1xf32>
    %mul3A_1062 = arith.mulf %sub3A_1036, %mul3A_1061 : vector<384x1xf32>
    %add3A_1063 = vector.broadcast %mul3A_1062 : vector<384x1xf32> to vector<384x128xf32>
    %add3A_1064 = arith.addf %add3A_1063, %convert_element_type3A_1054 : vector<384x128xf32>
    %mul3A_1065 = arith.mulf %mul3A_1059, %add3A_1064 : vector<384x128xf32>
    %reduce_sum3A_1066 = arith.constant dense<0.000000e+00> : vector<384xf32>
    %reduce_sum3A_1067 = vector.multi_reduction <add>, %mul3A_1065, %reduce_sum3A_1066 [1] : vector<384x128xf32> to vector<384xf32>
    %broadcast_in_dim3A_1068 = vector.shape_cast %reduce_sum3A_1067 : vector<384xf32> to vector<384x1xf32>
    %convert_element_type3A_1069 = arith.fptosi %broadcast_in_dim3A_1068 : vector<384x1xf32> to vector<384x1xi32>
    %transpose3A_1070 = tpu.transpose %convert_element_type3A_1069, [1, 0] : vector<384x1xi32> -> vector<1x384xi32>
    %swap3A_1071 = arith.constant 5 : index
    %swap3A_1072 = arith.constant 0 : index
    %swap3A_1073 = arith.constant 0 : index
    %swap3A_1074 = vector.load %arg2[%swap3A_1071, %swap3A_1072, %swap3A_1073] : memref<8x1x384xi32, #tpu.memory_space<vmem>>, vector<1x1x384xi32>
    %swap3A_1075 = vector.shape_cast %swap3A_1074 : vector<1x1x384xi32> to vector<1x384xi32>
    %swap3A_1076 = vector.shape_cast %transpose3A_1070 : vector<1x384xi32> to vector<1x1x384xi32>
    tpu.vector_store %arg2[%swap3A_1071, %swap3A_1072, %swap3A_1073], %swap3A_1076 {strides = array<i32>} : memref<8x1x384xi32, #tpu.memory_space<vmem>>, vector<1x1x384xi32>,
    %slice3A_1077 = vector.extract_strided_slice %gt3A_462 {offsets = [6, 0, 0], sizes = [1, 384, 128], strides = [1, 1, 1]} : vector<8x384x128xi1> to vector<1x384x128xi1>
    %squeeze3A_1078 = vector.shape_cast %slice3A_1077 : vector<1x384x128xi1> to vector<384x128xi1>
    %slice3A_1079 = vector.extract_strided_slice %eq3A_463 {offsets = [6, 0, 0], sizes = [1, 384, 128], strides = [1, 1, 1]} : vector<8x384x128xi1> to vector<1x384x128xi1>
    %squeeze3A_1080 = vector.shape_cast %slice3A_1079 : vector<1x384x128xi1> to vector<384x128xi1>
    %slice3A_1081 = vector.extract_strided_slice %sub3A_470 {offsets = [6, 0, 0], sizes = [1, 1, 1], strides = [1, 1, 1]} : vector<8x1x1xf32> to vector<1x1x1xf32>
    %squeeze3A_1082 = vector.shape_cast %slice3A_1081 : vector<1x1x1xf32> to vector<1x1xf32>
    %iota3A_1083 = tpu.iota {dimensions = array<i32: 0>} : vector<128x128xi32>
    %iota3A_1084 = tpu.iota {dimensions = array<i32: 1>} : vector<128x128xi32>
    %lt3A_1085 = arith.cmpi slt, %iota3A_1083, %iota3A_1084 : vector<128x128xi32>
    %convert_element_type3A_1086 = arith.extui %lt3A_1085 : vector<128x128xi1> to vector<128x128xi32>
    %convert_element_type3A_1087 = arith.sitofp %convert_element_type3A_1086 : vector<128x128xi32> to vector<128x128xf32>
    %iota3A_1088 = tpu.iota {dimensions = array<i32: 0>} : vector<384x384xi32>
    %iota3A_1089 = tpu.iota {dimensions = array<i32: 1>} : vector<384x384xi32>
    %lt3A_1090 = arith.cmpi slt, %iota3A_1088, %iota3A_1089 : vector<384x384xi32>
    %convert_element_type3A_1091 = arith.extui %lt3A_1090 : vector<384x384xi1> to vector<384x384xi32>
    %convert_element_type3A_1092 = arith.sitofp %convert_element_type3A_1091 : vector<384x384xi32> to vector<384x384xf32>
    %convert_element_type3A_1093 = arith.extui %squeeze3A_1080 : vector<384x128xi1> to vector<384x128xi32>
    %convert_element_type3A_1094 = arith.sitofp %convert_element_type3A_1093 : vector<384x128xi32> to vector<384x128xf32>
    %dot_general3A_1095 = arith.constant dense<0.000000e+00> : vector<384x128xf32>
    %dot_general3A_1096 = tpu.matmul %convert_element_type3A_1094, %convert_element_type3A_1087, %dot_general3A_1095 {dimension_numbers = #tpu.dot_dimension_numbers<[1], [0], [0], [1], [0, 0, 1, 1], [], []>, transpose_lhs_hint = false} : vector<384x128xf32>, vector<128x128xf32>, vector<384x128xf32> -> vector<384x128xf32>
    %reduce_sum3A_1097 = arith.constant dense<0.000000e+00> : vector<384xf32>
    %reduce_sum3A_1098 = vector.multi_reduction <add>, %convert_element_type3A_1094, %reduce_sum3A_1097 [1] : vector<384x128xf32> to vector<384xf32>
    %broadcast_in_dim3A_1099 = vector.shape_cast %reduce_sum3A_1098 : vector<384xf32> to vector<384x1xf32>
    %mul3A_1100 = vector.broadcast %broadcast_in_dim3A_1099 : vector<384x1xf32> to vector<384x384xf32>
    %mul3A_1101 = arith.mulf %convert_element_type3A_1092, %mul3A_1100 : vector<384x384xf32>
    %reduce_sum3A_1102 = arith.constant dense<0.000000e+00> : vector<384xf32>
    %reduce_sum3A_1103 = vector.multi_reduction <add>, %mul3A_1101, %reduce_sum3A_1102 [0] : vector<384x384xf32> to vector<384xf32>
    %broadcast_in_dim3A_1104 = vector.shape_cast %reduce_sum3A_1103 : vector<384xf32> to vector<1x384xf32>
    %transpose3A_1105 = tpu.transpose %broadcast_in_dim3A_1104, [1, 0] : vector<1x384xf32> -> vector<384x1xf32>
    %add3A_1106 = vector.broadcast %transpose3A_1105 : vector<384x1xf32> to vector<384x128xf32>
    %add3A_1107 = arith.addf %add3A_1106, %dot_general3A_1096 : vector<384x128xf32>
    %lt3A_1108 = vector.broadcast %squeeze3A_1082 : vector<1x1xf32> to vector<384x128xf32>
    %lt3A_1109 = arith.cmpf olt, %add3A_1107, %lt3A_1108 : vector<384x128xf32>
    %and3A_1110 = arith.andi %squeeze3A_1080, %lt3A_1109 : vector<384x128xi1>
    %or3A_1111 = arith.ori %squeeze3A_1078, %and3A_1110 : vector<384x128xi1>
    %convert_element_type3A_1112 = arith.extui %or3A_1111 : vector<384x128xi1> to vector<384x128xi32>
    %convert_element_type3A_1113 = arith.sitofp %convert_element_type3A_1112 : vector<384x128xi32> to vector<384x128xf32>
    %dot_general3A_1114 = arith.constant dense<0.000000e+00> : vector<384x128xf32>
    %dot_general3A_1115 = tpu.matmul %convert_element_type3A_1113, %convert_element_type3A_1087, %dot_general3A_1114 {dimension_numbers = #tpu.dot_dimension_numbers<[1], [0], [0], [1], [0, 0, 1, 1], [], []>, transpose_lhs_hint = false} : vector<384x128xf32>, vector<128x128xf32>, vector<384x128xf32> -> vector<384x128xf32>
    %reduce_sum3A_1116 = arith.constant dense<0.000000e+00> : vector<384xf32>
    %reduce_sum3A_1117 = vector.multi_reduction <add>, %convert_element_type3A_1113, %reduce_sum3A_1116 [1] : vector<384x128xf32> to vector<384xf32>
    %broadcast_in_dim3A_1118 = vector.shape_cast %reduce_sum3A_1117 : vector<384xf32> to vector<384x1xf32>
    %mul3A_1119 = vector.broadcast %broadcast_in_dim3A_1118 : vector<384x1xf32> to vector<384x384xf32>
    %mul3A_1120 = arith.mulf %convert_element_type3A_1092, %mul3A_1119 : vector<384x384xf32>
    %reduce_sum3A_1121 = arith.constant dense<0.000000e+00> : vector<384xf32>
    %reduce_sum3A_1122 = vector.multi_reduction <add>, %mul3A_1120, %reduce_sum3A_1121 [0] : vector<384x384xf32> to vector<384xf32>
    %broadcast_in_dim3A_1123 = vector.shape_cast %reduce_sum3A_1122 : vector<384xf32> to vector<1x384xf32>
    %transpose3A_1124 = tpu.transpose %broadcast_in_dim3A_1123, [1, 0] : vector<1x384xf32> -> vector<384x1xf32>
    %transpose3A_1125 = tpu.transpose %transpose3A_1124, [1, 0] : vector<384x1xf32> -> vector<1x384xf32>
    %iota3A_1126 = tpu.iota {dimensions = array<i32: 0>} : vector<384x1xi32>
    %convert_element_type3A_1127 = arith.sitofp %iota3A_1126 : vector<384x1xi32> to vector<384x1xf32>
    %le3A_1128 = vector.broadcast %transpose3A_1125 : vector<1x384xf32> to vector<384x384xf32>
    %le3A_1129 = vector.broadcast %convert_element_type3A_1127 : vector<384x1xf32> to vector<384x384xf32>
    %le3A_1130 = arith.cmpf ole, %le3A_1128, %le3A_1129 : vector<384x384xf32>
    %convert_element_type3A_1131 = arith.extui %le3A_1130 : vector<384x384xi1> to vector<384x384xi32>
    %convert_element_type3A_1132 = arith.sitofp %convert_element_type3A_1131 : vector<384x384xi32> to vector<384x384xf32>
    %reduce_sum3A_1133 = arith.constant dense<0.000000e+00> : vector<384xf32>
    %reduce_sum3A_1134 = vector.multi_reduction <add>, %convert_element_type3A_1132, %reduce_sum3A_1133 [1] : vector<384x384xf32> to vector<384xf32>
    %broadcast_in_dim3A_1135 = vector.shape_cast %reduce_sum3A_1134 : vector<384xf32> to vector<384x1xf32>
    %sub3A_1136 = arith.constant 1.000000e+00 : f32
    %sub3A_1137 = vector.broadcast %sub3A_1136 : f32 to vector<384x1xf32>
    %sub3A_1138 = arith.subf %broadcast_in_dim3A_1135, %sub3A_1137 : vector<384x1xf32>
    %iota3A_1139 = tpu.iota {dimensions = array<i32: 1>} : vector<384x384xi32>
    %convert_element_type3A_1140 = arith.sitofp %iota3A_1139 : vector<384x384xi32> to vector<384x384xf32>
    %eq3A_1141 = vector.broadcast %sub3A_1138 : vector<384x1xf32> to vector<384x384xf32>
    %eq3A_1142 = arith.cmpf oeq, %convert_element_type3A_1140, %eq3A_1141 : vector<384x384xf32>
    %convert_element_type3A_1143 = arith.extui %eq3A_1142 : vector<384x384xi1> to vector<384x384xi32>
    %convert_element_type3A_1144 = arith.sitofp %convert_element_type3A_1143 : vector<384x384xi32> to vector<384x384xf32>
    %mul3A_1145 = vector.broadcast %transpose3A_1125 : vector<1x384xf32> to vector<384x384xf32>
    %mul3A_1146 = arith.mulf %convert_element_type3A_1144, %mul3A_1145 : vector<384x384xf32>
    %reduce_sum3A_1147 = arith.constant dense<0.000000e+00> : vector<384xf32>
    %reduce_sum3A_1148 = vector.multi_reduction <add>, %mul3A_1146, %reduce_sum3A_1147 [1] : vector<384x384xf32> to vector<384xf32>
    %broadcast_in_dim3A_1149 = vector.shape_cast %reduce_sum3A_1148 : vector<384xf32> to vector<384x1xf32>
    %sub3A_1150 = arith.subf %convert_element_type3A_1127, %broadcast_in_dim3A_1149 : vector<384x1xf32>
    %dot_general3A_1151 = arith.constant dense<0.000000e+00> : vector<384x128xf32>
    %dot_general3A_1152 = tpu.matmul %convert_element_type3A_1144, %dot_general3A_1115, %dot_general3A_1151 {dimension_numbers = #tpu.dot_dimension_numbers<[1], [0], [0], [1], [0, 0, 1, 1], [], []>, transpose_lhs_hint = false} : vector<384x384xf32>, vector<384x128xf32>, vector<384x128xf32> -> vector<384x128xf32>
    %dot_general3A_1153 = arith.constant dense<0.000000e+00> : vector<384x128xf32>
    %dot_general3A_1154 = tpu.matmul %convert_element_type3A_1144, %convert_element_type3A_1113, %dot_general3A_1153 {dimension_numbers = #tpu.dot_dimension_numbers<[1], [0], [0], [1], [0, 0, 1, 1], [], []>, transpose_lhs_hint = false} : vector<384x384xf32>, vector<384x128xf32>, vector<384x128xf32> -> vector<384x128xf32>
    %iota3A_1155 = tpu.iota {dimensions = array<i32: 1>} : vector<384x128xi32>
    %convert_element_type3A_1156 = arith.sitofp %iota3A_1155 : vector<384x128xi32> to vector<384x128xf32>
    %eq3A_1157 = vector.broadcast %sub3A_1150 : vector<384x1xf32> to vector<384x128xf32>
    %eq3A_1158 = arith.cmpf oeq, %dot_general3A_1152, %eq3A_1157 : vector<384x128xf32>
    %convert_element_type3A_1159 = arith.extui %eq3A_1158 : vector<384x128xi1> to vector<384x128xi32>
    %convert_element_type3A_1160 = arith.sitofp %convert_element_type3A_1159 : vector<384x128xi32> to vector<384x128xf32>
    %mul3A_1161 = arith.mulf %dot_general3A_1154, %convert_element_type3A_1160 : vector<384x128xf32>
    %mul3A_1162 = arith.constant 1.280000e+02 : f32
    %mul3A_1163 = vector.broadcast %mul3A_1162 : f32 to vector<384x1xf32>
    %mul3A_1164 = arith.mulf %sub3A_1138, %mul3A_1163 : vector<384x1xf32>
    %add3A_1165 = vector.broadcast %mul3A_1164 : vector<384x1xf32> to vector<384x128xf32>
    %add3A_1166 = arith.addf %add3A_1165, %convert_element_type3A_1156 : vector<384x128xf32>
    %mul3A_1167 = arith.mulf %mul3A_1161, %add3A_1166 : vector<384x128xf32>
    %reduce_sum3A_1168 = arith.constant dense<0.000000e+00> : vector<384xf32>
    %reduce_sum3A_1169 = vector.multi_reduction <add>, %mul3A_1167, %reduce_sum3A_1168 [1] : vector<384x128xf32> to vector<384xf32>
    %broadcast_in_dim3A_1170 = vector.shape_cast %reduce_sum3A_1169 : vector<384xf32> to vector<384x1xf32>
    %convert_element_type3A_1171 = arith.fptosi %broadcast_in_dim3A_1170 : vector<384x1xf32> to vector<384x1xi32>
    %transpose3A_1172 = tpu.transpose %convert_element_type3A_1171, [1, 0] : vector<384x1xi32> -> vector<1x384xi32>
    %swap3A_1173 = arith.constant 6 : index
    %swap3A_1174 = arith.constant 0 : index
    %swap3A_1175 = arith.constant 0 : index
    %swap3A_1176 = vector.load %arg2[%swap3A_1173, %swap3A_1174, %swap3A_1175] : memref<8x1x384xi32, #tpu.memory_space<vmem>>, vector<1x1x384xi32>
    %swap3A_1177 = vector.shape_cast %swap3A_1176 : vector<1x1x384xi32> to vector<1x384xi32>
    %swap3A_1178 = vector.shape_cast %transpose3A_1172 : vector<1x384xi32> to vector<1x1x384xi32>
    tpu.vector_store %arg2[%swap3A_1173, %swap3A_1174, %swap3A_1175], %swap3A_1178 {strides = array<i32>} : memref<8x1x384xi32, #tpu.memory_space<vmem>>, vector<1x1x384xi32>,
    %slice3A_1179 = vector.extract_strided_slice %gt3A_462 {offsets = [7, 0, 0], sizes = [1, 384, 128], strides = [1, 1, 1]} : vector<8x384x128xi1> to vector<1x384x128xi1>
    %squeeze3A_1180 = vector.shape_cast %slice3A_1179 : vector<1x384x128xi1> to vector<384x128xi1>
    %slice3A_1181 = vector.extract_strided_slice %eq3A_463 {offsets = [7, 0, 0], sizes = [1, 384, 128], strides = [1, 1, 1]} : vector<8x384x128xi1> to vector<1x384x128xi1>
    %squeeze3A_1182 = vector.shape_cast %slice3A_1181 : vector<1x384x128xi1> to vector<384x128xi1>
    %slice3A_1183 = vector.extract_strided_slice %sub3A_470 {offsets = [7, 0, 0], sizes = [1, 1, 1], strides = [1, 1, 1]} : vector<8x1x1xf32> to vector<1x1x1xf32>
    %squeeze3A_1184 = vector.shape_cast %slice3A_1183 : vector<1x1x1xf32> to vector<1x1xf32>
    %iota3A_1185 = tpu.iota {dimensions = array<i32: 0>} : vector<128x128xi32>
    %iota3A_1186 = tpu.iota {dimensions = array<i32: 1>} : vector<128x128xi32>
    %lt3A_1187 = arith.cmpi slt, %iota3A_1185, %iota3A_1186 : vector<128x128xi32>
    %convert_element_type3A_1188 = arith.extui %lt3A_1187 : vector<128x128xi1> to vector<128x128xi32>
    %convert_element_type3A_1189 = arith.sitofp %convert_element_type3A_1188 : vector<128x128xi32> to vector<128x128xf32>
    %iota3A_1190 = tpu.iota {dimensions = array<i32: 0>} : vector<384x384xi32>
    %iota3A_1191 = tpu.iota {dimensions = array<i32: 1>} : vector<384x384xi32>
    %lt3A_1192 = arith.cmpi slt, %iota3A_1190, %iota3A_1191 : vector<384x384xi32>
    %convert_element_type3A_1193 = arith.extui %lt3A_1192 : vector<384x384xi1> to vector<384x384xi32>
    %convert_element_type3A_1194 = arith.sitofp %convert_element_type3A_1193 : vector<384x384xi32> to vector<384x384xf32>
    %convert_element_type3A_1195 = arith.extui %squeeze3A_1182 : vector<384x128xi1> to vector<384x128xi32>
    %convert_element_type3A_1196 = arith.sitofp %convert_element_type3A_1195 : vector<384x128xi32> to vector<384x128xf32>
    %dot_general3A_1197 = arith.constant dense<0.000000e+00> : vector<384x128xf32>
    %dot_general3A_1198 = tpu.matmul %convert_element_type3A_1196, %convert_element_type3A_1189, %dot_general3A_1197 {dimension_numbers = #tpu.dot_dimension_numbers<[1], [0], [0], [1], [0, 0, 1, 1], [], []>, transpose_lhs_hint = false} : vector<384x128xf32>, vector<128x128xf32>, vector<384x128xf32> -> vector<384x128xf32>
    %reduce_sum3A_1199 = arith.constant dense<0.000000e+00> : vector<384xf32>
    %reduce_sum3A_1200 = vector.multi_reduction <add>, %convert_element_type3A_1196, %reduce_sum3A_1199 [1] : vector<384x128xf32> to vector<384xf32>
    %broadcast_in_dim3A_1201 = vector.shape_cast %reduce_sum3A_1200 : vector<384xf32> to vector<384x1xf32>
    %mul3A_1202 = vector.broadcast %broadcast_in_dim3A_1201 : vector<384x1xf32> to vector<384x384xf32>
    %mul3A_1203 = arith.mulf %convert_element_type3A_1194, %mul3A_1202 : vector<384x384xf32>
    %reduce_sum3A_1204 = arith.constant dense<0.000000e+00> : vector<384xf32>
    %reduce_sum3A_1205 = vector.multi_reduction <add>, %mul3A_1203, %reduce_sum3A_1204 [0] : vector<384x384xf32> to vector<384xf32>
    %broadcast_in_dim3A_1206 = vector.shape_cast %reduce_sum3A_1205 : vector<384xf32> to vector<1x384xf32>
    %transpose3A_1207 = tpu.transpose %broadcast_in_dim3A_1206, [1, 0] : vector<1x384xf32> -> vector<384x1xf32>
    %add3A_1208 = vector.broadcast %transpose3A_1207 : vector<384x1xf32> to vector<384x128xf32>
    %add3A_1209 = arith.addf %add3A_1208, %dot_general3A_1198 : vector<384x128xf32>
    %lt3A_1210 = vector.broadcast %squeeze3A_1184 : vector<1x1xf32> to vector<384x128xf32>
    %lt3A_1211 = arith.cmpf olt, %add3A_1209, %lt3A_1210 : vector<384x128xf32>
    %and3A_1212 = arith.andi %squeeze3A_1182, %lt3A_1211 : vector<384x128xi1>
    %or3A_1213 = arith.ori %squeeze3A_1180, %and3A_1212 : vector<384x128xi1>
    %convert_element_type3A_1214 = arith.extui %or3A_1213 : vector<384x128xi1> to vector<384x128xi32>
    %convert_element_type3A_1215 = arith.sitofp %convert_element_type3A_1214 : vector<384x128xi32> to vector<384x128xf32>
    %dot_general3A_1216 = arith.constant dense<0.000000e+00> : vector<384x128xf32>
    %dot_general3A_1217 = tpu.matmul %convert_element_type3A_1215, %convert_element_type3A_1189, %dot_general3A_1216 {dimension_numbers = #tpu.dot_dimension_numbers<[1], [0], [0], [1], [0, 0, 1, 1], [], []>, transpose_lhs_hint = false} : vector<384x128xf32>, vector<128x128xf32>, vector<384x128xf32> -> vector<384x128xf32>
    %reduce_sum3A_1218 = arith.constant dense<0.000000e+00> : vector<384xf32>
    %reduce_sum3A_1219 = vector.multi_reduction <add>, %convert_element_type3A_1215, %reduce_sum3A_1218 [1] : vector<384x128xf32> to vector<384xf32>
    %broadcast_in_dim3A_1220 = vector.shape_cast %reduce_sum3A_1219 : vector<384xf32> to vector<384x1xf32>
    %mul3A_1221 = vector.broadcast %broadcast_in_dim3A_1220 : vector<384x1xf32> to vector<384x384xf32>
    %mul3A_1222 = arith.mulf %convert_element_type3A_1194, %mul3A_1221 : vector<384x384xf32>
    %reduce_sum3A_1223 = arith.constant dense<0.000000e+00> : vector<384xf32>
    %reduce_sum3A_1224 = vector.multi_reduction <add>, %mul3A_1222, %reduce_sum3A_1223 [0] : vector<384x384xf32> to vector<384xf32>
    %broadcast_in_dim3A_1225 = vector.shape_cast %reduce_sum3A_1224 : vector<384xf32> to vector<1x384xf32>
    %transpose3A_1226 = tpu.transpose %broadcast_in_dim3A_1225, [1, 0] : vector<1x384xf32> -> vector<384x1xf32>
    %transpose3A_1227 = tpu.transpose %transpose3A_1226, [1, 0] : vector<384x1xf32> -> vector<1x384xf32>
    %iota3A_1228 = tpu.iota {dimensions = array<i32: 0>} : vector<384x1xi32>
    %convert_element_type3A_1229 = arith.sitofp %iota3A_1228 : vector<384x1xi32> to vector<384x1xf32>
    %le3A_1230 = vector.broadcast %transpose3A_1227 : vector<1x384xf32> to vector<384x384xf32>
    %le3A_1231 = vector.broadcast %convert_element_type3A_1229 : vector<384x1xf32> to vector<384x384xf32>
    %le3A_1232 = arith.cmpf ole, %le3A_1230, %le3A_1231 : vector<384x384xf32>
    %convert_element_type3A_1233 = arith.extui %le3A_1232 : vector<384x384xi1> to vector<384x384xi32>
    %convert_element_type3A_1234 = arith.sitofp %convert_element_type3A_1233 : vector<384x384xi32> to vector<384x384xf32>
    %reduce_sum3A_1235 = arith.constant dense<0.000000e+00> : vector<384xf32>
    %reduce_sum3A_1236 = vector.multi_reduction <add>, %convert_element_type3A_1234, %reduce_sum3A_1235 [1] : vector<384x384xf32> to vector<384xf32>
    %broadcast_in_dim3A_1237 = vector.shape_cast %reduce_sum3A_1236 : vector<384xf32> to vector<384x1xf32>
    %sub3A_1238 = arith.constant 1.000000e+00 : f32
    %sub3A_1239 = vector.broadcast %sub3A_1238 : f32 to vector<384x1xf32>
    %sub3A_1240 = arith.subf %broadcast_in_dim3A_1237, %sub3A_1239 : vector<384x1xf32>
    %iota3A_1241 = tpu.iota {dimensions = array<i32: 1>} : vector<384x384xi32>
    %convert_element_type3A_1242 = arith.sitofp %iota3A_1241 : vector<384x384xi32> to vector<384x384xf32>
    %eq3A_1243 = vector.broadcast %sub3A_1240 : vector<384x1xf32> to vector<384x384xf32>
    %eq3A_1244 = arith.cmpf oeq, %convert_element_type3A_1242, %eq3A_1243 : vector<384x384xf32>
    %convert_element_type3A_1245 = arith.extui %eq3A_1244 : vector<384x384xi1> to vector<384x384xi32>
    %convert_element_type3A_1246 = arith.sitofp %convert_element_type3A_1245 : vector<384x384xi32> to vector<384x384xf32>
    %mul3A_1247 = vector.broadcast %transpose3A_1227 : vector<1x384xf32> to vector<384x384xf32>
    %mul3A_1248 = arith.mulf %convert_element_type3A_1246, %mul3A_1247 : vector<384x384xf32>
    %reduce_sum3A_1249 = arith.constant dense<0.000000e+00> : vector<384xf32>
    %reduce_sum3A_1250 = vector.multi_reduction <add>, %mul3A_1248, %reduce_sum3A_1249 [1] : vector<384x384xf32> to vector<384xf32>
    %broadcast_in_dim3A_1251 = vector.shape_cast %reduce_sum3A_1250 : vector<384xf32> to vector<384x1xf32>
    %sub3A_1252 = arith.subf %convert_element_type3A_1229, %broadcast_in_dim3A_1251 : vector<384x1xf32>
    %dot_general3A_1253 = arith.constant dense<0.000000e+00> : vector<384x128xf32>
    %dot_general3A_1254 = tpu.matmul %convert_element_type3A_1246, %dot_general3A_1217, %dot_general3A_1253 {dimension_numbers = #tpu.dot_dimension_numbers<[1], [0], [0], [1], [0, 0, 1, 1], [], []>, transpose_lhs_hint = false} : vector<384x384xf32>, vector<384x128xf32>, vector<384x128xf32> -> vector<384x128xf32>
    %dot_general3A_1255 = arith.constant dense<0.000000e+00> : vector<384x128xf32>
    %dot_general3A_1256 = tpu.matmul %convert_element_type3A_1246, %convert_element_type3A_1215, %dot_general3A_1255 {dimension_numbers = #tpu.dot_dimension_numbers<[1], [0], [0], [1], [0, 0, 1, 1], [], []>, transpose_lhs_hint = false} : vector<384x384xf32>, vector<384x128xf32>, vector<384x128xf32> -> vector<384x128xf32>
    %iota3A_1257 = tpu.iota {dimensions = array<i32: 1>} : vector<384x128xi32>
    %convert_element_type3A_1258 = arith.sitofp %iota3A_1257 : vector<384x128xi32> to vector<384x128xf32>
    %eq3A_1259 = vector.broadcast %sub3A_1252 : vector<384x1xf32> to vector<384x128xf32>
    %eq3A_1260 = arith.cmpf oeq, %dot_general3A_1254, %eq3A_1259 : vector<384x128xf32>
    %convert_element_type3A_1261 = arith.extui %eq3A_1260 : vector<384x128xi1> to vector<384x128xi32>
    %convert_element_type3A_1262 = arith.sitofp %convert_element_type3A_1261 : vector<384x128xi32> to vector<384x128xf32>
    %mul3A_1263 = arith.mulf %dot_general3A_1256, %convert_element_type3A_1262 : vector<384x128xf32>
    %mul3A_1264 = arith.constant 1.280000e+02 : f32
    %mul3A_1265 = vector.broadcast %mul3A_1264 : f32 to vector<384x1xf32>
    %mul3A_1266 = arith.mulf %sub3A_1240, %mul3A_1265 : vector<384x1xf32>
    %add3A_1267 = vector.broadcast %mul3A_1266 : vector<384x1xf32> to vector<384x128xf32>
    %add3A_1268 = arith.addf %add3A_1267, %convert_element_type3A_1258 : vector<384x128xf32>
    %mul3A_1269 = arith.mulf %mul3A_1263, %add3A_1268 : vector<384x128xf32>
    %reduce_sum3A_1270 = arith.constant dense<0.000000e+00> : vector<384xf32>
    %reduce_sum3A_1271 = vector.multi_reduction <add>, %mul3A_1269, %reduce_sum3A_1270 [1] : vector<384x128xf32> to vector<384xf32>
    %broadcast_in_dim3A_1272 = vector.shape_cast %reduce_sum3A_1271 : vector<384xf32> to vector<384x1xf32>
    %convert_element_type3A_1273 = arith.fptosi %broadcast_in_dim3A_1272 : vector<384x1xf32> to vector<384x1xi32>
    %transpose3A_1274 = tpu.transpose %convert_element_type3A_1273, [1, 0] : vector<384x1xi32> -> vector<1x384xi32>
    %swap3A_1275 = arith.constant 7 : index
    %swap3A_1276 = arith.constant 0 : index
    %swap3A_1277 = arith.constant 0 : index
    %swap3A_1278 = vector.load %arg2[%swap3A_1275, %swap3A_1276, %swap3A_1277] : memref<8x1x384xi32, #tpu.memory_space<vmem>>, vector<1x1x384xi32>
    %swap3A_1279 = vector.shape_cast %swap3A_1278 : vector<1x1x384xi32> to vector<1x384xi32>
    %swap3A_1280 = vector.shape_cast %transpose3A_1274 : vector<1x384xi32> to vector<1x1x384xi32>
    tpu.vector_store %arg2[%swap3A_1275, %swap3A_1276, %swap3A_1277], %swap3A_1280 {strides = array<i32>} : memref<8x1x384xi32, #tpu.memory_space<vmem>>, vector<1x1x384xi32>,
    return
  }
  func.func @transform_0(%arg0: i32) -> (i32, i32, i32) {
    %c0_i32 = arith.constant 0 : i32
    %c0_i32_0 = arith.constant 0 : i32
    %c0_i32_1 = arith.constant 0 : i32
    %c0_i32_2 = arith.constant 0 : i32
    return %c0_i32, %c0_i32_0, %c0_i32_1 : i32, i32, i32
  }
  func.func @transform_1(%arg0: i32) -> (i32, i32, i32) {
    %c0_i32 = arith.constant 0 : i32
    %c0_i32_0 = arith.constant 0 : i32
    %c0_i32_1 = arith.constant 0 : i32
    %c0_i32_2 = arith.constant 0 : i32
    return %c0_i32, %c0_i32_0, %c0_i32_1 : i32, i32, i32
  }
}

module attributes {stable_mosaic.version = 14 : i64} {
  func.func @_nms_body(%arg0: i32, %arg1: memref<1x240x128xf32, #tpu.memory_space<vmem>>, %arg2: memref<1x1x384xf32, #tpu.memory_space<vmem>>, %arg3: memref<1x1x384xf32, #tpu.memory_space<vmem>>, %arg4: memref<1x1x384xf32, #tpu.memory_space<vmem>>, %arg5: memref<1x1x384xf32, #tpu.memory_space<vmem>>, %arg6: memref<1x1x384xf32, #tpu.memory_space<vmem>>, %arg7: memref<1x1x384xf32, #tpu.memory_space<vmem>>, %arg8: memref<1x1x384xf32, #tpu.memory_space<vmem>>, %arg9: memref<1x1x384xf32, #tpu.memory_space<vmem>>, %arg10: memref<1x384x8xf32, #tpu.memory_space<vmem>>) attributes {dimension_semantics = [#tpu.dimension_semantics<arbitrary>], iteration_bounds = array<i64: 8>, scalar_prefetch = 0 : i64, scratch_operands = 0 : i64, tpu.core_type = #tpu.core_type<tc>, window_params = [{transform_indices = @transform_0, window_bounds = array<i64: 1, 240, 128>}, {transform_indices = @transform_1, window_bounds = array<i64: 1, 1, 384>}, {transform_indices = @transform_2, window_bounds = array<i64: 1, 1, 384>}, {transform_indices = @transform_3, window_bounds = array<i64: 1, 1, 384>}, {transform_indices = @transform_4, window_bounds = array<i64: 1, 1, 384>}, {transform_indices = @transform_5, window_bounds = array<i64: 1, 1, 384>}, {transform_indices = @transform_6, window_bounds = array<i64: 1, 1, 384>}, {transform_indices = @transform_7, window_bounds = array<i64: 1, 1, 384>}, {transform_indices = @transform_8, window_bounds = array<i64: 1, 1, 384>}, {transform_indices = @transform_9, window_bounds = array<i64: 1, 384, 8>}]} {
    %get3A = arith.constant 0 : index
    %get3A_0 = arith.constant 0 : index
    %get3A_1 = arith.constant 0 : index
    %get3A_2 = vector.load %arg1[%get3A, %get3A_0, %get3A_1] : memref<1x240x128xf32, #tpu.memory_space<vmem>>, vector<1x240x128xf32>
    %get3A_3 = vector.shape_cast %get3A_2 : vector<1x240x128xf32> to vector<240x128xf32>
    %broadcast_in_dim3A = vector.shape_cast %get3A_3 : vector<240x128xf32> to vector<1x240x128xf32>
    %bitcast_convert_type3A = tpu.bitcast %broadcast_in_dim3A : vector<1x240x128xf32> -> vector<1x240x128xi32>
    %shift_right_arithmetic3A = arith.constant 31 : i32
    %shift_right_arithmetic3A_4 = vector.broadcast %shift_right_arithmetic3A : i32 to vector<1x240x128xi32>
    %shift_right_arithmetic3A_5 = arith.shrsi %bitcast_convert_type3A, %shift_right_arithmetic3A_4 : vector<1x240x128xi32>
    %and3A = arith.constant 2147483647 : i32
    %and3A_6 = vector.broadcast %and3A : i32 to vector<1x240x128xi32>
    %and3A_7 = arith.andi %shift_right_arithmetic3A_5, %and3A_6 : vector<1x240x128xi32>
    %xor3A = arith.xori %bitcast_convert_type3A, %and3A_7 : vector<1x240x128xi32>
    %bitcast_convert_type3A_8 = tpu.bitcast %xor3A : vector<1x240x128xi32> -> vector<1x240x128xi32>
    %xor3A_9 = arith.constant -2147483648 : i32
    %xor3A_10 = vector.broadcast %xor3A_9 : i32 to vector<1x240x128xi32>
    %xor3A_11 = arith.xori %bitcast_convert_type3A_8, %xor3A_10 : vector<1x240x128xi32>
    %iota3A = tpu.iota {dimensions = array<i32: 1>} : vector<1x240x128xi32>
    %iota3A_12 = tpu.iota {dimensions = array<i32: 2>} : vector<1x240x128xi32>
    %mul3A = arith.constant 128 : i32
    %mul3A_13 = vector.broadcast %mul3A : i32 to vector<1x240x128xi32>
    %mul3A_14 = arith.muli %iota3A, %mul3A_13 : vector<1x240x128xi32>
    %add3A = arith.addi %mul3A_14, %iota3A_12 : vector<1x240x128xi32>
    %lt3A = arith.constant 30720 : i32
    %lt3A_15 = vector.broadcast %lt3A : i32 to vector<1x240x128xi32>
    %lt3A_16 = arith.cmpi slt, %add3A, %lt3A_15 : vector<1x240x128xi32>
    %jit3A = arith.constant 0 : i32
    %broadcast_in_dim3A_17 = vector.broadcast %jit3A : i32 to vector<1x240x128xi32>
    %select_n3A = arith.select %lt3A_16, %xor3A_11, %broadcast_in_dim3A_17 : vector<1x240x128xi1>, vector<1x240x128xi32>
    %broadcast_in_dim3A_18 = arith.constant 0 : i32
    %broadcast_in_dim3A_19 = vector.broadcast %broadcast_in_dim3A_18 : i32 to vector<1x1x1xi32>
    %or3A = arith.constant -2147483648 : i32
    %or3A_20 = vector.broadcast %or3A : i32 to vector<1x1x1xi32>
    %or3A_21 = arith.ori %broadcast_in_dim3A_19, %or3A_20 : vector<1x1x1xi32>
    %ge3A = vector.broadcast %or3A_21 : vector<1x1x1xi32> to vector<1x240x128xi32>
    %ge3A_22 = arith.cmpi uge, %select_n3A, %ge3A : vector<1x240x128xi32>
    %convert_element_type3A = arith.extui %ge3A_22 : vector<1x240x128xi1> to vector<1x240x128xi32>
    %convert_element_type3A_23 = arith.sitofp %convert_element_type3A : vector<1x240x128xi32> to vector<1x240x128xf32>
    %reduce_sum3A = arith.constant dense<0.000000e+00> : vector<1xf32>
    %reduce_sum3A_24 = vector.multi_reduction <add>, %convert_element_type3A_23, %reduce_sum3A [1, 2] : vector<1x240x128xf32> to vector<1xf32>
    %broadcast_in_dim3A_25 = vector.shape_cast %reduce_sum3A_24 : vector<1xf32> to vector<1x1x1xf32>
    %ge3A_26 = arith.constant 3.000000e+02 : f32
    %ge3A_27 = vector.broadcast %ge3A_26 : f32 to vector<1x1x1xf32>
    %ge3A_28 = arith.cmpf oge, %broadcast_in_dim3A_25, %ge3A_27 : vector<1x1x1xf32>
    %select_n3A_29 = arith.select %ge3A_28, %or3A_21, %broadcast_in_dim3A_19 : vector<1x1x1xi1>, vector<1x1x1xi32>
    %or3A_30 = arith.constant 1073741824 : i32
    %or3A_31 = vector.broadcast %or3A_30 : i32 to vector<1x1x1xi32>
    %or3A_32 = arith.ori %select_n3A_29, %or3A_31 : vector<1x1x1xi32>
    %ge3A_33 = vector.broadcast %or3A_32 : vector<1x1x1xi32> to vector<1x240x128xi32>
    %ge3A_34 = arith.cmpi uge, %select_n3A, %ge3A_33 : vector<1x240x128xi32>
    %convert_element_type3A_35 = arith.extui %ge3A_34 : vector<1x240x128xi1> to vector<1x240x128xi32>
    %convert_element_type3A_36 = arith.sitofp %convert_element_type3A_35 : vector<1x240x128xi32> to vector<1x240x128xf32>
    %reduce_sum3A_37 = arith.constant dense<0.000000e+00> : vector<1xf32>
    %reduce_sum3A_38 = vector.multi_reduction <add>, %convert_element_type3A_36, %reduce_sum3A_37 [1, 2] : vector<1x240x128xf32> to vector<1xf32>
    %broadcast_in_dim3A_39 = vector.shape_cast %reduce_sum3A_38 : vector<1xf32> to vector<1x1x1xf32>
    %ge3A_40 = arith.constant 3.000000e+02 : f32
    %ge3A_41 = vector.broadcast %ge3A_40 : f32 to vector<1x1x1xf32>
    %ge3A_42 = arith.cmpf oge, %broadcast_in_dim3A_39, %ge3A_41 : vector<1x1x1xf32>
    %select_n3A_43 = arith.select %ge3A_42, %or3A_32, %select_n3A_29 : vector<1x1x1xi1>, vector<1x1x1xi32>
    %or3A_44 = arith.constant 536870912 : i32
    %or3A_45 = vector.broadcast %or3A_44 : i32 to vector<1x1x1xi32>
    %or3A_46 = arith.ori %select_n3A_43, %or3A_45 : vector<1x1x1xi32>
    %ge3A_47 = vector.broadcast %or3A_46 : vector<1x1x1xi32> to vector<1x240x128xi32>
    %ge3A_48 = arith.cmpi uge, %select_n3A, %ge3A_47 : vector<1x240x128xi32>
    %convert_element_type3A_49 = arith.extui %ge3A_48 : vector<1x240x128xi1> to vector<1x240x128xi32>
    %convert_element_type3A_50 = arith.sitofp %convert_element_type3A_49 : vector<1x240x128xi32> to vector<1x240x128xf32>
    %reduce_sum3A_51 = arith.constant dense<0.000000e+00> : vector<1xf32>
    %reduce_sum3A_52 = vector.multi_reduction <add>, %convert_element_type3A_50, %reduce_sum3A_51 [1, 2] : vector<1x240x128xf32> to vector<1xf32>
    %broadcast_in_dim3A_53 = vector.shape_cast %reduce_sum3A_52 : vector<1xf32> to vector<1x1x1xf32>
    %ge3A_54 = arith.constant 3.000000e+02 : f32
    %ge3A_55 = vector.broadcast %ge3A_54 : f32 to vector<1x1x1xf32>
    %ge3A_56 = arith.cmpf oge, %broadcast_in_dim3A_53, %ge3A_55 : vector<1x1x1xf32>
    %select_n3A_57 = arith.select %ge3A_56, %or3A_46, %select_n3A_43 : vector<1x1x1xi1>, vector<1x1x1xi32>
    %or3A_58 = arith.constant 268435456 : i32
    %or3A_59 = vector.broadcast %or3A_58 : i32 to vector<1x1x1xi32>
    %or3A_60 = arith.ori %select_n3A_57, %or3A_59 : vector<1x1x1xi32>
    %ge3A_61 = vector.broadcast %or3A_60 : vector<1x1x1xi32> to vector<1x240x128xi32>
    %ge3A_62 = arith.cmpi uge, %select_n3A, %ge3A_61 : vector<1x240x128xi32>
    %convert_element_type3A_63 = arith.extui %ge3A_62 : vector<1x240x128xi1> to vector<1x240x128xi32>
    %convert_element_type3A_64 = arith.sitofp %convert_element_type3A_63 : vector<1x240x128xi32> to vector<1x240x128xf32>
    %reduce_sum3A_65 = arith.constant dense<0.000000e+00> : vector<1xf32>
    %reduce_sum3A_66 = vector.multi_reduction <add>, %convert_element_type3A_64, %reduce_sum3A_65 [1, 2] : vector<1x240x128xf32> to vector<1xf32>
    %broadcast_in_dim3A_67 = vector.shape_cast %reduce_sum3A_66 : vector<1xf32> to vector<1x1x1xf32>
    %ge3A_68 = arith.constant 3.000000e+02 : f32
    %ge3A_69 = vector.broadcast %ge3A_68 : f32 to vector<1x1x1xf32>
    %ge3A_70 = arith.cmpf oge, %broadcast_in_dim3A_67, %ge3A_69 : vector<1x1x1xf32>
    %select_n3A_71 = arith.select %ge3A_70, %or3A_60, %select_n3A_57 : vector<1x1x1xi1>, vector<1x1x1xi32>
    %or3A_72 = arith.constant 134217728 : i32
    %or3A_73 = vector.broadcast %or3A_72 : i32 to vector<1x1x1xi32>
    %or3A_74 = arith.ori %select_n3A_71, %or3A_73 : vector<1x1x1xi32>
    %ge3A_75 = vector.broadcast %or3A_74 : vector<1x1x1xi32> to vector<1x240x128xi32>
    %ge3A_76 = arith.cmpi uge, %select_n3A, %ge3A_75 : vector<1x240x128xi32>
    %convert_element_type3A_77 = arith.extui %ge3A_76 : vector<1x240x128xi1> to vector<1x240x128xi32>
    %convert_element_type3A_78 = arith.sitofp %convert_element_type3A_77 : vector<1x240x128xi32> to vector<1x240x128xf32>
    %reduce_sum3A_79 = arith.constant dense<0.000000e+00> : vector<1xf32>
    %reduce_sum3A_80 = vector.multi_reduction <add>, %convert_element_type3A_78, %reduce_sum3A_79 [1, 2] : vector<1x240x128xf32> to vector<1xf32>
    %broadcast_in_dim3A_81 = vector.shape_cast %reduce_sum3A_80 : vector<1xf32> to vector<1x1x1xf32>
    %ge3A_82 = arith.constant 3.000000e+02 : f32
    %ge3A_83 = vector.broadcast %ge3A_82 : f32 to vector<1x1x1xf32>
    %ge3A_84 = arith.cmpf oge, %broadcast_in_dim3A_81, %ge3A_83 : vector<1x1x1xf32>
    %select_n3A_85 = arith.select %ge3A_84, %or3A_74, %select_n3A_71 : vector<1x1x1xi1>, vector<1x1x1xi32>
    %or3A_86 = arith.constant 67108864 : i32
    %or3A_87 = vector.broadcast %or3A_86 : i32 to vector<1x1x1xi32>
    %or3A_88 = arith.ori %select_n3A_85, %or3A_87 : vector<1x1x1xi32>
    %ge3A_89 = vector.broadcast %or3A_88 : vector<1x1x1xi32> to vector<1x240x128xi32>
    %ge3A_90 = arith.cmpi uge, %select_n3A, %ge3A_89 : vector<1x240x128xi32>
    %convert_element_type3A_91 = arith.extui %ge3A_90 : vector<1x240x128xi1> to vector<1x240x128xi32>
    %convert_element_type3A_92 = arith.sitofp %convert_element_type3A_91 : vector<1x240x128xi32> to vector<1x240x128xf32>
    %reduce_sum3A_93 = arith.constant dense<0.000000e+00> : vector<1xf32>
    %reduce_sum3A_94 = vector.multi_reduction <add>, %convert_element_type3A_92, %reduce_sum3A_93 [1, 2] : vector<1x240x128xf32> to vector<1xf32>
    %broadcast_in_dim3A_95 = vector.shape_cast %reduce_sum3A_94 : vector<1xf32> to vector<1x1x1xf32>
    %ge3A_96 = arith.constant 3.000000e+02 : f32
    %ge3A_97 = vector.broadcast %ge3A_96 : f32 to vector<1x1x1xf32>
    %ge3A_98 = arith.cmpf oge, %broadcast_in_dim3A_95, %ge3A_97 : vector<1x1x1xf32>
    %select_n3A_99 = arith.select %ge3A_98, %or3A_88, %select_n3A_85 : vector<1x1x1xi1>, vector<1x1x1xi32>
    %or3A_100 = arith.constant 33554432 : i32
    %or3A_101 = vector.broadcast %or3A_100 : i32 to vector<1x1x1xi32>
    %or3A_102 = arith.ori %select_n3A_99, %or3A_101 : vector<1x1x1xi32>
    %ge3A_103 = vector.broadcast %or3A_102 : vector<1x1x1xi32> to vector<1x240x128xi32>
    %ge3A_104 = arith.cmpi uge, %select_n3A, %ge3A_103 : vector<1x240x128xi32>
    %convert_element_type3A_105 = arith.extui %ge3A_104 : vector<1x240x128xi1> to vector<1x240x128xi32>
    %convert_element_type3A_106 = arith.sitofp %convert_element_type3A_105 : vector<1x240x128xi32> to vector<1x240x128xf32>
    %reduce_sum3A_107 = arith.constant dense<0.000000e+00> : vector<1xf32>
    %reduce_sum3A_108 = vector.multi_reduction <add>, %convert_element_type3A_106, %reduce_sum3A_107 [1, 2] : vector<1x240x128xf32> to vector<1xf32>
    %broadcast_in_dim3A_109 = vector.shape_cast %reduce_sum3A_108 : vector<1xf32> to vector<1x1x1xf32>
    %ge3A_110 = arith.constant 3.000000e+02 : f32
    %ge3A_111 = vector.broadcast %ge3A_110 : f32 to vector<1x1x1xf32>
    %ge3A_112 = arith.cmpf oge, %broadcast_in_dim3A_109, %ge3A_111 : vector<1x1x1xf32>
    %select_n3A_113 = arith.select %ge3A_112, %or3A_102, %select_n3A_99 : vector<1x1x1xi1>, vector<1x1x1xi32>
    %or3A_114 = arith.constant 16777216 : i32
    %or3A_115 = vector.broadcast %or3A_114 : i32 to vector<1x1x1xi32>
    %or3A_116 = arith.ori %select_n3A_113, %or3A_115 : vector<1x1x1xi32>
    %ge3A_117 = vector.broadcast %or3A_116 : vector<1x1x1xi32> to vector<1x240x128xi32>
    %ge3A_118 = arith.cmpi uge, %select_n3A, %ge3A_117 : vector<1x240x128xi32>
    %convert_element_type3A_119 = arith.extui %ge3A_118 : vector<1x240x128xi1> to vector<1x240x128xi32>
    %convert_element_type3A_120 = arith.sitofp %convert_element_type3A_119 : vector<1x240x128xi32> to vector<1x240x128xf32>
    %reduce_sum3A_121 = arith.constant dense<0.000000e+00> : vector<1xf32>
    %reduce_sum3A_122 = vector.multi_reduction <add>, %convert_element_type3A_120, %reduce_sum3A_121 [1, 2] : vector<1x240x128xf32> to vector<1xf32>
    %broadcast_in_dim3A_123 = vector.shape_cast %reduce_sum3A_122 : vector<1xf32> to vector<1x1x1xf32>
    %ge3A_124 = arith.constant 3.000000e+02 : f32
    %ge3A_125 = vector.broadcast %ge3A_124 : f32 to vector<1x1x1xf32>
    %ge3A_126 = arith.cmpf oge, %broadcast_in_dim3A_123, %ge3A_125 : vector<1x1x1xf32>
    %select_n3A_127 = arith.select %ge3A_126, %or3A_116, %select_n3A_113 : vector<1x1x1xi1>, vector<1x1x1xi32>
    %or3A_128 = arith.constant 8388608 : i32
    %or3A_129 = vector.broadcast %or3A_128 : i32 to vector<1x1x1xi32>
    %or3A_130 = arith.ori %select_n3A_127, %or3A_129 : vector<1x1x1xi32>
    %ge3A_131 = vector.broadcast %or3A_130 : vector<1x1x1xi32> to vector<1x240x128xi32>
    %ge3A_132 = arith.cmpi uge, %select_n3A, %ge3A_131 : vector<1x240x128xi32>
    %convert_element_type3A_133 = arith.extui %ge3A_132 : vector<1x240x128xi1> to vector<1x240x128xi32>
    %convert_element_type3A_134 = arith.sitofp %convert_element_type3A_133 : vector<1x240x128xi32> to vector<1x240x128xf32>
    %reduce_sum3A_135 = arith.constant dense<0.000000e+00> : vector<1xf32>
    %reduce_sum3A_136 = vector.multi_reduction <add>, %convert_element_type3A_134, %reduce_sum3A_135 [1, 2] : vector<1x240x128xf32> to vector<1xf32>
    %broadcast_in_dim3A_137 = vector.shape_cast %reduce_sum3A_136 : vector<1xf32> to vector<1x1x1xf32>
    %ge3A_138 = arith.constant 3.000000e+02 : f32
    %ge3A_139 = vector.broadcast %ge3A_138 : f32 to vector<1x1x1xf32>
    %ge3A_140 = arith.cmpf oge, %broadcast_in_dim3A_137, %ge3A_139 : vector<1x1x1xf32>
    %select_n3A_141 = arith.select %ge3A_140, %or3A_130, %select_n3A_127 : vector<1x1x1xi1>, vector<1x1x1xi32>
    %or3A_142 = arith.constant 4194304 : i32
    %or3A_143 = vector.broadcast %or3A_142 : i32 to vector<1x1x1xi32>
    %or3A_144 = arith.ori %select_n3A_141, %or3A_143 : vector<1x1x1xi32>
    %ge3A_145 = vector.broadcast %or3A_144 : vector<1x1x1xi32> to vector<1x240x128xi32>
    %ge3A_146 = arith.cmpi uge, %select_n3A, %ge3A_145 : vector<1x240x128xi32>
    %convert_element_type3A_147 = arith.extui %ge3A_146 : vector<1x240x128xi1> to vector<1x240x128xi32>
    %convert_element_type3A_148 = arith.sitofp %convert_element_type3A_147 : vector<1x240x128xi32> to vector<1x240x128xf32>
    %reduce_sum3A_149 = arith.constant dense<0.000000e+00> : vector<1xf32>
    %reduce_sum3A_150 = vector.multi_reduction <add>, %convert_element_type3A_148, %reduce_sum3A_149 [1, 2] : vector<1x240x128xf32> to vector<1xf32>
    %broadcast_in_dim3A_151 = vector.shape_cast %reduce_sum3A_150 : vector<1xf32> to vector<1x1x1xf32>
    %ge3A_152 = arith.constant 3.000000e+02 : f32
    %ge3A_153 = vector.broadcast %ge3A_152 : f32 to vector<1x1x1xf32>
    %ge3A_154 = arith.cmpf oge, %broadcast_in_dim3A_151, %ge3A_153 : vector<1x1x1xf32>
    %select_n3A_155 = arith.select %ge3A_154, %or3A_144, %select_n3A_141 : vector<1x1x1xi1>, vector<1x1x1xi32>
    %or3A_156 = arith.constant 2097152 : i32
    %or3A_157 = vector.broadcast %or3A_156 : i32 to vector<1x1x1xi32>
    %or3A_158 = arith.ori %select_n3A_155, %or3A_157 : vector<1x1x1xi32>
    %ge3A_159 = vector.broadcast %or3A_158 : vector<1x1x1xi32> to vector<1x240x128xi32>
    %ge3A_160 = arith.cmpi uge, %select_n3A, %ge3A_159 : vector<1x240x128xi32>
    %convert_element_type3A_161 = arith.extui %ge3A_160 : vector<1x240x128xi1> to vector<1x240x128xi32>
    %convert_element_type3A_162 = arith.sitofp %convert_element_type3A_161 : vector<1x240x128xi32> to vector<1x240x128xf32>
    %reduce_sum3A_163 = arith.constant dense<0.000000e+00> : vector<1xf32>
    %reduce_sum3A_164 = vector.multi_reduction <add>, %convert_element_type3A_162, %reduce_sum3A_163 [1, 2] : vector<1x240x128xf32> to vector<1xf32>
    %broadcast_in_dim3A_165 = vector.shape_cast %reduce_sum3A_164 : vector<1xf32> to vector<1x1x1xf32>
    %ge3A_166 = arith.constant 3.000000e+02 : f32
    %ge3A_167 = vector.broadcast %ge3A_166 : f32 to vector<1x1x1xf32>
    %ge3A_168 = arith.cmpf oge, %broadcast_in_dim3A_165, %ge3A_167 : vector<1x1x1xf32>
    %select_n3A_169 = arith.select %ge3A_168, %or3A_158, %select_n3A_155 : vector<1x1x1xi1>, vector<1x1x1xi32>
    %or3A_170 = arith.constant 1048576 : i32
    %or3A_171 = vector.broadcast %or3A_170 : i32 to vector<1x1x1xi32>
    %or3A_172 = arith.ori %select_n3A_169, %or3A_171 : vector<1x1x1xi32>
    %ge3A_173 = vector.broadcast %or3A_172 : vector<1x1x1xi32> to vector<1x240x128xi32>
    %ge3A_174 = arith.cmpi uge, %select_n3A, %ge3A_173 : vector<1x240x128xi32>
    %convert_element_type3A_175 = arith.extui %ge3A_174 : vector<1x240x128xi1> to vector<1x240x128xi32>
    %convert_element_type3A_176 = arith.sitofp %convert_element_type3A_175 : vector<1x240x128xi32> to vector<1x240x128xf32>
    %reduce_sum3A_177 = arith.constant dense<0.000000e+00> : vector<1xf32>
    %reduce_sum3A_178 = vector.multi_reduction <add>, %convert_element_type3A_176, %reduce_sum3A_177 [1, 2] : vector<1x240x128xf32> to vector<1xf32>
    %broadcast_in_dim3A_179 = vector.shape_cast %reduce_sum3A_178 : vector<1xf32> to vector<1x1x1xf32>
    %ge3A_180 = arith.constant 3.000000e+02 : f32
    %ge3A_181 = vector.broadcast %ge3A_180 : f32 to vector<1x1x1xf32>
    %ge3A_182 = arith.cmpf oge, %broadcast_in_dim3A_179, %ge3A_181 : vector<1x1x1xf32>
    %select_n3A_183 = arith.select %ge3A_182, %or3A_172, %select_n3A_169 : vector<1x1x1xi1>, vector<1x1x1xi32>
    %or3A_184 = arith.constant 524288 : i32
    %or3A_185 = vector.broadcast %or3A_184 : i32 to vector<1x1x1xi32>
    %or3A_186 = arith.ori %select_n3A_183, %or3A_185 : vector<1x1x1xi32>
    %ge3A_187 = vector.broadcast %or3A_186 : vector<1x1x1xi32> to vector<1x240x128xi32>
    %ge3A_188 = arith.cmpi uge, %select_n3A, %ge3A_187 : vector<1x240x128xi32>
    %convert_element_type3A_189 = arith.extui %ge3A_188 : vector<1x240x128xi1> to vector<1x240x128xi32>
    %convert_element_type3A_190 = arith.sitofp %convert_element_type3A_189 : vector<1x240x128xi32> to vector<1x240x128xf32>
    %reduce_sum3A_191 = arith.constant dense<0.000000e+00> : vector<1xf32>
    %reduce_sum3A_192 = vector.multi_reduction <add>, %convert_element_type3A_190, %reduce_sum3A_191 [1, 2] : vector<1x240x128xf32> to vector<1xf32>
    %broadcast_in_dim3A_193 = vector.shape_cast %reduce_sum3A_192 : vector<1xf32> to vector<1x1x1xf32>
    %ge3A_194 = arith.constant 3.000000e+02 : f32
    %ge3A_195 = vector.broadcast %ge3A_194 : f32 to vector<1x1x1xf32>
    %ge3A_196 = arith.cmpf oge, %broadcast_in_dim3A_193, %ge3A_195 : vector<1x1x1xf32>
    %select_n3A_197 = arith.select %ge3A_196, %or3A_186, %select_n3A_183 : vector<1x1x1xi1>, vector<1x1x1xi32>
    %or3A_198 = arith.constant 262144 : i32
    %or3A_199 = vector.broadcast %or3A_198 : i32 to vector<1x1x1xi32>
    %or3A_200 = arith.ori %select_n3A_197, %or3A_199 : vector<1x1x1xi32>
    %ge3A_201 = vector.broadcast %or3A_200 : vector<1x1x1xi32> to vector<1x240x128xi32>
    %ge3A_202 = arith.cmpi uge, %select_n3A, %ge3A_201 : vector<1x240x128xi32>
    %convert_element_type3A_203 = arith.extui %ge3A_202 : vector<1x240x128xi1> to vector<1x240x128xi32>
    %convert_element_type3A_204 = arith.sitofp %convert_element_type3A_203 : vector<1x240x128xi32> to vector<1x240x128xf32>
    %reduce_sum3A_205 = arith.constant dense<0.000000e+00> : vector<1xf32>
    %reduce_sum3A_206 = vector.multi_reduction <add>, %convert_element_type3A_204, %reduce_sum3A_205 [1, 2] : vector<1x240x128xf32> to vector<1xf32>
    %broadcast_in_dim3A_207 = vector.shape_cast %reduce_sum3A_206 : vector<1xf32> to vector<1x1x1xf32>
    %ge3A_208 = arith.constant 3.000000e+02 : f32
    %ge3A_209 = vector.broadcast %ge3A_208 : f32 to vector<1x1x1xf32>
    %ge3A_210 = arith.cmpf oge, %broadcast_in_dim3A_207, %ge3A_209 : vector<1x1x1xf32>
    %select_n3A_211 = arith.select %ge3A_210, %or3A_200, %select_n3A_197 : vector<1x1x1xi1>, vector<1x1x1xi32>
    %or3A_212 = arith.constant 131072 : i32
    %or3A_213 = vector.broadcast %or3A_212 : i32 to vector<1x1x1xi32>
    %or3A_214 = arith.ori %select_n3A_211, %or3A_213 : vector<1x1x1xi32>
    %ge3A_215 = vector.broadcast %or3A_214 : vector<1x1x1xi32> to vector<1x240x128xi32>
    %ge3A_216 = arith.cmpi uge, %select_n3A, %ge3A_215 : vector<1x240x128xi32>
    %convert_element_type3A_217 = arith.extui %ge3A_216 : vector<1x240x128xi1> to vector<1x240x128xi32>
    %convert_element_type3A_218 = arith.sitofp %convert_element_type3A_217 : vector<1x240x128xi32> to vector<1x240x128xf32>
    %reduce_sum3A_219 = arith.constant dense<0.000000e+00> : vector<1xf32>
    %reduce_sum3A_220 = vector.multi_reduction <add>, %convert_element_type3A_218, %reduce_sum3A_219 [1, 2] : vector<1x240x128xf32> to vector<1xf32>
    %broadcast_in_dim3A_221 = vector.shape_cast %reduce_sum3A_220 : vector<1xf32> to vector<1x1x1xf32>
    %ge3A_222 = arith.constant 3.000000e+02 : f32
    %ge3A_223 = vector.broadcast %ge3A_222 : f32 to vector<1x1x1xf32>
    %ge3A_224 = arith.cmpf oge, %broadcast_in_dim3A_221, %ge3A_223 : vector<1x1x1xf32>
    %select_n3A_225 = arith.select %ge3A_224, %or3A_214, %select_n3A_211 : vector<1x1x1xi1>, vector<1x1x1xi32>
    %or3A_226 = arith.constant 65536 : i32
    %or3A_227 = vector.broadcast %or3A_226 : i32 to vector<1x1x1xi32>
    %or3A_228 = arith.ori %select_n3A_225, %or3A_227 : vector<1x1x1xi32>
    %ge3A_229 = vector.broadcast %or3A_228 : vector<1x1x1xi32> to vector<1x240x128xi32>
    %ge3A_230 = arith.cmpi uge, %select_n3A, %ge3A_229 : vector<1x240x128xi32>
    %convert_element_type3A_231 = arith.extui %ge3A_230 : vector<1x240x128xi1> to vector<1x240x128xi32>
    %convert_element_type3A_232 = arith.sitofp %convert_element_type3A_231 : vector<1x240x128xi32> to vector<1x240x128xf32>
    %reduce_sum3A_233 = arith.constant dense<0.000000e+00> : vector<1xf32>
    %reduce_sum3A_234 = vector.multi_reduction <add>, %convert_element_type3A_232, %reduce_sum3A_233 [1, 2] : vector<1x240x128xf32> to vector<1xf32>
    %broadcast_in_dim3A_235 = vector.shape_cast %reduce_sum3A_234 : vector<1xf32> to vector<1x1x1xf32>
    %ge3A_236 = arith.constant 3.000000e+02 : f32
    %ge3A_237 = vector.broadcast %ge3A_236 : f32 to vector<1x1x1xf32>
    %ge3A_238 = arith.cmpf oge, %broadcast_in_dim3A_235, %ge3A_237 : vector<1x1x1xf32>
    %select_n3A_239 = arith.select %ge3A_238, %or3A_228, %select_n3A_225 : vector<1x1x1xi1>, vector<1x1x1xi32>
    %or3A_240 = arith.constant 32768 : i32
    %or3A_241 = vector.broadcast %or3A_240 : i32 to vector<1x1x1xi32>
    %or3A_242 = arith.ori %select_n3A_239, %or3A_241 : vector<1x1x1xi32>
    %ge3A_243 = vector.broadcast %or3A_242 : vector<1x1x1xi32> to vector<1x240x128xi32>
    %ge3A_244 = arith.cmpi uge, %select_n3A, %ge3A_243 : vector<1x240x128xi32>
    %convert_element_type3A_245 = arith.extui %ge3A_244 : vector<1x240x128xi1> to vector<1x240x128xi32>
    %convert_element_type3A_246 = arith.sitofp %convert_element_type3A_245 : vector<1x240x128xi32> to vector<1x240x128xf32>
    %reduce_sum3A_247 = arith.constant dense<0.000000e+00> : vector<1xf32>
    %reduce_sum3A_248 = vector.multi_reduction <add>, %convert_element_type3A_246, %reduce_sum3A_247 [1, 2] : vector<1x240x128xf32> to vector<1xf32>
    %broadcast_in_dim3A_249 = vector.shape_cast %reduce_sum3A_248 : vector<1xf32> to vector<1x1x1xf32>
    %ge3A_250 = arith.constant 3.000000e+02 : f32
    %ge3A_251 = vector.broadcast %ge3A_250 : f32 to vector<1x1x1xf32>
    %ge3A_252 = arith.cmpf oge, %broadcast_in_dim3A_249, %ge3A_251 : vector<1x1x1xf32>
    %select_n3A_253 = arith.select %ge3A_252, %or3A_242, %select_n3A_239 : vector<1x1x1xi1>, vector<1x1x1xi32>
    %or3A_254 = arith.constant 16384 : i32
    %or3A_255 = vector.broadcast %or3A_254 : i32 to vector<1x1x1xi32>
    %or3A_256 = arith.ori %select_n3A_253, %or3A_255 : vector<1x1x1xi32>
    %ge3A_257 = vector.broadcast %or3A_256 : vector<1x1x1xi32> to vector<1x240x128xi32>
    %ge3A_258 = arith.cmpi uge, %select_n3A, %ge3A_257 : vector<1x240x128xi32>
    %convert_element_type3A_259 = arith.extui %ge3A_258 : vector<1x240x128xi1> to vector<1x240x128xi32>
    %convert_element_type3A_260 = arith.sitofp %convert_element_type3A_259 : vector<1x240x128xi32> to vector<1x240x128xf32>
    %reduce_sum3A_261 = arith.constant dense<0.000000e+00> : vector<1xf32>
    %reduce_sum3A_262 = vector.multi_reduction <add>, %convert_element_type3A_260, %reduce_sum3A_261 [1, 2] : vector<1x240x128xf32> to vector<1xf32>
    %broadcast_in_dim3A_263 = vector.shape_cast %reduce_sum3A_262 : vector<1xf32> to vector<1x1x1xf32>
    %ge3A_264 = arith.constant 3.000000e+02 : f32
    %ge3A_265 = vector.broadcast %ge3A_264 : f32 to vector<1x1x1xf32>
    %ge3A_266 = arith.cmpf oge, %broadcast_in_dim3A_263, %ge3A_265 : vector<1x1x1xf32>
    %select_n3A_267 = arith.select %ge3A_266, %or3A_256, %select_n3A_253 : vector<1x1x1xi1>, vector<1x1x1xi32>
    %or3A_268 = arith.constant 8192 : i32
    %or3A_269 = vector.broadcast %or3A_268 : i32 to vector<1x1x1xi32>
    %or3A_270 = arith.ori %select_n3A_267, %or3A_269 : vector<1x1x1xi32>
    %ge3A_271 = vector.broadcast %or3A_270 : vector<1x1x1xi32> to vector<1x240x128xi32>
    %ge3A_272 = arith.cmpi uge, %select_n3A, %ge3A_271 : vector<1x240x128xi32>
    %convert_element_type3A_273 = arith.extui %ge3A_272 : vector<1x240x128xi1> to vector<1x240x128xi32>
    %convert_element_type3A_274 = arith.sitofp %convert_element_type3A_273 : vector<1x240x128xi32> to vector<1x240x128xf32>
    %reduce_sum3A_275 = arith.constant dense<0.000000e+00> : vector<1xf32>
    %reduce_sum3A_276 = vector.multi_reduction <add>, %convert_element_type3A_274, %reduce_sum3A_275 [1, 2] : vector<1x240x128xf32> to vector<1xf32>
    %broadcast_in_dim3A_277 = vector.shape_cast %reduce_sum3A_276 : vector<1xf32> to vector<1x1x1xf32>
    %ge3A_278 = arith.constant 3.000000e+02 : f32
    %ge3A_279 = vector.broadcast %ge3A_278 : f32 to vector<1x1x1xf32>
    %ge3A_280 = arith.cmpf oge, %broadcast_in_dim3A_277, %ge3A_279 : vector<1x1x1xf32>
    %select_n3A_281 = arith.select %ge3A_280, %or3A_270, %select_n3A_267 : vector<1x1x1xi1>, vector<1x1x1xi32>
    %or3A_282 = arith.constant 4096 : i32
    %or3A_283 = vector.broadcast %or3A_282 : i32 to vector<1x1x1xi32>
    %or3A_284 = arith.ori %select_n3A_281, %or3A_283 : vector<1x1x1xi32>
    %ge3A_285 = vector.broadcast %or3A_284 : vector<1x1x1xi32> to vector<1x240x128xi32>
    %ge3A_286 = arith.cmpi uge, %select_n3A, %ge3A_285 : vector<1x240x128xi32>
    %convert_element_type3A_287 = arith.extui %ge3A_286 : vector<1x240x128xi1> to vector<1x240x128xi32>
    %convert_element_type3A_288 = arith.sitofp %convert_element_type3A_287 : vector<1x240x128xi32> to vector<1x240x128xf32>
    %reduce_sum3A_289 = arith.constant dense<0.000000e+00> : vector<1xf32>
    %reduce_sum3A_290 = vector.multi_reduction <add>, %convert_element_type3A_288, %reduce_sum3A_289 [1, 2] : vector<1x240x128xf32> to vector<1xf32>
    %broadcast_in_dim3A_291 = vector.shape_cast %reduce_sum3A_290 : vector<1xf32> to vector<1x1x1xf32>
    %ge3A_292 = arith.constant 3.000000e+02 : f32
    %ge3A_293 = vector.broadcast %ge3A_292 : f32 to vector<1x1x1xf32>
    %ge3A_294 = arith.cmpf oge, %broadcast_in_dim3A_291, %ge3A_293 : vector<1x1x1xf32>
    %select_n3A_295 = arith.select %ge3A_294, %or3A_284, %select_n3A_281 : vector<1x1x1xi1>, vector<1x1x1xi32>
    %or3A_296 = arith.constant 2048 : i32
    %or3A_297 = vector.broadcast %or3A_296 : i32 to vector<1x1x1xi32>
    %or3A_298 = arith.ori %select_n3A_295, %or3A_297 : vector<1x1x1xi32>
    %ge3A_299 = vector.broadcast %or3A_298 : vector<1x1x1xi32> to vector<1x240x128xi32>
    %ge3A_300 = arith.cmpi uge, %select_n3A, %ge3A_299 : vector<1x240x128xi32>
    %convert_element_type3A_301 = arith.extui %ge3A_300 : vector<1x240x128xi1> to vector<1x240x128xi32>
    %convert_element_type3A_302 = arith.sitofp %convert_element_type3A_301 : vector<1x240x128xi32> to vector<1x240x128xf32>
    %reduce_sum3A_303 = arith.constant dense<0.000000e+00> : vector<1xf32>
    %reduce_sum3A_304 = vector.multi_reduction <add>, %convert_element_type3A_302, %reduce_sum3A_303 [1, 2] : vector<1x240x128xf32> to vector<1xf32>
    %broadcast_in_dim3A_305 = vector.shape_cast %reduce_sum3A_304 : vector<1xf32> to vector<1x1x1xf32>
    %ge3A_306 = arith.constant 3.000000e+02 : f32
    %ge3A_307 = vector.broadcast %ge3A_306 : f32 to vector<1x1x1xf32>
    %ge3A_308 = arith.cmpf oge, %broadcast_in_dim3A_305, %ge3A_307 : vector<1x1x1xf32>
    %select_n3A_309 = arith.select %ge3A_308, %or3A_298, %select_n3A_295 : vector<1x1x1xi1>, vector<1x1x1xi32>
    %or3A_310 = arith.constant 1024 : i32
    %or3A_311 = vector.broadcast %or3A_310 : i32 to vector<1x1x1xi32>
    %or3A_312 = arith.ori %select_n3A_309, %or3A_311 : vector<1x1x1xi32>
    %ge3A_313 = vector.broadcast %or3A_312 : vector<1x1x1xi32> to vector<1x240x128xi32>
    %ge3A_314 = arith.cmpi uge, %select_n3A, %ge3A_313 : vector<1x240x128xi32>
    %convert_element_type3A_315 = arith.extui %ge3A_314 : vector<1x240x128xi1> to vector<1x240x128xi32>
    %convert_element_type3A_316 = arith.sitofp %convert_element_type3A_315 : vector<1x240x128xi32> to vector<1x240x128xf32>
    %reduce_sum3A_317 = arith.constant dense<0.000000e+00> : vector<1xf32>
    %reduce_sum3A_318 = vector.multi_reduction <add>, %convert_element_type3A_316, %reduce_sum3A_317 [1, 2] : vector<1x240x128xf32> to vector<1xf32>
    %broadcast_in_dim3A_319 = vector.shape_cast %reduce_sum3A_318 : vector<1xf32> to vector<1x1x1xf32>
    %ge3A_320 = arith.constant 3.000000e+02 : f32
    %ge3A_321 = vector.broadcast %ge3A_320 : f32 to vector<1x1x1xf32>
    %ge3A_322 = arith.cmpf oge, %broadcast_in_dim3A_319, %ge3A_321 : vector<1x1x1xf32>
    %select_n3A_323 = arith.select %ge3A_322, %or3A_312, %select_n3A_309 : vector<1x1x1xi1>, vector<1x1x1xi32>
    %or3A_324 = arith.constant 512 : i32
    %or3A_325 = vector.broadcast %or3A_324 : i32 to vector<1x1x1xi32>
    %or3A_326 = arith.ori %select_n3A_323, %or3A_325 : vector<1x1x1xi32>
    %ge3A_327 = vector.broadcast %or3A_326 : vector<1x1x1xi32> to vector<1x240x128xi32>
    %ge3A_328 = arith.cmpi uge, %select_n3A, %ge3A_327 : vector<1x240x128xi32>
    %convert_element_type3A_329 = arith.extui %ge3A_328 : vector<1x240x128xi1> to vector<1x240x128xi32>
    %convert_element_type3A_330 = arith.sitofp %convert_element_type3A_329 : vector<1x240x128xi32> to vector<1x240x128xf32>
    %reduce_sum3A_331 = arith.constant dense<0.000000e+00> : vector<1xf32>
    %reduce_sum3A_332 = vector.multi_reduction <add>, %convert_element_type3A_330, %reduce_sum3A_331 [1, 2] : vector<1x240x128xf32> to vector<1xf32>
    %broadcast_in_dim3A_333 = vector.shape_cast %reduce_sum3A_332 : vector<1xf32> to vector<1x1x1xf32>
    %ge3A_334 = arith.constant 3.000000e+02 : f32
    %ge3A_335 = vector.broadcast %ge3A_334 : f32 to vector<1x1x1xf32>
    %ge3A_336 = arith.cmpf oge, %broadcast_in_dim3A_333, %ge3A_335 : vector<1x1x1xf32>
    %select_n3A_337 = arith.select %ge3A_336, %or3A_326, %select_n3A_323 : vector<1x1x1xi1>, vector<1x1x1xi32>
    %or3A_338 = arith.constant 256 : i32
    %or3A_339 = vector.broadcast %or3A_338 : i32 to vector<1x1x1xi32>
    %or3A_340 = arith.ori %select_n3A_337, %or3A_339 : vector<1x1x1xi32>
    %ge3A_341 = vector.broadcast %or3A_340 : vector<1x1x1xi32> to vector<1x240x128xi32>
    %ge3A_342 = arith.cmpi uge, %select_n3A, %ge3A_341 : vector<1x240x128xi32>
    %convert_element_type3A_343 = arith.extui %ge3A_342 : vector<1x240x128xi1> to vector<1x240x128xi32>
    %convert_element_type3A_344 = arith.sitofp %convert_element_type3A_343 : vector<1x240x128xi32> to vector<1x240x128xf32>
    %reduce_sum3A_345 = arith.constant dense<0.000000e+00> : vector<1xf32>
    %reduce_sum3A_346 = vector.multi_reduction <add>, %convert_element_type3A_344, %reduce_sum3A_345 [1, 2] : vector<1x240x128xf32> to vector<1xf32>
    %broadcast_in_dim3A_347 = vector.shape_cast %reduce_sum3A_346 : vector<1xf32> to vector<1x1x1xf32>
    %ge3A_348 = arith.constant 3.000000e+02 : f32
    %ge3A_349 = vector.broadcast %ge3A_348 : f32 to vector<1x1x1xf32>
    %ge3A_350 = arith.cmpf oge, %broadcast_in_dim3A_347, %ge3A_349 : vector<1x1x1xf32>
    %select_n3A_351 = arith.select %ge3A_350, %or3A_340, %select_n3A_337 : vector<1x1x1xi1>, vector<1x1x1xi32>
    %or3A_352 = arith.constant 128 : i32
    %or3A_353 = vector.broadcast %or3A_352 : i32 to vector<1x1x1xi32>
    %or3A_354 = arith.ori %select_n3A_351, %or3A_353 : vector<1x1x1xi32>
    %ge3A_355 = vector.broadcast %or3A_354 : vector<1x1x1xi32> to vector<1x240x128xi32>
    %ge3A_356 = arith.cmpi uge, %select_n3A, %ge3A_355 : vector<1x240x128xi32>
    %convert_element_type3A_357 = arith.extui %ge3A_356 : vector<1x240x128xi1> to vector<1x240x128xi32>
    %convert_element_type3A_358 = arith.sitofp %convert_element_type3A_357 : vector<1x240x128xi32> to vector<1x240x128xf32>
    %reduce_sum3A_359 = arith.constant dense<0.000000e+00> : vector<1xf32>
    %reduce_sum3A_360 = vector.multi_reduction <add>, %convert_element_type3A_358, %reduce_sum3A_359 [1, 2] : vector<1x240x128xf32> to vector<1xf32>
    %broadcast_in_dim3A_361 = vector.shape_cast %reduce_sum3A_360 : vector<1xf32> to vector<1x1x1xf32>
    %ge3A_362 = arith.constant 3.000000e+02 : f32
    %ge3A_363 = vector.broadcast %ge3A_362 : f32 to vector<1x1x1xf32>
    %ge3A_364 = arith.cmpf oge, %broadcast_in_dim3A_361, %ge3A_363 : vector<1x1x1xf32>
    %select_n3A_365 = arith.select %ge3A_364, %or3A_354, %select_n3A_351 : vector<1x1x1xi1>, vector<1x1x1xi32>
    %or3A_366 = arith.constant 64 : i32
    %or3A_367 = vector.broadcast %or3A_366 : i32 to vector<1x1x1xi32>
    %or3A_368 = arith.ori %select_n3A_365, %or3A_367 : vector<1x1x1xi32>
    %ge3A_369 = vector.broadcast %or3A_368 : vector<1x1x1xi32> to vector<1x240x128xi32>
    %ge3A_370 = arith.cmpi uge, %select_n3A, %ge3A_369 : vector<1x240x128xi32>
    %convert_element_type3A_371 = arith.extui %ge3A_370 : vector<1x240x128xi1> to vector<1x240x128xi32>
    %convert_element_type3A_372 = arith.sitofp %convert_element_type3A_371 : vector<1x240x128xi32> to vector<1x240x128xf32>
    %reduce_sum3A_373 = arith.constant dense<0.000000e+00> : vector<1xf32>
    %reduce_sum3A_374 = vector.multi_reduction <add>, %convert_element_type3A_372, %reduce_sum3A_373 [1, 2] : vector<1x240x128xf32> to vector<1xf32>
    %broadcast_in_dim3A_375 = vector.shape_cast %reduce_sum3A_374 : vector<1xf32> to vector<1x1x1xf32>
    %ge3A_376 = arith.constant 3.000000e+02 : f32
    %ge3A_377 = vector.broadcast %ge3A_376 : f32 to vector<1x1x1xf32>
    %ge3A_378 = arith.cmpf oge, %broadcast_in_dim3A_375, %ge3A_377 : vector<1x1x1xf32>
    %select_n3A_379 = arith.select %ge3A_378, %or3A_368, %select_n3A_365 : vector<1x1x1xi1>, vector<1x1x1xi32>
    %or3A_380 = arith.constant 32 : i32
    %or3A_381 = vector.broadcast %or3A_380 : i32 to vector<1x1x1xi32>
    %or3A_382 = arith.ori %select_n3A_379, %or3A_381 : vector<1x1x1xi32>
    %ge3A_383 = vector.broadcast %or3A_382 : vector<1x1x1xi32> to vector<1x240x128xi32>
    %ge3A_384 = arith.cmpi uge, %select_n3A, %ge3A_383 : vector<1x240x128xi32>
    %convert_element_type3A_385 = arith.extui %ge3A_384 : vector<1x240x128xi1> to vector<1x240x128xi32>
    %convert_element_type3A_386 = arith.sitofp %convert_element_type3A_385 : vector<1x240x128xi32> to vector<1x240x128xf32>
    %reduce_sum3A_387 = arith.constant dense<0.000000e+00> : vector<1xf32>
    %reduce_sum3A_388 = vector.multi_reduction <add>, %convert_element_type3A_386, %reduce_sum3A_387 [1, 2] : vector<1x240x128xf32> to vector<1xf32>
    %broadcast_in_dim3A_389 = vector.shape_cast %reduce_sum3A_388 : vector<1xf32> to vector<1x1x1xf32>
    %ge3A_390 = arith.constant 3.000000e+02 : f32
    %ge3A_391 = vector.broadcast %ge3A_390 : f32 to vector<1x1x1xf32>
    %ge3A_392 = arith.cmpf oge, %broadcast_in_dim3A_389, %ge3A_391 : vector<1x1x1xf32>
    %select_n3A_393 = arith.select %ge3A_392, %or3A_382, %select_n3A_379 : vector<1x1x1xi1>, vector<1x1x1xi32>
    %or3A_394 = arith.constant 16 : i32
    %or3A_395 = vector.broadcast %or3A_394 : i32 to vector<1x1x1xi32>
    %or3A_396 = arith.ori %select_n3A_393, %or3A_395 : vector<1x1x1xi32>
    %ge3A_397 = vector.broadcast %or3A_396 : vector<1x1x1xi32> to vector<1x240x128xi32>
    %ge3A_398 = arith.cmpi uge, %select_n3A, %ge3A_397 : vector<1x240x128xi32>
    %convert_element_type3A_399 = arith.extui %ge3A_398 : vector<1x240x128xi1> to vector<1x240x128xi32>
    %convert_element_type3A_400 = arith.sitofp %convert_element_type3A_399 : vector<1x240x128xi32> to vector<1x240x128xf32>
    %reduce_sum3A_401 = arith.constant dense<0.000000e+00> : vector<1xf32>
    %reduce_sum3A_402 = vector.multi_reduction <add>, %convert_element_type3A_400, %reduce_sum3A_401 [1, 2] : vector<1x240x128xf32> to vector<1xf32>
    %broadcast_in_dim3A_403 = vector.shape_cast %reduce_sum3A_402 : vector<1xf32> to vector<1x1x1xf32>
    %ge3A_404 = arith.constant 3.000000e+02 : f32
    %ge3A_405 = vector.broadcast %ge3A_404 : f32 to vector<1x1x1xf32>
    %ge3A_406 = arith.cmpf oge, %broadcast_in_dim3A_403, %ge3A_405 : vector<1x1x1xf32>
    %select_n3A_407 = arith.select %ge3A_406, %or3A_396, %select_n3A_393 : vector<1x1x1xi1>, vector<1x1x1xi32>
    %or3A_408 = arith.constant 8 : i32
    %or3A_409 = vector.broadcast %or3A_408 : i32 to vector<1x1x1xi32>
    %or3A_410 = arith.ori %select_n3A_407, %or3A_409 : vector<1x1x1xi32>
    %ge3A_411 = vector.broadcast %or3A_410 : vector<1x1x1xi32> to vector<1x240x128xi32>
    %ge3A_412 = arith.cmpi uge, %select_n3A, %ge3A_411 : vector<1x240x128xi32>
    %convert_element_type3A_413 = arith.extui %ge3A_412 : vector<1x240x128xi1> to vector<1x240x128xi32>
    %convert_element_type3A_414 = arith.sitofp %convert_element_type3A_413 : vector<1x240x128xi32> to vector<1x240x128xf32>
    %reduce_sum3A_415 = arith.constant dense<0.000000e+00> : vector<1xf32>
    %reduce_sum3A_416 = vector.multi_reduction <add>, %convert_element_type3A_414, %reduce_sum3A_415 [1, 2] : vector<1x240x128xf32> to vector<1xf32>
    %broadcast_in_dim3A_417 = vector.shape_cast %reduce_sum3A_416 : vector<1xf32> to vector<1x1x1xf32>
    %ge3A_418 = arith.constant 3.000000e+02 : f32
    %ge3A_419 = vector.broadcast %ge3A_418 : f32 to vector<1x1x1xf32>
    %ge3A_420 = arith.cmpf oge, %broadcast_in_dim3A_417, %ge3A_419 : vector<1x1x1xf32>
    %select_n3A_421 = arith.select %ge3A_420, %or3A_410, %select_n3A_407 : vector<1x1x1xi1>, vector<1x1x1xi32>
    %or3A_422 = arith.constant 4 : i32
    %or3A_423 = vector.broadcast %or3A_422 : i32 to vector<1x1x1xi32>
    %or3A_424 = arith.ori %select_n3A_421, %or3A_423 : vector<1x1x1xi32>
    %ge3A_425 = vector.broadcast %or3A_424 : vector<1x1x1xi32> to vector<1x240x128xi32>
    %ge3A_426 = arith.cmpi uge, %select_n3A, %ge3A_425 : vector<1x240x128xi32>
    %convert_element_type3A_427 = arith.extui %ge3A_426 : vector<1x240x128xi1> to vector<1x240x128xi32>
    %convert_element_type3A_428 = arith.sitofp %convert_element_type3A_427 : vector<1x240x128xi32> to vector<1x240x128xf32>
    %reduce_sum3A_429 = arith.constant dense<0.000000e+00> : vector<1xf32>
    %reduce_sum3A_430 = vector.multi_reduction <add>, %convert_element_type3A_428, %reduce_sum3A_429 [1, 2] : vector<1x240x128xf32> to vector<1xf32>
    %broadcast_in_dim3A_431 = vector.shape_cast %reduce_sum3A_430 : vector<1xf32> to vector<1x1x1xf32>
    %ge3A_432 = arith.constant 3.000000e+02 : f32
    %ge3A_433 = vector.broadcast %ge3A_432 : f32 to vector<1x1x1xf32>
    %ge3A_434 = arith.cmpf oge, %broadcast_in_dim3A_431, %ge3A_433 : vector<1x1x1xf32>
    %select_n3A_435 = arith.select %ge3A_434, %or3A_424, %select_n3A_421 : vector<1x1x1xi1>, vector<1x1x1xi32>
    %or3A_436 = arith.constant 2 : i32
    %or3A_437 = vector.broadcast %or3A_436 : i32 to vector<1x1x1xi32>
    %or3A_438 = arith.ori %select_n3A_435, %or3A_437 : vector<1x1x1xi32>
    %ge3A_439 = vector.broadcast %or3A_438 : vector<1x1x1xi32> to vector<1x240x128xi32>
    %ge3A_440 = arith.cmpi uge, %select_n3A, %ge3A_439 : vector<1x240x128xi32>
    %convert_element_type3A_441 = arith.extui %ge3A_440 : vector<1x240x128xi1> to vector<1x240x128xi32>
    %convert_element_type3A_442 = arith.sitofp %convert_element_type3A_441 : vector<1x240x128xi32> to vector<1x240x128xf32>
    %reduce_sum3A_443 = arith.constant dense<0.000000e+00> : vector<1xf32>
    %reduce_sum3A_444 = vector.multi_reduction <add>, %convert_element_type3A_442, %reduce_sum3A_443 [1, 2] : vector<1x240x128xf32> to vector<1xf32>
    %broadcast_in_dim3A_445 = vector.shape_cast %reduce_sum3A_444 : vector<1xf32> to vector<1x1x1xf32>
    %ge3A_446 = arith.constant 3.000000e+02 : f32
    %ge3A_447 = vector.broadcast %ge3A_446 : f32 to vector<1x1x1xf32>
    %ge3A_448 = arith.cmpf oge, %broadcast_in_dim3A_445, %ge3A_447 : vector<1x1x1xf32>
    %select_n3A_449 = arith.select %ge3A_448, %or3A_438, %select_n3A_435 : vector<1x1x1xi1>, vector<1x1x1xi32>
    %or3A_450 = arith.constant 1 : i32
    %or3A_451 = vector.broadcast %or3A_450 : i32 to vector<1x1x1xi32>
    %or3A_452 = arith.ori %select_n3A_449, %or3A_451 : vector<1x1x1xi32>
    %ge3A_453 = vector.broadcast %or3A_452 : vector<1x1x1xi32> to vector<1x240x128xi32>
    %ge3A_454 = arith.cmpi uge, %select_n3A, %ge3A_453 : vector<1x240x128xi32>
    %convert_element_type3A_455 = arith.extui %ge3A_454 : vector<1x240x128xi1> to vector<1x240x128xi32>
    %convert_element_type3A_456 = arith.sitofp %convert_element_type3A_455 : vector<1x240x128xi32> to vector<1x240x128xf32>
    %reduce_sum3A_457 = arith.constant dense<0.000000e+00> : vector<1xf32>
    %reduce_sum3A_458 = vector.multi_reduction <add>, %convert_element_type3A_456, %reduce_sum3A_457 [1, 2] : vector<1x240x128xf32> to vector<1xf32>
    %broadcast_in_dim3A_459 = vector.shape_cast %reduce_sum3A_458 : vector<1xf32> to vector<1x1x1xf32>
    %ge3A_460 = arith.constant 3.000000e+02 : f32
    %ge3A_461 = vector.broadcast %ge3A_460 : f32 to vector<1x1x1xf32>
    %ge3A_462 = arith.cmpf oge, %broadcast_in_dim3A_459, %ge3A_461 : vector<1x1x1xf32>
    %select_n3A_463 = arith.select %ge3A_462, %or3A_452, %select_n3A_449 : vector<1x1x1xi1>, vector<1x1x1xi32>
    %gt3A = vector.broadcast %select_n3A_463 : vector<1x1x1xi32> to vector<1x240x128xi32>
    %gt3A_464 = arith.cmpi ugt, %select_n3A, %gt3A : vector<1x240x128xi32>
    %eq3A = vector.broadcast %select_n3A_463 : vector<1x1x1xi32> to vector<1x240x128xi32>
    %eq3A_465 = arith.cmpi eq, %select_n3A, %eq3A : vector<1x240x128xi32>
    %convert_element_type3A_466 = arith.extui %gt3A_464 : vector<1x240x128xi1> to vector<1x240x128xi32>
    %convert_element_type3A_467 = arith.sitofp %convert_element_type3A_466 : vector<1x240x128xi32> to vector<1x240x128xf32>
    %reduce_sum3A_468 = arith.constant dense<0.000000e+00> : vector<1xf32>
    %reduce_sum3A_469 = vector.multi_reduction <add>, %convert_element_type3A_467, %reduce_sum3A_468 [1, 2] : vector<1x240x128xf32> to vector<1xf32>
    %broadcast_in_dim3A_470 = vector.shape_cast %reduce_sum3A_469 : vector<1xf32> to vector<1x1x1xf32>
    %sub3A = arith.constant 3.000000e+02 : f32
    %sub3A_471 = vector.broadcast %sub3A : f32 to vector<1x1x1xf32>
    %sub3A_472 = arith.subf %sub3A_471, %broadcast_in_dim3A_470 : vector<1x1x1xf32>
    %squeeze3A = vector.shape_cast %gt3A_464 : vector<1x240x128xi1> to vector<240x128xi1>
    %squeeze3A_473 = vector.shape_cast %eq3A_465 : vector<1x240x128xi1> to vector<240x128xi1>
    %squeeze3A_474 = vector.shape_cast %sub3A_472 : vector<1x1x1xf32> to vector<1x1xf32>
    %iota3A_475 = tpu.iota {dimensions = array<i32: 0>} : vector<128x128xi32>
    %iota3A_476 = tpu.iota {dimensions = array<i32: 1>} : vector<128x128xi32>
    %lt3A_477 = arith.cmpi slt, %iota3A_475, %iota3A_476 : vector<128x128xi32>
    %convert_element_type3A_478 = arith.extui %lt3A_477 : vector<128x128xi1> to vector<128x128xi32>
    %convert_element_type3A_479 = arith.sitofp %convert_element_type3A_478 : vector<128x128xi32> to vector<128x128xf32>
    %iota3A_480 = tpu.iota {dimensions = array<i32: 0>} : vector<240x240xi32>
    %iota3A_481 = tpu.iota {dimensions = array<i32: 1>} : vector<240x240xi32>
    %lt3A_482 = arith.cmpi slt, %iota3A_480, %iota3A_481 : vector<240x240xi32>
    %convert_element_type3A_483 = arith.extui %lt3A_482 : vector<240x240xi1> to vector<240x240xi32>
    %convert_element_type3A_484 = arith.sitofp %convert_element_type3A_483 : vector<240x240xi32> to vector<240x240xf32>
    %convert_element_type3A_485 = arith.extui %squeeze3A_473 : vector<240x128xi1> to vector<240x128xi32>
    %convert_element_type3A_486 = arith.sitofp %convert_element_type3A_485 : vector<240x128xi32> to vector<240x128xf32>
    %dot_general3A = arith.constant dense<0.000000e+00> : vector<240x128xf32>
    %dot_general3A_487 = tpu.matmul %convert_element_type3A_486, %convert_element_type3A_479, %dot_general3A {dimension_numbers = #tpu.dot_dimension_numbers<[1], [0], [0], [1], [0, 0, 1, 1], [], []>, transpose_lhs_hint = false} : vector<240x128xf32>, vector<128x128xf32>, vector<240x128xf32> -> vector<240x128xf32>
    %reduce_sum3A_488 = arith.constant dense<0.000000e+00> : vector<240xf32>
    %reduce_sum3A_489 = vector.multi_reduction <add>, %convert_element_type3A_486, %reduce_sum3A_488 [1] : vector<240x128xf32> to vector<240xf32>
    %broadcast_in_dim3A_490 = vector.shape_cast %reduce_sum3A_489 : vector<240xf32> to vector<240x1xf32>
    %mul3A_491 = vector.broadcast %broadcast_in_dim3A_490 : vector<240x1xf32> to vector<240x240xf32>
    %mul3A_492 = arith.mulf %convert_element_type3A_484, %mul3A_491 : vector<240x240xf32>
    %reduce_sum3A_493 = arith.constant dense<0.000000e+00> : vector<240xf32>
    %reduce_sum3A_494 = vector.multi_reduction <add>, %mul3A_492, %reduce_sum3A_493 [0] : vector<240x240xf32> to vector<240xf32>
    %broadcast_in_dim3A_495 = vector.shape_cast %reduce_sum3A_494 : vector<240xf32> to vector<1x240xf32>
    %transpose3A = tpu.transpose %broadcast_in_dim3A_495, [1, 0] : vector<1x240xf32> -> vector<240x1xf32>
    %add3A_496 = vector.broadcast %transpose3A : vector<240x1xf32> to vector<240x128xf32>
    %add3A_497 = arith.addf %add3A_496, %dot_general3A_487 : vector<240x128xf32>
    %lt3A_498 = vector.broadcast %squeeze3A_474 : vector<1x1xf32> to vector<240x128xf32>
    %lt3A_499 = arith.cmpf olt, %add3A_497, %lt3A_498 : vector<240x128xf32>
    %and3A_500 = arith.andi %squeeze3A_473, %lt3A_499 : vector<240x128xi1>
    %or3A_501 = arith.ori %squeeze3A, %and3A_500 : vector<240x128xi1>
    %convert_element_type3A_502 = arith.extui %or3A_501 : vector<240x128xi1> to vector<240x128xi32>
    %convert_element_type3A_503 = arith.sitofp %convert_element_type3A_502 : vector<240x128xi32> to vector<240x128xf32>
    %dot_general3A_504 = arith.constant dense<0.000000e+00> : vector<240x128xf32>
    %dot_general3A_505 = tpu.matmul %convert_element_type3A_503, %convert_element_type3A_479, %dot_general3A_504 {dimension_numbers = #tpu.dot_dimension_numbers<[1], [0], [0], [1], [0, 0, 1, 1], [], []>, transpose_lhs_hint = false} : vector<240x128xf32>, vector<128x128xf32>, vector<240x128xf32> -> vector<240x128xf32>
    %reduce_sum3A_506 = arith.constant dense<0.000000e+00> : vector<240xf32>
    %reduce_sum3A_507 = vector.multi_reduction <add>, %convert_element_type3A_503, %reduce_sum3A_506 [1] : vector<240x128xf32> to vector<240xf32>
    %broadcast_in_dim3A_508 = vector.shape_cast %reduce_sum3A_507 : vector<240xf32> to vector<240x1xf32>
    %mul3A_509 = vector.broadcast %broadcast_in_dim3A_508 : vector<240x1xf32> to vector<240x240xf32>
    %mul3A_510 = arith.mulf %convert_element_type3A_484, %mul3A_509 : vector<240x240xf32>
    %reduce_sum3A_511 = arith.constant dense<0.000000e+00> : vector<240xf32>
    %reduce_sum3A_512 = vector.multi_reduction <add>, %mul3A_510, %reduce_sum3A_511 [0] : vector<240x240xf32> to vector<240xf32>
    %broadcast_in_dim3A_513 = vector.shape_cast %reduce_sum3A_512 : vector<240xf32> to vector<1x240xf32>
    %transpose3A_514 = tpu.transpose %broadcast_in_dim3A_513, [1, 0] : vector<1x240xf32> -> vector<240x1xf32>
    %transpose3A_515 = tpu.transpose %transpose3A_514, [1, 0] : vector<240x1xf32> -> vector<1x240xf32>
    %iota3A_516 = tpu.iota {dimensions = array<i32: 0>} : vector<300x1xi32>
    %convert_element_type3A_517 = arith.sitofp %iota3A_516 : vector<300x1xi32> to vector<300x1xf32>
    %le3A = vector.broadcast %transpose3A_515 : vector<1x240xf32> to vector<300x240xf32>
    %le3A_518 = vector.broadcast %convert_element_type3A_517 : vector<300x1xf32> to vector<300x240xf32>
    %le3A_519 = arith.cmpf ole, %le3A, %le3A_518 : vector<300x240xf32>
    %convert_element_type3A_520 = arith.extui %le3A_519 : vector<300x240xi1> to vector<300x240xi32>
    %convert_element_type3A_521 = arith.sitofp %convert_element_type3A_520 : vector<300x240xi32> to vector<300x240xf32>
    %reduce_sum3A_522 = arith.constant dense<0.000000e+00> : vector<300xf32>
    %reduce_sum3A_523 = vector.multi_reduction <add>, %convert_element_type3A_521, %reduce_sum3A_522 [1] : vector<300x240xf32> to vector<300xf32>
    %broadcast_in_dim3A_524 = vector.shape_cast %reduce_sum3A_523 : vector<300xf32> to vector<300x1xf32>
    %sub3A_525 = arith.constant 1.000000e+00 : f32
    %sub3A_526 = vector.broadcast %sub3A_525 : f32 to vector<300x1xf32>
    %sub3A_527 = arith.subf %broadcast_in_dim3A_524, %sub3A_526 : vector<300x1xf32>
    %iota3A_528 = tpu.iota {dimensions = array<i32: 1>} : vector<300x240xi32>
    %convert_element_type3A_529 = arith.sitofp %iota3A_528 : vector<300x240xi32> to vector<300x240xf32>
    %eq3A_530 = vector.broadcast %sub3A_527 : vector<300x1xf32> to vector<300x240xf32>
    %eq3A_531 = arith.cmpf oeq, %convert_element_type3A_529, %eq3A_530 : vector<300x240xf32>
    %convert_element_type3A_532 = arith.extui %eq3A_531 : vector<300x240xi1> to vector<300x240xi32>
    %convert_element_type3A_533 = arith.sitofp %convert_element_type3A_532 : vector<300x240xi32> to vector<300x240xf32>
    %mul3A_534 = vector.broadcast %transpose3A_515 : vector<1x240xf32> to vector<300x240xf32>
    %mul3A_535 = arith.mulf %convert_element_type3A_533, %mul3A_534 : vector<300x240xf32>
    %reduce_sum3A_536 = arith.constant dense<0.000000e+00> : vector<300xf32>
    %reduce_sum3A_537 = vector.multi_reduction <add>, %mul3A_535, %reduce_sum3A_536 [1] : vector<300x240xf32> to vector<300xf32>
    %broadcast_in_dim3A_538 = vector.shape_cast %reduce_sum3A_537 : vector<300xf32> to vector<300x1xf32>
    %sub3A_539 = arith.subf %convert_element_type3A_517, %broadcast_in_dim3A_538 : vector<300x1xf32>
    %dot_general3A_540 = arith.constant dense<0.000000e+00> : vector<300x128xf32>
    %dot_general3A_541 = tpu.matmul %convert_element_type3A_533, %dot_general3A_505, %dot_general3A_540 {dimension_numbers = #tpu.dot_dimension_numbers<[1], [0], [0], [1], [0, 0, 1, 1], [], []>, transpose_lhs_hint = false} : vector<300x240xf32>, vector<240x128xf32>, vector<300x128xf32> -> vector<300x128xf32>
    %dot_general3A_542 = arith.constant dense<0.000000e+00> : vector<300x128xf32>
    %dot_general3A_543 = tpu.matmul %convert_element_type3A_533, %convert_element_type3A_503, %dot_general3A_542 {dimension_numbers = #tpu.dot_dimension_numbers<[1], [0], [0], [1], [0, 0, 1, 1], [], []>, transpose_lhs_hint = false} : vector<300x240xf32>, vector<240x128xf32>, vector<300x128xf32> -> vector<300x128xf32>
    %iota3A_544 = tpu.iota {dimensions = array<i32: 1>} : vector<300x128xi32>
    %convert_element_type3A_545 = arith.sitofp %iota3A_544 : vector<300x128xi32> to vector<300x128xf32>
    %eq3A_546 = vector.broadcast %sub3A_539 : vector<300x1xf32> to vector<300x128xf32>
    %eq3A_547 = arith.cmpf oeq, %dot_general3A_541, %eq3A_546 : vector<300x128xf32>
    %convert_element_type3A_548 = arith.extui %eq3A_547 : vector<300x128xi1> to vector<300x128xi32>
    %convert_element_type3A_549 = arith.sitofp %convert_element_type3A_548 : vector<300x128xi32> to vector<300x128xf32>
    %mul3A_550 = arith.mulf %dot_general3A_543, %convert_element_type3A_549 : vector<300x128xf32>
    %mul3A_551 = arith.constant 1.280000e+02 : f32
    %mul3A_552 = vector.broadcast %mul3A_551 : f32 to vector<300x1xf32>
    %mul3A_553 = arith.mulf %sub3A_527, %mul3A_552 : vector<300x1xf32>
    %add3A_554 = vector.broadcast %mul3A_553 : vector<300x1xf32> to vector<300x128xf32>
    %add3A_555 = arith.addf %add3A_554, %convert_element_type3A_545 : vector<300x128xf32>
    %mul3A_556 = arith.mulf %mul3A_550, %add3A_555 : vector<300x128xf32>
    %reduce_sum3A_557 = arith.constant dense<0.000000e+00> : vector<300xf32>
    %reduce_sum3A_558 = vector.multi_reduction <add>, %mul3A_556, %reduce_sum3A_557 [1] : vector<300x128xf32> to vector<300xf32>
    %broadcast_in_dim3A_559 = vector.shape_cast %reduce_sum3A_558 : vector<300xf32> to vector<300x1xf32>
    %convert_element_type3A_560 = arith.fptosi %broadcast_in_dim3A_559 : vector<300x1xf32> to vector<300x1xi32>
    %convert_element_type3A_561 = arith.sitofp %convert_element_type3A_560 : vector<300x1xi32> to vector<300x1xf32>
    %add3A_562 = arith.constant 5.000000e-01 : f32
    %add3A_563 = vector.broadcast %add3A_562 : f32 to vector<300x1xf32>
    %add3A_564 = arith.addf %convert_element_type3A_561, %add3A_563 : vector<300x1xf32>
    %div3A = arith.constant 1.280000e+02 : f32
    %div3A_565 = vector.broadcast %div3A : f32 to vector<300x1xf32>
    %div3A_566 = arith.divf %add3A_564, %div3A_565 : vector<300x1xf32>
    %floor3A = math.floor %div3A_566 : vector<300x1xf32>
    %mul3A_567 = arith.constant 1.280000e+02 : f32
    %mul3A_568 = vector.broadcast %mul3A_567 : f32 to vector<300x1xf32>
    %mul3A_569 = arith.mulf %mul3A_568, %floor3A : vector<300x1xf32>
    %sub3A_570 = arith.subf %convert_element_type3A_561, %mul3A_569 : vector<300x1xf32>
    %iota3A_571 = tpu.iota {dimensions = array<i32: 1>} : vector<300x240xi32>
    %convert_element_type3A_572 = arith.sitofp %iota3A_571 : vector<300x240xi32> to vector<300x240xf32>
    %eq3A_573 = vector.broadcast %floor3A : vector<300x1xf32> to vector<300x240xf32>
    %eq3A_574 = arith.cmpf oeq, %convert_element_type3A_572, %eq3A_573 : vector<300x240xf32>
    %convert_element_type3A_575 = arith.extui %eq3A_574 : vector<300x240xi1> to vector<300x240xi32>
    %convert_element_type3A_576 = arith.sitofp %convert_element_type3A_575 : vector<300x240xi32> to vector<300x240xf32>
    %dot_general3A_577 = arith.constant dense<0.000000e+00> : vector<300x128xf32>
    %dot_general3A_578 = tpu.matmul %convert_element_type3A_576, %get3A_3, %dot_general3A_577 {dimension_numbers = #tpu.dot_dimension_numbers<[1], [0], [0], [1], [0, 0, 1, 1], [], []>, precision = #tpu.contract_precision<fp32>, transpose_lhs_hint = false} : vector<300x240xf32>, vector<240x128xf32>, vector<300x128xf32> -> vector<300x128xf32>
    %iota3A_579 = tpu.iota {dimensions = array<i32: 1>} : vector<300x128xi32>
    %convert_element_type3A_580 = arith.sitofp %iota3A_579 : vector<300x128xi32> to vector<300x128xf32>
    %eq3A_581 = vector.broadcast %sub3A_570 : vector<300x1xf32> to vector<300x128xf32>
    %eq3A_582 = arith.cmpf oeq, %convert_element_type3A_580, %eq3A_581 : vector<300x128xf32>
    %convert_element_type3A_583 = arith.extui %eq3A_582 : vector<300x128xi1> to vector<300x128xi32>
    %convert_element_type3A_584 = arith.sitofp %convert_element_type3A_583 : vector<300x128xi32> to vector<300x128xf32>
    %mul3A_585 = arith.mulf %dot_general3A_578, %convert_element_type3A_584 : vector<300x128xf32>
    %reduce_sum3A_586 = arith.constant dense<0.000000e+00> : vector<300xf32>
    %reduce_sum3A_587 = vector.multi_reduction <add>, %mul3A_585, %reduce_sum3A_586 [1] : vector<300x128xf32> to vector<300xf32>
    %broadcast_in_dim3A_588 = vector.shape_cast %reduce_sum3A_587 : vector<300xf32> to vector<300x1xf32>
    %add3A_589 = arith.constant 5.000000e-01 : f32
    %add3A_590 = vector.broadcast %add3A_589 : f32 to vector<300x1xf32>
    %add3A_591 = arith.addf %convert_element_type3A_561, %add3A_590 : vector<300x1xf32>
    %div3A_592 = arith.constant 8.000000e+01 : f32
    %div3A_593 = vector.broadcast %div3A_592 : f32 to vector<300x1xf32>
    %div3A_594 = arith.divf %add3A_591, %div3A_593 : vector<300x1xf32>
    %floor3A_595 = math.floor %div3A_594 : vector<300x1xf32>
    %mul3A_596 = arith.constant 8.000000e+01 : f32
    %mul3A_597 = vector.broadcast %mul3A_596 : f32 to vector<300x1xf32>
    %mul3A_598 = arith.mulf %mul3A_597, %floor3A_595 : vector<300x1xf32>
    %sub3A_599 = arith.subf %convert_element_type3A_561, %mul3A_598 : vector<300x1xf32>
    %transpose3A_600 = tpu.transpose %broadcast_in_dim3A_588, [1, 0] : vector<300x1xf32> -> vector<1x300xf32>
    %iota3A_601 = tpu.iota {dimensions = array<i32: 0>} : vector<300x300xi32>
    %iota3A_602 = tpu.iota {dimensions = array<i32: 1>} : vector<300x300xi32>
    %lt3A_603 = arith.cmpi slt, %iota3A_601, %iota3A_602 : vector<300x300xi32>
    %gt3A_604 = vector.broadcast %broadcast_in_dim3A_588 : vector<300x1xf32> to vector<300x300xf32>
    %gt3A_605 = vector.broadcast %transpose3A_600 : vector<1x300xf32> to vector<300x300xf32>
    %gt3A_606 = arith.cmpf ogt, %gt3A_604, %gt3A_605 : vector<300x300xf32>
    %eq3A_607 = vector.broadcast %broadcast_in_dim3A_588 : vector<300x1xf32> to vector<300x300xf32>
    %eq3A_608 = vector.broadcast %transpose3A_600 : vector<1x300xf32> to vector<300x300xf32>
    %eq3A_609 = arith.cmpf oeq, %eq3A_607, %eq3A_608 : vector<300x300xf32>
    %and3A_610 = arith.andi %eq3A_609, %lt3A_603 : vector<300x300xi1>
    %or3A_611 = arith.ori %gt3A_606, %and3A_610 : vector<300x300xi1>
    %convert_element_type3A_612 = arith.extui %or3A_611 : vector<300x300xi1> to vector<300x300xi32>
    %convert_element_type3A_613 = arith.sitofp %convert_element_type3A_612 : vector<300x300xi32> to vector<300x300xf32>
    %reduce_sum3A_614 = arith.constant dense<0.000000e+00> : vector<300xf32>
    %reduce_sum3A_615 = vector.multi_reduction <add>, %convert_element_type3A_613, %reduce_sum3A_614 [0] : vector<300x300xf32> to vector<300xf32>
    %broadcast_in_dim3A_616 = vector.shape_cast %reduce_sum3A_615 : vector<300xf32> to vector<1x300xf32>
    %iota3A_617 = tpu.iota {dimensions = array<i32: 0>} : vector<384x300xi32>
    %convert_element_type3A_618 = arith.sitofp %iota3A_617 : vector<384x300xi32> to vector<384x300xf32>
    %eq3A_619 = vector.broadcast %broadcast_in_dim3A_616 : vector<1x300xf32> to vector<384x300xf32>
    %eq3A_620 = arith.cmpf oeq, %convert_element_type3A_618, %eq3A_619 : vector<384x300xf32>
    %convert_element_type3A_621 = arith.extui %eq3A_620 : vector<384x300xi1> to vector<384x300xi32>
    %convert_element_type3A_622 = arith.sitofp %convert_element_type3A_621 : vector<384x300xi32> to vector<384x300xf32>
    %iota3A_623 = tpu.iota {dimensions = array<i32: 0>} : vector<384x1xi32>
    %ge3A_624 = arith.constant 300 : i32
    %ge3A_625 = vector.broadcast %ge3A_624 : i32 to vector<384x1xi32>
    %ge3A_626 = arith.cmpi sge, %iota3A_623, %ge3A_625 : vector<384x1xi32>
    %dot_general3A_627 = arith.constant dense<0.000000e+00> : vector<384x1xf32>
    %dot_general3A_628 = tpu.matmul %convert_element_type3A_622, %broadcast_in_dim3A_588, %dot_general3A_627 {dimension_numbers = #tpu.dot_dimension_numbers<[1], [0], [0], [1], [0, 0, 1, 1], [], []>, precision = #tpu.contract_precision<fp32>, transpose_lhs_hint = false} : vector<384x300xf32>, vector<300x1xf32>, vector<384x1xf32> -> vector<384x1xf32>
    %jit3A_629 = arith.constant -1.000000e+09 : f32
    %broadcast_in_dim3A_630 = vector.broadcast %jit3A_629 : f32 to vector<384x1xf32>
    %select_n3A_631 = arith.select %ge3A_626, %broadcast_in_dim3A_630, %dot_general3A_628 : vector<384x1xi1>, vector<384x1xf32>
    %dot_general3A_632 = arith.constant dense<0.000000e+00> : vector<384x1xf32>
    %dot_general3A_633 = tpu.matmul %convert_element_type3A_622, %sub3A_599, %dot_general3A_632 {dimension_numbers = #tpu.dot_dimension_numbers<[1], [0], [0], [1], [0, 0, 1, 1], [], []>, precision = #tpu.contract_precision<fp32>, transpose_lhs_hint = false} : vector<384x300xf32>, vector<300x1xf32>, vector<384x1xf32> -> vector<384x1xf32>
    %jit3A_634 = arith.constant 1.000000e+02 : f32
    %broadcast_in_dim3A_635 = vector.broadcast %jit3A_634 : f32 to vector<384x1xf32>
    %select_n3A_636 = arith.select %ge3A_626, %broadcast_in_dim3A_635, %dot_general3A_633 : vector<384x1xi1>, vector<384x1xf32>
    %dot_general3A_637 = arith.constant dense<0.000000e+00> : vector<384x1xf32>
    %dot_general3A_638 = tpu.matmul %convert_element_type3A_622, %floor3A_595, %dot_general3A_637 {dimension_numbers = #tpu.dot_dimension_numbers<[1], [0], [0], [1], [0, 0, 1, 1], [], []>, precision = #tpu.contract_precision<fp32>, transpose_lhs_hint = false} : vector<384x300xf32>, vector<300x1xf32>, vector<384x1xf32> -> vector<384x1xf32>
    %iota3A_639 = tpu.iota {dimensions = array<i32: 1>} : vector<384x384xi32>
    %convert_element_type3A_640 = arith.sitofp %iota3A_639 : vector<384x384xi32> to vector<384x384xf32>
    %eq3A_641 = vector.broadcast %dot_general3A_638 : vector<384x1xf32> to vector<384x384xf32>
    %eq3A_642 = arith.cmpf oeq, %convert_element_type3A_640, %eq3A_641 : vector<384x384xf32>
    %convert_element_type3A_643 = arith.extui %eq3A_642 : vector<384x384xi1> to vector<384x384xi32>
    %convert_element_type3A_644 = arith.sitofp %convert_element_type3A_643 : vector<384x384xi32> to vector<384x384xf32>
    %get3A_645 = arith.constant 0 : index
    %get3A_646 = arith.constant 0 : index
    %get3A_647 = arith.constant 0 : index
    %get3A_648 = vector.load %arg2[%get3A_645, %get3A_646, %get3A_647] : memref<1x1x384xf32, #tpu.memory_space<vmem>>, vector<1x1x384xf32>
    %get3A_649 = vector.shape_cast %get3A_648 : vector<1x1x384xf32> to vector<1x384xf32>
    %mul3A_650 = vector.broadcast %get3A_649 : vector<1x384xf32> to vector<384x384xf32>
    %mul3A_651 = arith.mulf %convert_element_type3A_644, %mul3A_650 : vector<384x384xf32>
    %reduce_sum3A_652 = arith.constant dense<0.000000e+00> : vector<384xf32>
    %reduce_sum3A_653 = vector.multi_reduction <add>, %mul3A_651, %reduce_sum3A_652 [1] : vector<384x384xf32> to vector<384xf32>
    %broadcast_in_dim3A_654 = vector.shape_cast %reduce_sum3A_653 : vector<384xf32> to vector<384x1xf32>
    %transpose3A_655 = tpu.transpose %broadcast_in_dim3A_654, [1, 0] : vector<384x1xf32> -> vector<1x384xf32>
    %get3A_656 = arith.constant 0 : index
    %get3A_657 = arith.constant 0 : index
    %get3A_658 = arith.constant 0 : index
    %get3A_659 = vector.load %arg3[%get3A_656, %get3A_657, %get3A_658] : memref<1x1x384xf32, #tpu.memory_space<vmem>>, vector<1x1x384xf32>
    %get3A_660 = vector.shape_cast %get3A_659 : vector<1x1x384xf32> to vector<1x384xf32>
    %mul3A_661 = vector.broadcast %get3A_660 : vector<1x384xf32> to vector<384x384xf32>
    %mul3A_662 = arith.mulf %convert_element_type3A_644, %mul3A_661 : vector<384x384xf32>
    %reduce_sum3A_663 = arith.constant dense<0.000000e+00> : vector<384xf32>
    %reduce_sum3A_664 = vector.multi_reduction <add>, %mul3A_662, %reduce_sum3A_663 [1] : vector<384x384xf32> to vector<384xf32>
    %broadcast_in_dim3A_665 = vector.shape_cast %reduce_sum3A_664 : vector<384xf32> to vector<384x1xf32>
    %transpose3A_666 = tpu.transpose %broadcast_in_dim3A_665, [1, 0] : vector<384x1xf32> -> vector<1x384xf32>
    %get3A_667 = arith.constant 0 : index
    %get3A_668 = arith.constant 0 : index
    %get3A_669 = arith.constant 0 : index
    %get3A_670 = vector.load %arg4[%get3A_667, %get3A_668, %get3A_669] : memref<1x1x384xf32, #tpu.memory_space<vmem>>, vector<1x1x384xf32>
    %get3A_671 = vector.shape_cast %get3A_670 : vector<1x1x384xf32> to vector<1x384xf32>
    %mul3A_672 = vector.broadcast %get3A_671 : vector<1x384xf32> to vector<384x384xf32>
    %mul3A_673 = arith.mulf %convert_element_type3A_644, %mul3A_672 : vector<384x384xf32>
    %reduce_sum3A_674 = arith.constant dense<0.000000e+00> : vector<384xf32>
    %reduce_sum3A_675 = vector.multi_reduction <add>, %mul3A_673, %reduce_sum3A_674 [1] : vector<384x384xf32> to vector<384xf32>
    %broadcast_in_dim3A_676 = vector.shape_cast %reduce_sum3A_675 : vector<384xf32> to vector<384x1xf32>
    %transpose3A_677 = tpu.transpose %broadcast_in_dim3A_676, [1, 0] : vector<384x1xf32> -> vector<1x384xf32>
    %jit3A_678 = arith.constant -4.135000e+00 : f32
    %jit3A_679 = arith.constant 4.135000e+00 : f32
    %max3A = vector.broadcast %jit3A_678 : f32 to vector<1x384xf32>
    %max3A_680 = arith.maximumf %max3A, %transpose3A_677 : vector<1x384xf32>
    %min3A = vector.broadcast %jit3A_679 : f32 to vector<1x384xf32>
    %min3A_681 = arith.minimumf %min3A, %max3A_680 : vector<1x384xf32>
    %get3A_682 = arith.constant 0 : index
    %get3A_683 = arith.constant 0 : index
    %get3A_684 = arith.constant 0 : index
    %get3A_685 = vector.load %arg5[%get3A_682, %get3A_683, %get3A_684] : memref<1x1x384xf32, #tpu.memory_space<vmem>>, vector<1x1x384xf32>
    %get3A_686 = vector.shape_cast %get3A_685 : vector<1x1x384xf32> to vector<1x384xf32>
    %mul3A_687 = vector.broadcast %get3A_686 : vector<1x384xf32> to vector<384x384xf32>
    %mul3A_688 = arith.mulf %convert_element_type3A_644, %mul3A_687 : vector<384x384xf32>
    %reduce_sum3A_689 = arith.constant dense<0.000000e+00> : vector<384xf32>
    %reduce_sum3A_690 = vector.multi_reduction <add>, %mul3A_688, %reduce_sum3A_689 [1] : vector<384x384xf32> to vector<384xf32>
    %broadcast_in_dim3A_691 = vector.shape_cast %reduce_sum3A_690 : vector<384xf32> to vector<384x1xf32>
    %transpose3A_692 = tpu.transpose %broadcast_in_dim3A_691, [1, 0] : vector<384x1xf32> -> vector<1x384xf32>
    %jit3A_693 = arith.constant -4.135000e+00 : f32
    %jit3A_694 = arith.constant 4.135000e+00 : f32
    %max3A_695 = vector.broadcast %jit3A_693 : f32 to vector<1x384xf32>
    %max3A_696 = arith.maximumf %max3A_695, %transpose3A_692 : vector<1x384xf32>
    %min3A_697 = vector.broadcast %jit3A_694 : f32 to vector<1x384xf32>
    %min3A_698 = arith.minimumf %min3A_697, %max3A_696 : vector<1x384xf32>
    %get3A_699 = arith.constant 0 : index
    %get3A_700 = arith.constant 0 : index
    %get3A_701 = arith.constant 0 : index
    %get3A_702 = vector.load %arg6[%get3A_699, %get3A_700, %get3A_701] : memref<1x1x384xf32, #tpu.memory_space<vmem>>, vector<1x1x384xf32>
    %get3A_703 = vector.shape_cast %get3A_702 : vector<1x1x384xf32> to vector<1x384xf32>
    %mul3A_704 = vector.broadcast %get3A_703 : vector<1x384xf32> to vector<384x384xf32>
    %mul3A_705 = arith.mulf %convert_element_type3A_644, %mul3A_704 : vector<384x384xf32>
    %reduce_sum3A_706 = arith.constant dense<0.000000e+00> : vector<384xf32>
    %reduce_sum3A_707 = vector.multi_reduction <add>, %mul3A_705, %reduce_sum3A_706 [1] : vector<384x384xf32> to vector<384xf32>
    %broadcast_in_dim3A_708 = vector.shape_cast %reduce_sum3A_707 : vector<384xf32> to vector<384x1xf32>
    %transpose3A_709 = tpu.transpose %broadcast_in_dim3A_708, [1, 0] : vector<384x1xf32> -> vector<1x384xf32>
    %get3A_710 = arith.constant 0 : index
    %get3A_711 = arith.constant 0 : index
    %get3A_712 = arith.constant 0 : index
    %get3A_713 = vector.load %arg7[%get3A_710, %get3A_711, %get3A_712] : memref<1x1x384xf32, #tpu.memory_space<vmem>>, vector<1x1x384xf32>
    %get3A_714 = vector.shape_cast %get3A_713 : vector<1x1x384xf32> to vector<1x384xf32>
    %mul3A_715 = vector.broadcast %get3A_714 : vector<1x384xf32> to vector<384x384xf32>
    %mul3A_716 = arith.mulf %convert_element_type3A_644, %mul3A_715 : vector<384x384xf32>
    %reduce_sum3A_717 = arith.constant dense<0.000000e+00> : vector<384xf32>
    %reduce_sum3A_718 = vector.multi_reduction <add>, %mul3A_716, %reduce_sum3A_717 [1] : vector<384x384xf32> to vector<384xf32>
    %broadcast_in_dim3A_719 = vector.shape_cast %reduce_sum3A_718 : vector<384xf32> to vector<384x1xf32>
    %transpose3A_720 = tpu.transpose %broadcast_in_dim3A_719, [1, 0] : vector<384x1xf32> -> vector<1x384xf32>
    %get3A_721 = arith.constant 0 : index
    %get3A_722 = arith.constant 0 : index
    %get3A_723 = arith.constant 0 : index
    %get3A_724 = vector.load %arg8[%get3A_721, %get3A_722, %get3A_723] : memref<1x1x384xf32, #tpu.memory_space<vmem>>, vector<1x1x384xf32>
    %get3A_725 = vector.shape_cast %get3A_724 : vector<1x1x384xf32> to vector<1x384xf32>
    %mul3A_726 = vector.broadcast %get3A_725 : vector<1x384xf32> to vector<384x384xf32>
    %mul3A_727 = arith.mulf %convert_element_type3A_644, %mul3A_726 : vector<384x384xf32>
    %reduce_sum3A_728 = arith.constant dense<0.000000e+00> : vector<384xf32>
    %reduce_sum3A_729 = vector.multi_reduction <add>, %mul3A_727, %reduce_sum3A_728 [1] : vector<384x384xf32> to vector<384xf32>
    %broadcast_in_dim3A_730 = vector.shape_cast %reduce_sum3A_729 : vector<384xf32> to vector<384x1xf32>
    %transpose3A_731 = tpu.transpose %broadcast_in_dim3A_730, [1, 0] : vector<384x1xf32> -> vector<1x384xf32>
    %get3A_732 = arith.constant 0 : index
    %get3A_733 = arith.constant 0 : index
    %get3A_734 = arith.constant 0 : index
    %get3A_735 = vector.load %arg9[%get3A_732, %get3A_733, %get3A_734] : memref<1x1x384xf32, #tpu.memory_space<vmem>>, vector<1x1x384xf32>
    %get3A_736 = vector.shape_cast %get3A_735 : vector<1x1x384xf32> to vector<1x384xf32>
    %mul3A_737 = vector.broadcast %get3A_736 : vector<1x384xf32> to vector<384x384xf32>
    %mul3A_738 = arith.mulf %convert_element_type3A_644, %mul3A_737 : vector<384x384xf32>
    %reduce_sum3A_739 = arith.constant dense<0.000000e+00> : vector<384xf32>
    %reduce_sum3A_740 = vector.multi_reduction <add>, %mul3A_738, %reduce_sum3A_739 [1] : vector<384x384xf32> to vector<384xf32>
    %broadcast_in_dim3A_741 = vector.shape_cast %reduce_sum3A_740 : vector<384xf32> to vector<384x1xf32>
    %transpose3A_742 = tpu.transpose %broadcast_in_dim3A_741, [1, 0] : vector<384x1xf32> -> vector<1x384xf32>
    %transpose3A_743 = tpu.transpose %select_n3A_631, [1, 0] : vector<384x1xf32> -> vector<1x384xf32>
    %transpose3A_744 = tpu.transpose %select_n3A_636, [1, 0] : vector<384x1xf32> -> vector<1x384xf32>
    %sub3A_745 = arith.subf %transpose3A_731, %transpose3A_709 : vector<1x384xf32>
    %sub3A_746 = arith.subf %transpose3A_742, %transpose3A_720 : vector<1x384xf32>
    %mul3A_747 = arith.constant 5.000000e-01 : f32
    %mul3A_748 = vector.broadcast %mul3A_747 : f32 to vector<1x384xf32>
    %mul3A_749 = arith.mulf %mul3A_748, %sub3A_745 : vector<1x384xf32>
    %add3A_750 = arith.addf %transpose3A_709, %mul3A_749 : vector<1x384xf32>
    %mul3A_751 = arith.constant 5.000000e-01 : f32
    %mul3A_752 = vector.broadcast %mul3A_751 : f32 to vector<1x384xf32>
    %mul3A_753 = arith.mulf %mul3A_752, %sub3A_746 : vector<1x384xf32>
    %add3A_754 = arith.addf %transpose3A_720, %mul3A_753 : vector<1x384xf32>
    %mul3A_755 = arith.mulf %transpose3A_655, %sub3A_745 : vector<1x384xf32>
    %add3A_756 = arith.addf %mul3A_755, %add3A_750 : vector<1x384xf32>
    %mul3A_757 = arith.mulf %transpose3A_666, %sub3A_746 : vector<1x384xf32>
    %add3A_758 = arith.addf %mul3A_757, %add3A_754 : vector<1x384xf32>
    %exp3A = math.exp %min3A_681 : vector<1x384xf32>
    %mul3A_759 = arith.mulf %exp3A, %sub3A_745 : vector<1x384xf32>
    %exp3A_760 = math.exp %min3A_698 : vector<1x384xf32>
    %mul3A_761 = arith.mulf %exp3A_760, %sub3A_746 : vector<1x384xf32>
    %mul3A_762 = arith.constant 5.000000e-01 : f32
    %mul3A_763 = vector.broadcast %mul3A_762 : f32 to vector<1x384xf32>
    %mul3A_764 = arith.mulf %mul3A_763, %mul3A_759 : vector<1x384xf32>
    %sub3A_765 = arith.subf %add3A_756, %mul3A_764 : vector<1x384xf32>
    %jit3A_766 = arith.constant 0.000000e+00 : f32
    %jit3A_767 = arith.constant 5.120000e+02 : f32
    %max3A_768 = vector.broadcast %jit3A_766 : f32 to vector<1x384xf32>
    %max3A_769 = arith.maximumf %max3A_768, %sub3A_765 : vector<1x384xf32>
    %min3A_770 = vector.broadcast %jit3A_767 : f32 to vector<1x384xf32>
    %min3A_771 = arith.minimumf %min3A_770, %max3A_769 : vector<1x384xf32>
    %mul3A_772 = arith.constant 5.000000e-01 : f32
    %mul3A_773 = vector.broadcast %mul3A_772 : f32 to vector<1x384xf32>
    %mul3A_774 = arith.mulf %mul3A_773, %mul3A_761 : vector<1x384xf32>
    %sub3A_775 = arith.subf %add3A_758, %mul3A_774 : vector<1x384xf32>
    %jit3A_776 = arith.constant 0.000000e+00 : f32
    %jit3A_777 = arith.constant 5.120000e+02 : f32
    %max3A_778 = vector.broadcast %jit3A_776 : f32 to vector<1x384xf32>
    %max3A_779 = arith.maximumf %max3A_778, %sub3A_775 : vector<1x384xf32>
    %min3A_780 = vector.broadcast %jit3A_777 : f32 to vector<1x384xf32>
    %min3A_781 = arith.minimumf %min3A_780, %max3A_779 : vector<1x384xf32>
    %mul3A_782 = arith.constant 5.000000e-01 : f32
    %mul3A_783 = vector.broadcast %mul3A_782 : f32 to vector<1x384xf32>
    %mul3A_784 = arith.mulf %mul3A_783, %mul3A_759 : vector<1x384xf32>
    %add3A_785 = arith.addf %add3A_756, %mul3A_784 : vector<1x384xf32>
    %jit3A_786 = arith.constant 0.000000e+00 : f32
    %jit3A_787 = arith.constant 5.120000e+02 : f32
    %max3A_788 = vector.broadcast %jit3A_786 : f32 to vector<1x384xf32>
    %max3A_789 = arith.maximumf %max3A_788, %add3A_785 : vector<1x384xf32>
    %min3A_790 = vector.broadcast %jit3A_787 : f32 to vector<1x384xf32>
    %min3A_791 = arith.minimumf %min3A_790, %max3A_789 : vector<1x384xf32>
    %mul3A_792 = arith.constant 5.000000e-01 : f32
    %mul3A_793 = vector.broadcast %mul3A_792 : f32 to vector<1x384xf32>
    %mul3A_794 = arith.mulf %mul3A_793, %mul3A_761 : vector<1x384xf32>
    %add3A_795 = arith.addf %add3A_758, %mul3A_794 : vector<1x384xf32>
    %jit3A_796 = arith.constant 0.000000e+00 : f32
    %jit3A_797 = arith.constant 5.120000e+02 : f32
    %max3A_798 = vector.broadcast %jit3A_796 : f32 to vector<1x384xf32>
    %max3A_799 = arith.maximumf %max3A_798, %add3A_795 : vector<1x384xf32>
    %min3A_800 = vector.broadcast %jit3A_797 : f32 to vector<1x384xf32>
    %min3A_801 = arith.minimumf %min3A_800, %max3A_799 : vector<1x384xf32>
    %mul3A_802 = arith.constant 1.024000e+03 : f32
    %mul3A_803 = vector.broadcast %mul3A_802 : f32 to vector<1x384xf32>
    %mul3A_804 = arith.mulf %transpose3A_744, %mul3A_803 : vector<1x384xf32>
    %add3A_805 = arith.addf %min3A_771, %mul3A_804 : vector<1x384xf32>
    %add3A_806 = arith.addf %min3A_781, %mul3A_804 : vector<1x384xf32>
    %add3A_807 = arith.addf %min3A_791, %mul3A_804 : vector<1x384xf32>
    %add3A_808 = arith.addf %min3A_801, %mul3A_804 : vector<1x384xf32>
    %sub3A_809 = arith.subf %min3A_791, %min3A_771 : vector<1x384xf32>
    %sub3A_810 = arith.subf %min3A_801, %min3A_781 : vector<1x384xf32>
    %mul3A_811 = arith.mulf %sub3A_809, %sub3A_810 : vector<1x384xf32>
    %transpose3A_812 = tpu.transpose %add3A_805, [1, 0] : vector<1x384xf32> -> vector<384x1xf32>
    %transpose3A_813 = tpu.transpose %add3A_806, [1, 0] : vector<1x384xf32> -> vector<384x1xf32>
    %transpose3A_814 = tpu.transpose %add3A_807, [1, 0] : vector<1x384xf32> -> vector<384x1xf32>
    %transpose3A_815 = tpu.transpose %add3A_808, [1, 0] : vector<1x384xf32> -> vector<384x1xf32>
    %transpose3A_816 = tpu.transpose %mul3A_811, [1, 0] : vector<1x384xf32> -> vector<384x1xf32>
    %transpose3A_817 = tpu.transpose %transpose3A_743, [1, 0] : vector<1x384xf32> -> vector<384x1xf32>
    %max3A_818 = vector.broadcast %transpose3A_812 : vector<384x1xf32> to vector<384x384xf32>
    %max3A_819 = vector.broadcast %add3A_805 : vector<1x384xf32> to vector<384x384xf32>
    %max3A_820 = arith.maximumf %max3A_818, %max3A_819 : vector<384x384xf32>
    %max3A_821 = vector.broadcast %transpose3A_813 : vector<384x1xf32> to vector<384x384xf32>
    %max3A_822 = vector.broadcast %add3A_806 : vector<1x384xf32> to vector<384x384xf32>
    %max3A_823 = arith.maximumf %max3A_821, %max3A_822 : vector<384x384xf32>
    %min3A_824 = vector.broadcast %transpose3A_814 : vector<384x1xf32> to vector<384x384xf32>
    %min3A_825 = vector.broadcast %add3A_807 : vector<1x384xf32> to vector<384x384xf32>
    %min3A_826 = arith.minimumf %min3A_824, %min3A_825 : vector<384x384xf32>
    %min3A_827 = vector.broadcast %transpose3A_815 : vector<384x1xf32> to vector<384x384xf32>
    %min3A_828 = vector.broadcast %add3A_808 : vector<1x384xf32> to vector<384x384xf32>
    %min3A_829 = arith.minimumf %min3A_827, %min3A_828 : vector<384x384xf32>
    %sub3A_830 = arith.subf %min3A_826, %max3A_820 : vector<384x384xf32>
    %jit3A_831 = arith.constant 0.000000e+00 : f32
    %max3A_832 = vector.broadcast %jit3A_831 : f32 to vector<384x384xf32>
    %max3A_833 = arith.maximumf %max3A_832, %sub3A_830 : vector<384x384xf32>
    %sub3A_834 = arith.subf %min3A_829, %max3A_823 : vector<384x384xf32>
    %jit3A_835 = arith.constant 0.000000e+00 : f32
    %max3A_836 = vector.broadcast %jit3A_835 : f32 to vector<384x384xf32>
    %max3A_837 = arith.maximumf %max3A_836, %sub3A_834 : vector<384x384xf32>
    %mul3A_838 = arith.mulf %max3A_833, %max3A_837 : vector<384x384xf32>
    %add3A_839 = vector.broadcast %transpose3A_816 : vector<384x1xf32> to vector<384x384xf32>
    %add3A_840 = vector.broadcast %mul3A_811 : vector<1x384xf32> to vector<384x384xf32>
    %add3A_841 = arith.addf %add3A_839, %add3A_840 : vector<384x384xf32>
    %sub3A_842 = arith.subf %add3A_841, %mul3A_838 : vector<384x384xf32>
    %jit3A_843 = arith.constant 9.99999997E-7 : f32
    %max3A_844 = vector.broadcast %jit3A_843 : f32 to vector<384x384xf32>
    %max3A_845 = arith.maximumf %max3A_844, %sub3A_842 : vector<384x384xf32>
    %div3A_846 = arith.divf %mul3A_838, %max3A_845 : vector<384x384xf32>
    %gt3A_847 = vector.broadcast %transpose3A_817 : vector<384x1xf32> to vector<384x384xf32>
    %gt3A_848 = vector.broadcast %transpose3A_743 : vector<1x384xf32> to vector<384x384xf32>
    %gt3A_849 = arith.cmpf ogt, %gt3A_847, %gt3A_848 : vector<384x384xf32>
    %gt3A_850 = arith.constant 5.000000e-01 : f32
    %gt3A_851 = vector.broadcast %gt3A_850 : f32 to vector<384x384xf32>
    %gt3A_852 = arith.cmpf ogt, %div3A_846, %gt3A_851 : vector<384x384xf32>
    %and3A_853 = arith.andi %gt3A_849, %gt3A_852 : vector<384x384xi1>
    %reduce_or3A = arith.constant 1.000000e+00 : f32
    %reduce_or3A_854 = arith.constant 0.000000e+00 : f32
    %reduce_or3A_855 = vector.broadcast %reduce_or3A : f32 to vector<384x384xf32>
    %reduce_or3A_856 = vector.broadcast %reduce_or3A_854 : f32 to vector<384x384xf32>
    %reduce_or3A_857 = arith.select %and3A_853, %reduce_or3A_855, %reduce_or3A_856 : vector<384x384xi1>, vector<384x384xf32>
    %reduce_or3A_858 = arith.constant dense<0xFF800000> : vector<384xf32>
    %reduce_or3A_859 = vector.multi_reduction <maximumf>, %reduce_or3A_857, %reduce_or3A_858 [0] : vector<384x384xf32> to vector<384xf32>
    %reduce_or3A_860 = arith.constant 0.000000e+00 : f32
    %reduce_or3A_861 = vector.broadcast %reduce_or3A_860 : f32 to vector<384xf32>
    %reduce_or3A_862 = arith.cmpf ogt, %reduce_or3A_859, %reduce_or3A_861 : vector<384xf32>
    %broadcast_in_dim3A_863 = vector.shape_cast %reduce_or3A_862 : vector<384xi1> to vector<1x384xi1>
    %jit3A_864 = arith.constant -1.000000e+09 : f32
    %broadcast_in_dim3A_865 = vector.broadcast %jit3A_864 : f32 to vector<1x384xf32>
    %select_n3A_866 = arith.select %broadcast_in_dim3A_863, %broadcast_in_dim3A_865, %transpose3A_743 : vector<1x384xi1>, vector<1x384xf32>
    %not3A = arith.constant dense<true> : vector<1x384xi1>
    %not3A_867 = arith.xori %broadcast_in_dim3A_863, %not3A : vector<1x384xi1>
    %gt3A_868 = arith.constant 0.000000e+00 : f32
    %gt3A_869 = vector.broadcast %gt3A_868 : f32 to vector<1x384xf32>
    %gt3A_870 = arith.cmpf ogt, %transpose3A_743, %gt3A_869 : vector<1x384xf32>
    %and3A_871 = arith.andi %not3A_867, %gt3A_870 : vector<1x384xi1>
    %transpose3A_872 = tpu.transpose %and3A_871, [1, 0] : vector<1x384xi1> -> vector<384x1xi1>
    %iota3A_873 = tpu.iota {dimensions = array<i32: 1>} : vector<384x384xi32>
    %iota3A_874 = tpu.iota {dimensions = array<i32: 0>} : vector<384x384xi32>
    %not3A_875 = arith.constant dense<true> : vector<1x384xi1>
    %not3A_876 = arith.xori %and3A_871, %not3A_875 : vector<1x384xi1>
    %and3A_877 = vector.broadcast %transpose3A_872 : vector<384x1xi1> to vector<384x384xi1>
    %and3A_878 = vector.broadcast %not3A_876 : vector<1x384xi1> to vector<384x384xi1>
    %and3A_879 = arith.andi %and3A_877, %and3A_878 : vector<384x384xi1>
    %eq3A_880 = vector.broadcast %transpose3A_872 : vector<384x1xi1> to vector<384x384xi1>
    %eq3A_881 = vector.broadcast %and3A_871 : vector<1x384xi1> to vector<384x384xi1>
    %eq3A_882 = vector.broadcast %eq3A_880 : vector<384x384xi1> to vector<384x384xi1>
    %eq3A_883 = vector.broadcast %eq3A_881 : vector<384x384xi1> to vector<384x384xi1>
    %eq3A_884 = arith.xori %eq3A_882, %eq3A_883 : vector<384x384xi1>
    %eq3A_885 = arith.constant dense<true> : vector<384x384xi1>
    %eq3A_886 = arith.xori %eq3A_884, %eq3A_885 : vector<384x384xi1>
    %lt3A_887 = arith.cmpi slt, %iota3A_874, %iota3A_873 : vector<384x384xi32>
    %and3A_888 = arith.andi %eq3A_886, %lt3A_887 : vector<384x384xi1>
    %or3A_889 = arith.ori %and3A_879, %and3A_888 : vector<384x384xi1>
    %convert_element_type3A_890 = arith.extui %or3A_889 : vector<384x384xi1> to vector<384x384xi32>
    %convert_element_type3A_891 = arith.sitofp %convert_element_type3A_890 : vector<384x384xi32> to vector<384x384xf32>
    %reduce_sum3A_892 = arith.constant dense<0.000000e+00> : vector<384xf32>
    %reduce_sum3A_893 = vector.multi_reduction <add>, %convert_element_type3A_891, %reduce_sum3A_892 [0] : vector<384x384xf32> to vector<384xf32>
    %broadcast_in_dim3A_894 = vector.shape_cast %reduce_sum3A_893 : vector<384xf32> to vector<1x384xf32>
    %convert_element_type3A_895 = arith.sitofp %iota3A_874 : vector<384x384xi32> to vector<384x384xf32>
    %eq3A_896 = vector.broadcast %broadcast_in_dim3A_894 : vector<1x384xf32> to vector<384x384xf32>
    %eq3A_897 = arith.cmpf oeq, %eq3A_896, %convert_element_type3A_895 : vector<384x384xf32>
    %convert_element_type3A_898 = arith.extui %eq3A_897 : vector<384x384xi1> to vector<384x384xi32>
    %convert_element_type3A_899 = arith.sitofp %convert_element_type3A_898 : vector<384x384xi32> to vector<384x384xf32>
    %mul3A_900 = vector.broadcast %min3A_771 : vector<1x384xf32> to vector<384x384xf32>
    %mul3A_901 = arith.mulf %convert_element_type3A_899, %mul3A_900 : vector<384x384xf32>
    %reduce_sum3A_902 = arith.constant dense<0.000000e+00> : vector<384xf32>
    %reduce_sum3A_903 = vector.multi_reduction <add>, %mul3A_901, %reduce_sum3A_902 [1] : vector<384x384xf32> to vector<384xf32>
    %broadcast_in_dim3A_904 = vector.shape_cast %reduce_sum3A_903 : vector<384xf32> to vector<384x1xf32>
    %mul3A_905 = vector.broadcast %min3A_781 : vector<1x384xf32> to vector<384x384xf32>
    %mul3A_906 = arith.mulf %convert_element_type3A_899, %mul3A_905 : vector<384x384xf32>
    %reduce_sum3A_907 = arith.constant dense<0.000000e+00> : vector<384xf32>
    %reduce_sum3A_908 = vector.multi_reduction <add>, %mul3A_906, %reduce_sum3A_907 [1] : vector<384x384xf32> to vector<384xf32>
    %broadcast_in_dim3A_909 = vector.shape_cast %reduce_sum3A_908 : vector<384xf32> to vector<384x1xf32>
    %mul3A_910 = vector.broadcast %min3A_791 : vector<1x384xf32> to vector<384x384xf32>
    %mul3A_911 = arith.mulf %convert_element_type3A_899, %mul3A_910 : vector<384x384xf32>
    %reduce_sum3A_912 = arith.constant dense<0.000000e+00> : vector<384xf32>
    %reduce_sum3A_913 = vector.multi_reduction <add>, %mul3A_911, %reduce_sum3A_912 [1] : vector<384x384xf32> to vector<384xf32>
    %broadcast_in_dim3A_914 = vector.shape_cast %reduce_sum3A_913 : vector<384xf32> to vector<384x1xf32>
    %mul3A_915 = vector.broadcast %min3A_801 : vector<1x384xf32> to vector<384x384xf32>
    %mul3A_916 = arith.mulf %convert_element_type3A_899, %mul3A_915 : vector<384x384xf32>
    %reduce_sum3A_917 = arith.constant dense<0.000000e+00> : vector<384xf32>
    %reduce_sum3A_918 = vector.multi_reduction <add>, %mul3A_916, %reduce_sum3A_917 [1] : vector<384x384xf32> to vector<384xf32>
    %broadcast_in_dim3A_919 = vector.shape_cast %reduce_sum3A_918 : vector<384xf32> to vector<384x1xf32>
    %mul3A_920 = vector.broadcast %select_n3A_866 : vector<1x384xf32> to vector<384x384xf32>
    %mul3A_921 = arith.mulf %convert_element_type3A_899, %mul3A_920 : vector<384x384xf32>
    %reduce_sum3A_922 = arith.constant dense<0.000000e+00> : vector<384xf32>
    %reduce_sum3A_923 = vector.multi_reduction <add>, %mul3A_921, %reduce_sum3A_922 [1] : vector<384x384xf32> to vector<384xf32>
    %broadcast_in_dim3A_924 = vector.shape_cast %reduce_sum3A_923 : vector<384xf32> to vector<384x1xf32>
    %mul3A_925 = vector.broadcast %transpose3A_744 : vector<1x384xf32> to vector<384x384xf32>
    %mul3A_926 = arith.mulf %convert_element_type3A_899, %mul3A_925 : vector<384x384xf32>
    %reduce_sum3A_927 = arith.constant dense<0.000000e+00> : vector<384xf32>
    %reduce_sum3A_928 = vector.multi_reduction <add>, %mul3A_926, %reduce_sum3A_927 [1] : vector<384x384xf32> to vector<384xf32>
    %broadcast_in_dim3A_929 = vector.shape_cast %reduce_sum3A_928 : vector<384xf32> to vector<384x1xf32>
    %broadcast_in_dim3A_930 = arith.constant 0.000000e+00 : f32
    %broadcast_in_dim3A_931 = vector.broadcast %broadcast_in_dim3A_930 : f32 to vector<384x2xf32>
    %concatenate3A = tpu.concatenate %broadcast_in_dim3A_904, %broadcast_in_dim3A_909, %broadcast_in_dim3A_914, %broadcast_in_dim3A_919, %broadcast_in_dim3A_924, %broadcast_in_dim3A_929, %broadcast_in_dim3A_931 in 1 : vector<384x1xf32>, vector<384x1xf32>, vector<384x1xf32>, vector<384x1xf32>, vector<384x1xf32>, vector<384x1xf32>, vector<384x2xf32> -> vector<384x8xf32>
    %swap3A = arith.constant 0 : index
    %swap3A_932 = arith.constant 0 : index
    %swap3A_933 = arith.constant 0 : index
    %swap3A_934 = vector.load %arg10[%swap3A, %swap3A_932, %swap3A_933] : memref<1x384x8xf32, #tpu.memory_space<vmem>>, vector<1x384x8xf32>
    %swap3A_935 = vector.shape_cast %swap3A_934 : vector<1x384x8xf32> to vector<384x8xf32>
    %swap3A_936 = vector.shape_cast %concatenate3A : vector<384x8xf32> to vector<1x384x8xf32>
    tpu.vector_store %arg10[%swap3A, %swap3A_932, %swap3A_933], %swap3A_936 {strides = array<i32>} : memref<1x384x8xf32, #tpu.memory_space<vmem>>, vector<1x384x8xf32>,
    return
  }
  func.func @transform_0(%arg0: i32) -> (i32, i32, i32) {
    %c0_i32 = arith.constant 0 : i32
    %c0_i32_0 = arith.constant 0 : i32
    %c0_i32_1 = arith.constant 0 : i32
    return %arg0, %c0_i32, %c0_i32_0 : i32, i32, i32
  }
  func.func @transform_1(%arg0: i32) -> (i32, i32, i32) {
    %c0_i32 = arith.constant 0 : i32
    %c0_i32_0 = arith.constant 0 : i32
    %c0_i32_1 = arith.constant 0 : i32
    return %arg0, %c0_i32, %c0_i32_0 : i32, i32, i32
  }
  func.func @transform_2(%arg0: i32) -> (i32, i32, i32) {
    %c0_i32 = arith.constant 0 : i32
    %c0_i32_0 = arith.constant 0 : i32
    %c0_i32_1 = arith.constant 0 : i32
    return %arg0, %c0_i32, %c0_i32_0 : i32, i32, i32
  }
  func.func @transform_3(%arg0: i32) -> (i32, i32, i32) {
    %c0_i32 = arith.constant 0 : i32
    %c0_i32_0 = arith.constant 0 : i32
    %c0_i32_1 = arith.constant 0 : i32
    return %arg0, %c0_i32, %c0_i32_0 : i32, i32, i32
  }
  func.func @transform_4(%arg0: i32) -> (i32, i32, i32) {
    %c0_i32 = arith.constant 0 : i32
    %c0_i32_0 = arith.constant 0 : i32
    %c0_i32_1 = arith.constant 0 : i32
    return %arg0, %c0_i32, %c0_i32_0 : i32, i32, i32
  }
  func.func @transform_5(%arg0: i32) -> (i32, i32, i32) {
    %c0_i32 = arith.constant 0 : i32
    %c0_i32_0 = arith.constant 0 : i32
    %c0_i32_1 = arith.constant 0 : i32
    return %arg0, %c0_i32, %c0_i32_0 : i32, i32, i32
  }
  func.func @transform_6(%arg0: i32) -> (i32, i32, i32) {
    %c0_i32 = arith.constant 0 : i32
    %c0_i32_0 = arith.constant 0 : i32
    %c0_i32_1 = arith.constant 0 : i32
    return %arg0, %c0_i32, %c0_i32_0 : i32, i32, i32
  }
  func.func @transform_7(%arg0: i32) -> (i32, i32, i32) {
    %c0_i32 = arith.constant 0 : i32
    %c0_i32_0 = arith.constant 0 : i32
    %c0_i32_1 = arith.constant 0 : i32
    return %arg0, %c0_i32, %c0_i32_0 : i32, i32, i32
  }
  func.func @transform_8(%arg0: i32) -> (i32, i32, i32) {
    %c0_i32 = arith.constant 0 : i32
    %c0_i32_0 = arith.constant 0 : i32
    %c0_i32_1 = arith.constant 0 : i32
    return %arg0, %c0_i32, %c0_i32_0 : i32, i32, i32
  }
  func.func @transform_9(%arg0: i32) -> (i32, i32, i32) {
    %c0_i32 = arith.constant 0 : i32
    %c0_i32_0 = arith.constant 0 : i32
    %c0_i32_1 = arith.constant 0 : i32
    return %arg0, %c0_i32, %c0_i32_0 : i32, i32, i32
  }
}

</mosaic_0001>

<sc_bundles>
// kernel: gather_offload_async_start.1
scs
__scs_entry_jumppad:
0x0: {  	(pc) =	sbr.rel $0x88, $3  }
0x1: {  	(tag) =	ssettag $0x0;
	lr =	simm.s32 $0x1  }
0x2: {  	[smem:$0x3F97] =	sst lr;
	_ =	strace $0xD0000000  }
0x3: {  	_ = 	snop  }
0x4: {  	_ = 	snop  }
0x5: {  	_ = 	snop  }
0x6: {  	_ = 	snop  }
0x7: {  	_ = 	snop  }
__scs_overlays_trampoline_lowered:
0x8: {  	[smem:$0x3FA6] =	sst s0  }
0x9: {  	[smem:$0x3FA7] =	sst s1  }
0xa: {  	[smem:$0x3FA8] =	sst s2  }
0xb: {  	[smem:$0x3FA9] =	sst s3  }
0xc: {  	[smem:$0x3FAA] =	sst s4  }
0xd: {  	[smem:$0x3FAB] =	sst s5  }
0xe: {  	[smem:$0x3FAC] =	sst s6  }
0xf: {  	[smem:$0x3FAD] =	sst s7  }
0x10: {  	[smem:$0x3FAE] =	sst s8  }
0x11: {  	[smem:$0x3FAF] =	sst s9;
	s0 =	simm.s32 @!p0 $0x0  }
0x12: {  	s1 =	sld [smem:$0x3F95];
	s0 =	simm.s32 @p0 $0x1  }
0x13: {  	[smem:$0x3FB0] =	sst s0;
	s0 =	simm.s32 @!p1 $0x0  }
0x14: {  	s2 =	sld [smem:$0x3F94];
	s0 =	simm.s32 @p1 $0x1  }
0x15: {  	[smem:$0x3FB1] =	sst s0;
	s0 =	simm.s32 @!p2 $0x0  }
0x16: {  	s3 =	sld [smem:$0x3FDB];
	s0 =	simm.s32 @p2 $0x1  }
0x17: {  	s4 =	simm.s32 $0x1BF5;
	[smem:$0x3FB3] =	sst s0  }
0x18: {  	s0 =	sld [smem:$0x3F96];
	_ =	swait.ge [sflag:s4], $0x0  }
0x19: {  	s7 =	sld [smem:$0x3F97]  }
0x1a: {  	s8 =	sadd.s32 $0xFFFFE003, lr  }
0x1b: {  	s9 =	sadd.s32 $0xFFFFFEF7, lr;
	s5 =	simm.s32 $0xFFFFFFFF;
	p2 =	slt.u32 s8, $0xFFFFF086  }
0x1c: {  	p1 =	slt.u32 s9, $0xF7A;
	s5 =	simm.s32 @!p2 $0x0  }
0x1d: {  	s5 =	simm.s32 @p1 $0x1;
	p0 =	seq.s32 s7, s2  }
0x1e: {  	s7 =	smul.u32 @!p0 $0xF7A, s2;
	p2 =	seq.s32 @!p0 s5, $0x0  }
0x1f: {  	s9 =	smul.u32 $0xF7A, s1;
	s8 =	simm.s32 @!p0 $0x1BF5;
	p2 =	por !p2, p0  }
0x20: {  	[sflag:s8] =	ssyncset.s32 @!p0 $0xFFFFF086;
	s6 =	sadd.s32 @!p0 s3, s7;
	s7 =	simm.s32 @!p0 $0x108  }
0x21: {  	s3 =	sadd.s32 s3, s9;
	s6 =	sadd.s32 @!p0 $0x88, s6;
	s7 =	simm.s32 @p2 $0x1082  }
0x22: {  	[simem:s7], [sflag:s8] =	dma.local @!p0 [hbm:s6], $0xF7A  }
0x23: {  	s9 =	sor.u32 $0xD0000000, s2;
	s6 =	simm.s32 $0x108;
	_ =	swait.ge @!p0 [sflag:s8], $0x0  }
0x24: {  	s3 =	sadd.s32 $0x88, s3;
	s6 =	simm.s32 @!p1 $0x1082;
	[sflag:s4] =	ssyncset.s32 $0xFFFFF086  }
0x25: {  	[simem:s6], [sflag:s4] =	dma.local [hbm:s3], $0xF7A  }
0x26: {  	[smem:$0x3F97] =	sst s1;
	(tag) =	ssettag s2;
	_ =	strace s9  }
0x27: {  	s1 =	sld [smem:$0x3FA7]  }
0x28: {  	s2 =	sld [smem:$0x3FA8]  }
0x29: {  	s4 =	sld [smem:$0x3FAA]  }
0x2a: {  	p0 =	seq.s32 s5, $0x0;
	s5 =	sld [smem:$0x3FAB]  }
0x2b: {  	s6 =	sld [smem:$0x3FAC]  }
0x2c: {  	s7 =	sld [smem:$0x3FAD]  }
0x2d: {  	s3 =	simm.s32 $0x108;
	s8 =	sld [smem:$0x3FAE]  }
0x2e: {  	s3 =	simm.s32 @!p0 $0x1082;
	s9 =	sld [smem:$0x3FAF]  }
0x2f: {  	lr =	sadd.s32 s0, s3;
	s0 =	sld [smem:$0x3FA6]  }
0x30: {  	s3 =	sld [smem:$0x3FA9]  }
0x31: {  	[smem:$0x3FB2] =	sst s10  }
0x32: {  	s10 =	sld [smem:$0x3FB0];
	_ =	sdelay $0x3  }
0x33: {  	p0 =	seq.s32 s10, $0x1;
	s10 =	sld [smem:$0x3FB2];
	_ =	sdelay $0x3  }
0x34: {  	[smem:$0x3FB2] =	sst s10  }
0x35: {  	s10 =	sld [smem:$0x3FB1];
	_ =	sdelay $0x3  }
0x36: {  	p1 =	seq.s32 s10, $0x1;
	s10 =	sld [smem:$0x3FB2];
	_ =	sdelay $0x3  }
0x37: {  	[smem:$0x3FB2] =	sst s10  }
0x38: {  	s10 =	sld [smem:$0x3FB3]  }
0x39: {  	_ = 	snop;
	(pc) =	sbr.ind lr, $3  }
0x3a: {  	_ = 	snop  }
0x3b: {  	_ = 	snop  }
0x3c: {  	p2 =	seq.s32 s10, $0x1;
	s10 =	sld [smem:$0x3FB2]  }
0x3d: {  	_ =	shalt  }
0x3e: {  	_ =	shalt  }
0x3f: {  	_ =	shalt  }
0x40: {  	_ =	shalt  }
0x41: {  	_ =	shalt  }
0x42: {  	_ =	shalt  }
0x43: {  	_ =	shalt  }
0x44: {  	_ =	shalt  }
0x45: {  	_ =	shalt  }
0x46: {  	_ =	shalt  }
0x47: {  	_ =	shalt  }
0x48: {  	_ =	shalt  }
0x49: {  	_ =	shalt  }
0x4a: {  	_ =	shalt  }
0x4b: {  	_ =	shalt  }
0x4c: {  	_ =	shalt  }
0x4d: {  	_ =	shalt  }
0x4e: {  	_ =	shalt  }
0x4f: {  	_ =	shalt  }
0x50: {  	_ =	shalt  }
0x51: {  	_ =	shalt  }
0x52: {  	_ =	shalt  }
0x53: {  	_ =	shalt  }
0x54: {  	_ =	shalt  }
0x55: {  	_ =	shalt  }
0x56: {  	_ =	shalt  }
0x57: {  	_ =	shalt  }
0x58: {  	_ =	shalt  }
0x59: {  	_ =	shalt  }
0x5a: {  	_ =	shalt  }
0x5b: {  	_ =	shalt  }
0x5c: {  	_ =	shalt  }
0x5d: {  	_ =	shalt  }
0x5e: {  	_ =	shalt  }
0x5f: {  	_ =	shalt  }
0x60: {  	_ =	shalt  }
0x61: {  	_ =	shalt  }
0x62: {  	_ =	shalt  }
0x63: {  	_ =	shalt  }
0x64: {  	_ =	shalt  }
0x65: {  	_ =	shalt  }
0x66: {  	_ =	shalt  }
0x67: {  	_ =	shalt  }
0x68: {  	_ =	shalt  }
0x69: {  	_ =	shalt  }
0x6a: {  	_ =	shalt  }
0x6b: {  	_ =	shalt  }
0x6c: {  	_ =	shalt  }
0x6d: {  	_ =	shalt  }
0x6e: {  	_ =	shalt  }
0x6f: {  	_ =	shalt  }
0x70: {  	_ =	shalt  }
0x71: {  	_ =	shalt  }
0x72: {  	_ =	shalt  }
0x73: {  	_ =	shalt  }
0x74: {  	_ =	shalt  }
0x75: {  	_ =	shalt  }
0x76: {  	_ =	shalt  }
0x77: {  	_ =	shalt  }
0x78: {  	_ =	shalt  }
0x79: {  	_ =	shalt  }
0x7a: {  	_ =	shalt  }
0x7b: {  	_ =	shalt  }
0x7c: {  	_ =	shalt  }
0x7d: {  	_ =	shalt  }
0x7e: {  	_ =	shalt  }
0x7f: {  	_ =	shalt  }
0x80: {  	_ =	shalt  }
0x81: {  	_ =	shalt  }
0x82: {  	_ =	shalt  }
0x83: {  	_ =	shalt  }
0x84: {  	_ =	shalt  }
0x85: {  	_ =	shalt  }
0x86: {  	_ =	shalt  }
0x87: {  	_ =	shalt  }
.Lfunc_end0:
.L_simem_size_0:
called_computation.1_lowered:
.L_overlay_start_0:
0x88: {  	s2 =	sld [smem:$0x3FD9]  }
0x89: {  	s3 =	sld [smem:$0x3FFE];
	_ =	sdelay $0x1  }
0x8a: {  	s1 =	srdreg.scid  }
0x8b: {  	s0 =	sand.u32 $0x1, s1  }
0x8c: {  	s17 =	sshll.u32 s0, $0xA;
	s2 =	sadd.s32 s3, s2  }
0x8d: {  	s2 =	sadd.s32 s2, s17  }
0x8e: {  	[smem:$0x3FBE] =	sst s2  }
0x8f: {  	_ = 	snop  }
0x90: {  	s2 =	sld [smem:$0x3FD0];
	(tm) =	ssettm $0x1  }
0x91: {  	s18 =	sld [smem:$0x3FFB];
	_ =	sdelay $0x3  }
0x92: {  	_ =	strace s18  }
0x93: {  	s3 =	sld [smem:$0x3FFC];
	_ =	sdelay $0x3  }
0x94: {  	_ =	strace s3  }
0x95: {  	s3 =	sld [smem:$0x3FFD];
	_ =	sdelay $0x3  }
0x96: {  	_ =	strace s3  }
0x97: {  	_ =	strace $0x8FFFFFFF  }
0x98: {  	s19 =	sld [smem:$0x3FDB];
	_ =	sdelay $0x1  }
0x99: {  	s4 =	simm.s32 $_scs_section_size  }
0x9a: {  	s5 =	simm.s32 $_size__tile_overlayer_lowered;
	s6 =	simm.s32 $_tile_overlayer_lowered  }
0x9b: {  	s22 =	simm.s32 $0x1BFF;
	s21 =	sshll.u32 s6, $0x1;
	s3 =	sadd.s32 s4, s19  }
0x9c: {  	s7 =	simm.s32 $0x0;
	s20 =	sshll.u32 s5, $0x1;
	s5 =	sadd.s32 s21, s3  }
0x9d: {  	[timem:s7], [sflag:s22] =	dma.local [hbm:s5], s20  }
0x9e: {  	_ =	swait.ge [sflag:s22], s20  }
0x9f: {  	s4 =	ssub.s32 $0x0, s20;
	[sflag:s22] =	ssyncset.done $0x0  }
0xa0: {  	[sflag:s22] =	ssyncadd.s32 s4;
	_ =	sdelay $0x1  }
0xa1: {  	s23 =	simm.s32 $0x1B8B  }
0xa2: {  	_ =	swait.ge [sflag:s23], $0x1  }
0xa3: {  	[sflag:s23] =	ssyncset.done $0x0  }
0xa4: {  	s25 =	simm.s32 $0x1B8E;
	s24 =	sld [smem:$0x3FFE];
	[sflag:s23] =	ssyncadd.s32 $0xFFFFFFFF  }
0xa5: {  	s26 =	simm.s32 $execute0_lowered;
	[smem:$0x3FD2] =	sst s25  }
0xa6: {  	s5 =	sshll.u32 s26, $0x1;
	_ =	strace $0x8000004C;
	[dreg:$0x1] =	wrdreg $0xFFFFFFFF  }
0xa7: {  	s28 =	simm.s32 $_size_execute0_lowered;
	s3 =	sadd.s32 s3, s5;
	[dreg:$0x0] =	wrdreg $0x0  }
0xa8: {  	s5 =	sshll.u32 s28, $0x1;
	[dreg:$0x2] =	wrdreg s3  }
0xa9: {  	[dreg:$0x3] =	wrdreg s5  }
0xaa: {  	[dreg:$0x4] =	wrdreg $0xC0  }
0xab: {  	_ =	task [dreg:s7], $0x5FFFF  }
0xac: {  	[dreg:$0x1] =	wrdreg $0xFFFFFFFF  }
0xad: {  	[dreg:$0x0] =	wrdreg $0x60  }
0xae: {  	[dreg:$0x2] =	wrdreg s24  }
0xaf: {  	[dreg:$0x3] =	wrdreg s2  }
0xb0: {  	[dreg:$0x4] =	wrdreg $0x9  }
0xb1: {  	_ =	task.clear_ibuf [dreg:s7], $0x5FFFF;
	_ =	strace $0x9000004C  }
0xb2: {  	s29 =	simm.s32 $0x9;
	_ =	strace $0x8000004E  }
0xb3: {  	_ =	swait.ge [sflag:s29], $0x1  }
0xb4: {  	[sflag:s29] =	ssyncadd.s32 $0xFFFFFFFF  }
0xb5: {  	_ =	strace $0x9000004E  }
0xb6: {  	_ =	sfence  }
0xb7: {  	s30 =	sld [smem:$0x0];
	_ =	sdelay $0x2  }
0xb8: {  	s31 =	sshll.u32 s1, $0xD;
	s1 =	sshrl.u32 s1, $0x2  }
0xb9: {  	s3 =	sand.u32 $0x4000, s31;
	s1 =	sadd.s32 s1, s30  }
0xba: {  	s0 =	sor.u32 s3, s0;
	s1 =	sshll.u32 s1, $0x11  }
0xbb: {  	s0 =	sor.u32 s1, s0  }
0xbc: {  	s0 =	sadd.s32 $0x8F2B, s0  }
0xbd: {  	[sflag:s0] =	ssyncadd.remote.s32 $0x1  }
0xbe: {  	_ =	sfence.sel $0xFFFF  }
0xbf: {  	[dreg:$0x0] =	wrdreg $0xFFFFFFFF;
	(pc) =	sbr.abs _section_cstart, $3  }
0xc0: {  	[dreg:$0x1] =	wrdreg $0xFFFFFFFF  }
0xc1: {  	_ =	task.clear_ibuf [dreg:s7], $0x2FFFF;
	_ =	strace $0x9FFFFFFF  }
0xc2: {  	(tm) =	ssettm $0x7FFFFFFF  }
0xc3: {  	_ =	shalt  }
tec
execute0_lowered:
.L_overlay_start_1:
0x0: {  	(tag) =	ssettag $0x1  }
0x1: {  	s7 =	rddreg [dreg:$0x0]  }
0x2: {  	s0 =	srdreg.scid;
	s2 =	rddreg [dreg:$0x1]  }
0x3: {  	s1 =	stileid.u32;
	s5 =	simm.s32 $0x2;
	s9 =	simm.s32 $0x3  }
0x4: {  	s3 =	sshll.u32 s0, $0x4;
	s0 =	rddreg [dreg:$0x2];
	_ =	strace $0x8000004D  }
.Ltmp0:
0x5: {  	s4 =	sand.u32 $0x10, s3;
	s3 =	simm.s32 $0x1;
	(pc) =	sbr.rel .LBB2_1-.Ltmp0, $4  }
0x6: {  	s12 =	simm.s32 $0x0;
	s4 =	sor.u32 s1, s4;
	[sflag:s3] =	ssyncpa.u1 $0x0  }
0x7: {  	s10 =	simm.s32 $0x0;
	s4 =	smul.u32 $0x60, s4;
	[sflag:s5] =	ssyncpa.u1 $0x0  }
0x8: {  	s6 =	sadd.s32 $0x489200, s7;
	s7 =	sadd.s32 $0x5E00, s7;
	[sflag:s9] =	ssyncpa.u1 $0x0  }
0x9: {  	vm0 =	vmmov $0xff;
	vm1 =	vcmask $0x3F20;
	s9 =	simm.s32 $0x60;
	s8 =	sadd.s32 $0x60, s4;
	s11 =	smov.u32 s4  }
.LBB2_10:
0xa: {  	s12 =	sshrl.u32 s11, $0x3  }
0xb: {  	s13 =	sand.u32 $0x7, s11;
	s12 =	sadd.s32 s2, s12  }
0xc: {  	[tilespmem:s9], [sflag:$0x2] =	stream.linear.gather [hbm4b:s12+s13], $0x60, $0x38;
	[tilespmem:$0x60C0] =	vst v63  }
.LBB2_8:
0xd: {  	s12 =	sadd.s32 $0x60, s11  }
0xe: {  	s13 =	smov.u32 s4;
	p0 =	slt.s32 s12, s8  }
0xf: {  	s13 =	smov.u32 @p0 s12  }
0x10: {  	s10 =	sadd.s32 $0x1, s10;
	s12 =	smov.u32 s11;
	s11 =	smov.u32 s13  }
.LBB2_1:
0x11: {  	p0 =	seq.s32 s10, $0x0  }
.Ltmp1:
0x12: {  	_ = 	snop;
	(pc) =	sbr.rel @p0 .LBB2_10-.Ltmp1, $1  }
0x13: {  	_ =	sdelay $0x3  }
0x14: {  	p0 =	seq.s32 s10, $0x1  }
.Ltmp2:
0x15: {  	_ = 	snop;
	(pc) =	sbr.rel @!p0 .LBB2_9-.Ltmp2, $1  }
0x16: {  	_ =	sdelay $0x3  }
0x17: {  	_ =	swait.ge [sflag:s5], $0x60  }
0x18: {  	[sflag:s5] =	ssyncset.done $0x0  }
0x19: {  	s13 =	simm.s32 $0x0;
	[sflag:s5] =	ssyncadd.s32 $0xFFFFFFA0  }
0x1a: {  	v0 =	vld.msk [tilespmem:s13+$0x60 ss:$0x1], $0xffff;
	_ =	sdelay $0x4  }
0x1b: {  	v1 =	vand.u32 $0x7, v0;
	v2 =	vshll.u32 v0, $0x4  }
0x1c: {  	vm2 =	veq.s32 v0, $0x80000000;
	v0 =	vmul.u32 $0x5FE800, v1;
	v1 =	vand.u32 $0x7FFF80, v2  }
0x1d: {  	v1 =	vsel vm2, $0xFFFFFF80, v1  }
0x1e: {  	v0 =	vsel vm2, $0xFFA01800, v0;
	v2 =	vand.u32 $0xFFFFFC00, v1  }
0x1f: {  	v1 =	vand.u32 $0x380, v1;
	v0 =	vadd.s32 v0, v2  }
0x20: {  	v0 =	vor.u32 v1, v0  }
0x21: {  	v0 =	vshrl.u32 v0, $0x3;
	_ =	sdelay $0x3  }
0x22: {  	s13 =	simm.s32 $0x30C0  }
0x23: {  	[tilespmem:s13], [sflag:$0x1] =	stream.indirect_vreg.gather [hbm:s6], $0x80, v0, vm0, $0x38;
	[tilespmem:$0x60C0] =	vst v63  }
0x24: {  	s14 =	simm.s32 $0x34C0;
	s31 =	simm.s32 $0x10  }
0x25: {  	[tilespmem:s14], [sflag:$0x1] =	stream.indirect_vreg.gather [hbm:s6], $0x80, v0, vm1, $0x38;
	[tilespmem:$0x60C0] =	vst v63  }
0x26: {  	s14 =	simm.s32 $0x80;
	v0 =	vld.msk [tilespmem:s31+$0x60 ss:$0x1], $0xffff  }
.LBB2_4:
0x27: {  	p0 =	sne.s32 s14, $0x140;
	_ =	sdelay $0x4  }
0x28: {  	v1 =	vand.u32 $0x7, v0;
	v2 =	vshll.u32 v0, $0x4  }
0x29: {  	vm2 =	veq.s32 v0, $0x80000000;
	v0 =	vmul.u32 $0x5FE800, v1;
	v1 =	vand.u32 $0x7FFF80, v2  }
0x2a: {  	v1 =	vsel vm2, $0xFFFFFF80, v1  }
0x2b: {  	v0 =	vsel vm2, $0xFFA01800, v0;
	v2 =	vand.u32 $0xFFFFFC00, v1  }
0x2c: {  	v1 =	vand.u32 $0x380, v1;
	v0 =	vadd.s32 v0, v2  }
0x2d: {  	v0 =	vor.u32 v1, v0  }
0x2e: {  	v0 =	vshrl.u32 v0, $0x3;
	_ =	sdelay $0x3  }
.Ltmp3:
0x2f: {  	s13 =	sadd.s32 $0x800, s13;
	(pc) =	sbr.rel @p0 .LBB2_4-.Ltmp3, $4  }
0x30: {  	[tilespmem:s13], [sflag:$0x1] =	stream.indirect_vreg.gather [hbm:s6], $0x80, v0, vm0, $0x38;
	[tilespmem:$0x60C0] =	vst v63  }
0x31: {  	s15 =	sshra.s32 s14, $0x2;
	s16 =	sadd.s32 $0x400, s13  }
0x32: {  	[tilespmem:s16], [sflag:$0x1] =	stream.indirect_vreg.gather [hbm:s6], $0x80, v0, vm1, $0x38;
	[tilespmem:$0x60C0] =	vst v63  }
0x33: {  	s14 =	sadd.s32 $0x40, s14;
	v0 =	vld.msk [tilespmem:s15+$0x60 ss:$0x1], $0xffff  }
0x34: {  	_ =	sdelay $0x3  }
0x35: {  	v1 =	vand.u32 $0x7, v0;
	v2 =	vshll.u32 v0, $0x4  }
0x36: {  	vm2 =	veq.s32 v0, $0x80000000;
	v61 =	vmul.u32 $0x5FE800, v1;
	v62 =	vand.u32 $0x7FFF80, v2  }
0x37: {  	v1 =	vsel vm2, $0xFFFFFF80, v62  }
0x38: {  	v0 =	vsel vm2, $0xFFA01800, v61;
	v63 =	vand.u32 $0xFFFFFC00, v1  }
0x39: {  	v1 =	vand.u32 $0x380, v1;
	v0 =	vadd.s32 v0, v63  }
0x3a: {  	v0 =	vor.u32 v1, v0  }
0x3b: {  	v0 =	vshrl.u32 v0, $0x3;
	_ =	sdelay $0x3  }
0x3c: {  	s13 =	sadd.s32 $0x800, s13  }
0x3d: {  	[tilespmem:s13], [sflag:$0x1] =	stream.indirect_vreg.gather [hbm:s6], $0x80, v0, vm0, $0x38;
	[tilespmem:$0x60C0] =	vst v63  }
0x3e: {  	s13 =	sadd.s32 $0x400, s13  }
0x3f: {  	[tilespmem:s13], [sflag:$0x1] =	stream.indirect_vreg.gather [hbm:s6], $0x80, v0, vm1, $0x38;
	[tilespmem:$0x60C0] =	vst v63  }
0x40: {  	s12 =	sshll.u32 s12, $0x4;
	s14 =	simm.s32 $0x80;
	_ =	swait.ge [sflag:s3], $0x3000  }
0x41: {  	s15 =	simm.s32 $0x34C0;
	s12 =	sadd.s32 s12, s7;
	[sflag:s3] =	ssyncset.done $0x0  }
0x42: {  	s16 =	sadd.s32 $0x0, s12;
	s13 =	simm.s32 $0x30C0;
	[sflag:s3] =	ssyncadd.s32 $0xFFFFD000  }
.LBB2_6:
0x43: {  	[hbm:s16] =	stream.linear.scatter [tilespmem:s13], [sflag:$0x3], $0x400, $0x38;
	[tilespmem:$0x60C0] =	vst v63  }
0x44: {  	s16 =	smov.u32 s14;
	s13 =	smov.u32 s15;
	p0 =	seq.s32 s14, $0x580  }
.Ltmp4:
0x45: {  	s14 =	sadd.s32 $0x80, s14;
	(pc) =	sbr.rel @!p0 .LBB2_6-.Ltmp4, $2  }
0x46: {  	_ =	sdelay $0x2  }
0x47: {  	s15 =	sadd.s32 $0x400, s15;
	s16 =	sadd.s32 s16, s12  }
.Ltmp5:
0x48: {  	(pc) =	sbr.rel .LBB2_8-.Ltmp5, $2  }
0x49: {  	_ =	sdelay $0x2  }
0x4a: {  	[hbm:s16] =	stream.linear.scatter [tilespmem:s13], [sflag:$0x3], $0x400, $0x38;
	[tilespmem:$0x60C0] =	vst v63  }
.LBB2_9:
0x4b: {  	s2 =	simm.s32 $0x3  }
0x4c: {  	_ =	swait.ge [sflag:s2], $0x3000  }
0x4d: {  	[sflag:s2] =	ssyncset.done $0x0  }
0x4e: {  	[sflag:s2] =	ssyncadd.s32 $0xFFFFD000  }
0x4f: {  	_ =	sfence.sel $0x180000  }
0x50: {  	s3 =	simm.s32 $0x2;
	[bflag:$0x0] =	sbarrier.arrive $0xFFFF  }
0x51: {  	[sflag:s3] =	ssyncpa.u1 $0x1  }
0x52: {  	s31 =	simm.s32 $0x1;
	[sflag:s2] =	ssyncpa.u1 $0x1  }
0x53: {  	[sflag:s31] =	ssyncpa.u1 $0x1  }
0x54: {  	p0 =	sne.s32 s1, $0x0;
	_ =	strace $0x9000004D  }
0x55: {  	s0 =	sadd.s32 @!p0 $0x100000, s0;
	[bflag:$0x2] =	sbarrier.arrive $0xFFFF  }
0x56: {  	[sflag:s0] =	ssyncadd.tile.s32 @!p0 $0x1;
	_ =	shalt  }
.Lfunc_end2:
_tile_overlayer_lowered:
.L_overlay_start_2:
0x57: {  	(tag) =	ssettag $0x2  }
0x58: {  	s0 =	rddreg [dreg:$0x0];
	s2 =	stileid.u32  }
0x59: {  	s1 =	rddreg [dreg:$0x1];
	p0 =	sne.s32 s2, $0x0  }
0x5a: {  	s3 =	rddreg [dreg:$0x2];
	[bflag:$0x3] =	sbarrier.arrive $0xFFFF;
	s2 =	simm.s32 @!p0 $0x1C01  }
0x5b: {  	[timem:s3], [sflag:s2] =	dma.local @!p0 [hbm:s0], s1  }
0x5c: {  	s0 =	simm.s32 @!p0 $0x1  }
0x5d: {  	_ =	swait.ge @!p0 [sflag:s0], s1  }
0x5e: {  	s1 =	ssub.s32 @!p0 $0x0, s1;
	[sflag:s0] =	ssyncset.done @!p0 $0x0  }
0x5f: {  	[sflag:s0] =	ssyncadd.s32 @!p0 s1  }
0x60: {  	[bflag:$0x3] =	sbarrier.arrive $0xFFFF  }
0x61: {  	_ =	shalt  }

// kernel: gather_offload_async_start.2
scs
__scs_entry_jumppad:
0x0: {  	(pc) =	sbr.rel $0x88, $3  }
0x1: {  	(tag) =	ssettag $0x0;
	lr =	simm.s32 $0x1  }
0x2: {  	[smem:$0x3F97] =	sst lr;
	_ =	strace $0xD0000000  }
0x3: {  	_ = 	snop  }
0x4: {  	_ = 	snop  }
0x5: {  	_ = 	snop  }
0x6: {  	_ = 	snop  }
0x7: {  	_ = 	snop  }
__scs_overlays_trampoline_lowered:
0x8: {  	[smem:$0x3FA6] =	sst s0  }
0x9: {  	[smem:$0x3FA7] =	sst s1  }
0xa: {  	[smem:$0x3FA8] =	sst s2  }
0xb: {  	[smem:$0x3FA9] =	sst s3  }
0xc: {  	[smem:$0x3FAA] =	sst s4  }
0xd: {  	[smem:$0x3FAB] =	sst s5  }
0xe: {  	[smem:$0x3FAC] =	sst s6  }
0xf: {  	[smem:$0x3FAD] =	sst s7  }
0x10: {  	[smem:$0x3FAE] =	sst s8  }
0x11: {  	[smem:$0x3FAF] =	sst s9;
	s0 =	simm.s32 @!p0 $0x0  }
0x12: {  	s1 =	sld [smem:$0x3F95];
	s0 =	simm.s32 @p0 $0x1  }
0x13: {  	[smem:$0x3FB0] =	sst s0;
	s0 =	simm.s32 @!p1 $0x0  }
0x14: {  	s2 =	sld [smem:$0x3F94];
	s0 =	simm.s32 @p1 $0x1  }
0x15: {  	[smem:$0x3FB1] =	sst s0;
	s0 =	simm.s32 @!p2 $0x0  }
0x16: {  	s3 =	sld [smem:$0x3FDB];
	s0 =	simm.s32 @p2 $0x1  }
0x17: {  	s4 =	simm.s32 $0x1BF5;
	[smem:$0x3FB3] =	sst s0  }
0x18: {  	s0 =	sld [smem:$0x3F96];
	_ =	swait.ge [sflag:s4], $0x0  }
0x19: {  	s7 =	sld [smem:$0x3F97]  }
0x1a: {  	s8 =	sadd.s32 $0xFFFFE003, lr  }
0x1b: {  	s9 =	sadd.s32 $0xFFFFFEF7, lr;
	s5 =	simm.s32 $0xFFFFFFFF;
	p2 =	slt.u32 s8, $0xFFFFF086  }
0x1c: {  	p1 =	slt.u32 s9, $0xF7A;
	s5 =	simm.s32 @!p2 $0x0  }
0x1d: {  	s5 =	simm.s32 @p1 $0x1;
	p0 =	seq.s32 s7, s2  }
0x1e: {  	s7 =	smul.u32 @!p0 $0xF7A, s2;
	p2 =	seq.s32 @!p0 s5, $0x0  }
0x1f: {  	s9 =	smul.u32 $0xF7A, s1;
	s8 =	simm.s32 @!p0 $0x1BF5;
	p2 =	por !p2, p0  }
0x20: {  	[sflag:s8] =	ssyncset.s32 @!p0 $0xFFFFF086;
	s6 =	sadd.s32 @!p0 s3, s7;
	s7 =	simm.s32 @!p0 $0x108  }
0x21: {  	s3 =	sadd.s32 s3, s9;
	s6 =	sadd.s32 @!p0 $0x88, s6;
	s7 =	simm.s32 @p2 $0x1082  }
0x22: {  	[simem:s7], [sflag:s8] =	dma.local @!p0 [hbm:s6], $0xF7A  }
0x23: {  	s9 =	sor.u32 $0xD0000000, s2;
	s6 =	simm.s32 $0x108;
	_ =	swait.ge @!p0 [sflag:s8], $0x0  }
0x24: {  	s3 =	sadd.s32 $0x88, s3;
	s6 =	simm.s32 @!p1 $0x1082;
	[sflag:s4] =	ssyncset.s32 $0xFFFFF086  }
0x25: {  	[simem:s6], [sflag:s4] =	dma.local [hbm:s3], $0xF7A  }
0x26: {  	[smem:$0x3F97] =	sst s1;
	(tag) =	ssettag s2;
	_ =	strace s9  }
0x27: {  	s1 =	sld [smem:$0x3FA7]  }
0x28: {  	s2 =	sld [smem:$0x3FA8]  }
0x29: {  	s4 =	sld [smem:$0x3FAA]  }
0x2a: {  	p0 =	seq.s32 s5, $0x0;
	s5 =	sld [smem:$0x3FAB]  }
0x2b: {  	s6 =	sld [smem:$0x3FAC]  }
0x2c: {  	s7 =	sld [smem:$0x3FAD]  }
0x2d: {  	s3 =	simm.s32 $0x108;
	s8 =	sld [smem:$0x3FAE]  }
0x2e: {  	s3 =	simm.s32 @!p0 $0x1082;
	s9 =	sld [smem:$0x3FAF]  }
0x2f: {  	lr =	sadd.s32 s0, s3;
	s0 =	sld [smem:$0x3FA6]  }
0x30: {  	s3 =	sld [smem:$0x3FA9]  }
0x31: {  	[smem:$0x3FB2] =	sst s10  }
0x32: {  	s10 =	sld [smem:$0x3FB0];
	_ =	sdelay $0x3  }
0x33: {  	p0 =	seq.s32 s10, $0x1;
	s10 =	sld [smem:$0x3FB2];
	_ =	sdelay $0x3  }
0x34: {  	[smem:$0x3FB2] =	sst s10  }
0x35: {  	s10 =	sld [smem:$0x3FB1];
	_ =	sdelay $0x3  }
0x36: {  	p1 =	seq.s32 s10, $0x1;
	s10 =	sld [smem:$0x3FB2];
	_ =	sdelay $0x3  }
0x37: {  	[smem:$0x3FB2] =	sst s10  }
0x38: {  	s10 =	sld [smem:$0x3FB3]  }
0x39: {  	_ = 	snop;
	(pc) =	sbr.ind lr, $3  }
0x3a: {  	_ = 	snop  }
0x3b: {  	_ = 	snop  }
0x3c: {  	p2 =	seq.s32 s10, $0x1;
	s10 =	sld [smem:$0x3FB2]  }
0x3d: {  	_ =	shalt  }
0x3e: {  	_ =	shalt  }
0x3f: {  	_ =	shalt  }
0x40: {  	_ =	shalt  }
0x41: {  	_ =	shalt  }
0x42: {  	_ =	shalt  }
0x43: {  	_ =	shalt  }
0x44: {  	_ =	shalt  }
0x45: {  	_ =	shalt  }
0x46: {  	_ =	shalt  }
0x47: {  	_ =	shalt  }
0x48: {  	_ =	shalt  }
0x49: {  	_ =	shalt  }
0x4a: {  	_ =	shalt  }
0x4b: {  	_ =	shalt  }
0x4c: {  	_ =	shalt  }
0x4d: {  	_ =	shalt  }
0x4e: {  	_ =	shalt  }
0x4f: {  	_ =	shalt  }
0x50: {  	_ =	shalt  }
0x51: {  	_ =	shalt  }
0x52: {  	_ =	shalt  }
0x53: {  	_ =	shalt  }
0x54: {  	_ =	shalt  }
0x55: {  	_ =	shalt  }
0x56: {  	_ =	shalt  }
0x57: {  	_ =	shalt  }
0x58: {  	_ =	shalt  }
0x59: {  	_ =	shalt  }
0x5a: {  	_ =	shalt  }
0x5b: {  	_ =	shalt  }
0x5c: {  	_ =	shalt  }
0x5d: {  	_ =	shalt  }
0x5e: {  	_ =	shalt  }
0x5f: {  	_ =	shalt  }
0x60: {  	_ =	shalt  }
0x61: {  	_ =	shalt  }
0x62: {  	_ =	shalt  }
0x63: {  	_ =	shalt  }
0x64: {  	_ =	shalt  }
0x65: {  	_ =	shalt  }
0x66: {  	_ =	shalt  }
0x67: {  	_ =	shalt  }
0x68: {  	_ =	shalt  }
0x69: {  	_ =	shalt  }
0x6a: {  	_ =	shalt  }
0x6b: {  	_ =	shalt  }
0x6c: {  	_ =	shalt  }
0x6d: {  	_ =	shalt  }
0x6e: {  	_ =	shalt  }
0x6f: {  	_ =	shalt  }
0x70: {  	_ =	shalt  }
0x71: {  	_ =	shalt  }
0x72: {  	_ =	shalt  }
0x73: {  	_ =	shalt  }
0x74: {  	_ =	shalt  }
0x75: {  	_ =	shalt  }
0x76: {  	_ =	shalt  }
0x77: {  	_ =	shalt  }
0x78: {  	_ =	shalt  }
0x79: {  	_ =	shalt  }
0x7a: {  	_ =	shalt  }
0x7b: {  	_ =	shalt  }
0x7c: {  	_ =	shalt  }
0x7d: {  	_ =	shalt  }
0x7e: {  	_ =	shalt  }
0x7f: {  	_ =	shalt  }
0x80: {  	_ =	shalt  }
0x81: {  	_ =	shalt  }
0x82: {  	_ =	shalt  }
0x83: {  	_ =	shalt  }
0x84: {  	_ =	shalt  }
0x85: {  	_ =	shalt  }
0x86: {  	_ =	shalt  }
0x87: {  	_ =	shalt  }
.Lfunc_end0:
.L_simem_size_0:
called_computation.2_lowered:
.L_overlay_start_0:
0x88: {  	s2 =	sld [smem:$0x3FD9]  }
0x89: {  	s3 =	sld [smem:$0x3FFE];
	_ =	sdelay $0x1  }
0x8a: {  	s1 =	srdreg.scid  }
0x8b: {  	s0 =	sand.u32 $0x1, s1  }
0x8c: {  	s17 =	sshll.u32 s0, $0xA;
	s2 =	sadd.s32 s3, s2  }
0x8d: {  	s2 =	sadd.s32 s2, s17  }
0x8e: {  	[smem:$0x3FBE] =	sst s2  }
0x8f: {  	_ = 	snop  }
0x90: {  	s18 =	sld [smem:$0x3FD0];
	(tm) =	ssettm $0x1  }
0x91: {  	s19 =	sld [smem:$0x3FFB];
	_ =	sdelay $0x3  }
0x92: {  	_ =	strace s19  }
0x93: {  	s2 =	sld [smem:$0x3FFC];
	_ =	sdelay $0x3  }
0x94: {  	_ =	strace s2  }
0x95: {  	s2 =	sld [smem:$0x3FFD];
	_ =	sdelay $0x3  }
0x96: {  	_ =	strace s2  }
0x97: {  	_ =	strace $0x8FFFFFFF  }
0x98: {  	s20 =	sld [smem:$0x3FDB];
	_ =	sdelay $0x1  }
0x99: {  	s4 =	simm.s32 $_scs_section_size  }
0x9a: {  	s5 =	simm.s32 $_size__tile_overlayer_lowered;
	s6 =	simm.s32 $_tile_overlayer_lowered  }
0x9b: {  	s7 =	simm.s32 $0x1BFF;
	s21 =	sshll.u32 s6, $0x1;
	s4 =	sadd.s32 s4, s20  }
0x9c: {  	s22 =	simm.s32 $0x0;
	s5 =	sshll.u32 s5, $0x1;
	s6 =	sadd.s32 s21, s4  }
0x9d: {  	[timem:s22], [sflag:s7] =	dma.local [hbm:s6], s5  }
0x9e: {  	_ =	swait.ge [sflag:s7], s5  }
0x9f: {  	s5 =	ssub.s32 $0x0, s5;
	[sflag:s7] =	ssyncset.done $0x0  }
0xa0: {  	[sflag:s7] =	ssyncadd.s32 s5;
	_ =	sdelay $0x1  }
0xa1: {  	s23 =	simm.s32 $0x1B8B  }
0xa2: {  	_ =	swait.ge [sflag:s23], $0x1  }
0xa3: {  	[sflag:s23] =	ssyncset.done $0x0  }
0xa4: {  	[sflag:s23] =	ssyncadd.s32 $0xFFFFFFFF  }
0xa5: {  	s5 =	sld [smem:$0x0]  }
0xa6: {  	s6 =	sand.u32 $0xFFFFFFFE, s1  }
0xa7: {  	p0 =	sne.s32 s1, s6  }
0xa8: {  	s6 =	sshll.u32 @p0 s6, $0xE  }
0xa9: {  	s6 =	sadd.s32 @p0 $0x11B8D, s6;
	s7 =	sshll.u32 @p0 s5, $0x11  }
0xaa: {  	s6 =	sor.u32 @p0 s7, s6  }
0xab: {  	[sflag:s6] =	ssyncadd.remote.s32 @p0 $0x1;
	_ =	sdelay $0x1  }
0xac: {  	s6 =	simm.s32 @p0 $0x1B8D  }
0xad: {  	_ =	swait.eq @p0 [sflag:s6], $0x1  }
0xae: {  	[sflag:s6] =	ssyncadd.s32 @p0 $0xFFFFFFFF  }
0xaf: {  	s7 =	sshll.u32 @!p0 s1, $0xE  }
0xb0: {  	s7 =	sor.u32 @!p0 $0x4000, s7;
	s6 =	simm.s32 @!p0 $0x1B8D  }
0xb1: {  	s5 =	sshll.u32 @!p0 s5, $0x11;
	s7 =	sadd.s32 @!p0 $0x11B8D, s7;
	_ =	swait.eq @!p0 [sflag:s6], $0x1  }
0xb2: {  	s5 =	sor.u32 @!p0 s5, s7;
	[sflag:s6] =	ssyncadd.s32 @!p0 $0xFFFFFFFF  }
0xb3: {  	s25 =	simm.s32 $0x1B8E;
	s24 =	sld [smem:$0x3FFE];
	[sflag:s5] =	ssyncadd.remote.s32 @!p0 $0x1  }
0xb4: {  	s26 =	simm.s32 $execute0_lowered;
	[smem:$0x3FD2] =	sst s25  }
0xb5: {  	s6 =	sshll.u32 s26, $0x1;
	_ =	strace $0x80000049;
	[dreg:$0x1] =	wrdreg $0xFFFFFFFF  }
0xb6: {  	s28 =	simm.s32 $_size_execute0_lowered;
	s4 =	sadd.s32 s4, s6;
	[dreg:$0x0] =	wrdreg $0x0  }
0xb7: {  	s6 =	sshll.u32 s28, $0x1;
	[dreg:$0x2] =	wrdreg s4  }
0xb8: {  	[dreg:$0x3] =	wrdreg s6  }
0xb9: {  	[dreg:$0x4] =	wrdreg $0xC0  }
0xba: {  	_ =	task [dreg:s22], $0x5FFFF  }
0xbb: {  	[dreg:$0x1] =	wrdreg $0xFFFFFFFF  }
0xbc: {  	[dreg:$0x0] =	wrdreg $0x60  }
0xbd: {  	[dreg:$0x2] =	wrdreg s24  }
0xbe: {  	[dreg:$0x3] =	wrdreg s18  }
0xbf: {  	[dreg:$0x4] =	wrdreg $0xA  }
0xc0: {  	_ =	task.clear_ibuf [dreg:s22], $0x5FFFF;
	_ =	strace $0x90000049  }
0xc1: {  	s29 =	simm.s32 $0xA;
	_ =	strace $0x8000004B  }
0xc2: {  	_ =	swait.ge [sflag:s29], $0x1  }
0xc3: {  	[sflag:s29] =	ssyncadd.s32 $0xFFFFFFFF  }
0xc4: {  	_ =	strace $0x9000004B  }
0xc5: {  	_ =	sfence  }
0xc6: {  	s30 =	sld [smem:$0x0];
	_ =	sdelay $0x2  }
0xc7: {  	s31 =	sshll.u32 s1, $0xD;
	s1 =	sshrl.u32 s1, $0x2  }
0xc8: {  	s4 =	sand.u32 $0x4000, s31;
	s1 =	sadd.s32 s1, s30  }
0xc9: {  	s0 =	sor.u32 s4, s0;
	s1 =	sshll.u32 s1, $0x11  }
0xca: {  	s0 =	sor.u32 s1, s0  }
0xcb: {  	s0 =	sadd.s32 $0x8F2B, s0  }
0xcc: {  	[sflag:s0] =	ssyncadd.remote.s32 $0x1  }
0xcd: {  	_ =	sfence.sel $0xFFFF  }
0xce: {  	[dreg:$0x0] =	wrdreg $0xFFFFFFFF;
	(pc) =	sbr.abs _section_cstart, $3  }
0xcf: {  	[dreg:$0x1] =	wrdreg $0xFFFFFFFF  }
0xd0: {  	_ =	task.clear_ibuf [dreg:s22], $0x2FFFF;
	_ =	strace $0x9FFFFFFF  }
0xd1: {  	(tm) =	ssettm $0x7FFFFFFF  }
tec
execute0_lowered:
.L_overlay_start_1:
0x0: {  	(tag) =	ssettag $0x1  }
0x1: {  	s1 =	srdreg.scid  }
0x2: {  	s6 =	rddreg [dreg:$0x0];
	s0 =	stileid.u32  }
0x3: {  	s9 =	rddreg [dreg:$0x1];
	s4 =	simm.s32 $0x1;
	s5 =	simm.s32 $0x2  }
0x4: {  	s12 =	simm.s32 $0x0;
	s11 =	simm.s32 $0x0;
	s1 =	sshll.u32 s1, $0x7  }
0x5: {  	s2 =	sshll.u32 s0, $0x8;
	s3 =	sand.u32 $0x80, s1;
	s1 =	rddreg [dreg:$0x2]  }
0x6: {  	_ =	strace $0x8000004A;
	s2 =	sor.u32 s2, s3;
	s3 =	sadd.s32 $0xD5000, s6  }
0x7: {  	[sflag:s4] =	ssyncpa.u1 $0x0;
	s6 =	sadd.s32 $0x6000, s6;
	s7 =	ssub.s32 $0xC00, s2  }
.Ltmp0:
0x8: {  	s10 =	sshrl.u32 s2, $0x3;
	p0 =	sgt.s32 s7, $0x0;
	(pc) =	sbr.rel .LBB2_1-.Ltmp0, $4  }
0x9: {  	[sflag:s5] =	ssyncpa.u1 $0x0;
	s9 =	sadd.s32 s9, s10;
	s7 =	simm.s32 @!p0 $0x0  }
0xa: {  	s10 =	simm.s32 $0x0;
	s8 =	sand.u32 $0xF80, s7;
	s7 =	simm.s32 $0x3  }
0xb: {  	p0 =	sne.s32 s8, $0x0;
	s8 =	simm.s32 $0x1;
	[sflag:s7] =	ssyncpa.u1 $0x0  }
0xc: {  	vm0 =	vmmov $0xffff;
	v0 =	vlaneseq.u32;
	s8 =	simm.s32 @!p0 $0x0;
	s7 =	simm.s32 @!p0 $0x2;
	p0 =	por $0x0, $0x0  }
.LBB2_4:
0xd: {  	_ =	sdelay $0x3  }
0xe: {  	[tilespmem:s20], [sflag:$0x1] =	stream.indirect_vreg.gather [hbm4b:s3+s10], $0x1, v1, vm0, $0x4038;
	[tilespmem:$0x500] =	vst v63  }
0xf: {  	s14 =	sadd.s32 s16, s14  }
0x10: {  	v1 =	vld.msk [tilespmem:s14+$0x0 ss:$0x1], $0xffff;
	_ =	sdelay $0x4  }
0x11: {  	v2 =	vshrl.u32 v1, $0x3  }
0x12: {  	v3 =	vand.u32 $0x7, v1;
	vm1 =	veq.s32 v1, $0x80000000;
	v1 =	vand.u32 $0xFFFF, v2  }
0x13: {  	p1 =	sgt.s32 s17, $0x0;
	v2 =	vmul.u32 $0x30000, v3;
	v1 =	vsel vm1, $0xFFFFFFFF, v1  }
0x14: {  	s17 =	simm.s32 @!p1 $0x0;
	v3 =	vshll.u32 v1, $0x2  }
0x15: {  	s26 =	smin.u32 s17, $0x10;
	v2 =	vsel vm1, $0xFFFD0000, v2;
	v3 =	vand.u32 $0xFFFFFE00, v3  }
0x16: {  	v1 =	vand.u32 $0x7F, v1;
	v2 =	vadd.s32 v2, v3;
	v3 =	vmov s26  }
0x17: {  	v1 =	vor.u32 v1, v2;
	vm1 =	vgt.u32 v3, v0  }
0x18: {  	v2 =	vnsel vm1, $0x7FFFFFFF, v1;
	_ =	sdelay $0x1  }
0x19: {  	v3 =	vor.u32 $0x80, v1  }
0x1a: {  	(ifvalue) =	ssetifvalue $0x7FFFFFFF;
	v3 =	vnsel vm1, $0x7FFFFFFF, v3  }
0x1b: {  	s28 =	sadd.s32 s16, s15;
	(ifvalue) =	ssetifvalue $0x7FFFFFFF  }
0x1c: {  	v4 =	vor.u32 $0x100, v1;
	[tilespmem:s28], [sflag:$0x1] =	stream.indirect_vreg.gather [hbm4b:s3+s10], $0x1, v2, vm0, $0x4038;
	[tilespmem:$0x500] =	vst v63  }
0x1d: {  	(ifvalue) =	ssetifvalue $0x7FFFFFFF;
	v2 =	vnsel vm1, $0x7FFFFFFF, v4  }
0x1e: {  	s15 =	sadd.s32 $0x80, s28;
	(ifvalue) =	ssetifvalue $0x7FFFFFFF  }
0x1f: {  	v1 =	vor.u32 $0x180, v1;
	[tilespmem:s15], [sflag:$0x1] =	stream.indirect_vreg.gather [hbm4b:s3+s10], $0x1, v3, vm0, $0x4038;
	[tilespmem:$0x500] =	vst v63  }
0x20: {  	v1 =	vnsel vm1, $0x7FFFFFFF, v1;
	(ifvalue) =	ssetifvalue $0x7FFFFFFF  }
0x21: {  	s29 =	sadd.s32 $0x100, s28;
	(ifvalue) =	ssetifvalue $0x7FFFFFFF  }
0x22: {  	[tilespmem:s29], [sflag:$0x1] =	stream.indirect_vreg.gather [hbm4b:s3+s10], $0x1, v2, vm0, $0x4038;
	[tilespmem:$0x500] =	vst v63  }
0x23: {  	(ifvalue) =	ssetifvalue $0x7FFFFFFF  }
0x24: {  	s30 =	sshll.u32 s12, $0x2;
	s14 =	sadd.s32 $0x180, s28;
	(ifvalue) =	ssetifvalue $0x7FFFFFFF  }
0x25: {  	[tilespmem:s14], [sflag:$0x1] =	stream.indirect_vreg.gather [hbm4b:s3+s10], $0x1, v1, vm0, $0x4038;
	[tilespmem:$0x500] =	vst v63  }
0x26: {  	s31 =	sand.u32 $0x78, s12;
	s14 =	sand.u32 $0x7FFFFE00, s30  }
0x27: {  	_ =	swait.ge [sflag:s4], $0x200;
	s12 =	sor.u32 s31, s14  }
0x28: {  	[sflag:s4] =	ssyncset.done $0x0;
	s12 =	sshrl.u32 s12, $0x3  }
0x29: {  	[sflag:s4] =	ssyncadd.s32 $0xFFFFFE00;
	s12 =	sadd.s32 s6, s12  }
0x2a: {  	[hbm:s12] =	stream.linear.scatter [tilespmem:s13], [sflag:$0x3], $0x200, $0x38;
	[tilespmem:$0x500] =	vst v63  }
.LBB2_5:
0x2b: {  	p1 =	slt.u32 s11, $0x2;
	s11 =	sadd.s32 $0x1, s11  }
0x2c: {  	p2 =	sne.s32 s11, s7  }
.Ltmp1:
0x2d: {  	_ = 	snop;
	(pc) =	sbr.rel @!p2 .LBB2_6-.Ltmp1, $4  }
0x2e: {  	s12 =	simm.s32 @!p1 $0x3  }
0x2f: {  	_ =	swait.ge @!p1 [sflag:s12], $0x200  }
0x30: {  	[sflag:s12] =	ssyncset.done @!p1 $0x0  }
0x31: {  	p0 =	por !p0, !p0;
	[sflag:s12] =	ssyncadd.s32 @!p1 $0xFFFFFE00;
	s12 =	smov.u32 s2  }
.LBB2_1:
0x32: {  	p1 =	sge.u32 s11, s8  }
0x33: {  	s31 =	sadd.s32 $0xFFFFFFFF, s11;
	s13 =	simm.s32 @!p1 $0x0;
	s14 =	simm.s32 @!p1 $0x80  }
0x34: {  	[tilespmem:s14], [sflag:$0x2] =	stream.linear.gather @!p1 [hbm4b:s9+s13], $0x80, $0x38;
	[tilespmem:$0x500] =	vst v63  }
0x35: {  	p1 =	sge.u32 s31, s8  }
.Ltmp2:
0x36: {  	_ = 	snop;
	(pc) =	sbr.rel @p1 .LBB2_5-.Ltmp2, $1  }
0x37: {  	_ =	sdelay $0x3  }
0x38: {  	s13 =	simm.s32 $0x1  }
0x39: {  	_ =	swait.ge [sflag:s5], $0x80;
	s13 =	simm.s32 @!p0 $0x0  }
0x3a: {  	[sflag:s5] =	ssyncset.done $0x0;
	s14 =	sshll.u32 s13, $0x7  }
0x3b: {  	[sflag:s5] =	ssyncadd.s32 $0xFFFFFF80;
	s15 =	sadd.s32 $0x0, s14  }
0x3c: {  	v1 =	vld.msk [tilespmem:s15+$0x0 ss:$0x1], $0xffff;
	_ =	sdelay $0x3  }
0x3d: {  	s17 =	ssub.s32 $0xC00, s12  }
0x3e: {  	p1 =	slt.s32 s17, $0x80;
	v2 =	vshrl.u32 v1, $0x3  }
0x3f: {  	s17 =	simm.s32 @!p1 $0x80;
	v3 =	vand.u32 $0x7, v1;
	vm1 =	veq.s32 v1, $0x80000000;
	v1 =	vand.u32 $0xFFFF, v2  }
0x40: {  	p1 =	sgt.s32 s17, $0x0;
	s15 =	smov.u32 s17;
	v2 =	vmul.u32 $0x30000, v3;
	v1 =	vsel vm1, $0xFFFFFFFF, v1  }
0x41: {  	s15 =	simm.s32 @!p1 $0x0;
	v3 =	vshll.u32 v1, $0x2  }
0x42: {  	s15 =	smin.u32 s15, $0x10;
	v2 =	vsel vm1, $0xFFFD0000, v2;
	v3 =	vand.u32 $0xFFFFFE00, v3  }
0x43: {  	v1 =	vand.u32 $0x7F, v1;
	v2 =	vadd.s32 v2, v3;
	v3 =	vmov s15  }
0x44: {  	v1 =	vor.u32 v1, v2;
	vm1 =	vgt.u32 v3, v0  }
0x45: {  	v2 =	vnsel vm1, $0x7FFFFFFF, v1;
	_ =	sdelay $0x1  }
0x46: {  	s13 =	sshll.u32 s13, $0x9;
	v3 =	vor.u32 $0x80, v1  }
0x47: {  	(ifvalue) =	ssetifvalue $0x7FFFFFFF;
	s15 =	sor.u32 $0x100, s13;
	v3 =	vnsel vm1, $0x7FFFFFFF, v3  }
0x48: {  	(ifvalue) =	ssetifvalue $0x7FFFFFFF;
	s18 =	sadd.s32 $0x0, s15  }
0x49: {  	v4 =	vor.u32 $0x100, v1;
	[tilespmem:s18], [sflag:$0x1] =	stream.indirect_vreg.gather [hbm4b:s3+s10], $0x1, v2, vm0, $0x4038;
	[tilespmem:$0x500] =	vst v63  }
0x4a: {  	(ifvalue) =	ssetifvalue $0x7FFFFFFF;
	v2 =	vnsel vm1, $0x7FFFFFFF, v4  }
0x4b: {  	s16 =	sadd.s32 $0x80, s18;
	(ifvalue) =	ssetifvalue $0x7FFFFFFF  }
0x4c: {  	v1 =	vor.u32 $0x180, v1;
	[tilespmem:s16], [sflag:$0x1] =	stream.indirect_vreg.gather [hbm4b:s3+s10], $0x1, v3, vm0, $0x4038;
	[tilespmem:$0x500] =	vst v63  }
0x4d: {  	s30 =	sshll.u32 s11, $0x9;
	s19 =	simm.s32 $0x80;
	v1 =	vnsel vm1, $0x7FFFFFFF, v1;
	(ifvalue) =	ssetifvalue $0x7FFFFFFF  }
0x4e: {  	s13 =	sand.u32 $0x200, s30;
	s31 =	sadd.s32 $0x100, s18;
	(ifvalue) =	ssetifvalue $0x7FFFFFFF  }
0x4f: {  	[tilespmem:s31], [sflag:$0x1] =	stream.indirect_vreg.gather [hbm4b:s3+s10], $0x1, v2, vm0, $0x4038;
	[tilespmem:$0x500] =	vst v63  }
0x50: {  	s17 =	sadd.s32 $0xFFFFFFF0, s17;
	s13 =	sor.u32 $0x100, s13;
	(ifvalue) =	ssetifvalue $0x7FFFFFFF  }
0x51: {  	s20 =	sadd.s32 $0x180, s18;
	s16 =	simm.s32 $0x10;
	(ifvalue) =	ssetifvalue $0x7FFFFFFF  }
.LBB2_3:
0x52: {  	[tilespmem:s20], [sflag:$0x1] =	stream.indirect_vreg.gather [hbm4b:s3+s10], $0x1, v1, vm0, $0x4038;
	[tilespmem:$0x500] =	vst v63  }
0x53: {  	s18 =	smov.u32 s19  }
0x54: {  	s21 =	sadd.s32 s16, s14;
	s20 =	sshra.s32 s18, $0x2;
	s18 =	sadd.s32 $0x40, s19  }
0x55: {  	p1 =	sne.s32 s19, $0x1C0;
	v1 =	vld.msk [tilespmem:s21+$0x0 ss:$0x1], $0xffff  }
0x56: {  	(ifvalue) =	ssetifvalue $0x7FFFFFFF;
	_ =	sdelay $0x4  }
0x57: {  	v2 =	vand.u32 $0x7, v1;
	v3 =	vshrl.u32 v1, $0x3  }
0x58: {  	vm1 =	veq.s32 v1, $0x80000000;
	v1 =	vand.u32 $0xFFFF, v3;
	v2 =	vmul.u32 $0x30000, v2  }
0x59: {  	p2 =	sgt.s32 s17, $0x0;
	s19 =	smov.u32 s17;
	v1 =	vsel vm1, $0xFFFFFFFF, v1  }
0x5a: {  	s19 =	simm.s32 @!p2 $0x0;
	v2 =	vsel vm1, $0xFFFD0000, v2;
	v3 =	vshll.u32 v1, $0x2  }
0x5b: {  	s19 =	smin.u32 s19, $0x10;
	v3 =	vand.u32 $0xFFFFFE00, v3  }
0x5c: {  	v1 =	vand.u32 $0x7F, v1;
	v2 =	vadd.s32 v2, v3;
	v3 =	vmov s19  }
0x5d: {  	v1 =	vor.u32 v1, v2;
	vm1 =	vgt.u32 v3, v0  }
0x5e: {  	v2 =	vnsel vm1, $0x7FFFFFFF, v1;
	v3 =	vor.u32 $0x80, v1;
	v4 =	vor.u32 $0x100, v1  }
0x5f: {  	v1 =	vor.u32 $0x180, v1;
	_ =	sdelay $0x1  }
0x60: {  	v3 =	vnsel vm1, $0x7FFFFFFF, v3  }
0x61: {  	s19 =	sadd.s32 s16, s15;
	s16 =	smov.u32 s20;
	(ifvalue) =	ssetifvalue $0x7FFFFFFF  }
0x62: {  	[tilespmem:s19], [sflag:$0x1] =	stream.indirect_vreg.gather [hbm4b:s3+s10], $0x1, v2, vm0, $0x4038;
	[tilespmem:$0x500] =	vst v63  }
0x63: {  	v2 =	vnsel vm1, $0x7FFFFFFF, v4;
	(ifvalue) =	ssetifvalue $0x7FFFFFFF  }
0x64: {  	s20 =	sadd.s32 $0x80, s19;
	(ifvalue) =	ssetifvalue $0x7FFFFFFF  }
0x65: {  	[tilespmem:s20], [sflag:$0x1] =	stream.indirect_vreg.gather [hbm4b:s3+s10], $0x1, v3, vm0, $0x4038;
	[tilespmem:$0x500] =	vst v63  }
.Ltmp3:
0x66: {  	v1 =	vnsel vm1, $0x7FFFFFFF, v1;
	(ifvalue) =	ssetifvalue $0x7FFFFFFF;
	(pc) =	sbr.rel @p1 .LBB2_3-.Ltmp3, $4  }
0x67: {  	s20 =	sadd.s32 $0x100, s19;
	(ifvalue) =	ssetifvalue $0x7FFFFFFF  }
0x68: {  	[tilespmem:s20], [sflag:$0x1] =	stream.indirect_vreg.gather [hbm4b:s3+s10], $0x1, v2, vm0, $0x4038;
	[tilespmem:$0x500] =	vst v63  }
0x69: {  	s17 =	sadd.s32 $0xFFFFFFF0, s17;
	(ifvalue) =	ssetifvalue $0x7FFFFFFF  }
0x6a: {  	s20 =	sadd.s32 $0x180, s19;
	s19 =	smov.u32 s18;
	(ifvalue) =	ssetifvalue $0x7FFFFFFF  }
.Ltmp4:
0x6b: {  	_ = 	snop;
	(pc) =	sbr.rel .LBB2_4-.Ltmp4, $1  }
0x6c: {  	_ =	sdelay $0x3  }
.LBB2_6:
0x6d: {  	_ =	sfence.sel $0x180000  }
0x6e: {  	s2 =	simm.s32 $0x2;
	[bflag:$0x0] =	sbarrier.arrive $0xFFFF  }
0x6f: {  	s30 =	simm.s32 $0x3;
	[sflag:s2] =	ssyncpa.u1 $0x1  }
0x70: {  	s31 =	simm.s32 $0x1;
	[sflag:s30] =	ssyncpa.u1 $0x1  }
0x71: {  	[sflag:s31] =	ssyncpa.u1 $0x1  }
0x72: {  	p0 =	sne.s32 s0, $0x0;
	_ =	strace $0x9000004A  }
0x73: {  	s0 =	sadd.s32 @!p0 $0x100000, s1;
	[bflag:$0x2] =	sbarrier.arrive $0xFFFF  }
0x74: {  	[sflag:s0] =	ssyncadd.tile.s32 @!p0 $0x1;
	_ =	shalt  }
.Lfunc_end2:
_tile_overlayer_lowered:
.L_overlay_start_2:
0x75: {  	(tag) =	ssettag $0x2  }
0x76: {  	s0 =	rddreg [dreg:$0x0];
	s2 =	stileid.u32  }
0x77: {  	s1 =	rddreg [dreg:$0x1];
	p0 =	sne.s32 s2, $0x0  }
0x78: {  	s3 =	rddreg [dreg:$0x2];
	[bflag:$0x3] =	sbarrier.arrive $0xFFFF;
	s2 =	simm.s32 @!p0 $0x1C01  }
0x79: {  	[timem:s3], [sflag:s2] =	dma.local @!p0 [hbm:s0], s1  }
0x7a: {  	s0 =	simm.s32 @!p0 $0x1  }
0x7b: {  	_ =	swait.ge @!p0 [sflag:s0], s1  }
0x7c: {  	s1 =	ssub.s32 @!p0 $0x0, s1;
	[sflag:s0] =	ssyncset.done @!p0 $0x0  }
0x7d: {  	[sflag:s0] =	ssyncadd.s32 @!p0 s1  }
0x7e: {  	[bflag:$0x3] =	sbarrier.arrive $0xFFFF  }
0x7f: {  	_ =	shalt  }

// kernel: gather_offload_async_start
scs
__scs_entry_jumppad:
0x0: {  	(pc) =	sbr.rel $0x88, $3  }
0x1: {  	(tag) =	ssettag $0x0;
	lr =	simm.s32 $0x1  }
0x2: {  	[smem:$0x3F97] =	sst lr;
	_ =	strace $0xD0000000  }
0x3: {  	_ = 	snop  }
0x4: {  	_ = 	snop  }
0x5: {  	_ = 	snop  }
0x6: {  	_ = 	snop  }
0x7: {  	_ = 	snop  }
__scs_overlays_trampoline_lowered:
0x8: {  	[smem:$0x3FA6] =	sst s0  }
0x9: {  	[smem:$0x3FA7] =	sst s1  }
0xa: {  	[smem:$0x3FA8] =	sst s2  }
0xb: {  	[smem:$0x3FA9] =	sst s3  }
0xc: {  	[smem:$0x3FAA] =	sst s4  }
0xd: {  	[smem:$0x3FAB] =	sst s5  }
0xe: {  	[smem:$0x3FAC] =	sst s6  }
0xf: {  	[smem:$0x3FAD] =	sst s7  }
0x10: {  	[smem:$0x3FAE] =	sst s8  }
0x11: {  	[smem:$0x3FAF] =	sst s9;
	s0 =	simm.s32 @!p0 $0x0  }
0x12: {  	s1 =	sld [smem:$0x3F95];
	s0 =	simm.s32 @p0 $0x1  }
0x13: {  	[smem:$0x3FB0] =	sst s0;
	s0 =	simm.s32 @!p1 $0x0  }
0x14: {  	s2 =	sld [smem:$0x3F94];
	s0 =	simm.s32 @p1 $0x1  }
0x15: {  	[smem:$0x3FB1] =	sst s0;
	s0 =	simm.s32 @!p2 $0x0  }
0x16: {  	s3 =	sld [smem:$0x3FDB];
	s0 =	simm.s32 @p2 $0x1  }
0x17: {  	s4 =	simm.s32 $0x1BF5;
	[smem:$0x3FB3] =	sst s0  }
0x18: {  	s0 =	sld [smem:$0x3F96];
	_ =	swait.ge [sflag:s4], $0x0  }
0x19: {  	s7 =	sld [smem:$0x3F97]  }
0x1a: {  	s8 =	sadd.s32 $0xFFFFE003, lr  }
0x1b: {  	s9 =	sadd.s32 $0xFFFFFEF7, lr;
	s5 =	simm.s32 $0xFFFFFFFF;
	p2 =	slt.u32 s8, $0xFFFFF086  }
0x1c: {  	p1 =	slt.u32 s9, $0xF7A;
	s5 =	simm.s32 @!p2 $0x0  }
0x1d: {  	s5 =	simm.s32 @p1 $0x1;
	p0 =	seq.s32 s7, s2  }
0x1e: {  	s7 =	smul.u32 @!p0 $0xF7A, s2;
	p2 =	seq.s32 @!p0 s5, $0x0  }
0x1f: {  	s9 =	smul.u32 $0xF7A, s1;
	s8 =	simm.s32 @!p0 $0x1BF5;
	p2 =	por !p2, p0  }
0x20: {  	[sflag:s8] =	ssyncset.s32 @!p0 $0xFFFFF086;
	s6 =	sadd.s32 @!p0 s3, s7;
	s7 =	simm.s32 @!p0 $0x108  }
0x21: {  	s3 =	sadd.s32 s3, s9;
	s6 =	sadd.s32 @!p0 $0x88, s6;
	s7 =	simm.s32 @p2 $0x1082  }
0x22: {  	[simem:s7], [sflag:s8] =	dma.local @!p0 [hbm:s6], $0xF7A  }
0x23: {  	s9 =	sor.u32 $0xD0000000, s2;
	s6 =	simm.s32 $0x108;
	_ =	swait.ge @!p0 [sflag:s8], $0x0  }
0x24: {  	s3 =	sadd.s32 $0x88, s3;
	s6 =	simm.s32 @!p1 $0x1082;
	[sflag:s4] =	ssyncset.s32 $0xFFFFF086  }
0x25: {  	[simem:s6], [sflag:s4] =	dma.local [hbm:s3], $0xF7A  }
0x26: {  	[smem:$0x3F97] =	sst s1;
	(tag) =	ssettag s2;
	_ =	strace s9  }
0x27: {  	s1 =	sld [smem:$0x3FA7]  }
0x28: {  	s2 =	sld [smem:$0x3FA8]  }
0x29: {  	s4 =	sld [smem:$0x3FAA]  }
0x2a: {  	p0 =	seq.s32 s5, $0x0;
	s5 =	sld [smem:$0x3FAB]  }
0x2b: {  	s6 =	sld [smem:$0x3FAC]  }
0x2c: {  	s7 =	sld [smem:$0x3FAD]  }
0x2d: {  	s3 =	simm.s32 $0x108;
	s8 =	sld [smem:$0x3FAE]  }
0x2e: {  	s3 =	simm.s32 @!p0 $0x1082;
	s9 =	sld [smem:$0x3FAF]  }
0x2f: {  	lr =	sadd.s32 s0, s3;
	s0 =	sld [smem:$0x3FA6]  }
0x30: {  	s3 =	sld [smem:$0x3FA9]  }
0x31: {  	[smem:$0x3FB2] =	sst s10  }
0x32: {  	s10 =	sld [smem:$0x3FB0];
	_ =	sdelay $0x3  }
0x33: {  	p0 =	seq.s32 s10, $0x1;
	s10 =	sld [smem:$0x3FB2];
	_ =	sdelay $0x3  }
0x34: {  	[smem:$0x3FB2] =	sst s10  }
0x35: {  	s10 =	sld [smem:$0x3FB1];
	_ =	sdelay $0x3  }
0x36: {  	p1 =	seq.s32 s10, $0x1;
	s10 =	sld [smem:$0x3FB2];
	_ =	sdelay $0x3  }
0x37: {  	[smem:$0x3FB2] =	sst s10  }
0x38: {  	s10 =	sld [smem:$0x3FB3]  }
0x39: {  	_ = 	snop;
	(pc) =	sbr.ind lr, $3  }
0x3a: {  	_ = 	snop  }
0x3b: {  	_ = 	snop  }
0x3c: {  	p2 =	seq.s32 s10, $0x1;
	s10 =	sld [smem:$0x3FB2]  }
0x3d: {  	_ =	shalt  }
0x3e: {  	_ =	shalt  }
0x3f: {  	_ =	shalt  }
0x40: {  	_ =	shalt  }
0x41: {  	_ =	shalt  }
0x42: {  	_ =	shalt  }
0x43: {  	_ =	shalt  }
0x44: {  	_ =	shalt  }
0x45: {  	_ =	shalt  }
0x46: {  	_ =	shalt  }
0x47: {  	_ =	shalt  }
0x48: {  	_ =	shalt  }
0x49: {  	_ =	shalt  }
0x4a: {  	_ =	shalt  }
0x4b: {  	_ =	shalt  }
0x4c: {  	_ =	shalt  }
0x4d: {  	_ =	shalt  }
0x4e: {  	_ =	shalt  }
0x4f: {  	_ =	shalt  }
0x50: {  	_ =	shalt  }
0x51: {  	_ =	shalt  }
0x52: {  	_ =	shalt  }
0x53: {  	_ =	shalt  }
0x54: {  	_ =	shalt  }
0x55: {  	_ =	shalt  }
0x56: {  	_ =	shalt  }
0x57: {  	_ =	shalt  }
0x58: {  	_ =	shalt  }
0x59: {  	_ =	shalt  }
0x5a: {  	_ =	shalt  }
0x5b: {  	_ =	shalt  }
0x5c: {  	_ =	shalt  }
0x5d: {  	_ =	shalt  }
0x5e: {  	_ =	shalt  }
0x5f: {  	_ =	shalt  }
0x60: {  	_ =	shalt  }
0x61: {  	_ =	shalt  }
0x62: {  	_ =	shalt  }
0x63: {  	_ =	shalt  }
0x64: {  	_ =	shalt  }
0x65: {  	_ =	shalt  }
0x66: {  	_ =	shalt  }
0x67: {  	_ =	shalt  }
0x68: {  	_ =	shalt  }
0x69: {  	_ =	shalt  }
0x6a: {  	_ =	shalt  }
0x6b: {  	_ =	shalt  }
0x6c: {  	_ =	shalt  }
0x6d: {  	_ =	shalt  }
0x6e: {  	_ =	shalt  }
0x6f: {  	_ =	shalt  }
0x70: {  	_ =	shalt  }
0x71: {  	_ =	shalt  }
0x72: {  	_ =	shalt  }
0x73: {  	_ =	shalt  }
0x74: {  	_ =	shalt  }
0x75: {  	_ =	shalt  }
0x76: {  	_ =	shalt  }
0x77: {  	_ =	shalt  }
0x78: {  	_ =	shalt  }
0x79: {  	_ =	shalt  }
0x7a: {  	_ =	shalt  }
0x7b: {  	_ =	shalt  }
0x7c: {  	_ =	shalt  }
0x7d: {  	_ =	shalt  }
0x7e: {  	_ =	shalt  }
0x7f: {  	_ =	shalt  }
0x80: {  	_ =	shalt  }
0x81: {  	_ =	shalt  }
0x82: {  	_ =	shalt  }
0x83: {  	_ =	shalt  }
0x84: {  	_ =	shalt  }
0x85: {  	_ =	shalt  }
0x86: {  	_ =	shalt  }
0x87: {  	_ =	shalt  }
.Lfunc_end0:
.L_simem_size_0:
called_computation_lowered:
.L_overlay_start_0:
0x88: {  	s2 =	sld [smem:$0x3FD9]  }
0x89: {  	s3 =	sld [smem:$0x3FFE];
	_ =	sdelay $0x1  }
0x8a: {  	s1 =	srdreg.scid  }
0x8b: {  	s0 =	sand.u32 $0x1, s1  }
0x8c: {  	s16 =	sshll.u32 s0, $0xA;
	s2 =	sadd.s32 s3, s2  }
0x8d: {  	s2 =	sadd.s32 s2, s16  }
0x8e: {  	[smem:$0x3FBE] =	sst s2  }
0x8f: {  	_ = 	snop  }
0x90: {  	(tm) =	ssettm $0x1  }
0x91: {  	s17 =	sld [smem:$0x3FFB];
	_ =	sdelay $0x3  }
0x92: {  	_ =	strace s17  }
0x93: {  	s2 =	sld [smem:$0x3FFC];
	_ =	sdelay $0x3  }
0x94: {  	_ =	strace s2  }
0x95: {  	s2 =	sld [smem:$0x3FFD];
	_ =	sdelay $0x3  }
0x96: {  	_ =	strace s2  }
0x97: {  	_ =	strace $0x8FFFFFFF  }
0x98: {  	s18 =	sld [smem:$0x3FDB];
	_ =	sdelay $0x1  }
0x99: {  	s19 =	simm.s32 $_scs_section_size  }
0x9a: {  	s4 =	simm.s32 $_size__tile_overlayer_lowered;
	s5 =	simm.s32 $_tile_overlayer_lowered  }
0x9b: {  	s22 =	simm.s32 $0x1BFF;
	s21 =	sshll.u32 s5, $0x1;
	s2 =	sadd.s32 s19, s18  }
0x9c: {  	s6 =	simm.s32 $0x0;
	s20 =	sshll.u32 s4, $0x1;
	s4 =	sadd.s32 s21, s2  }
0x9d: {  	[timem:s6], [sflag:s22] =	dma.local [hbm:s4], s20  }
0x9e: {  	_ =	swait.ge [sflag:s22], s20  }
0x9f: {  	s3 =	ssub.s32 $0x0, s20;
	[sflag:s22] =	ssyncset.done $0x0  }
0xa0: {  	[sflag:s22] =	ssyncadd.s32 s3;
	_ =	sdelay $0x1  }
0xa1: {  	s23 =	simm.s32 $0x1B8B  }
0xa2: {  	_ =	swait.ge [sflag:s23], $0x1  }
0xa3: {  	[sflag:s23] =	ssyncset.done $0x0  }
0xa4: {  	s25 =	simm.s32 $0x1B8E;
	s24 =	sld [smem:$0x3FFE];
	[sflag:s23] =	ssyncadd.s32 $0xFFFFFFFF  }
0xa5: {  	s26 =	simm.s32 $execute0_lowered;
	[smem:$0x3FD2] =	sst s25  }
0xa6: {  	s4 =	sshll.u32 s26, $0x1;
	_ =	strace $0x80000046;
	[dreg:$0x1] =	wrdreg $0xFFFFFFFF  }
0xa7: {  	s28 =	simm.s32 $_size_execute0_lowered;
	s2 =	sadd.s32 s2, s4;
	[dreg:$0x0] =	wrdreg $0x0  }
0xa8: {  	s4 =	sshll.u32 s28, $0x1;
	[dreg:$0x2] =	wrdreg s2  }
0xa9: {  	[dreg:$0x3] =	wrdreg s4  }
0xaa: {  	[dreg:$0x4] =	wrdreg $0xC0  }
0xab: {  	_ =	task [dreg:s6], $0x5FFFF  }
0xac: {  	[dreg:$0x1] =	wrdreg $0xFFFFFFFF  }
0xad: {  	[dreg:$0x0] =	wrdreg $0x60  }
0xae: {  	[dreg:$0x2] =	wrdreg s24  }
0xaf: {  	[dreg:$0x3] =	wrdreg $0x9  }
0xb0: {  	_ =	task.clear_ibuf [dreg:s6], $0x4FFFF;
	_ =	strace $0x90000046  }
0xb1: {  	s29 =	simm.s32 $0x9;
	_ =	strace $0x80000048  }
0xb2: {  	_ =	swait.ge [sflag:s29], $0x1  }
0xb3: {  	[sflag:s29] =	ssyncadd.s32 $0xFFFFFFFF  }
0xb4: {  	_ =	strace $0x90000048  }
0xb5: {  	_ =	sfence  }
0xb6: {  	s30 =	sld [smem:$0x0];
	_ =	sdelay $0x2  }
0xb7: {  	s31 =	sshll.u32 s1, $0xD;
	s1 =	sshrl.u32 s1, $0x2  }
0xb8: {  	s3 =	sand.u32 $0x4000, s31;
	s1 =	sadd.s32 s1, s30  }
0xb9: {  	s0 =	sor.u32 s3, s0;
	s1 =	sshll.u32 s1, $0x11  }
0xba: {  	s0 =	sor.u32 s1, s0  }
0xbb: {  	s0 =	sadd.s32 $0x8F2B, s0  }
0xbc: {  	[sflag:s0] =	ssyncadd.remote.s32 $0x1  }
0xbd: {  	_ =	sfence.sel $0xFFFF  }
0xbe: {  	[dreg:$0x0] =	wrdreg $0xFFFFFFFF;
	(pc) =	sbr.abs _section_cstart, $3  }
0xbf: {  	[dreg:$0x1] =	wrdreg $0xFFFFFFFF  }
0xc0: {  	_ =	task.clear_ibuf [dreg:s6], $0x2FFFF;
	_ =	strace $0x9FFFFFFF  }
0xc1: {  	(tm) =	ssettm $0x7FFFFFFF  }
tec
execute0_lowered:
.L_overlay_start_1:
0x0: {  	(tag) =	ssettag $0x1  }
0x1: {  	s7 =	rddreg [dreg:$0x0]  }
0x2: {  	s1 =	srdreg.scid;
	s0 =	rddreg [dreg:$0x1]  }
0x3: {  	_ =	strace $0x80000047;
	s3 =	simm.s32 $0x1;
	s5 =	simm.s32 $0x2  }
0x4: {  	s9 =	simm.s32 $0x3;
	s12 =	simm.s32 $0x0;
	s2 =	sshll.u32 s1, $0x4  }
.Ltmp0:
0x5: {  	s1 =	stileid.u32;
	s4 =	sand.u32 $0x10, s2;
	(pc) =	sbr.rel .LBB2_1-.Ltmp0, $4  }
0x6: {  	s10 =	simm.s32 $0x0;
	[sflag:s3] =	ssyncpa.u1 $0x0;
	s4 =	sor.u32 s1, s4  }
0x7: {  	s6 =	sadd.s32 $0x5E00, s7;
	[sflag:s5] =	ssyncpa.u1 $0x0;
	s4 =	smul.u32 $0x60, s4  }
0x8: {  	s2 =	sadd.s32 $0x9200, s7;
	s7 =	sadd.s32 $0xC9000, s7;
	[sflag:s9] =	ssyncpa.u1 $0x0  }
0x9: {  	vm0 =	vmmov $0xff;
	vm1 =	vcmask $0x3F20;
	s9 =	simm.s32 $0x60;
	s8 =	sadd.s32 $0x60, s4;
	s11 =	smov.u32 s4  }
.LBB2_10:
0xa: {  	s12 =	sshrl.u32 s11, $0x3  }
0xb: {  	s13 =	sand.u32 $0x7, s11;
	s12 =	sadd.s32 s6, s12  }
0xc: {  	[tilespmem:s9], [sflag:$0x2] =	stream.linear.gather [hbm4b:s12+s13], $0x60, $0x38;
	[tilespmem:$0x60C0] =	vst v63  }
.LBB2_8:
0xd: {  	s12 =	sadd.s32 $0x60, s11  }
0xe: {  	s13 =	smov.u32 s4;
	p0 =	slt.s32 s12, s8  }
0xf: {  	s13 =	smov.u32 @p0 s12  }
0x10: {  	s10 =	sadd.s32 $0x1, s10;
	s12 =	smov.u32 s11;
	s11 =	smov.u32 s13  }
.LBB2_1:
0x11: {  	p0 =	seq.s32 s10, $0x0  }
.Ltmp1:
0x12: {  	_ = 	snop;
	(pc) =	sbr.rel @p0 .LBB2_10-.Ltmp1, $1  }
0x13: {  	_ =	sdelay $0x3  }
0x14: {  	p0 =	seq.s32 s10, $0x1  }
.Ltmp2:
0x15: {  	_ = 	snop;
	(pc) =	sbr.rel @!p0 .LBB2_9-.Ltmp2, $1  }
0x16: {  	_ =	sdelay $0x3  }
0x17: {  	_ =	swait.ge [sflag:s5], $0x60  }
0x18: {  	[sflag:s5] =	ssyncset.done $0x0  }
0x19: {  	s13 =	simm.s32 $0x0;
	[sflag:s5] =	ssyncadd.s32 $0xFFFFFFA0  }
0x1a: {  	v0 =	vld.msk [tilespmem:s13+$0x60 ss:$0x1], $0xffff;
	_ =	sdelay $0x4  }
0x1b: {  	vm2 =	vgt.s32 v0, $0x0  }
0x1c: {  	v0 =	vnsel vm2, $0x0, v0  }
0x1d: {  	v0 =	vmin.u32 v0, $0xBFCF  }
0x1e: {  	v0 =	vshll.u32 v0, $0x4;
	_ =	sdelay $0x3  }
0x1f: {  	s13 =	simm.s32 $0x30C0  }
0x20: {  	[tilespmem:s13], [sflag:$0x1] =	stream.indirect_vreg.gather [hbm:s2], $0x80, v0, vm0, $0x38;
	[tilespmem:$0x60C0] =	vst v63  }
0x21: {  	s14 =	simm.s32 $0x34C0;
	s31 =	simm.s32 $0x10  }
0x22: {  	[tilespmem:s14], [sflag:$0x1] =	stream.indirect_vreg.gather [hbm:s2], $0x80, v0, vm1, $0x38;
	[tilespmem:$0x60C0] =	vst v63  }
0x23: {  	s14 =	simm.s32 $0x80;
	v0 =	vld.msk [tilespmem:s31+$0x60 ss:$0x1], $0xffff  }
.LBB2_4:
0x24: {  	p0 =	sne.s32 s14, $0x140;
	_ =	sdelay $0x4  }
0x25: {  	vm2 =	vgt.s32 v0, $0x0  }
0x26: {  	v0 =	vnsel vm2, $0x0, v0  }
0x27: {  	v0 =	vmin.u32 v0, $0xBFCF  }
0x28: {  	v0 =	vshll.u32 v0, $0x4;
	_ =	sdelay $0x3  }
.Ltmp3:
0x29: {  	s13 =	sadd.s32 $0x800, s13;
	(pc) =	sbr.rel @p0 .LBB2_4-.Ltmp3, $4  }
0x2a: {  	[tilespmem:s13], [sflag:$0x1] =	stream.indirect_vreg.gather [hbm:s2], $0x80, v0, vm0, $0x38;
	[tilespmem:$0x60C0] =	vst v63  }
0x2b: {  	s15 =	sshra.s32 s14, $0x2;
	s16 =	sadd.s32 $0x400, s13  }
0x2c: {  	[tilespmem:s16], [sflag:$0x1] =	stream.indirect_vreg.gather [hbm:s2], $0x80, v0, vm1, $0x38;
	[tilespmem:$0x60C0] =	vst v63  }
0x2d: {  	s14 =	sadd.s32 $0x40, s14;
	v0 =	vld.msk [tilespmem:s15+$0x60 ss:$0x1], $0xffff  }
0x2e: {  	_ =	sdelay $0x3  }
0x2f: {  	vm2 =	vgt.s32 v0, $0x0  }
0x30: {  	v0 =	vnsel vm2, $0x0, v0  }
0x31: {  	v0 =	vmin.u32 v0, $0xBFCF  }
0x32: {  	v0 =	vshll.u32 v0, $0x4;
	_ =	sdelay $0x3  }
0x33: {  	s13 =	sadd.s32 $0x800, s13  }
0x34: {  	[tilespmem:s13], [sflag:$0x1] =	stream.indirect_vreg.gather [hbm:s2], $0x80, v0, vm0, $0x38;
	[tilespmem:$0x60C0] =	vst v63  }
0x35: {  	s13 =	sadd.s32 $0x400, s13  }
0x36: {  	[tilespmem:s13], [sflag:$0x1] =	stream.indirect_vreg.gather [hbm:s2], $0x80, v0, vm1, $0x38;
	[tilespmem:$0x60C0] =	vst v63  }
0x37: {  	s12 =	sshll.u32 s12, $0x4;
	s14 =	simm.s32 $0x80;
	_ =	swait.ge [sflag:s3], $0x3000  }
0x38: {  	s15 =	simm.s32 $0x34C0;
	s12 =	sadd.s32 s12, s7;
	[sflag:s3] =	ssyncset.done $0x0  }
0x39: {  	s16 =	sadd.s32 $0x0, s12;
	s13 =	simm.s32 $0x30C0;
	[sflag:s3] =	ssyncadd.s32 $0xFFFFD000  }
.LBB2_6:
0x3a: {  	[hbm:s16] =	stream.linear.scatter [tilespmem:s13], [sflag:$0x3], $0x400, $0x38;
	[tilespmem:$0x60C0] =	vst v63  }
0x3b: {  	s16 =	smov.u32 s14;
	s13 =	smov.u32 s15;
	p0 =	seq.s32 s14, $0x580  }
.Ltmp4:
0x3c: {  	s14 =	sadd.s32 $0x80, s14;
	(pc) =	sbr.rel @!p0 .LBB2_6-.Ltmp4, $2  }
0x3d: {  	_ =	sdelay $0x2  }
0x3e: {  	s15 =	sadd.s32 $0x400, s15;
	s16 =	sadd.s32 s16, s12  }
.Ltmp5:
0x3f: {  	(pc) =	sbr.rel .LBB2_8-.Ltmp5, $2  }
0x40: {  	_ =	sdelay $0x2  }
0x41: {  	[hbm:s16] =	stream.linear.scatter [tilespmem:s13], [sflag:$0x3], $0x400, $0x38;
	[tilespmem:$0x60C0] =	vst v63  }
.LBB2_9:
0x42: {  	s2 =	simm.s32 $0x3  }
0x43: {  	_ =	swait.ge [sflag:s2], $0x3000  }
0x44: {  	[sflag:s2] =	ssyncset.done $0x0  }
0x45: {  	[sflag:s2] =	ssyncadd.s32 $0xFFFFD000  }
0x46: {  	_ =	sfence.sel $0x180000  }
0x47: {  	s3 =	simm.s32 $0x2;
	[bflag:$0x0] =	sbarrier.arrive $0xFFFF  }
0x48: {  	[sflag:s3] =	ssyncpa.u1 $0x1  }
0x49: {  	s31 =	simm.s32 $0x1;
	[sflag:s2] =	ssyncpa.u1 $0x1  }
0x4a: {  	[sflag:s31] =	ssyncpa.u1 $0x1  }
0x4b: {  	p0 =	sne.s32 s1, $0x0;
	_ =	strace $0x90000047  }
0x4c: {  	s0 =	sadd.s32 @!p0 $0x100000, s0;
	[bflag:$0x2] =	sbarrier.arrive $0xFFFF  }
0x4d: {  	[sflag:s0] =	ssyncadd.tile.s32 @!p0 $0x1;
	_ =	shalt  }
.Lfunc_end2:
_tile_overlayer_lowered:
.L_overlay_start_2:
0x4e: {  	(tag) =	ssettag $0x2  }
0x4f: {  	s0 =	rddreg [dreg:$0x0];
	s2 =	stileid.u32  }
0x50: {  	s1 =	rddreg [dreg:$0x1];
	p0 =	sne.s32 s2, $0x0  }
0x51: {  	s3 =	rddreg [dreg:$0x2];
	[bflag:$0x3] =	sbarrier.arrive $0xFFFF;
	s2 =	simm.s32 @!p0 $0x1C01  }
0x52: {  	[timem:s3], [sflag:s2] =	dma.local @!p0 [hbm:s0], s1  }
0x53: {  	s0 =	simm.s32 @!p0 $0x1  }
0x54: {  	_ =	swait.ge @!p0 [sflag:s0], s1  }
0x55: {  	s1 =	ssub.s32 @!p0 $0x0, s1;
	[sflag:s0] =	ssyncset.done @!p0 $0x0  }
0x56: {  	[sflag:s0] =	ssyncadd.s32 @!p0 s1  }
0x57: {  	[bflag:$0x3] =	sbarrier.arrive $0xFFFF  }
0x58: {  	_ =	shalt  }

</sc_bundles>
